<compile_context>
chip_gen: v7x
topology: tpu7x:2x2x1
jax: 0.10.2.dev20260603
libtpu: 0.0.44.dev20260713+nightly
codegen_flags: <defaults>
</compile_context>

<pallas_src>
import functools

import jax
import jax.numpy as jnp
from jax import lax
from jax.experimental import pallas as pl
from jax.experimental.pallas import tpu as pltpu
from jax.experimental.pallas import tpu_sc as plsc

_NC = 2
_NS = 16
_NW = _NC * _NS
_CH = 128
_NSL = 25
_L = 16


def _table_body(charge_ref, temp_ref, emb_ref, w1_ref, w2_ref, wp_ref,
                out_ref):
    b = charge_ref.shape[0]
    vp = emb_ref.shape[0]
    charge = charge_ref[...]
    iota = lax.broadcasted_iota(jnp.int32, (b, vp), 1)
    oh = jnp.where(charge == iota, 1.0, 0.0).astype(jnp.float32)
    e_charge = jnp.dot(oh, emb_ref[...],
                       preferred_element_type=jnp.float32)
    t = temp_ref[...]
    h = t * w1_ref[...]
    h = h * jax.nn.sigmoid(h)
    e_temp = jnp.dot(h, w2_ref[...],
                     preferred_element_type=jnp.float32)
    d = e_charge.shape[1]
    y = (jnp.dot(e_charge, wp_ref[:d, :], preferred_element_type=jnp.float32)
         + jnp.dot(e_temp, wp_ref[d:, :], preferred_element_type=jnp.float32))
    out_ref[...] = y * jax.nn.sigmoid(y)


def _make_expand(n, b, d):
    atoms_per_w = _NSL * _CH
    n_up = ((n + 127) // 128) * 128
    mesh = plsc.VectorSubcoreMesh(core_axis_name="c", subcore_axis_name="s")

    @functools.partial(
        pl.kernel,
        mesh=mesh,
        out_type=jax.ShapeDtypeStruct((d, n), jnp.float32),
        scratch_types=[
            pltpu.VMEM((b // 2, 2 * d), jnp.float32),
            pltpu.VMEM((atoms_per_w,), jnp.int32),
            pltpu.VMEM((d, _CH), jnp.float32),
            pltpu.VMEM((d, _CH), jnp.float32),
            pltpu.SemaphoreType.DMA,
            pltpu.SemaphoreType.DMA,
        ],
        compiler_params=pltpu.CompilerParams(use_tc_tiling_on_sc=True,
                                             needs_layout_passes=False,
                                             disable_bounds_checks=True),
    )
    def expand_k(table_hbm, batch_hbm, out_hbm, table_v, idx_v,
                 sl0, sl1, ss0, ss1):
        slabs = (sl0, sl1)
        ss = (ss0, ss1)
        wid = lax.axis_index("s") * _NC + lax.axis_index("c")
        woff = jnp.minimum(wid * atoms_per_w, n_up - atoms_per_w)
        pltpu.sync_copy(table_hbm, table_v)
        pltpu.sync_copy(batch_hbm.at[pl.ds(woff, atoms_per_w)], idx_v)

        def store(sl, p):
            pltpu.async_copy(
                slabs[p], out_hbm.at[:, pl.ds(woff + sl * _CH, _CH)], ss[p])

        def wait_store(sl, p):
            pltpu.make_async_copy(
                slabs[p], out_hbm.at[:, pl.ds(woff + sl * _CH, _CH)],
                ss[p]).wait()

        def do_slab(sl, p):
            slab = slabs[p]

            @plsc.parallel_loop(0, _CH, step=_L, unroll=1)
            def _group(i):
                raw = idx_v[pl.ds(sl * _CH + i, _L)]
                idx16 = jnp.clip(raw, 0, b - 1)
                row16 = lax.shift_right_logical(idx16, 1)
                colb = lax.shift_left(jnp.bitwise_and(idx16, 1), 6)
                for f0 in range(0, d, 4):
                    vs = [plsc.load_gather(table_v, [row16, colb + (f0 + k)])
                          for k in range(4)]
                    for k in range(4):
                        slab[f0 + k, pl.ds(i, _L)] = vs[k]

            store(sl, p)

        do_slab(0, 0)

        def pair(pp, carry):
            for half in range(2):
                sl_ = pp * 2 + 1 + half
                p = 1 - half

                @pl.when(sl_ >= 2)
                def _():
                    wait_store(sl_ - 2, p)

                do_slab(sl_, p)
            return carry

        lax.fori_loop(0, (_NSL - 1) // 2, pair, 0, unroll=False)
        wait_store(_NSL - 2, (_NSL - 2) % 2)
        wait_store(_NSL - 1, (_NSL - 1) % 2)

    return expand_k


def kernel(batch, charge, temperature, emb_charge, W1, W2, Wp):
    n = batch.shape[0]
    b = charge.shape[0]
    v, d = emb_charge.shape

    table = pl.pallas_call(
        _table_body,
        out_shape=jax.ShapeDtypeStruct((b, d), jnp.float32),
    )(charge.astype(jnp.int32).reshape(b, 1),
      temperature.reshape(b, 1),
      emb_charge, W1, W2, Wp)
    table_pairs = table.reshape(b // 2, 2 * d)

    assert _NW * _NSL * _CH >= ((n + 127) // 128) * 128
    assert _NSL * _CH <= n and _CH % 128 == 0
    out_t = _make_expand(n, b, d)(table_pairs, batch.astype(jnp.int32))
    return out_t.T

# --- scband reference (transcript-rebuilt; emitter-appended) ---
"""Pipeline reference for scband-universal-invariant-embedding-17600775979375 (READ-ONLY COPY).

The authoritative reference and input builder live on the scoring server;
editing this copy changes nothing except your own understanding.
"""

import jax, jax.numpy as jnp
import numpy as np

N = 100000  # atoms
B = 1024    # systems
D = 64      # out_dim
V = 100     # num_embeddings for 'charge'


def setup_inputs(seed: int = 0) -> dict:
    key = jax.random.key(seed)
    k1, k2, k3, k4, k5, k6, k7 = jax.random.split(key, 7)
    batch = jnp.sort(jax.random.randint(k1, (N,), 0, B))
    charge = jax.random.randint(k2, (B,), 0, V)
    temperature = jax.random.normal(k3, (B,), dtype=jnp.float32)
    # learned parameters
    emb_charge = jax.random.normal(k4, (V, D), dtype=jnp.float32) * 0.02  # nn.Embedding weight
    W1 = jax.random.normal(k5, (1, D), dtype=jnp.float32) * 0.5           # Linear(1, D, bias=False) (transposed)
    W2 = jax.random.normal(k6, (D, D), dtype=jnp.float32) * 0.1           # Linear(D, D, bias=False) (transposed)
    Wp = jax.random.normal(k7, (2 * D, D), dtype=jnp.float32) * 0.1       # project Linear(2D, D, bias=False) (transposed)
    return {"batch": batch, "charge": charge, "temperature": temperature,
            "emb_charge": emb_charge, "W1": W1, "W2": W2, "Wp": Wp}


def reference(batch, charge, temperature, emb_charge, W1, W2, Wp):
    # property 'charge': type=int, rank=0, scope=per-system -> broadcast to atoms then embed
    charge_per_atom = jnp.take(charge, batch, axis=0)                 # [N]
    e_charge = jnp.take(emb_charge, charge_per_atom, axis=0)          # [N, D]
    # property 'temperature': type=float, rank=0, scope=per-system -> broadcast, unsqueeze, MLP
    t = jnp.take(temperature, batch, axis=0)[:, None]                 # [N, 1]
    e_temp = jax.nn.silu(t @ W1) @ W2                                 # [N, D]
    cat = jnp.concatenate([e_charge, e_temp], axis=-1)                # [N, 2D]
    return jax.nn.silu(cat @ Wp)                                      # [N, D]

if __name__ == "__main__":
    import jax
    _d = setup_inputs()
    print(jax.jit(kernel)(*tuple(_d.values())))

</pallas_src>

<mosaic_0001>
#map = affine_map<(d0, d1) -> (0, 0)>
#map1 = affine_map<(d0, d1) -> (0)>
module attributes {stable_mosaic.version = 14 : i64} {
  func.func @expand_k(%arg0: i32, %arg1: i32, %arg2: memref<512x128xf32, #tpu.memory_space<hbm>>, %arg3: memref<100000xi32, #tpu.memory_space<hbm>>, %arg4: memref<64x100000xf32, #tpu.memory_space<hbm>>, %arg5: memref<512x128xf32, #tpu.memory_space<vmem>>, %arg6: memref<3200xi32, #tpu.memory_space<vmem>>, %arg7: memref<64x128xf32, #tpu.memory_space<vmem>>, %arg8: memref<64x128xf32, #tpu.memory_space<vmem>>, %arg9: memref<!tpu.dma_semaphore, #tpu.memory_space<semaphore_mem>>, %arg10: memref<!tpu.dma_semaphore, #tpu.memory_space<semaphore_mem>>) attributes {dimension_semantics = [#tpu.dimension_semantics<core_parallel>, #tpu.dimension_semantics<subcore_parallel>], iteration_bounds = array<i64: 2, 16>, scalar_prefetch = 0 : i64, scratch_operands = 6 : i64, tpu.core_type = #tpu.core_type<sc_vector_subcore>, window_params = [{transform_indices = #map}, {transform_indices = #map1}, {transform_indices = #map}]} {
    %mul3A = arith.constant 2 : i32
    %mul3A_0 = arith.muli %arg1, %mul3A : i32
    %add3A = arith.addi %mul3A_0, %arg0 : i32
    %mul3A_1 = arith.constant 3200 : i32
    %mul3A_2 = arith.muli %add3A, %mul3A_1 : i32
    %min3A = arith.constant 96896 : i32
    %min3A_3 = arith.minsi %mul3A_2, %min3A : i32
    "tpu.region"() ({
      %run_scoped3A = tpu.sem_alloc : memref<!tpu.dma_semaphore, #tpu.memory_space<semaphore_mem>>
      tpu.enqueue_dma source(%arg2 : memref<512x128xf32, #tpu.memory_space<hbm>>) target(%arg5 : memref<512x128xf32, #tpu.memory_space<vmem>>) target_semaphore(%run_scoped3A : memref<!tpu.dma_semaphore, #tpu.memory_space<semaphore_mem>>)
      tpu.wait_dma2 semaphore(%run_scoped3A : memref<!tpu.dma_semaphore, #tpu.memory_space<semaphore_mem>>) src(%arg2 : memref<512x128xf32, #tpu.memory_space<hbm>>) dst(%arg5 : memref<512x128xf32, #tpu.memory_space<vmem>>)
      tpu.yield
    }) : () -> ()
    "tpu.region"() ({
      %run_scoped3A = tpu.sem_alloc : memref<!tpu.dma_semaphore, #tpu.memory_space<semaphore_mem>>
      %dma_start3A_27 = tpu.memref_slice %arg3[%min3A_3] : memref<100000xi32, #tpu.memory_space<hbm>> -> memref<3200xi32, #tpu.memory_space<hbm>>
      %dma_start3A_28 = tpu.memref_slice %arg3[%min3A_3] : memref<100000xi32, #tpu.memory_space<hbm>> -> memref<3200xi32, #tpu.memory_space<hbm>>
      tpu.enqueue_dma source(%dma_start3A_28 : memref<3200xi32, #tpu.memory_space<hbm>>) target(%arg6 : memref<3200xi32, #tpu.memory_space<vmem>>) target_semaphore(%run_scoped3A : memref<!tpu.dma_semaphore, #tpu.memory_space<semaphore_mem>>)
      %dma_wait3A_29 = tpu.memref_slice %arg3[%min3A_3] : memref<100000xi32, #tpu.memory_space<hbm>> -> memref<3200xi32, #tpu.memory_space<hbm>>
      %dma_wait3A_30 = tpu.memref_slice %arg3[%min3A_3] : memref<100000xi32, #tpu.memory_space<hbm>> -> memref<3200xi32, #tpu.memory_space<hbm>>
      tpu.wait_dma2 semaphore(%run_scoped3A : memref<!tpu.dma_semaphore, #tpu.memory_space<semaphore_mem>>) src(%dma_wait3A_30 : memref<3200xi32, #tpu.memory_space<hbm>>) dst(%arg6 : memref<3200xi32, #tpu.memory_space<vmem>>)
      tpu.yield
    }) : () -> ()
    %parallel_loop3A = arith.constant 0 : i32
    %parallel_loop3A_4 = arith.constant 128 : i32
    %parallel_loop3A_5 = arith.constant 16 : i32
    scf.for %parallel_loop3A_27 = %parallel_loop3A to %parallel_loop3A_4 step %parallel_loop3A_5  : i32 {
      %parallel_loop3A_28 = arith.constant 0 : i32
      %parallel_loop3A_29 = arith.addi %parallel_loop3A_28, %parallel_loop3A_27 : i32
      %parallel_loop3A_30 = arith.index_cast %parallel_loop3A_29 : i32 to index
      %parallel_loop3A_31 = tpu.vector_load %arg6[%parallel_loop3A_30] {strides = array<i32>} : memref<3200xi32, #tpu.memory_space<vmem>>, vector<16xi32>,
      %parallel_loop3A_32 = arith.constant 0 : i32
      %parallel_loop3A_33 = arith.constant 1023 : i32
      %parallel_loop3A_34 = vector.broadcast %parallel_loop3A_32 : i32 to vector<16xi32>
      %parallel_loop3A_35 = arith.maxsi %parallel_loop3A_34, %parallel_loop3A_31 : vector<16xi32>
      %parallel_loop3A_36 = vector.broadcast %parallel_loop3A_33 : i32 to vector<16xi32>
      %parallel_loop3A_37 = arith.minsi %parallel_loop3A_36, %parallel_loop3A_35 : vector<16xi32>
      %parallel_loop3A_38 = arith.constant 1 : i32
      %parallel_loop3A_39 = vector.broadcast %parallel_loop3A_38 : i32 to vector<16xi32>
      %parallel_loop3A_40 = arith.shrui %parallel_loop3A_37, %parallel_loop3A_39 : vector<16xi32>
      %parallel_loop3A_41 = arith.constant 1 : i32
      %parallel_loop3A_42 = vector.broadcast %parallel_loop3A_41 : i32 to vector<16xi32>
      %parallel_loop3A_43 = arith.andi %parallel_loop3A_37, %parallel_loop3A_42 : vector<16xi32>
      %parallel_loop3A_44 = arith.constant 6 : i32
      %parallel_loop3A_45 = vector.broadcast %parallel_loop3A_44 : i32 to vector<16xi32>
      %parallel_loop3A_46 = arith.shli %parallel_loop3A_43, %parallel_loop3A_45 : vector<16xi32>
      %parallel_loop3A_47 = arith.constant 0 : i32
      %parallel_loop3A_48 = vector.broadcast %parallel_loop3A_47 : i32 to vector<16xi32>
      %parallel_loop3A_49 = arith.addi %parallel_loop3A_46, %parallel_loop3A_48 : vector<16xi32>
      %parallel_loop3A_50 = tpu.vector_load_idx %arg5[%parallel_loop3A_40, %parallel_loop3A_49] : memref<512x128xf32, #tpu.memory_space<vmem>>[vector<16xi32>, vector<16xi32>], vector<16xf32>,
      %parallel_loop3A_51 = arith.constant 1 : i32
      %parallel_loop3A_52 = vector.broadcast %parallel_loop3A_51 : i32 to vector<16xi32>
      %parallel_loop3A_53 = arith.addi %parallel_loop3A_46, %parallel_loop3A_52 : vector<16xi32>
      %parallel_loop3A_54 = tpu.vector_load_idx %arg5[%parallel_loop3A_40, %parallel_loop3A_53] : memref<512x128xf32, #tpu.memory_space<vmem>>[vector<16xi32>, vector<16xi32>], vector<16xf32>,
      %parallel_loop3A_55 = arith.constant 2 : i32
      %parallel_loop3A_56 = vector.broadcast %parallel_loop3A_55 : i32 to vector<16xi32>
      %parallel_loop3A_57 = arith.addi %parallel_loop3A_46, %parallel_loop3A_56 : vector<16xi32>
      %parallel_loop3A_58 = tpu.vector_load_idx %arg5[%parallel_loop3A_40, %parallel_loop3A_57] : memref<512x128xf32, #tpu.memory_space<vmem>>[vector<16xi32>, vector<16xi32>], vector<16xf32>,
      %parallel_loop3A_59 = arith.constant 3 : i32
      %parallel_loop3A_60 = vector.broadcast %parallel_loop3A_59 : i32 to vector<16xi32>
      %parallel_loop3A_61 = arith.addi %parallel_loop3A_46, %parallel_loop3A_60 : vector<16xi32>
      %parallel_loop3A_62 = tpu.vector_load_idx %arg5[%parallel_loop3A_40, %parallel_loop3A_61] : memref<512x128xf32, #tpu.memory_space<vmem>>[vector<16xi32>, vector<16xi32>], vector<16xf32>,
      %parallel_loop3A_63 = arith.constant 0 : i32
      %parallel_loop3A_64 = arith.index_cast %parallel_loop3A_63 : i32 to index
      %parallel_loop3A_65 = arith.index_cast %parallel_loop3A_27 : i32 to index
      %parallel_loop3A_66 = tpu.vector_load %arg7[%parallel_loop3A_64, %parallel_loop3A_65] {strides = array<i32>} : memref<64x128xf32, #tpu.memory_space<vmem>>, vector<16xf32>,
      tpu.vector_store %arg7[%parallel_loop3A_64, %parallel_loop3A_65], %parallel_loop3A_50 {strides = array<i32>} : memref<64x128xf32, #tpu.memory_space<vmem>>, vector<16xf32>,
      %parallel_loop3A_67 = arith.constant 1 : i32
      %parallel_loop3A_68 = arith.index_cast %parallel_loop3A_67 : i32 to index
      %parallel_loop3A_69 = arith.index_cast %parallel_loop3A_27 : i32 to index
      %parallel_loop3A_70 = tpu.vector_load %arg7[%parallel_loop3A_68, %parallel_loop3A_69] {strides = array<i32>} : memref<64x128xf32, #tpu.memory_space<vmem>>, vector<16xf32>,
      tpu.vector_store %arg7[%parallel_loop3A_68, %parallel_loop3A_69], %parallel_loop3A_54 {strides = array<i32>} : memref<64x128xf32, #tpu.memory_space<vmem>>, vector<16xf32>,
      %parallel_loop3A_71 = arith.constant 2 : i32
      %parallel_loop3A_72 = arith.index_cast %parallel_loop3A_71 : i32 to index
      %parallel_loop3A_73 = arith.index_cast %parallel_loop3A_27 : i32 to index
      %parallel_loop3A_74 = tpu.vector_load %arg7[%parallel_loop3A_72, %parallel_loop3A_73] {strides = array<i32>} : memref<64x128xf32, #tpu.memory_space<vmem>>, vector<16xf32>,
      tpu.vector_store %arg7[%parallel_loop3A_72, %parallel_loop3A_73], %parallel_loop3A_58 {strides = array<i32>} : memref<64x128xf32, #tpu.memory_space<vmem>>, vector<16xf32>,
      %parallel_loop3A_75 = arith.constant 3 : i32
      %parallel_loop3A_76 = arith.index_cast %parallel_loop3A_75 : i32 to index
      %parallel_loop3A_77 = arith.index_cast %parallel_loop3A_27 : i32 to index
      %parallel_loop3A_78 = tpu.vector_load %arg7[%parallel_loop3A_76, %parallel_loop3A_77] {strides = array<i32>} : memref<64x128xf32, #tpu.memory_space<vmem>>, vector<16xf32>,
      tpu.vector_store %arg7[%parallel_loop3A_76, %parallel_loop3A_77], %parallel_loop3A_62 {strides = array<i32>} : memref<64x128xf32, #tpu.memory_space<vmem>>, vector<16xf32>,
      %parallel_loop3A_79 = arith.constant 4 : i32
      %parallel_loop3A_80 = vector.broadcast %parallel_loop3A_79 : i32 to vector<16xi32>
      %parallel_loop3A_81 = arith.addi %parallel_loop3A_46, %parallel_loop3A_80 : vector<16xi32>
      %parallel_loop3A_82 = tpu.vector_load_idx %arg5[%parallel_loop3A_40, %parallel_loop3A_81] : memref<512x128xf32, #tpu.memory_space<vmem>>[vector<16xi32>, vector<16xi32>], vector<16xf32>,
      %parallel_loop3A_83 = arith.constant 5 : i32
      %parallel_loop3A_84 = vector.broadcast %parallel_loop3A_83 : i32 to vector<16xi32>
      %parallel_loop3A_85 = arith.addi %parallel_loop3A_46, %parallel_loop3A_84 : vector<16xi32>
      %parallel_loop3A_86 = tpu.vector_load_idx %arg5[%parallel_loop3A_40, %parallel_loop3A_85] : memref<512x128xf32, #tpu.memory_space<vmem>>[vector<16xi32>, vector<16xi32>], vector<16xf32>,
      %parallel_loop3A_87 = arith.constant 6 : i32
      %parallel_loop3A_88 = vector.broadcast %parallel_loop3A_87 : i32 to vector<16xi32>
      %parallel_loop3A_89 = arith.addi %parallel_loop3A_46, %parallel_loop3A_88 : vector<16xi32>
      %parallel_loop3A_90 = tpu.vector_load_idx %arg5[%parallel_loop3A_40, %parallel_loop3A_89] : memref<512x128xf32, #tpu.memory_space<vmem>>[vector<16xi32>, vector<16xi32>], vector<16xf32>,
      %parallel_loop3A_91 = arith.constant 7 : i32
      %parallel_loop3A_92 = vector.broadcast %parallel_loop3A_91 : i32 to vector<16xi32>
      %parallel_loop3A_93 = arith.addi %parallel_loop3A_46, %parallel_loop3A_92 : vector<16xi32>
      %parallel_loop3A_94 = tpu.vector_load_idx %arg5[%parallel_loop3A_40, %parallel_loop3A_93] : memref<512x128xf32, #tpu.memory_space<vmem>>[vector<16xi32>, vector<16xi32>], vector<16xf32>,
      %parallel_loop3A_95 = arith.constant 4 : i32
      %parallel_loop3A_96 = arith.index_cast %parallel_loop3A_95 : i32 to index
      %parallel_loop3A_97 = arith.index_cast %parallel_loop3A_27 : i32 to index
      %parallel_loop3A_98 = tpu.vector_load %arg7[%parallel_loop3A_96, %parallel_loop3A_97] {strides = array<i32>} : memref<64x128xf32, #tpu.memory_space<vmem>>, vector<16xf32>,
      tpu.vector_store %arg7[%parallel_loop3A_96, %parallel_loop3A_97], %parallel_loop3A_82 {strides = array<i32>} : memref<64x128xf32, #tpu.memory_space<vmem>>, vector<16xf32>,
      %parallel_loop3A_99 = arith.constant 5 : i32
      %parallel_loop3A_100 = arith.index_cast %parallel_loop3A_99 : i32 to index
      %parallel_loop3A_101 = arith.index_cast %parallel_loop3A_27 : i32 to index
      %parallel_loop3A_102 = tpu.vector_load %arg7[%parallel_loop3A_100, %parallel_loop3A_101] {strides = array<i32>} : memref<64x128xf32, #tpu.memory_space<vmem>>, vector<16xf32>,
      tpu.vector_store %arg7[%parallel_loop3A_100, %parallel_loop3A_101], %parallel_loop3A_86 {strides = array<i32>} : memref<64x128xf32, #tpu.memory_space<vmem>>, vector<16xf32>,
      %parallel_loop3A_103 = arith.constant 6 : i32
      %parallel_loop3A_104 = arith.index_cast %parallel_loop3A_103 : i32 to index
      %parallel_loop3A_105 = arith.index_cast %parallel_loop3A_27 : i32 to index
      %parallel_loop3A_106 = tpu.vector_load %arg7[%parallel_loop3A_104, %parallel_loop3A_105] {strides = array<i32>} : memref<64x128xf32, #tpu.memory_space<vmem>>, vector<16xf32>,
      tpu.vector_store %arg7[%parallel_loop3A_104, %parallel_loop3A_105], %parallel_loop3A_90 {strides = array<i32>} : memref<64x128xf32, #tpu.memory_space<vmem>>, vector<16xf32>,
      %parallel_loop3A_107 = arith.constant 7 : i32
      %parallel_loop3A_108 = arith.index_cast %parallel_loop3A_107 : i32 to index
      %parallel_loop3A_109 = arith.index_cast %parallel_loop3A_27 : i32 to index
      %parallel_loop3A_110 = tpu.vector_load %arg7[%parallel_loop3A_108, %parallel_loop3A_109] {strides = array<i32>} : memref<64x128xf32, #tpu.memory_space<vmem>>, vector<16xf32>,
      tpu.vector_store %arg7[%parallel_loop3A_108, %parallel_loop3A_109], %parallel_loop3A_94 {strides = array<i32>} : memref<64x128xf32, #tpu.memory_space<vmem>>, vector<16xf32>,
      %parallel_loop3A_111 = arith.constant 8 : i32
      %parallel_loop3A_112 = vector.broadcast %parallel_loop3A_111 : i32 to vector<16xi32>
      %parallel_loop3A_113 = arith.addi %parallel_loop3A_46, %parallel_loop3A_112 : vector<16xi32>
      %parallel_loop3A_114 = tpu.vector_load_idx %arg5[%parallel_loop3A_40, %parallel_loop3A_113] : memref<512x128xf32, #tpu.memory_space<vmem>>[vector<16xi32>, vector<16xi32>], vector<16xf32>,
      %parallel_loop3A_115 = arith.constant 9 : i32
      %parallel_loop3A_116 = vector.broadcast %parallel_loop3A_115 : i32 to vector<16xi32>
      %parallel_loop3A_117 = arith.addi %parallel_loop3A_46, %parallel_loop3A_116 : vector<16xi32>
      %parallel_loop3A_118 = tpu.vector_load_idx %arg5[%parallel_loop3A_40, %parallel_loop3A_117] : memref<512x128xf32, #tpu.memory_space<vmem>>[vector<16xi32>, vector<16xi32>], vector<16xf32>,
      %parallel_loop3A_119 = arith.constant 10 : i32
      %parallel_loop3A_120 = vector.broadcast %parallel_loop3A_119 : i32 to vector<16xi32>
      %parallel_loop3A_121 = arith.addi %parallel_loop3A_46, %parallel_loop3A_120 : vector<16xi32>
      %parallel_loop3A_122 = tpu.vector_load_idx %arg5[%parallel_loop3A_40, %parallel_loop3A_121] : memref<512x128xf32, #tpu.memory_space<vmem>>[vector<16xi32>, vector<16xi32>], vector<16xf32>,
      %parallel_loop3A_123 = arith.constant 11 : i32
      %parallel_loop3A_124 = vector.broadcast %parallel_loop3A_123 : i32 to vector<16xi32>
      %parallel_loop3A_125 = arith.addi %parallel_loop3A_46, %parallel_loop3A_124 : vector<16xi32>
      %parallel_loop3A_126 = tpu.vector_load_idx %arg5[%parallel_loop3A_40, %parallel_loop3A_125] : memref<512x128xf32, #tpu.memory_space<vmem>>[vector<16xi32>, vector<16xi32>], vector<16xf32>,
      %parallel_loop3A_127 = arith.constant 8 : i32
      %parallel_loop3A_128 = arith.index_cast %parallel_loop3A_127 : i32 to index
      %parallel_loop3A_129 = arith.index_cast %parallel_loop3A_27 : i32 to index
      %parallel_loop3A_130 = tpu.vector_load %arg7[%parallel_loop3A_128, %parallel_loop3A_129] {strides = array<i32>} : memref<64x128xf32, #tpu.memory_space<vmem>>, vector<16xf32>,
      tpu.vector_store %arg7[%parallel_loop3A_128, %parallel_loop3A_129], %parallel_loop3A_114 {strides = array<i32>} : memref<64x128xf32, #tpu.memory_space<vmem>>, vector<16xf32>,
      %parallel_loop3A_131 = arith.constant 9 : i32
      %parallel_loop3A_132 = arith.index_cast %parallel_loop3A_131 : i32 to index
      %parallel_loop3A_133 = arith.index_cast %parallel_loop3A_27 : i32 to index
      %parallel_loop3A_134 = tpu.vector_load %arg7[%parallel_loop3A_132, %parallel_loop3A_133] {strides = array<i32>} : memref<64x128xf32, #tpu.memory_space<vmem>>, vector<16xf32>,
      tpu.vector_store %arg7[%parallel_loop3A_132, %parallel_loop3A_133], %parallel_loop3A_118 {strides = array<i32>} : memref<64x128xf32, #tpu.memory_space<vmem>>, vector<16xf32>,
      %parallel_loop3A_135 = arith.constant 10 : i32
      %parallel_loop3A_136 = arith.index_cast %parallel_loop3A_135 : i32 to index
      %parallel_loop3A_137 = arith.index_cast %parallel_loop3A_27 : i32 to index
      %parallel_loop3A_138 = tpu.vector_load %arg7[%parallel_loop3A_136, %parallel_loop3A_137] {strides = array<i32>} : memref<64x128xf32, #tpu.memory_space<vmem>>, vector<16xf32>,
      tpu.vector_store %arg7[%parallel_loop3A_136, %parallel_loop3A_137], %parallel_loop3A_122 {strides = array<i32>} : memref<64x128xf32, #tpu.memory_space<vmem>>, vector<16xf32>,
      %parallel_loop3A_139 = arith.constant 11 : i32
      %parallel_loop3A_140 = arith.index_cast %parallel_loop3A_139 : i32 to index
      %parallel_loop3A_141 = arith.index_cast %parallel_loop3A_27 : i32 to index
      %parallel_loop3A_142 = tpu.vector_load %arg7[%parallel_loop3A_140, %parallel_loop3A_141] {strides = array<i32>} : memref<64x128xf32, #tpu.memory_space<vmem>>, vector<16xf32>,
      tpu.vector_store %arg7[%parallel_loop3A_140, %parallel_loop3A_141], %parallel_loop3A_126 {strides = array<i32>} : memref<64x128xf32, #tpu.memory_space<vmem>>, vector<16xf32>,
      %parallel_loop3A_143 = arith.constant 12 : i32
      %parallel_loop3A_144 = vector.broadcast %parallel_loop3A_143 : i32 to vector<16xi32>
      %parallel_loop3A_145 = arith.addi %parallel_loop3A_46, %parallel_loop3A_144 : vector<16xi32>
      %parallel_loop3A_146 = tpu.vector_load_idx %arg5[%parallel_loop3A_40, %parallel_loop3A_145] : memref<512x128xf32, #tpu.memory_space<vmem>>[vector<16xi32>, vector<16xi32>], vector<16xf32>,
      %parallel_loop3A_147 = arith.constant 13 : i32
      %parallel_loop3A_148 = vector.broadcast %parallel_loop3A_147 : i32 to vector<16xi32>
      %parallel_loop3A_149 = arith.addi %parallel_loop3A_46, %parallel_loop3A_148 : vector<16xi32>
      %parallel_loop3A_150 = tpu.vector_load_idx %arg5[%parallel_loop3A_40, %parallel_loop3A_149] : memref<512x128xf32, #tpu.memory_space<vmem>>[vector<16xi32>, vector<16xi32>], vector<16xf32>,
      %parallel_loop3A_151 = arith.constant 14 : i32
      %parallel_loop3A_152 = vector.broadcast %parallel_loop3A_151 : i32 to vector<16xi32>
      %parallel_loop3A_153 = arith.addi %parallel_loop3A_46, %parallel_loop3A_152 : vector<16xi32>
      %parallel_loop3A_154 = tpu.vector_load_idx %arg5[%parallel_loop3A_40, %parallel_loop3A_153] : memref<512x128xf32, #tpu.memory_space<vmem>>[vector<16xi32>, vector<16xi32>], vector<16xf32>,
      %parallel_loop3A_155 = arith.constant 15 : i32
      %parallel_loop3A_156 = vector.broadcast %parallel_loop3A_155 : i32 to vector<16xi32>
      %parallel_loop3A_157 = arith.addi %parallel_loop3A_46, %parallel_loop3A_156 : vector<16xi32>
      %parallel_loop3A_158 = tpu.vector_load_idx %arg5[%parallel_loop3A_40, %parallel_loop3A_157] : memref<512x128xf32, #tpu.memory_space<vmem>>[vector<16xi32>, vector<16xi32>], vector<16xf32>,
      %parallel_loop3A_159 = arith.constant 12 : i32
      %parallel_loop3A_160 = arith.index_cast %parallel_loop3A_159 : i32 to index
      %parallel_loop3A_161 = arith.index_cast %parallel_loop3A_27 : i32 to index
      %parallel_loop3A_162 = tpu.vector_load %arg7[%parallel_loop3A_160, %parallel_loop3A_161] {strides = array<i32>} : memref<64x128xf32, #tpu.memory_space<vmem>>, vector<16xf32>,
      tpu.vector_store %arg7[%parallel_loop3A_160, %parallel_loop3A_161], %parallel_loop3A_146 {strides = array<i32>} : memref<64x128xf32, #tpu.memory_space<vmem>>, vector<16xf32>,
      %parallel_loop3A_163 = arith.constant 13 : i32
      %parallel_loop3A_164 = arith.index_cast %parallel_loop3A_163 : i32 to index
      %parallel_loop3A_165 = arith.index_cast %parallel_loop3A_27 : i32 to index
      %parallel_loop3A_166 = tpu.vector_load %arg7[%parallel_loop3A_164, %parallel_loop3A_165] {strides = array<i32>} : memref<64x128xf32, #tpu.memory_space<vmem>>, vector<16xf32>,
      tpu.vector_store %arg7[%parallel_loop3A_164, %parallel_loop3A_165], %parallel_loop3A_150 {strides = array<i32>} : memref<64x128xf32, #tpu.memory_space<vmem>>, vector<16xf32>,
      %parallel_loop3A_167 = arith.constant 14 : i32
      %parallel_loop3A_168 = arith.index_cast %parallel_loop3A_167 : i32 to index
      %parallel_loop3A_169 = arith.index_cast %parallel_loop3A_27 : i32 to index
      %parallel_loop3A_170 = tpu.vector_load %arg7[%parallel_loop3A_168, %parallel_loop3A_169] {strides = array<i32>} : memref<64x128xf32, #tpu.memory_space<vmem>>, vector<16xf32>,
      tpu.vector_store %arg7[%parallel_loop3A_168, %parallel_loop3A_169], %parallel_loop3A_154 {strides = array<i32>} : memref<64x128xf32, #tpu.memory_space<vmem>>, vector<16xf32>,
      %parallel_loop3A_171 = arith.constant 15 : i32
      %parallel_loop3A_172 = arith.index_cast %parallel_loop3A_171 : i32 to index
      %parallel_loop3A_173 = arith.index_cast %parallel_loop3A_27 : i32 to index
      %parallel_loop3A_174 = tpu.vector_load %arg7[%parallel_loop3A_172, %parallel_loop3A_173] {strides = array<i32>} : memref<64x128xf32, #tpu.memory_space<vmem>>, vector<16xf32>,
      tpu.vector_store %arg7[%parallel_loop3A_172, %parallel_loop3A_173], %parallel_loop3A_158 {strides = array<i32>} : memref<64x128xf32, #tpu.memory_space<vmem>>, vector<16xf32>,
      %parallel_loop3A_175 = arith.constant 16 : i32
      %parallel_loop3A_176 = vector.broadcast %parallel_loop3A_175 : i32 to vector<16xi32>
      %parallel_loop3A_177 = arith.addi %parallel_loop3A_46, %parallel_loop3A_176 : vector<16xi32>
      %parallel_loop3A_178 = tpu.vector_load_idx %arg5[%parallel_loop3A_40, %parallel_loop3A_177] : memref<512x128xf32, #tpu.memory_space<vmem>>[vector<16xi32>, vector<16xi32>], vector<16xf32>,
      %parallel_loop3A_179 = arith.constant 17 : i32
      %parallel_loop3A_180 = vector.broadcast %parallel_loop3A_179 : i32 to vector<16xi32>
      %parallel_loop3A_181 = arith.addi %parallel_loop3A_46, %parallel_loop3A_180 : vector<16xi32>
      %parallel_loop3A_182 = tpu.vector_load_idx %arg5[%parallel_loop3A_40, %parallel_loop3A_181] : memref<512x128xf32, #tpu.memory_space<vmem>>[vector<16xi32>, vector<16xi32>], vector<16xf32>,
      %parallel_loop3A_183 = arith.constant 18 : i32
      %parallel_loop3A_184 = vector.broadcast %parallel_loop3A_183 : i32 to vector<16xi32>
      %parallel_loop3A_185 = arith.addi %parallel_loop3A_46, %parallel_loop3A_184 : vector<16xi32>
      %parallel_loop3A_186 = tpu.vector_load_idx %arg5[%parallel_loop3A_40, %parallel_loop3A_185] : memref<512x128xf32, #tpu.memory_space<vmem>>[vector<16xi32>, vector<16xi32>], vector<16xf32>,
      %parallel_loop3A_187 = arith.constant 19 : i32
      %parallel_loop3A_188 = vector.broadcast %parallel_loop3A_187 : i32 to vector<16xi32>
      %parallel_loop3A_189 = arith.addi %parallel_loop3A_46, %parallel_loop3A_188 : vector<16xi32>
      %parallel_loop3A_190 = tpu.vector_load_idx %arg5[%parallel_loop3A_40, %parallel_loop3A_189] : memref<512x128xf32, #tpu.memory_space<vmem>>[vector<16xi32>, vector<16xi32>], vector<16xf32>,
      %parallel_loop3A_191 = arith.constant 16 : i32
      %parallel_loop3A_192 = arith.index_cast %parallel_loop3A_191 : i32 to index
      %parallel_loop3A_193 = arith.index_cast %parallel_loop3A_27 : i32 to index
      %parallel_loop3A_194 = tpu.vector_load %arg7[%parallel_loop3A_192, %parallel_loop3A_193] {strides = array<i32>} : memref<64x128xf32, #tpu.memory_space<vmem>>, vector<16xf32>,
      tpu.vector_store %arg7[%parallel_loop3A_192, %parallel_loop3A_193], %parallel_loop3A_178 {strides = array<i32>} : memref<64x128xf32, #tpu.memory_space<vmem>>, vector<16xf32>,
      %parallel_loop3A_195 = arith.constant 17 : i32
      %parallel_loop3A_196 = arith.index_cast %parallel_loop3A_195 : i32 to index
      %parallel_loop3A_197 = arith.index_cast %parallel_loop3A_27 : i32 to index
      %parallel_loop3A_198 = tpu.vector_load %arg7[%parallel_loop3A_196, %parallel_loop3A_197] {strides = array<i32>} : memref<64x128xf32, #tpu.memory_space<vmem>>, vector<16xf32>,
      tpu.vector_store %arg7[%parallel_loop3A_196, %parallel_loop3A_197], %parallel_loop3A_182 {strides = array<i32>} : memref<64x128xf32, #tpu.memory_space<vmem>>, vector<16xf32>,
      %parallel_loop3A_199 = arith.constant 18 : i32
      %parallel_loop3A_200 = arith.index_cast %parallel_loop3A_199 : i32 to index
      %parallel_loop3A_201 = arith.index_cast %parallel_loop3A_27 : i32 to index
      %parallel_loop3A_202 = tpu.vector_load %arg7[%parallel_loop3A_200, %parallel_loop3A_201] {strides = array<i32>} : memref<64x128xf32, #tpu.memory_space<vmem>>, vector<16xf32>,
      tpu.vector_store %arg7[%parallel_loop3A_200, %parallel_loop3A_201], %parallel_loop3A_186 {strides = array<i32>} : memref<64x128xf32, #tpu.memory_space<vmem>>, vector<16xf32>,
      %parallel_loop3A_203 = arith.constant 19 : i32
      %parallel_loop3A_204 = arith.index_cast %parallel_loop3A_203 : i32 to index
      %parallel_loop3A_205 = arith.index_cast %parallel_loop3A_27 : i32 to index
      %parallel_loop3A_206 = tpu.vector_load %arg7[%parallel_loop3A_204, %parallel_loop3A_205] {strides = array<i32>} : memref<64x128xf32, #tpu.memory_space<vmem>>, vector<16xf32>,
      tpu.vector_store %arg7[%parallel_loop3A_204, %parallel_loop3A_205], %parallel_loop3A_190 {strides = array<i32>} : memref<64x128xf32, #tpu.memory_space<vmem>>, vector<16xf32>,
      %parallel_loop3A_207 = arith.constant 20 : i32
      %parallel_loop3A_208 = vector.broadcast %parallel_loop3A_207 : i32 to vector<16xi32>
      %parallel_loop3A_209 = arith.addi %parallel_loop3A_46, %parallel_loop3A_208 : vector<16xi32>
      %parallel_loop3A_210 = tpu.vector_load_idx %arg5[%parallel_loop3A_40, %parallel_loop3A_209] : memref<512x128xf32, #tpu.memory_space<vmem>>[vector<16xi32>, vector<16xi32>], vector<16xf32>,
      %parallel_loop3A_211 = arith.constant 21 : i32
      %parallel_loop3A_212 = vector.broadcast %parallel_loop3A_211 : i32 to vector<16xi32>
      %parallel_loop3A_213 = arith.addi %parallel_loop3A_46, %parallel_loop3A_212 : vector<16xi32>
      %parallel_loop3A_214 = tpu.vector_load_idx %arg5[%parallel_loop3A_40, %parallel_loop3A_213] : memref<512x128xf32, #tpu.memory_space<vmem>>[vector<16xi32>, vector<16xi32>], vector<16xf32>,
      %parallel_loop3A_215 = arith.constant 22 : i32
      %parallel_loop3A_216 = vector.broadcast %parallel_loop3A_215 : i32 to vector<16xi32>
      %parallel_loop3A_217 = arith.addi %parallel_loop3A_46, %parallel_loop3A_216 : vector<16xi32>
      %parallel_loop3A_218 = tpu.vector_load_idx %arg5[%parallel_loop3A_40, %parallel_loop3A_217] : memref<512x128xf32, #tpu.memory_space<vmem>>[vector<16xi32>, vector<16xi32>], vector<16xf32>,
      %parallel_loop3A_219 = arith.constant 23 : i32
      %parallel_loop3A_220 = vector.broadcast %parallel_loop3A_219 : i32 to vector<16xi32>
      %parallel_loop3A_221 = arith.addi %parallel_loop3A_46, %parallel_loop3A_220 : vector<16xi32>
      %parallel_loop3A_222 = tpu.vector_load_idx %arg5[%parallel_loop3A_40, %parallel_loop3A_221] : memref<512x128xf32, #tpu.memory_space<vmem>>[vector<16xi32>, vector<16xi32>], vector<16xf32>,
      %parallel_loop3A_223 = arith.constant 20 : i32
      %parallel_loop3A_224 = arith.index_cast %parallel_loop3A_223 : i32 to index
      %parallel_loop3A_225 = arith.index_cast %parallel_loop3A_27 : i32 to index
      %parallel_loop3A_226 = tpu.vector_load %arg7[%parallel_loop3A_224, %parallel_loop3A_225] {strides = array<i32>} : memref<64x128xf32, #tpu.memory_space<vmem>>, vector<16xf32>,
      tpu.vector_store %arg7[%parallel_loop3A_224, %parallel_loop3A_225], %parallel_loop3A_210 {strides = array<i32>} : memref<64x128xf32, #tpu.memory_space<vmem>>, vector<16xf32>,
      %parallel_loop3A_227 = arith.constant 21 : i32
      %parallel_loop3A_228 = arith.index_cast %parallel_loop3A_227 : i32 to index
      %parallel_loop3A_229 = arith.index_cast %parallel_loop3A_27 : i32 to index
      %parallel_loop3A_230 = tpu.vector_load %arg7[%parallel_loop3A_228, %parallel_loop3A_229] {strides = array<i32>} : memref<64x128xf32, #tpu.memory_space<vmem>>, vector<16xf32>,
      tpu.vector_store %arg7[%parallel_loop3A_228, %parallel_loop3A_229], %parallel_loop3A_214 {strides = array<i32>} : memref<64x128xf32, #tpu.memory_space<vmem>>, vector<16xf32>,
      %parallel_loop3A_231 = arith.constant 22 : i32
      %parallel_loop3A_232 = arith.index_cast %parallel_loop3A_231 : i32 to index
      %parallel_loop3A_233 = arith.index_cast %parallel_loop3A_27 : i32 to index
      %parallel_loop3A_234 = tpu.vector_load %arg7[%parallel_loop3A_232, %parallel_loop3A_233] {strides = array<i32>} : memref<64x128xf32, #tpu.memory_space<vmem>>, vector<16xf32>,
      tpu.vector_store %arg7[%parallel_loop3A_232, %parallel_loop3A_233], %parallel_loop3A_218 {strides = array<i32>} : memref<64x128xf32, #tpu.memory_space<vmem>>, vector<16xf32>,
      %parallel_loop3A_235 = arith.constant 23 : i32
      %parallel_loop3A_236 = arith.index_cast %parallel_loop3A_235 : i32 to index
      %parallel_loop3A_237 = arith.index_cast %parallel_loop3A_27 : i32 to index
      %parallel_loop3A_238 = tpu.vector_load %arg7[%parallel_loop3A_236, %parallel_loop3A_237] {strides = array<i32>} : memref<64x128xf32, #tpu.memory_space<vmem>>, vector<16xf32>,
      tpu.vector_store %arg7[%parallel_loop3A_236, %parallel_loop3A_237], %parallel_loop3A_222 {strides = array<i32>} : memref<64x128xf32, #tpu.memory_space<vmem>>, vector<16xf32>,
      %parallel_loop3A_239 = arith.constant 24 : i32
      %parallel_loop3A_240 = vector.broadcast %parallel_loop3A_239 : i32 to vector<16xi32>
      %parallel_loop3A_241 = arith.addi %parallel_loop3A_46, %parallel_loop3A_240 : vector<16xi32>
      %parallel_loop3A_242 = tpu.vector_load_idx %arg5[%parallel_loop3A_40, %parallel_loop3A_241] : memref<512x128xf32, #tpu.memory_space<vmem>>[vector<16xi32>, vector<16xi32>], vector<16xf32>,
      %parallel_loop3A_243 = arith.constant 25 : i32
      %parallel_loop3A_244 = vector.broadcast %parallel_loop3A_243 : i32 to vector<16xi32>
      %parallel_loop3A_245 = arith.addi %parallel_loop3A_46, %parallel_loop3A_244 : vector<16xi32>
      %parallel_loop3A_246 = tpu.vector_load_idx %arg5[%parallel_loop3A_40, %parallel_loop3A_245] : memref<512x128xf32, #tpu.memory_space<vmem>>[vector<16xi32>, vector<16xi32>], vector<16xf32>,
      %parallel_loop3A_247 = arith.constant 26 : i32
      %parallel_loop3A_248 = vector.broadcast %parallel_loop3A_247 : i32 to vector<16xi32>
      %parallel_loop3A_249 = arith.addi %parallel_loop3A_46, %parallel_loop3A_248 : vector<16xi32>
      %parallel_loop3A_250 = tpu.vector_load_idx %arg5[%parallel_loop3A_40, %parallel_loop3A_249] : memref<512x128xf32, #tpu.memory_space<vmem>>[vector<16xi32>, vector<16xi32>], vector<16xf32>,
      %parallel_loop3A_251 = arith.constant 27 : i32
      %parallel_loop3A_252 = vector.broadcast %parallel_loop3A_251 : i32 to vector<16xi32>
      %parallel_loop3A_253 = arith.addi %parallel_loop3A_46, %parallel_loop3A_252 : vector<16xi32>
      %parallel_loop3A_254 = tpu.vector_load_idx %arg5[%parallel_loop3A_40, %parallel_loop3A_253] : memref<512x128xf32, #tpu.memory_space<vmem>>[vector<16xi32>, vector<16xi32>], vector<16xf32>,
      %parallel_loop3A_255 = arith.constant 24 : i32
      %parallel_loop3A_256 = arith.index_cast %parallel_loop3A_255 : i32 to index
      %parallel_loop3A_257 = arith.index_cast %parallel_loop3A_27 : i32 to index
      %parallel_loop3A_258 = tpu.vector_load %arg7[%parallel_loop3A_256, %parallel_loop3A_257] {strides = array<i32>} : memref<64x128xf32, #tpu.memory_space<vmem>>, vector<16xf32>,
      tpu.vector_store %arg7[%parallel_loop3A_256, %parallel_loop3A_257], %parallel_loop3A_242 {strides = array<i32>} : memref<64x128xf32, #tpu.memory_space<vmem>>, vector<16xf32>,
      %parallel_loop3A_259 = arith.constant 25 : i32
      %parallel_loop3A_260 = arith.index_cast %parallel_loop3A_259 : i32 to index
      %parallel_loop3A_261 = arith.index_cast %parallel_loop3A_27 : i32 to index
      %parallel_loop3A_262 = tpu.vector_load %arg7[%parallel_loop3A_260, %parallel_loop3A_261] {strides = array<i32>} : memref<64x128xf32, #tpu.memory_space<vmem>>, vector<16xf32>,
      tpu.vector_store %arg7[%parallel_loop3A_260, %parallel_loop3A_261], %parallel_loop3A_246 {strides = array<i32>} : memref<64x128xf32, #tpu.memory_space<vmem>>, vector<16xf32>,
      %parallel_loop3A_263 = arith.constant 26 : i32
      %parallel_loop3A_264 = arith.index_cast %parallel_loop3A_263 : i32 to index
      %parallel_loop3A_265 = arith.index_cast %parallel_loop3A_27 : i32 to index
      %parallel_loop3A_266 = tpu.vector_load %arg7[%parallel_loop3A_264, %parallel_loop3A_265] {strides = array<i32>} : memref<64x128xf32, #tpu.memory_space<vmem>>, vector<16xf32>,
      tpu.vector_store %arg7[%parallel_loop3A_264, %parallel_loop3A_265], %parallel_loop3A_250 {strides = array<i32>} : memref<64x128xf32, #tpu.memory_space<vmem>>, vector<16xf32>,
      %parallel_loop3A_267 = arith.constant 27 : i32
      %parallel_loop3A_268 = arith.index_cast %parallel_loop3A_267 : i32 to index
      %parallel_loop3A_269 = arith.index_cast %parallel_loop3A_27 : i32 to index
      %parallel_loop3A_270 = tpu.vector_load %arg7[%parallel_loop3A_268, %parallel_loop3A_269] {strides = array<i32>} : memref<64x128xf32, #tpu.memory_space<vmem>>, vector<16xf32>,
      tpu.vector_store %arg7[%parallel_loop3A_268, %parallel_loop3A_269], %parallel_loop3A_254 {strides = array<i32>} : memref<64x128xf32, #tpu.memory_space<vmem>>, vector<16xf32>,
      %parallel_loop3A_271 = arith.constant 28 : i32
      %parallel_loop3A_272 = vector.broadcast %parallel_loop3A_271 : i32 to vector<16xi32>
      %parallel_loop3A_273 = arith.addi %parallel_loop3A_46, %parallel_loop3A_272 : vector<16xi32>
      %parallel_loop3A_274 = tpu.vector_load_idx %arg5[%parallel_loop3A_40, %parallel_loop3A_273] : memref<512x128xf32, #tpu.memory_space<vmem>>[vector<16xi32>, vector<16xi32>], vector<16xf32>,
      %parallel_loop3A_275 = arith.constant 29 : i32
      %parallel_loop3A_276 = vector.broadcast %parallel_loop3A_275 : i32 to vector<16xi32>
      %parallel_loop3A_277 = arith.addi %parallel_loop3A_46, %parallel_loop3A_276 : vector<16xi32>
      %parallel_loop3A_278 = tpu.vector_load_idx %arg5[%parallel_loop3A_40, %parallel_loop3A_277] : memref<512x128xf32, #tpu.memory_space<vmem>>[vector<16xi32>, vector<16xi32>], vector<16xf32>,
      %parallel_loop3A_279 = arith.constant 30 : i32
      %parallel_loop3A_280 = vector.broadcast %parallel_loop3A_279 : i32 to vector<16xi32>
      %parallel_loop3A_281 = arith.addi %parallel_loop3A_46, %parallel_loop3A_280 : vector<16xi32>
      %parallel_loop3A_282 = tpu.vector_load_idx %arg5[%parallel_loop3A_40, %parallel_loop3A_281] : memref<512x128xf32, #tpu.memory_space<vmem>>[vector<16xi32>, vector<16xi32>], vector<16xf32>,
      %parallel_loop3A_283 = arith.constant 31 : i32
      %parallel_loop3A_284 = vector.broadcast %parallel_loop3A_283 : i32 to vector<16xi32>
      %parallel_loop3A_285 = arith.addi %parallel_loop3A_46, %parallel_loop3A_284 : vector<16xi32>
      %parallel_loop3A_286 = tpu.vector_load_idx %arg5[%parallel_loop3A_40, %parallel_loop3A_285] : memref<512x128xf32, #tpu.memory_space<vmem>>[vector<16xi32>, vector<16xi32>], vector<16xf32>,
      %parallel_loop3A_287 = arith.constant 28 : i32
      %parallel_loop3A_288 = arith.index_cast %parallel_loop3A_287 : i32 to index
      %parallel_loop3A_289 = arith.index_cast %parallel_loop3A_27 : i32 to index
      %parallel_loop3A_290 = tpu.vector_load %arg7[%parallel_loop3A_288, %parallel_loop3A_289] {strides = array<i32>} : memref<64x128xf32, #tpu.memory_space<vmem>>, vector<16xf32>,
      tpu.vector_store %arg7[%parallel_loop3A_288, %parallel_loop3A_289], %parallel_loop3A_274 {strides = array<i32>} : memref<64x128xf32, #tpu.memory_space<vmem>>, vector<16xf32>,
      %parallel_loop3A_291 = arith.constant 29 : i32
      %parallel_loop3A_292 = arith.index_cast %parallel_loop3A_291 : i32 to index
      %parallel_loop3A_293 = arith.index_cast %parallel_loop3A_27 : i32 to index
      %parallel_loop3A_294 = tpu.vector_load %arg7[%parallel_loop3A_292, %parallel_loop3A_293] {strides = array<i32>} : memref<64x128xf32, #tpu.memory_space<vmem>>, vector<16xf32>,
      tpu.vector_store %arg7[%parallel_loop3A_292, %parallel_loop3A_293], %parallel_loop3A_278 {strides = array<i32>} : memref<64x128xf32, #tpu.memory_space<vmem>>, vector<16xf32>,
      %parallel_loop3A_295 = arith.constant 30 : i32
      %parallel_loop3A_296 = arith.index_cast %parallel_loop3A_295 : i32 to index
      %parallel_loop3A_297 = arith.index_cast %parallel_loop3A_27 : i32 to index
      %parallel_loop3A_298 = tpu.vector_load %arg7[%parallel_loop3A_296, %parallel_loop3A_297] {strides = array<i32>} : memref<64x128xf32, #tpu.memory_space<vmem>>, vector<16xf32>,
      tpu.vector_store %arg7[%parallel_loop3A_296, %parallel_loop3A_297], %parallel_loop3A_282 {strides = array<i32>} : memref<64x128xf32, #tpu.memory_space<vmem>>, vector<16xf32>,
      %parallel_loop3A_299 = arith.constant 31 : i32
      %parallel_loop3A_300 = arith.index_cast %parallel_loop3A_299 : i32 to index
      %parallel_loop3A_301 = arith.index_cast %parallel_loop3A_27 : i32 to index
      %parallel_loop3A_302 = tpu.vector_load %arg7[%parallel_loop3A_300, %parallel_loop3A_301] {strides = array<i32>} : memref<64x128xf32, #tpu.memory_space<vmem>>, vector<16xf32>,
      tpu.vector_store %arg7[%parallel_loop3A_300, %parallel_loop3A_301], %parallel_loop3A_286 {strides = array<i32>} : memref<64x128xf32, #tpu.memory_space<vmem>>, vector<16xf32>,
      %parallel_loop3A_303 = arith.constant 32 : i32
      %parallel_loop3A_304 = vector.broadcast %parallel_loop3A_303 : i32 to vector<16xi32>
      %parallel_loop3A_305 = arith.addi %parallel_loop3A_46, %parallel_loop3A_304 : vector<16xi32>
      %parallel_loop3A_306 = tpu.vector_load_idx %arg5[%parallel_loop3A_40, %parallel_loop3A_305] : memref<512x128xf32, #tpu.memory_space<vmem>>[vector<16xi32>, vector<16xi32>], vector<16xf32>,
      %parallel_loop3A_307 = arith.constant 33 : i32
      %parallel_loop3A_308 = vector.broadcast %parallel_loop3A_307 : i32 to vector<16xi32>
      %parallel_loop3A_309 = arith.addi %parallel_loop3A_46, %parallel_loop3A_308 : vector<16xi32>
      %parallel_loop3A_310 = tpu.vector_load_idx %arg5[%parallel_loop3A_40, %parallel_loop3A_309] : memref<512x128xf32, #tpu.memory_space<vmem>>[vector<16xi32>, vector<16xi32>], vector<16xf32>,
      %parallel_loop3A_311 = arith.constant 34 : i32
      %parallel_loop3A_312 = vector.broadcast %parallel_loop3A_311 : i32 to vector<16xi32>
      %parallel_loop3A_313 = arith.addi %parallel_loop3A_46, %parallel_loop3A_312 : vector<16xi32>
      %parallel_loop3A_314 = tpu.vector_load_idx %arg5[%parallel_loop3A_40, %parallel_loop3A_313] : memref<512x128xf32, #tpu.memory_space<vmem>>[vector<16xi32>, vector<16xi32>], vector<16xf32>,
      %parallel_loop3A_315 = arith.constant 35 : i32
      %parallel_loop3A_316 = vector.broadcast %parallel_loop3A_315 : i32 to vector<16xi32>
      %parallel_loop3A_317 = arith.addi %parallel_loop3A_46, %parallel_loop3A_316 : vector<16xi32>
      %parallel_loop3A_318 = tpu.vector_load_idx %arg5[%parallel_loop3A_40, %parallel_loop3A_317] : memref<512x128xf32, #tpu.memory_space<vmem>>[vector<16xi32>, vector<16xi32>], vector<16xf32>,
      %parallel_loop3A_319 = arith.constant 32 : i32
      %parallel_loop3A_320 = arith.index_cast %parallel_loop3A_319 : i32 to index
      %parallel_loop3A_321 = arith.index_cast %parallel_loop3A_27 : i32 to index
      %parallel_loop3A_322 = tpu.vector_load %arg7[%parallel_loop3A_320, %parallel_loop3A_321] {strides = array<i32>} : memref<64x128xf32, #tpu.memory_space<vmem>>, vector<16xf32>,
      tpu.vector_store %arg7[%parallel_loop3A_320, %parallel_loop3A_321], %parallel_loop3A_306 {strides = array<i32>} : memref<64x128xf32, #tpu.memory_space<vmem>>, vector<16xf32>,
      %parallel_loop3A_323 = arith.constant 33 : i32
      %parallel_loop3A_324 = arith.index_cast %parallel_loop3A_323 : i32 to index
      %parallel_loop3A_325 = arith.index_cast %parallel_loop3A_27 : i32 to index
      %parallel_loop3A_326 = tpu.vector_load %arg7[%parallel_loop3A_324, %parallel_loop3A_325] {strides = array<i32>} : memref<64x128xf32, #tpu.memory_space<vmem>>, vector<16xf32>,
      tpu.vector_store %arg7[%parallel_loop3A_324, %parallel_loop3A_325], %parallel_loop3A_310 {strides = array<i32>} : memref<64x128xf32, #tpu.memory_space<vmem>>, vector<16xf32>,
      %parallel_loop3A_327 = arith.constant 34 : i32
      %parallel_loop3A_328 = arith.index_cast %parallel_loop3A_327 : i32 to index
      %parallel_loop3A_329 = arith.index_cast %parallel_loop3A_27 : i32 to index
      %parallel_loop3A_330 = tpu.vector_load %arg7[%parallel_loop3A_328, %parallel_loop3A_329] {strides = array<i32>} : memref<64x128xf32, #tpu.memory_space<vmem>>, vector<16xf32>,
      tpu.vector_store %arg7[%parallel_loop3A_328, %parallel_loop3A_329], %parallel_loop3A_314 {strides = array<i32>} : memref<64x128xf32, #tpu.memory_space<vmem>>, vector<16xf32>,
      %parallel_loop3A_331 = arith.constant 35 : i32
      %parallel_loop3A_332 = arith.index_cast %parallel_loop3A_331 : i32 to index
      %parallel_loop3A_333 = arith.index_cast %parallel_loop3A_27 : i32 to index
      %parallel_loop3A_334 = tpu.vector_load %arg7[%parallel_loop3A_332, %parallel_loop3A_333] {strides = array<i32>} : memref<64x128xf32, #tpu.memory_space<vmem>>, vector<16xf32>,
      tpu.vector_store %arg7[%parallel_loop3A_332, %parallel_loop3A_333], %parallel_loop3A_318 {strides = array<i32>} : memref<64x128xf32, #tpu.memory_space<vmem>>, vector<16xf32>,
      %parallel_loop3A_335 = arith.constant 36 : i32
      %parallel_loop3A_336 = vector.broadcast %parallel_loop3A_335 : i32 to vector<16xi32>
      %parallel_loop3A_337 = arith.addi %parallel_loop3A_46, %parallel_loop3A_336 : vector<16xi32>
      %parallel_loop3A_338 = tpu.vector_load_idx %arg5[%parallel_loop3A_40, %parallel_loop3A_337] : memref<512x128xf32, #tpu.memory_space<vmem>>[vector<16xi32>, vector<16xi32>], vector<16xf32>,
      %parallel_loop3A_339 = arith.constant 37 : i32
      %parallel_loop3A_340 = vector.broadcast %parallel_loop3A_339 : i32 to vector<16xi32>
      %parallel_loop3A_341 = arith.addi %parallel_loop3A_46, %parallel_loop3A_340 : vector<16xi32>
      %parallel_loop3A_342 = tpu.vector_load_idx %arg5[%parallel_loop3A_40, %parallel_loop3A_341] : memref<512x128xf32, #tpu.memory_space<vmem>>[vector<16xi32>, vector<16xi32>], vector<16xf32>,
      %parallel_loop3A_343 = arith.constant 38 : i32
      %parallel_loop3A_344 = vector.broadcast %parallel_loop3A_343 : i32 to vector<16xi32>
      %parallel_loop3A_345 = arith.addi %parallel_loop3A_46, %parallel_loop3A_344 : vector<16xi32>
      %parallel_loop3A_346 = tpu.vector_load_idx %arg5[%parallel_loop3A_40, %parallel_loop3A_345] : memref<512x128xf32, #tpu.memory_space<vmem>>[vector<16xi32>, vector<16xi32>], vector<16xf32>,
      %parallel_loop3A_347 = arith.constant 39 : i32
      %parallel_loop3A_348 = vector.broadcast %parallel_loop3A_347 : i32 to vector<16xi32>
      %parallel_loop3A_349 = arith.addi %parallel_loop3A_46, %parallel_loop3A_348 : vector<16xi32>
      %parallel_loop3A_350 = tpu.vector_load_idx %arg5[%parallel_loop3A_40, %parallel_loop3A_349] : memref<512x128xf32, #tpu.memory_space<vmem>>[vector<16xi32>, vector<16xi32>], vector<16xf32>,
      %parallel_loop3A_351 = arith.constant 36 : i32
      %parallel_loop3A_352 = arith.index_cast %parallel_loop3A_351 : i32 to index
      %parallel_loop3A_353 = arith.index_cast %parallel_loop3A_27 : i32 to index
      %parallel_loop3A_354 = tpu.vector_load %arg7[%parallel_loop3A_352, %parallel_loop3A_353] {strides = array<i32>} : memref<64x128xf32, #tpu.memory_space<vmem>>, vector<16xf32>,
      tpu.vector_store %arg7[%parallel_loop3A_352, %parallel_loop3A_353], %parallel_loop3A_338 {strides = array<i32>} : memref<64x128xf32, #tpu.memory_space<vmem>>, vector<16xf32>,
      %parallel_loop3A_355 = arith.constant 37 : i32
      %parallel_loop3A_356 = arith.index_cast %parallel_loop3A_355 : i32 to index
      %parallel_loop3A_357 = arith.index_cast %parallel_loop3A_27 : i32 to index
      %parallel_loop3A_358 = tpu.vector_load %arg7[%parallel_loop3A_356, %parallel_loop3A_357] {strides = array<i32>} : memref<64x128xf32, #tpu.memory_space<vmem>>, vector<16xf32>,
      tpu.vector_store %arg7[%parallel_loop3A_356, %parallel_loop3A_357], %parallel_loop3A_342 {strides = array<i32>} : memref<64x128xf32, #tpu.memory_space<vmem>>, vector<16xf32>,
      %parallel_loop3A_359 = arith.constant 38 : i32
      %parallel_loop3A_360 = arith.index_cast %parallel_loop3A_359 : i32 to index
      %parallel_loop3A_361 = arith.index_cast %parallel_loop3A_27 : i32 to index
      %parallel_loop3A_362 = tpu.vector_load %arg7[%parallel_loop3A_360, %parallel_loop3A_361] {strides = array<i32>} : memref<64x128xf32, #tpu.memory_space<vmem>>, vector<16xf32>,
      tpu.vector_store %arg7[%parallel_loop3A_360, %parallel_loop3A_361], %parallel_loop3A_346 {strides = array<i32>} : memref<64x128xf32, #tpu.memory_space<vmem>>, vector<16xf32>,
      %parallel_loop3A_363 = arith.constant 39 : i32
      %parallel_loop3A_364 = arith.index_cast %parallel_loop3A_363 : i32 to index
      %parallel_loop3A_365 = arith.index_cast %parallel_loop3A_27 : i32 to index
      %parallel_loop3A_366 = tpu.vector_load %arg7[%parallel_loop3A_364, %parallel_loop3A_365] {strides = array<i32>} : memref<64x128xf32, #tpu.memory_space<vmem>>, vector<16xf32>,
      tpu.vector_store %arg7[%parallel_loop3A_364, %parallel_loop3A_365], %parallel_loop3A_350 {strides = array<i32>} : memref<64x128xf32, #tpu.memory_space<vmem>>, vector<16xf32>,
      %parallel_loop3A_367 = arith.constant 40 : i32
      %parallel_loop3A_368 = vector.broadcast %parallel_loop3A_367 : i32 to vector<16xi32>
      %parallel_loop3A_369 = arith.addi %parallel_loop3A_46, %parallel_loop3A_368 : vector<16xi32>
      %parallel_loop3A_370 = tpu.vector_load_idx %arg5[%parallel_loop3A_40, %parallel_loop3A_369] : memref<512x128xf32, #tpu.memory_space<vmem>>[vector<16xi32>, vector<16xi32>], vector<16xf32>,
      %parallel_loop3A_371 = arith.constant 41 : i32
      %parallel_loop3A_372 = vector.broadcast %parallel_loop3A_371 : i32 to vector<16xi32>
      %parallel_loop3A_373 = arith.addi %parallel_loop3A_46, %parallel_loop3A_372 : vector<16xi32>
      %parallel_loop3A_374 = tpu.vector_load_idx %arg5[%parallel_loop3A_40, %parallel_loop3A_373] : memref<512x128xf32, #tpu.memory_space<vmem>>[vector<16xi32>, vector<16xi32>], vector<16xf32>,
      %parallel_loop3A_375 = arith.constant 42 : i32
      %parallel_loop3A_376 = vector.broadcast %parallel_loop3A_375 : i32 to vector<16xi32>
      %parallel_loop3A_377 = arith.addi %parallel_loop3A_46, %parallel_loop3A_376 : vector<16xi32>
      %parallel_loop3A_378 = tpu.vector_load_idx %arg5[%parallel_loop3A_40, %parallel_loop3A_377] : memref<512x128xf32, #tpu.memory_space<vmem>>[vector<16xi32>, vector<16xi32>], vector<16xf32>,
      %parallel_loop3A_379 = arith.constant 43 : i32
      %parallel_loop3A_380 = vector.broadcast %parallel_loop3A_379 : i32 to vector<16xi32>
      %parallel_loop3A_381 = arith.addi %parallel_loop3A_46, %parallel_loop3A_380 : vector<16xi32>
      %parallel_loop3A_382 = tpu.vector_load_idx %arg5[%parallel_loop3A_40, %parallel_loop3A_381] : memref<512x128xf32, #tpu.memory_space<vmem>>[vector<16xi32>, vector<16xi32>], vector<16xf32>,
      %parallel_loop3A_383 = arith.constant 40 : i32
      %parallel_loop3A_384 = arith.index_cast %parallel_loop3A_383 : i32 to index
      %parallel_loop3A_385 = arith.index_cast %parallel_loop3A_27 : i32 to index
      %parallel_loop3A_386 = tpu.vector_load %arg7[%parallel_loop3A_384, %parallel_loop3A_385] {strides = array<i32>} : memref<64x128xf32, #tpu.memory_space<vmem>>, vector<16xf32>,
      tpu.vector_store %arg7[%parallel_loop3A_384, %parallel_loop3A_385], %parallel_loop3A_370 {strides = array<i32>} : memref<64x128xf32, #tpu.memory_space<vmem>>, vector<16xf32>,
      %parallel_loop3A_387 = arith.constant 41 : i32
      %parallel_loop3A_388 = arith.index_cast %parallel_loop3A_387 : i32 to index
      %parallel_loop3A_389 = arith.index_cast %parallel_loop3A_27 : i32 to index
      %parallel_loop3A_390 = tpu.vector_load %arg7[%parallel_loop3A_388, %parallel_loop3A_389] {strides = array<i32>} : memref<64x128xf32, #tpu.memory_space<vmem>>, vector<16xf32>,
      tpu.vector_store %arg7[%parallel_loop3A_388, %parallel_loop3A_389], %parallel_loop3A_374 {strides = array<i32>} : memref<64x128xf32, #tpu.memory_space<vmem>>, vector<16xf32>,
      %parallel_loop3A_391 = arith.constant 42 : i32
      %parallel_loop3A_392 = arith.index_cast %parallel_loop3A_391 : i32 to index
      %parallel_loop3A_393 = arith.index_cast %parallel_loop3A_27 : i32 to index
      %parallel_loop3A_394 = tpu.vector_load %arg7[%parallel_loop3A_392, %parallel_loop3A_393] {strides = array<i32>} : memref<64x128xf32, #tpu.memory_space<vmem>>, vector<16xf32>,
      tpu.vector_store %arg7[%parallel_loop3A_392, %parallel_loop3A_393], %parallel_loop3A_378 {strides = array<i32>} : memref<64x128xf32, #tpu.memory_space<vmem>>, vector<16xf32>,
      %parallel_loop3A_395 = arith.constant 43 : i32
      %parallel_loop3A_396 = arith.index_cast %parallel_loop3A_395 : i32 to index
      %parallel_loop3A_397 = arith.index_cast %parallel_loop3A_27 : i32 to index
      %parallel_loop3A_398 = tpu.vector_load %arg7[%parallel_loop3A_396, %parallel_loop3A_397] {strides = array<i32>} : memref<64x128xf32, #tpu.memory_space<vmem>>, vector<16xf32>,
      tpu.vector_store %arg7[%parallel_loop3A_396, %parallel_loop3A_397], %parallel_loop3A_382 {strides = array<i32>} : memref<64x128xf32, #tpu.memory_space<vmem>>, vector<16xf32>,
      %parallel_loop3A_399 = arith.constant 44 : i32
      %parallel_loop3A_400 = vector.broadcast %parallel_loop3A_399 : i32 to vector<16xi32>
      %parallel_loop3A_401 = arith.addi %parallel_loop3A_46, %parallel_loop3A_400 : vector<16xi32>
      %parallel_loop3A_402 = tpu.vector_load_idx %arg5[%parallel_loop3A_40, %parallel_loop3A_401] : memref<512x128xf32, #tpu.memory_space<vmem>>[vector<16xi32>, vector<16xi32>], vector<16xf32>,
      %parallel_loop3A_403 = arith.constant 45 : i32
      %parallel_loop3A_404 = vector.broadcast %parallel_loop3A_403 : i32 to vector<16xi32>
      %parallel_loop3A_405 = arith.addi %parallel_loop3A_46, %parallel_loop3A_404 : vector<16xi32>
      %parallel_loop3A_406 = tpu.vector_load_idx %arg5[%parallel_loop3A_40, %parallel_loop3A_405] : memref<512x128xf32, #tpu.memory_space<vmem>>[vector<16xi32>, vector<16xi32>], vector<16xf32>,
      %parallel_loop3A_407 = arith.constant 46 : i32
      %parallel_loop3A_408 = vector.broadcast %parallel_loop3A_407 : i32 to vector<16xi32>
      %parallel_loop3A_409 = arith.addi %parallel_loop3A_46, %parallel_loop3A_408 : vector<16xi32>
      %parallel_loop3A_410 = tpu.vector_load_idx %arg5[%parallel_loop3A_40, %parallel_loop3A_409] : memref<512x128xf32, #tpu.memory_space<vmem>>[vector<16xi32>, vector<16xi32>], vector<16xf32>,
      %parallel_loop3A_411 = arith.constant 47 : i32
      %parallel_loop3A_412 = vector.broadcast %parallel_loop3A_411 : i32 to vector<16xi32>
      %parallel_loop3A_413 = arith.addi %parallel_loop3A_46, %parallel_loop3A_412 : vector<16xi32>
      %parallel_loop3A_414 = tpu.vector_load_idx %arg5[%parallel_loop3A_40, %parallel_loop3A_413] : memref<512x128xf32, #tpu.memory_space<vmem>>[vector<16xi32>, vector<16xi32>], vector<16xf32>,
      %parallel_loop3A_415 = arith.constant 44 : i32
      %parallel_loop3A_416 = arith.index_cast %parallel_loop3A_415 : i32 to index
      %parallel_loop3A_417 = arith.index_cast %parallel_loop3A_27 : i32 to index
      %parallel_loop3A_418 = tpu.vector_load %arg7[%parallel_loop3A_416, %parallel_loop3A_417] {strides = array<i32>} : memref<64x128xf32, #tpu.memory_space<vmem>>, vector<16xf32>,
      tpu.vector_store %arg7[%parallel_loop3A_416, %parallel_loop3A_417], %parallel_loop3A_402 {strides = array<i32>} : memref<64x128xf32, #tpu.memory_space<vmem>>, vector<16xf32>,
      %parallel_loop3A_419 = arith.constant 45 : i32
      %parallel_loop3A_420 = arith.index_cast %parallel_loop3A_419 : i32 to index
      %parallel_loop3A_421 = arith.index_cast %parallel_loop3A_27 : i32 to index
      %parallel_loop3A_422 = tpu.vector_load %arg7[%parallel_loop3A_420, %parallel_loop3A_421] {strides = array<i32>} : memref<64x128xf32, #tpu.memory_space<vmem>>, vector<16xf32>,
      tpu.vector_store %arg7[%parallel_loop3A_420, %parallel_loop3A_421], %parallel_loop3A_406 {strides = array<i32>} : memref<64x128xf32, #tpu.memory_space<vmem>>, vector<16xf32>,
      %parallel_loop3A_423 = arith.constant 46 : i32
      %parallel_loop3A_424 = arith.index_cast %parallel_loop3A_423 : i32 to index
      %parallel_loop3A_425 = arith.index_cast %parallel_loop3A_27 : i32 to index
      %parallel_loop3A_426 = tpu.vector_load %arg7[%parallel_loop3A_424, %parallel_loop3A_425] {strides = array<i32>} : memref<64x128xf32, #tpu.memory_space<vmem>>, vector<16xf32>,
      tpu.vector_store %arg7[%parallel_loop3A_424, %parallel_loop3A_425], %parallel_loop3A_410 {strides = array<i32>} : memref<64x128xf32, #tpu.memory_space<vmem>>, vector<16xf32>,
      %parallel_loop3A_427 = arith.constant 47 : i32
      %parallel_loop3A_428 = arith.index_cast %parallel_loop3A_427 : i32 to index
      %parallel_loop3A_429 = arith.index_cast %parallel_loop3A_27 : i32 to index
      %parallel_loop3A_430 = tpu.vector_load %arg7[%parallel_loop3A_428, %parallel_loop3A_429] {strides = array<i32>} : memref<64x128xf32, #tpu.memory_space<vmem>>, vector<16xf32>,
      tpu.vector_store %arg7[%parallel_loop3A_428, %parallel_loop3A_429], %parallel_loop3A_414 {strides = array<i32>} : memref<64x128xf32, #tpu.memory_space<vmem>>, vector<16xf32>,
      %parallel_loop3A_431 = arith.constant 48 : i32
      %parallel_loop3A_432 = vector.broadcast %parallel_loop3A_431 : i32 to vector<16xi32>
      %parallel_loop3A_433 = arith.addi %parallel_loop3A_46, %parallel_loop3A_432 : vector<16xi32>
      %parallel_loop3A_434 = tpu.vector_load_idx %arg5[%parallel_loop3A_40, %parallel_loop3A_433] : memref<512x128xf32, #tpu.memory_space<vmem>>[vector<16xi32>, vector<16xi32>], vector<16xf32>,
      %parallel_loop3A_435 = arith.constant 49 : i32
      %parallel_loop3A_436 = vector.broadcast %parallel_loop3A_435 : i32 to vector<16xi32>
      %parallel_loop3A_437 = arith.addi %parallel_loop3A_46, %parallel_loop3A_436 : vector<16xi32>
      %parallel_loop3A_438 = tpu.vector_load_idx %arg5[%parallel_loop3A_40, %parallel_loop3A_437] : memref<512x128xf32, #tpu.memory_space<vmem>>[vector<16xi32>, vector<16xi32>], vector<16xf32>,
      %parallel_loop3A_439 = arith.constant 50 : i32
      %parallel_loop3A_440 = vector.broadcast %parallel_loop3A_439 : i32 to vector<16xi32>
      %parallel_loop3A_441 = arith.addi %parallel_loop3A_46, %parallel_loop3A_440 : vector<16xi32>
      %parallel_loop3A_442 = tpu.vector_load_idx %arg5[%parallel_loop3A_40, %parallel_loop3A_441] : memref<512x128xf32, #tpu.memory_space<vmem>>[vector<16xi32>, vector<16xi32>], vector<16xf32>,
      %parallel_loop3A_443 = arith.constant 51 : i32
      %parallel_loop3A_444 = vector.broadcast %parallel_loop3A_443 : i32 to vector<16xi32>
      %parallel_loop3A_445 = arith.addi %parallel_loop3A_46, %parallel_loop3A_444 : vector<16xi32>
      %parallel_loop3A_446 = tpu.vector_load_idx %arg5[%parallel_loop3A_40, %parallel_loop3A_445] : memref<512x128xf32, #tpu.memory_space<vmem>>[vector<16xi32>, vector<16xi32>], vector<16xf32>,
      %parallel_loop3A_447 = arith.constant 48 : i32
      %parallel_loop3A_448 = arith.index_cast %parallel_loop3A_447 : i32 to index
      %parallel_loop3A_449 = arith.index_cast %parallel_loop3A_27 : i32 to index
      %parallel_loop3A_450 = tpu.vector_load %arg7[%parallel_loop3A_448, %parallel_loop3A_449] {strides = array<i32>} : memref<64x128xf32, #tpu.memory_space<vmem>>, vector<16xf32>,
      tpu.vector_store %arg7[%parallel_loop3A_448, %parallel_loop3A_449], %parallel_loop3A_434 {strides = array<i32>} : memref<64x128xf32, #tpu.memory_space<vmem>>, vector<16xf32>,
      %parallel_loop3A_451 = arith.constant 49 : i32
      %parallel_loop3A_452 = arith.index_cast %parallel_loop3A_451 : i32 to index
      %parallel_loop3A_453 = arith.index_cast %parallel_loop3A_27 : i32 to index
      %parallel_loop3A_454 = tpu.vector_load %arg7[%parallel_loop3A_452, %parallel_loop3A_453] {strides = array<i32>} : memref<64x128xf32, #tpu.memory_space<vmem>>, vector<16xf32>,
      tpu.vector_store %arg7[%parallel_loop3A_452, %parallel_loop3A_453], %parallel_loop3A_438 {strides = array<i32>} : memref<64x128xf32, #tpu.memory_space<vmem>>, vector<16xf32>,
      %parallel_loop3A_455 = arith.constant 50 : i32
      %parallel_loop3A_456 = arith.index_cast %parallel_loop3A_455 : i32 to index
      %parallel_loop3A_457 = arith.index_cast %parallel_loop3A_27 : i32 to index
      %parallel_loop3A_458 = tpu.vector_load %arg7[%parallel_loop3A_456, %parallel_loop3A_457] {strides = array<i32>} : memref<64x128xf32, #tpu.memory_space<vmem>>, vector<16xf32>,
      tpu.vector_store %arg7[%parallel_loop3A_456, %parallel_loop3A_457], %parallel_loop3A_442 {strides = array<i32>} : memref<64x128xf32, #tpu.memory_space<vmem>>, vector<16xf32>,
      %parallel_loop3A_459 = arith.constant 51 : i32
      %parallel_loop3A_460 = arith.index_cast %parallel_loop3A_459 : i32 to index
      %parallel_loop3A_461 = arith.index_cast %parallel_loop3A_27 : i32 to index
      %parallel_loop3A_462 = tpu.vector_load %arg7[%parallel_loop3A_460, %parallel_loop3A_461] {strides = array<i32>} : memref<64x128xf32, #tpu.memory_space<vmem>>, vector<16xf32>,
      tpu.vector_store %arg7[%parallel_loop3A_460, %parallel_loop3A_461], %parallel_loop3A_446 {strides = array<i32>} : memref<64x128xf32, #tpu.memory_space<vmem>>, vector<16xf32>,
      %parallel_loop3A_463 = arith.constant 52 : i32
      %parallel_loop3A_464 = vector.broadcast %parallel_loop3A_463 : i32 to vector<16xi32>
      %parallel_loop3A_465 = arith.addi %parallel_loop3A_46, %parallel_loop3A_464 : vector<16xi32>
      %parallel_loop3A_466 = tpu.vector_load_idx %arg5[%parallel_loop3A_40, %parallel_loop3A_465] : memref<512x128xf32, #tpu.memory_space<vmem>>[vector<16xi32>, vector<16xi32>], vector<16xf32>,
      %parallel_loop3A_467 = arith.constant 53 : i32
      %parallel_loop3A_468 = vector.broadcast %parallel_loop3A_467 : i32 to vector<16xi32>
      %parallel_loop3A_469 = arith.addi %parallel_loop3A_46, %parallel_loop3A_468 : vector<16xi32>
      %parallel_loop3A_470 = tpu.vector_load_idx %arg5[%parallel_loop3A_40, %parallel_loop3A_469] : memref<512x128xf32, #tpu.memory_space<vmem>>[vector<16xi32>, vector<16xi32>], vector<16xf32>,
      %parallel_loop3A_471 = arith.constant 54 : i32
      %parallel_loop3A_472 = vector.broadcast %parallel_loop3A_471 : i32 to vector<16xi32>
      %parallel_loop3A_473 = arith.addi %parallel_loop3A_46, %parallel_loop3A_472 : vector<16xi32>
      %parallel_loop3A_474 = tpu.vector_load_idx %arg5[%parallel_loop3A_40, %parallel_loop3A_473] : memref<512x128xf32, #tpu.memory_space<vmem>>[vector<16xi32>, vector<16xi32>], vector<16xf32>,
      %parallel_loop3A_475 = arith.constant 55 : i32
      %parallel_loop3A_476 = vector.broadcast %parallel_loop3A_475 : i32 to vector<16xi32>
      %parallel_loop3A_477 = arith.addi %parallel_loop3A_46, %parallel_loop3A_476 : vector<16xi32>
      %parallel_loop3A_478 = tpu.vector_load_idx %arg5[%parallel_loop3A_40, %parallel_loop3A_477] : memref<512x128xf32, #tpu.memory_space<vmem>>[vector<16xi32>, vector<16xi32>], vector<16xf32>,
      %parallel_loop3A_479 = arith.constant 52 : i32
      %parallel_loop3A_480 = arith.index_cast %parallel_loop3A_479 : i32 to index
      %parallel_loop3A_481 = arith.index_cast %parallel_loop3A_27 : i32 to index
      %parallel_loop3A_482 = tpu.vector_load %arg7[%parallel_loop3A_480, %parallel_loop3A_481] {strides = array<i32>} : memref<64x128xf32, #tpu.memory_space<vmem>>, vector<16xf32>,
      tpu.vector_store %arg7[%parallel_loop3A_480, %parallel_loop3A_481], %parallel_loop3A_466 {strides = array<i32>} : memref<64x128xf32, #tpu.memory_space<vmem>>, vector<16xf32>,
      %parallel_loop3A_483 = arith.constant 53 : i32
      %parallel_loop3A_484 = arith.index_cast %parallel_loop3A_483 : i32 to index
      %parallel_loop3A_485 = arith.index_cast %parallel_loop3A_27 : i32 to index
      %parallel_loop3A_486 = tpu.vector_load %arg7[%parallel_loop3A_484, %parallel_loop3A_485] {strides = array<i32>} : memref<64x128xf32, #tpu.memory_space<vmem>>, vector<16xf32>,
      tpu.vector_store %arg7[%parallel_loop3A_484, %parallel_loop3A_485], %parallel_loop3A_470 {strides = array<i32>} : memref<64x128xf32, #tpu.memory_space<vmem>>, vector<16xf32>,
      %parallel_loop3A_487 = arith.constant 54 : i32
      %parallel_loop3A_488 = arith.index_cast %parallel_loop3A_487 : i32 to index
      %parallel_loop3A_489 = arith.index_cast %parallel_loop3A_27 : i32 to index
      %parallel_loop3A_490 = tpu.vector_load %arg7[%parallel_loop3A_488, %parallel_loop3A_489] {strides = array<i32>} : memref<64x128xf32, #tpu.memory_space<vmem>>, vector<16xf32>,
      tpu.vector_store %arg7[%parallel_loop3A_488, %parallel_loop3A_489], %parallel_loop3A_474 {strides = array<i32>} : memref<64x128xf32, #tpu.memory_space<vmem>>, vector<16xf32>,
      %parallel_loop3A_491 = arith.constant 55 : i32
      %parallel_loop3A_492 = arith.index_cast %parallel_loop3A_491 : i32 to index
      %parallel_loop3A_493 = arith.index_cast %parallel_loop3A_27 : i32 to index
      %parallel_loop3A_494 = tpu.vector_load %arg7[%parallel_loop3A_492, %parallel_loop3A_493] {strides = array<i32>} : memref<64x128xf32, #tpu.memory_space<vmem>>, vector<16xf32>,
      tpu.vector_store %arg7[%parallel_loop3A_492, %parallel_loop3A_493], %parallel_loop3A_478 {strides = array<i32>} : memref<64x128xf32, #tpu.memory_space<vmem>>, vector<16xf32>,
      %parallel_loop3A_495 = arith.constant 56 : i32
      %parallel_loop3A_496 = vector.broadcast %parallel_loop3A_495 : i32 to vector<16xi32>
      %parallel_loop3A_497 = arith.addi %parallel_loop3A_46, %parallel_loop3A_496 : vector<16xi32>
      %parallel_loop3A_498 = tpu.vector_load_idx %arg5[%parallel_loop3A_40, %parallel_loop3A_497] : memref<512x128xf32, #tpu.memory_space<vmem>>[vector<16xi32>, vector<16xi32>], vector<16xf32>,
      %parallel_loop3A_499 = arith.constant 57 : i32
      %parallel_loop3A_500 = vector.broadcast %parallel_loop3A_499 : i32 to vector<16xi32>
      %parallel_loop3A_501 = arith.addi %parallel_loop3A_46, %parallel_loop3A_500 : vector<16xi32>
      %parallel_loop3A_502 = tpu.vector_load_idx %arg5[%parallel_loop3A_40, %parallel_loop3A_501] : memref<512x128xf32, #tpu.memory_space<vmem>>[vector<16xi32>, vector<16xi32>], vector<16xf32>,
      %parallel_loop3A_503 = arith.constant 58 : i32
      %parallel_loop3A_504 = vector.broadcast %parallel_loop3A_503 : i32 to vector<16xi32>
      %parallel_loop3A_505 = arith.addi %parallel_loop3A_46, %parallel_loop3A_504 : vector<16xi32>
      %parallel_loop3A_506 = tpu.vector_load_idx %arg5[%parallel_loop3A_40, %parallel_loop3A_505] : memref<512x128xf32, #tpu.memory_space<vmem>>[vector<16xi32>, vector<16xi32>], vector<16xf32>,
      %parallel_loop3A_507 = arith.constant 59 : i32
      %parallel_loop3A_508 = vector.broadcast %parallel_loop3A_507 : i32 to vector<16xi32>
      %parallel_loop3A_509 = arith.addi %parallel_loop3A_46, %parallel_loop3A_508 : vector<16xi32>
      %parallel_loop3A_510 = tpu.vector_load_idx %arg5[%parallel_loop3A_40, %parallel_loop3A_509] : memref<512x128xf32, #tpu.memory_space<vmem>>[vector<16xi32>, vector<16xi32>], vector<16xf32>,
      %parallel_loop3A_511 = arith.constant 56 : i32
      %parallel_loop3A_512 = arith.index_cast %parallel_loop3A_511 : i32 to index
      %parallel_loop3A_513 = arith.index_cast %parallel_loop3A_27 : i32 to index
      %parallel_loop3A_514 = tpu.vector_load %arg7[%parallel_loop3A_512, %parallel_loop3A_513] {strides = array<i32>} : memref<64x128xf32, #tpu.memory_space<vmem>>, vector<16xf32>,
      tpu.vector_store %arg7[%parallel_loop3A_512, %parallel_loop3A_513], %parallel_loop3A_498 {strides = array<i32>} : memref<64x128xf32, #tpu.memory_space<vmem>>, vector<16xf32>,
      %parallel_loop3A_515 = arith.constant 57 : i32
      %parallel_loop3A_516 = arith.index_cast %parallel_loop3A_515 : i32 to index
      %parallel_loop3A_517 = arith.index_cast %parallel_loop3A_27 : i32 to index
      %parallel_loop3A_518 = tpu.vector_load %arg7[%parallel_loop3A_516, %parallel_loop3A_517] {strides = array<i32>} : memref<64x128xf32, #tpu.memory_space<vmem>>, vector<16xf32>,
      tpu.vector_store %arg7[%parallel_loop3A_516, %parallel_loop3A_517], %parallel_loop3A_502 {strides = array<i32>} : memref<64x128xf32, #tpu.memory_space<vmem>>, vector<16xf32>,
      %parallel_loop3A_519 = arith.constant 58 : i32
      %parallel_loop3A_520 = arith.index_cast %parallel_loop3A_519 : i32 to index
      %parallel_loop3A_521 = arith.index_cast %parallel_loop3A_27 : i32 to index
      %parallel_loop3A_522 = tpu.vector_load %arg7[%parallel_loop3A_520, %parallel_loop3A_521] {strides = array<i32>} : memref<64x128xf32, #tpu.memory_space<vmem>>, vector<16xf32>,
      tpu.vector_store %arg7[%parallel_loop3A_520, %parallel_loop3A_521], %parallel_loop3A_506 {strides = array<i32>} : memref<64x128xf32, #tpu.memory_space<vmem>>, vector<16xf32>,
      %parallel_loop3A_523 = arith.constant 59 : i32
      %parallel_loop3A_524 = arith.index_cast %parallel_loop3A_523 : i32 to index
      %parallel_loop3A_525 = arith.index_cast %parallel_loop3A_27 : i32 to index
      %parallel_loop3A_526 = tpu.vector_load %arg7[%parallel_loop3A_524, %parallel_loop3A_525] {strides = array<i32>} : memref<64x128xf32, #tpu.memory_space<vmem>>, vector<16xf32>,
      tpu.vector_store %arg7[%parallel_loop3A_524, %parallel_loop3A_525], %parallel_loop3A_510 {strides = array<i32>} : memref<64x128xf32, #tpu.memory_space<vmem>>, vector<16xf32>,
      %parallel_loop3A_527 = arith.constant 60 : i32
      %parallel_loop3A_528 = vector.broadcast %parallel_loop3A_527 : i32 to vector<16xi32>
      %parallel_loop3A_529 = arith.addi %parallel_loop3A_46, %parallel_loop3A_528 : vector<16xi32>
      %parallel_loop3A_530 = tpu.vector_load_idx %arg5[%parallel_loop3A_40, %parallel_loop3A_529] : memref<512x128xf32, #tpu.memory_space<vmem>>[vector<16xi32>, vector<16xi32>], vector<16xf32>,
      %parallel_loop3A_531 = arith.constant 61 : i32
      %parallel_loop3A_532 = vector.broadcast %parallel_loop3A_531 : i32 to vector<16xi32>
      %parallel_loop3A_533 = arith.addi %parallel_loop3A_46, %parallel_loop3A_532 : vector<16xi32>
      %parallel_loop3A_534 = tpu.vector_load_idx %arg5[%parallel_loop3A_40, %parallel_loop3A_533] : memref<512x128xf32, #tpu.memory_space<vmem>>[vector<16xi32>, vector<16xi32>], vector<16xf32>,
      %parallel_loop3A_535 = arith.constant 62 : i32
      %parallel_loop3A_536 = vector.broadcast %parallel_loop3A_535 : i32 to vector<16xi32>
      %parallel_loop3A_537 = arith.addi %parallel_loop3A_46, %parallel_loop3A_536 : vector<16xi32>
      %parallel_loop3A_538 = tpu.vector_load_idx %arg5[%parallel_loop3A_40, %parallel_loop3A_537] : memref<512x128xf32, #tpu.memory_space<vmem>>[vector<16xi32>, vector<16xi32>], vector<16xf32>,
      %parallel_loop3A_539 = arith.constant 63 : i32
      %parallel_loop3A_540 = vector.broadcast %parallel_loop3A_539 : i32 to vector<16xi32>
      %parallel_loop3A_541 = arith.addi %parallel_loop3A_46, %parallel_loop3A_540 : vector<16xi32>
      %parallel_loop3A_542 = tpu.vector_load_idx %arg5[%parallel_loop3A_40, %parallel_loop3A_541] : memref<512x128xf32, #tpu.memory_space<vmem>>[vector<16xi32>, vector<16xi32>], vector<16xf32>,
      %parallel_loop3A_543 = arith.constant 60 : i32
      %parallel_loop3A_544 = arith.index_cast %parallel_loop3A_543 : i32 to index
      %parallel_loop3A_545 = arith.index_cast %parallel_loop3A_27 : i32 to index
      %parallel_loop3A_546 = tpu.vector_load %arg7[%parallel_loop3A_544, %parallel_loop3A_545] {strides = array<i32>} : memref<64x128xf32, #tpu.memory_space<vmem>>, vector<16xf32>,
      tpu.vector_store %arg7[%parallel_loop3A_544, %parallel_loop3A_545], %parallel_loop3A_530 {strides = array<i32>} : memref<64x128xf32, #tpu.memory_space<vmem>>, vector<16xf32>,
      %parallel_loop3A_547 = arith.constant 61 : i32
      %parallel_loop3A_548 = arith.index_cast %parallel_loop3A_547 : i32 to index
      %parallel_loop3A_549 = arith.index_cast %parallel_loop3A_27 : i32 to index
      %parallel_loop3A_550 = tpu.vector_load %arg7[%parallel_loop3A_548, %parallel_loop3A_549] {strides = array<i32>} : memref<64x128xf32, #tpu.memory_space<vmem>>, vector<16xf32>,
      tpu.vector_store %arg7[%parallel_loop3A_548, %parallel_loop3A_549], %parallel_loop3A_534 {strides = array<i32>} : memref<64x128xf32, #tpu.memory_space<vmem>>, vector<16xf32>,
      %parallel_loop3A_551 = arith.constant 62 : i32
      %parallel_loop3A_552 = arith.index_cast %parallel_loop3A_551 : i32 to index
      %parallel_loop3A_553 = arith.index_cast %parallel_loop3A_27 : i32 to index
      %parallel_loop3A_554 = tpu.vector_load %arg7[%parallel_loop3A_552, %parallel_loop3A_553] {strides = array<i32>} : memref<64x128xf32, #tpu.memory_space<vmem>>, vector<16xf32>,
      tpu.vector_store %arg7[%parallel_loop3A_552, %parallel_loop3A_553], %parallel_loop3A_538 {strides = array<i32>} : memref<64x128xf32, #tpu.memory_space<vmem>>, vector<16xf32>,
      %parallel_loop3A_555 = arith.constant 63 : i32
      %parallel_loop3A_556 = arith.index_cast %parallel_loop3A_555 : i32 to index
      %parallel_loop3A_557 = arith.index_cast %parallel_loop3A_27 : i32 to index
      %parallel_loop3A_558 = tpu.vector_load %arg7[%parallel_loop3A_556, %parallel_loop3A_557] {strides = array<i32>} : memref<64x128xf32, #tpu.memory_space<vmem>>, vector<16xf32>,
      tpu.vector_store %arg7[%parallel_loop3A_556, %parallel_loop3A_557], %parallel_loop3A_542 {strides = array<i32>} : memref<64x128xf32, #tpu.memory_space<vmem>>, vector<16xf32>,
    } {sc.loop_unroll_factor = 1 : i64, sc.parallel_access}
    %add3A_6 = arith.constant 0 : i32
    %add3A_7 = arith.addi %min3A_3, %add3A_6 : i32
    %dma_start3A = arith.constant 0 : i32
    %dma_start3A_8 = tpu.memref_slice %arg4[%dma_start3A, %add3A_7] : memref<64x100000xf32, #tpu.memory_space<hbm>> -> memref<64x128xf32, #tpu.memory_space<hbm>>
    %dma_start3A_9 = arith.constant 0 : i32
    %dma_start3A_10 = tpu.memref_slice %arg4[%dma_start3A_9, %add3A_7] : memref<64x100000xf32, #tpu.memory_space<hbm>> -> memref<64x128xf32, #tpu.memory_space<hbm>>
    tpu.enqueue_dma source(%arg7 : memref<64x128xf32, #tpu.memory_space<vmem>>) target(%dma_start3A_10 : memref<64x128xf32, #tpu.memory_space<hbm>>) target_semaphore(%arg9 : memref<!tpu.dma_semaphore, #tpu.memory_space<semaphore_mem>>)
    %scan3A = arith.constant 0 : i32
    %scan3A_11 = arith.constant 0 : i32
    %scan3A_12 = arith.constant 12 : i32
    %scan3A_13 = arith.addi %scan3A_11, %scan3A_12 : i32
    %scan3A_14 = arith.constant 1 : i32
    scf.for %scan3A_27 = %scan3A_11 to %scan3A_13 step %scan3A_14  : i32 {
      %mul3A_28 = arith.constant 2 : i32
      %mul3A_29 = arith.muli %scan3A_27, %mul3A_28 : i32
      %add3A_30 = arith.constant 1 : i32
      %add3A_31 = arith.addi %mul3A_29, %add3A_30 : i32
      %add3A_32 = arith.constant 0 : i32
      %add3A_33 = arith.addi %add3A_31, %add3A_32 : i32
      %ge3A = arith.constant 2 : i32
      %ge3A_34 = arith.cmpi sge, %add3A_33, %ge3A : i32
      %convert_element_type3A = arith.extui %ge3A_34 : i1 to i32
      %cond3A = arith.constant 0 : i32
      %cond3A_35 = arith.cmpi ne, %convert_element_type3A, %cond3A : i32
      scf.if %cond3A_35 {
        %sub3A = arith.constant 2 : i32
        %sub3A_67 = arith.subi %add3A_33, %sub3A : i32
        %mul3A_68 = arith.constant 128 : i32
        %mul3A_69 = arith.muli %sub3A_67, %mul3A_68 : i32
        %add3A_70 = arith.addi %min3A_3, %mul3A_69 : i32
        %dma_wait3A_71 = arith.constant 0 : i32
        %dma_wait3A_72 = tpu.memref_slice %arg4[%dma_wait3A_71, %add3A_70] : memref<64x100000xf32, #tpu.memory_space<hbm>> -> memref<64x128xf32, #tpu.memory_space<hbm>>
        %dma_wait3A_73 = arith.constant 0 : i32
        %dma_wait3A_74 = tpu.memref_slice %arg4[%dma_wait3A_73, %add3A_70] : memref<64x100000xf32, #tpu.memory_space<hbm>> -> memref<64x128xf32, #tpu.memory_space<hbm>>
        tpu.wait_dma2 semaphore(%arg10 : memref<!tpu.dma_semaphore, #tpu.memory_space<semaphore_mem>>) src(%arg8 : memref<64x128xf32, #tpu.memory_space<vmem>>) dst(%dma_wait3A_74 : memref<64x128xf32, #tpu.memory_space<hbm>>)
      } else {
      }
      %parallel_loop3A_36 = arith.constant 0 : i32
      %parallel_loop3A_37 = arith.constant 128 : i32
      %parallel_loop3A_38 = arith.constant 16 : i32
      scf.for %parallel_loop3A_67 = %parallel_loop3A_36 to %parallel_loop3A_37 step %parallel_loop3A_38  : i32 {
        %parallel_loop3A_68 = arith.constant 128 : i32
        %parallel_loop3A_69 = arith.muli %add3A_33, %parallel_loop3A_68 : i32
        %parallel_loop3A_70 = arith.addi %parallel_loop3A_69, %parallel_loop3A_67 : i32
        %parallel_loop3A_71 = arith.index_cast %parallel_loop3A_70 : i32 to index
        %parallel_loop3A_72 = tpu.vector_load %arg6[%parallel_loop3A_71] {strides = array<i32>} : memref<3200xi32, #tpu.memory_space<vmem>>, vector<16xi32>,
        %parallel_loop3A_73 = arith.constant 0 : i32
        %parallel_loop3A_74 = arith.constant 1023 : i32
        %parallel_loop3A_75 = vector.broadcast %parallel_loop3A_73 : i32 to vector<16xi32>
        %parallel_loop3A_76 = arith.maxsi %parallel_loop3A_75, %parallel_loop3A_72 : vector<16xi32>
        %parallel_loop3A_77 = vector.broadcast %parallel_loop3A_74 : i32 to vector<16xi32>
        %parallel_loop3A_78 = arith.minsi %parallel_loop3A_77, %parallel_loop3A_76 : vector<16xi32>
        %parallel_loop3A_79 = arith.constant 1 : i32
        %parallel_loop3A_80 = vector.broadcast %parallel_loop3A_79 : i32 to vector<16xi32>
        %parallel_loop3A_81 = arith.shrui %parallel_loop3A_78, %parallel_loop3A_80 : vector<16xi32>
        %parallel_loop3A_82 = arith.constant 1 : i32
        %parallel_loop3A_83 = vector.broadcast %parallel_loop3A_82 : i32 to vector<16xi32>
        %parallel_loop3A_84 = arith.andi %parallel_loop3A_78, %parallel_loop3A_83 : vector<16xi32>
        %parallel_loop3A_85 = arith.constant 6 : i32
        %parallel_loop3A_86 = vector.broadcast %parallel_loop3A_85 : i32 to vector<16xi32>
        %parallel_loop3A_87 = arith.shli %parallel_loop3A_84, %parallel_loop3A_86 : vector<16xi32>
        %parallel_loop3A_88 = arith.constant 0 : i32
        %parallel_loop3A_89 = vector.broadcast %parallel_loop3A_88 : i32 to vector<16xi32>
        %parallel_loop3A_90 = arith.addi %parallel_loop3A_87, %parallel_loop3A_89 : vector<16xi32>
        %parallel_loop3A_91 = tpu.vector_load_idx %arg5[%parallel_loop3A_81, %parallel_loop3A_90] : memref<512x128xf32, #tpu.memory_space<vmem>>[vector<16xi32>, vector<16xi32>], vector<16xf32>,
        %parallel_loop3A_92 = arith.constant 1 : i32
        %parallel_loop3A_93 = vector.broadcast %parallel_loop3A_92 : i32 to vector<16xi32>
        %parallel_loop3A_94 = arith.addi %parallel_loop3A_87, %parallel_loop3A_93 : vector<16xi32>
        %parallel_loop3A_95 = tpu.vector_load_idx %arg5[%parallel_loop3A_81, %parallel_loop3A_94] : memref<512x128xf32, #tpu.memory_space<vmem>>[vector<16xi32>, vector<16xi32>], vector<16xf32>,
        %parallel_loop3A_96 = arith.constant 2 : i32
        %parallel_loop3A_97 = vector.broadcast %parallel_loop3A_96 : i32 to vector<16xi32>
        %parallel_loop3A_98 = arith.addi %parallel_loop3A_87, %parallel_loop3A_97 : vector<16xi32>
        %parallel_loop3A_99 = tpu.vector_load_idx %arg5[%parallel_loop3A_81, %parallel_loop3A_98] : memref<512x128xf32, #tpu.memory_space<vmem>>[vector<16xi32>, vector<16xi32>], vector<16xf32>,
        %parallel_loop3A_100 = arith.constant 3 : i32
        %parallel_loop3A_101 = vector.broadcast %parallel_loop3A_100 : i32 to vector<16xi32>
        %parallel_loop3A_102 = arith.addi %parallel_loop3A_87, %parallel_loop3A_101 : vector<16xi32>
        %parallel_loop3A_103 = tpu.vector_load_idx %arg5[%parallel_loop3A_81, %parallel_loop3A_102] : memref<512x128xf32, #tpu.memory_space<vmem>>[vector<16xi32>, vector<16xi32>], vector<16xf32>,
        %parallel_loop3A_104 = arith.constant 0 : i32
        %parallel_loop3A_105 = arith.index_cast %parallel_loop3A_104 : i32 to index
        %parallel_loop3A_106 = arith.index_cast %parallel_loop3A_67 : i32 to index
        %parallel_loop3A_107 = tpu.vector_load %arg8[%parallel_loop3A_105, %parallel_loop3A_106] {strides = array<i32>} : memref<64x128xf32, #tpu.memory_space<vmem>>, vector<16xf32>,
        tpu.vector_store %arg8[%parallel_loop3A_105, %parallel_loop3A_106], %parallel_loop3A_91 {strides = array<i32>} : memref<64x128xf32, #tpu.memory_space<vmem>>, vector<16xf32>,
        %parallel_loop3A_108 = arith.constant 1 : i32
        %parallel_loop3A_109 = arith.index_cast %parallel_loop3A_108 : i32 to index
        %parallel_loop3A_110 = arith.index_cast %parallel_loop3A_67 : i32 to index
        %parallel_loop3A_111 = tpu.vector_load %arg8[%parallel_loop3A_109, %parallel_loop3A_110] {strides = array<i32>} : memref<64x128xf32, #tpu.memory_space<vmem>>, vector<16xf32>,
        tpu.vector_store %arg8[%parallel_loop3A_109, %parallel_loop3A_110], %parallel_loop3A_95 {strides = array<i32>} : memref<64x128xf32, #tpu.memory_space<vmem>>, vector<16xf32>,
        %parallel_loop3A_112 = arith.constant 2 : i32
        %parallel_loop3A_113 = arith.index_cast %parallel_loop3A_112 : i32 to index
        %parallel_loop3A_114 = arith.index_cast %parallel_loop3A_67 : i32 to index
        %parallel_loop3A_115 = tpu.vector_load %arg8[%parallel_loop3A_113, %parallel_loop3A_114] {strides = array<i32>} : memref<64x128xf32, #tpu.memory_space<vmem>>, vector<16xf32>,
        tpu.vector_store %arg8[%parallel_loop3A_113, %parallel_loop3A_114], %parallel_loop3A_99 {strides = array<i32>} : memref<64x128xf32, #tpu.memory_space<vmem>>, vector<16xf32>,
        %parallel_loop3A_116 = arith.constant 3 : i32
        %parallel_loop3A_117 = arith.index_cast %parallel_loop3A_116 : i32 to index
        %parallel_loop3A_118 = arith.index_cast %parallel_loop3A_67 : i32 to index
        %parallel_loop3A_119 = tpu.vector_load %arg8[%parallel_loop3A_117, %parallel_loop3A_118] {strides = array<i32>} : memref<64x128xf32, #tpu.memory_space<vmem>>, vector<16xf32>,
        tpu.vector_store %arg8[%parallel_loop3A_117, %parallel_loop3A_118], %parallel_loop3A_103 {strides = array<i32>} : memref<64x128xf32, #tpu.memory_space<vmem>>, vector<16xf32>,
        %parallel_loop3A_120 = arith.constant 4 : i32
        %parallel_loop3A_121 = vector.broadcast %parallel_loop3A_120 : i32 to vector<16xi32>
        %parallel_loop3A_122 = arith.addi %parallel_loop3A_87, %parallel_loop3A_121 : vector<16xi32>
        %parallel_loop3A_123 = tpu.vector_load_idx %arg5[%parallel_loop3A_81, %parallel_loop3A_122] : memref<512x128xf32, #tpu.memory_space<vmem>>[vector<16xi32>, vector<16xi32>], vector<16xf32>,
        %parallel_loop3A_124 = arith.constant 5 : i32
        %parallel_loop3A_125 = vector.broadcast %parallel_loop3A_124 : i32 to vector<16xi32>
        %parallel_loop3A_126 = arith.addi %parallel_loop3A_87, %parallel_loop3A_125 : vector<16xi32>
        %parallel_loop3A_127 = tpu.vector_load_idx %arg5[%parallel_loop3A_81, %parallel_loop3A_126] : memref<512x128xf32, #tpu.memory_space<vmem>>[vector<16xi32>, vector<16xi32>], vector<16xf32>,
        %parallel_loop3A_128 = arith.constant 6 : i32
        %parallel_loop3A_129 = vector.broadcast %parallel_loop3A_128 : i32 to vector<16xi32>
        %parallel_loop3A_130 = arith.addi %parallel_loop3A_87, %parallel_loop3A_129 : vector<16xi32>
        %parallel_loop3A_131 = tpu.vector_load_idx %arg5[%parallel_loop3A_81, %parallel_loop3A_130] : memref<512x128xf32, #tpu.memory_space<vmem>>[vector<16xi32>, vector<16xi32>], vector<16xf32>,
        %parallel_loop3A_132 = arith.constant 7 : i32
        %parallel_loop3A_133 = vector.broadcast %parallel_loop3A_132 : i32 to vector<16xi32>
        %parallel_loop3A_134 = arith.addi %parallel_loop3A_87, %parallel_loop3A_133 : vector<16xi32>
        %parallel_loop3A_135 = tpu.vector_load_idx %arg5[%parallel_loop3A_81, %parallel_loop3A_134] : memref<512x128xf32, #tpu.memory_space<vmem>>[vector<16xi32>, vector<16xi32>], vector<16xf32>,
        %parallel_loop3A_136 = arith.constant 4 : i32
        %parallel_loop3A_137 = arith.index_cast %parallel_loop3A_136 : i32 to index
        %parallel_loop3A_138 = arith.index_cast %parallel_loop3A_67 : i32 to index
        %parallel_loop3A_139 = tpu.vector_load %arg8[%parallel_loop3A_137, %parallel_loop3A_138] {strides = array<i32>} : memref<64x128xf32, #tpu.memory_space<vmem>>, vector<16xf32>,
        tpu.vector_store %arg8[%parallel_loop3A_137, %parallel_loop3A_138], %parallel_loop3A_123 {strides = array<i32>} : memref<64x128xf32, #tpu.memory_space<vmem>>, vector<16xf32>,
        %parallel_loop3A_140 = arith.constant 5 : i32
        %parallel_loop3A_141 = arith.index_cast %parallel_loop3A_140 : i32 to index
        %parallel_loop3A_142 = arith.index_cast %parallel_loop3A_67 : i32 to index
        %parallel_loop3A_143 = tpu.vector_load %arg8[%parallel_loop3A_141, %parallel_loop3A_142] {strides = array<i32>} : memref<64x128xf32, #tpu.memory_space<vmem>>, vector<16xf32>,
        tpu.vector_store %arg8[%parallel_loop3A_141, %parallel_loop3A_142], %parallel_loop3A_127 {strides = array<i32>} : memref<64x128xf32, #tpu.memory_space<vmem>>, vector<16xf32>,
        %parallel_loop3A_144 = arith.constant 6 : i32
        %parallel_loop3A_145 = arith.index_cast %parallel_loop3A_144 : i32 to index
        %parallel_loop3A_146 = arith.index_cast %parallel_loop3A_67 : i32 to index
        %parallel_loop3A_147 = tpu.vector_load %arg8[%parallel_loop3A_145, %parallel_loop3A_146] {strides = array<i32>} : memref<64x128xf32, #tpu.memory_space<vmem>>, vector<16xf32>,
        tpu.vector_store %arg8[%parallel_loop3A_145, %parallel_loop3A_146], %parallel_loop3A_131 {strides = array<i32>} : memref<64x128xf32, #tpu.memory_space<vmem>>, vector<16xf32>,
        %parallel_loop3A_148 = arith.constant 7 : i32
        %parallel_loop3A_149 = arith.index_cast %parallel_loop3A_148 : i32 to index
        %parallel_loop3A_150 = arith.index_cast %parallel_loop3A_67 : i32 to index
        %parallel_loop3A_151 = tpu.vector_load %arg8[%parallel_loop3A_149, %parallel_loop3A_150] {strides = array<i32>} : memref<64x128xf32, #tpu.memory_space<vmem>>, vector<16xf32>,
        tpu.vector_store %arg8[%parallel_loop3A_149, %parallel_loop3A_150], %parallel_loop3A_135 {strides = array<i32>} : memref<64x128xf32, #tpu.memory_space<vmem>>, vector<16xf32>,
        %parallel_loop3A_152 = arith.constant 8 : i32
        %parallel_loop3A_153 = vector.broadcast %parallel_loop3A_152 : i32 to vector<16xi32>
        %parallel_loop3A_154 = arith.addi %parallel_loop3A_87, %parallel_loop3A_153 : vector<16xi32>
        %parallel_loop3A_155 = tpu.vector_load_idx %arg5[%parallel_loop3A_81, %parallel_loop3A_154] : memref<512x128xf32, #tpu.memory_space<vmem>>[vector<16xi32>, vector<16xi32>], vector<16xf32>,
        %parallel_loop3A_156 = arith.constant 9 : i32
        %parallel_loop3A_157 = vector.broadcast %parallel_loop3A_156 : i32 to vector<16xi32>
        %parallel_loop3A_158 = arith.addi %parallel_loop3A_87, %parallel_loop3A_157 : vector<16xi32>
        %parallel_loop3A_159 = tpu.vector_load_idx %arg5[%parallel_loop3A_81, %parallel_loop3A_158] : memref<512x128xf32, #tpu.memory_space<vmem>>[vector<16xi32>, vector<16xi32>], vector<16xf32>,
        %parallel_loop3A_160 = arith.constant 10 : i32
        %parallel_loop3A_161 = vector.broadcast %parallel_loop3A_160 : i32 to vector<16xi32>
        %parallel_loop3A_162 = arith.addi %parallel_loop3A_87, %parallel_loop3A_161 : vector<16xi32>
        %parallel_loop3A_163 = tpu.vector_load_idx %arg5[%parallel_loop3A_81, %parallel_loop3A_162] : memref<512x128xf32, #tpu.memory_space<vmem>>[vector<16xi32>, vector<16xi32>], vector<16xf32>,
        %parallel_loop3A_164 = arith.constant 11 : i32
        %parallel_loop3A_165 = vector.broadcast %parallel_loop3A_164 : i32 to vector<16xi32>
        %parallel_loop3A_166 = arith.addi %parallel_loop3A_87, %parallel_loop3A_165 : vector<16xi32>
        %parallel_loop3A_167 = tpu.vector_load_idx %arg5[%parallel_loop3A_81, %parallel_loop3A_166] : memref<512x128xf32, #tpu.memory_space<vmem>>[vector<16xi32>, vector<16xi32>], vector<16xf32>,
        %parallel_loop3A_168 = arith.constant 8 : i32
        %parallel_loop3A_169 = arith.index_cast %parallel_loop3A_168 : i32 to index
        %parallel_loop3A_170 = arith.index_cast %parallel_loop3A_67 : i32 to index
        %parallel_loop3A_171 = tpu.vector_load %arg8[%parallel_loop3A_169, %parallel_loop3A_170] {strides = array<i32>} : memref<64x128xf32, #tpu.memory_space<vmem>>, vector<16xf32>,
        tpu.vector_store %arg8[%parallel_loop3A_169, %parallel_loop3A_170], %parallel_loop3A_155 {strides = array<i32>} : memref<64x128xf32, #tpu.memory_space<vmem>>, vector<16xf32>,
        %parallel_loop3A_172 = arith.constant 9 : i32
        %parallel_loop3A_173 = arith.index_cast %parallel_loop3A_172 : i32 to index
        %parallel_loop3A_174 = arith.index_cast %parallel_loop3A_67 : i32 to index
        %parallel_loop3A_175 = tpu.vector_load %arg8[%parallel_loop3A_173, %parallel_loop3A_174] {strides = array<i32>} : memref<64x128xf32, #tpu.memory_space<vmem>>, vector<16xf32>,
        tpu.vector_store %arg8[%parallel_loop3A_173, %parallel_loop3A_174], %parallel_loop3A_159 {strides = array<i32>} : memref<64x128xf32, #tpu.memory_space<vmem>>, vector<16xf32>,
        %parallel_loop3A_176 = arith.constant 10 : i32
        %parallel_loop3A_177 = arith.index_cast %parallel_loop3A_176 : i32 to index
        %parallel_loop3A_178 = arith.index_cast %parallel_loop3A_67 : i32 to index
        %parallel_loop3A_179 = tpu.vector_load %arg8[%parallel_loop3A_177, %parallel_loop3A_178] {strides = array<i32>} : memref<64x128xf32, #tpu.memory_space<vmem>>, vector<16xf32>,
        tpu.vector_store %arg8[%parallel_loop3A_177, %parallel_loop3A_178], %parallel_loop3A_163 {strides = array<i32>} : memref<64x128xf32, #tpu.memory_space<vmem>>, vector<16xf32>,
        %parallel_loop3A_180 = arith.constant 11 : i32
        %parallel_loop3A_181 = arith.index_cast %parallel_loop3A_180 : i32 to index
        %parallel_loop3A_182 = arith.index_cast %parallel_loop3A_67 : i32 to index
        %parallel_loop3A_183 = tpu.vector_load %arg8[%parallel_loop3A_181, %parallel_loop3A_182] {strides = array<i32>} : memref<64x128xf32, #tpu.memory_space<vmem>>, vector<16xf32>,
        tpu.vector_store %arg8[%parallel_loop3A_181, %parallel_loop3A_182], %parallel_loop3A_167 {strides = array<i32>} : memref<64x128xf32, #tpu.memory_space<vmem>>, vector<16xf32>,
        %parallel_loop3A_184 = arith.constant 12 : i32
        %parallel_loop3A_185 = vector.broadcast %parallel_loop3A_184 : i32 to vector<16xi32>
        %parallel_loop3A_186 = arith.addi %parallel_loop3A_87, %parallel_loop3A_185 : vector<16xi32>
        %parallel_loop3A_187 = tpu.vector_load_idx %arg5[%parallel_loop3A_81, %parallel_loop3A_186] : memref<512x128xf32, #tpu.memory_space<vmem>>[vector<16xi32>, vector<16xi32>], vector<16xf32>,
        %parallel_loop3A_188 = arith.constant 13 : i32
        %parallel_loop3A_189 = vector.broadcast %parallel_loop3A_188 : i32 to vector<16xi32>
        %parallel_loop3A_190 = arith.addi %parallel_loop3A_87, %parallel_loop3A_189 : vector<16xi32>
        %parallel_loop3A_191 = tpu.vector_load_idx %arg5[%parallel_loop3A_81, %parallel_loop3A_190] : memref<512x128xf32, #tpu.memory_space<vmem>>[vector<16xi32>, vector<16xi32>], vector<16xf32>,
        %parallel_loop3A_192 = arith.constant 14 : i32
        %parallel_loop3A_193 = vector.broadcast %parallel_loop3A_192 : i32 to vector<16xi32>
        %parallel_loop3A_194 = arith.addi %parallel_loop3A_87, %parallel_loop3A_193 : vector<16xi32>
        %parallel_loop3A_195 = tpu.vector_load_idx %arg5[%parallel_loop3A_81, %parallel_loop3A_194] : memref<512x128xf32, #tpu.memory_space<vmem>>[vector<16xi32>, vector<16xi32>], vector<16xf32>,
        %parallel_loop3A_196 = arith.constant 15 : i32
        %parallel_loop3A_197 = vector.broadcast %parallel_loop3A_196 : i32 to vector<16xi32>
        %parallel_loop3A_198 = arith.addi %parallel_loop3A_87, %parallel_loop3A_197 : vector<16xi32>
        %parallel_loop3A_199 = tpu.vector_load_idx %arg5[%parallel_loop3A_81, %parallel_loop3A_198] : memref<512x128xf32, #tpu.memory_space<vmem>>[vector<16xi32>, vector<16xi32>], vector<16xf32>,
        %parallel_loop3A_200 = arith.constant 12 : i32
        %parallel_loop3A_201 = arith.index_cast %parallel_loop3A_200 : i32 to index
        %parallel_loop3A_202 = arith.index_cast %parallel_loop3A_67 : i32 to index
        %parallel_loop3A_203 = tpu.vector_load %arg8[%parallel_loop3A_201, %parallel_loop3A_202] {strides = array<i32>} : memref<64x128xf32, #tpu.memory_space<vmem>>, vector<16xf32>,
        tpu.vector_store %arg8[%parallel_loop3A_201, %parallel_loop3A_202], %parallel_loop3A_187 {strides = array<i32>} : memref<64x128xf32, #tpu.memory_space<vmem>>, vector<16xf32>,
        %parallel_loop3A_204 = arith.constant 13 : i32
        %parallel_loop3A_205 = arith.index_cast %parallel_loop3A_204 : i32 to index
        %parallel_loop3A_206 = arith.index_cast %parallel_loop3A_67 : i32 to index
        %parallel_loop3A_207 = tpu.vector_load %arg8[%parallel_loop3A_205, %parallel_loop3A_206] {strides = array<i32>} : memref<64x128xf32, #tpu.memory_space<vmem>>, vector<16xf32>,
        tpu.vector_store %arg8[%parallel_loop3A_205, %parallel_loop3A_206], %parallel_loop3A_191 {strides = array<i32>} : memref<64x128xf32, #tpu.memory_space<vmem>>, vector<16xf32>,
        %parallel_loop3A_208 = arith.constant 14 : i32
        %parallel_loop3A_209 = arith.index_cast %parallel_loop3A_208 : i32 to index
        %parallel_loop3A_210 = arith.index_cast %parallel_loop3A_67 : i32 to index
        %parallel_loop3A_211 = tpu.vector_load %arg8[%parallel_loop3A_209, %parallel_loop3A_210] {strides = array<i32>} : memref<64x128xf32, #tpu.memory_space<vmem>>, vector<16xf32>,
        tpu.vector_store %arg8[%parallel_loop3A_209, %parallel_loop3A_210], %parallel_loop3A_195 {strides = array<i32>} : memref<64x128xf32, #tpu.memory_space<vmem>>, vector<16xf32>,
        %parallel_loop3A_212 = arith.constant 15 : i32
        %parallel_loop3A_213 = arith.index_cast %parallel_loop3A_212 : i32 to index
        %parallel_loop3A_214 = arith.index_cast %parallel_loop3A_67 : i32 to index
        %parallel_loop3A_215 = tpu.vector_load %arg8[%parallel_loop3A_213, %parallel_loop3A_214] {strides = array<i32>} : memref<64x128xf32, #tpu.memory_space<vmem>>, vector<16xf32>,
        tpu.vector_store %arg8[%parallel_loop3A_213, %parallel_loop3A_214], %parallel_loop3A_199 {strides = array<i32>} : memref<64x128xf32, #tpu.memory_space<vmem>>, vector<16xf32>,
        %parallel_loop3A_216 = arith.constant 16 : i32
        %parallel_loop3A_217 = vector.broadcast %parallel_loop3A_216 : i32 to vector<16xi32>
        %parallel_loop3A_218 = arith.addi %parallel_loop3A_87, %parallel_loop3A_217 : vector<16xi32>
        %parallel_loop3A_219 = tpu.vector_load_idx %arg5[%parallel_loop3A_81, %parallel_loop3A_218] : memref<512x128xf32, #tpu.memory_space<vmem>>[vector<16xi32>, vector<16xi32>], vector<16xf32>,
        %parallel_loop3A_220 = arith.constant 17 : i32
        %parallel_loop3A_221 = vector.broadcast %parallel_loop3A_220 : i32 to vector<16xi32>
        %parallel_loop3A_222 = arith.addi %parallel_loop3A_87, %parallel_loop3A_221 : vector<16xi32>
        %parallel_loop3A_223 = tpu.vector_load_idx %arg5[%parallel_loop3A_81, %parallel_loop3A_222] : memref<512x128xf32, #tpu.memory_space<vmem>>[vector<16xi32>, vector<16xi32>], vector<16xf32>,
        %parallel_loop3A_224 = arith.constant 18 : i32
        %parallel_loop3A_225 = vector.broadcast %parallel_loop3A_224 : i32 to vector<16xi32>
        %parallel_loop3A_226 = arith.addi %parallel_loop3A_87, %parallel_loop3A_225 : vector<16xi32>
        %parallel_loop3A_227 = tpu.vector_load_idx %arg5[%parallel_loop3A_81, %parallel_loop3A_226] : memref<512x128xf32, #tpu.memory_space<vmem>>[vector<16xi32>, vector<16xi32>], vector<16xf32>,
        %parallel_loop3A_228 = arith.constant 19 : i32
        %parallel_loop3A_229 = vector.broadcast %parallel_loop3A_228 : i32 to vector<16xi32>
        %parallel_loop3A_230 = arith.addi %parallel_loop3A_87, %parallel_loop3A_229 : vector<16xi32>
        %parallel_loop3A_231 = tpu.vector_load_idx %arg5[%parallel_loop3A_81, %parallel_loop3A_230] : memref<512x128xf32, #tpu.memory_space<vmem>>[vector<16xi32>, vector<16xi32>], vector<16xf32>,
        %parallel_loop3A_232 = arith.constant 16 : i32
        %parallel_loop3A_233 = arith.index_cast %parallel_loop3A_232 : i32 to index
        %parallel_loop3A_234 = arith.index_cast %parallel_loop3A_67 : i32 to index
        %parallel_loop3A_235 = tpu.vector_load %arg8[%parallel_loop3A_233, %parallel_loop3A_234] {strides = array<i32>} : memref<64x128xf32, #tpu.memory_space<vmem>>, vector<16xf32>,
        tpu.vector_store %arg8[%parallel_loop3A_233, %parallel_loop3A_234], %parallel_loop3A_219 {strides = array<i32>} : memref<64x128xf32, #tpu.memory_space<vmem>>, vector<16xf32>,
        %parallel_loop3A_236 = arith.constant 17 : i32
        %parallel_loop3A_237 = arith.index_cast %parallel_loop3A_236 : i32 to index
        %parallel_loop3A_238 = arith.index_cast %parallel_loop3A_67 : i32 to index
        %parallel_loop3A_239 = tpu.vector_load %arg8[%parallel_loop3A_237, %parallel_loop3A_238] {strides = array<i32>} : memref<64x128xf32, #tpu.memory_space<vmem>>, vector<16xf32>,
        tpu.vector_store %arg8[%parallel_loop3A_237, %parallel_loop3A_238], %parallel_loop3A_223 {strides = array<i32>} : memref<64x128xf32, #tpu.memory_space<vmem>>, vector<16xf32>,
        %parallel_loop3A_240 = arith.constant 18 : i32
        %parallel_loop3A_241 = arith.index_cast %parallel_loop3A_240 : i32 to index
        %parallel_loop3A_242 = arith.index_cast %parallel_loop3A_67 : i32 to index
        %parallel_loop3A_243 = tpu.vector_load %arg8[%parallel_loop3A_241, %parallel_loop3A_242] {strides = array<i32>} : memref<64x128xf32, #tpu.memory_space<vmem>>, vector<16xf32>,
        tpu.vector_store %arg8[%parallel_loop3A_241, %parallel_loop3A_242], %parallel_loop3A_227 {strides = array<i32>} : memref<64x128xf32, #tpu.memory_space<vmem>>, vector<16xf32>,
        %parallel_loop3A_244 = arith.constant 19 : i32
        %parallel_loop3A_245 = arith.index_cast %parallel_loop3A_244 : i32 to index
        %parallel_loop3A_246 = arith.index_cast %parallel_loop3A_67 : i32 to index
        %parallel_loop3A_247 = tpu.vector_load %arg8[%parallel_loop3A_245, %parallel_loop3A_246] {strides = array<i32>} : memref<64x128xf32, #tpu.memory_space<vmem>>, vector<16xf32>,
        tpu.vector_store %arg8[%parallel_loop3A_245, %parallel_loop3A_246], %parallel_loop3A_231 {strides = array<i32>} : memref<64x128xf32, #tpu.memory_space<vmem>>, vector<16xf32>,
        %parallel_loop3A_248 = arith.constant 20 : i32
        %parallel_loop3A_249 = vector.broadcast %parallel_loop3A_248 : i32 to vector<16xi32>
        %parallel_loop3A_250 = arith.addi %parallel_loop3A_87, %parallel_loop3A_249 : vector<16xi32>
        %parallel_loop3A_251 = tpu.vector_load_idx %arg5[%parallel_loop3A_81, %parallel_loop3A_250] : memref<512x128xf32, #tpu.memory_space<vmem>>[vector<16xi32>, vector<16xi32>], vector<16xf32>,
        %parallel_loop3A_252 = arith.constant 21 : i32
        %parallel_loop3A_253 = vector.broadcast %parallel_loop3A_252 : i32 to vector<16xi32>
        %parallel_loop3A_254 = arith.addi %parallel_loop3A_87, %parallel_loop3A_253 : vector<16xi32>
        %parallel_loop3A_255 = tpu.vector_load_idx %arg5[%parallel_loop3A_81, %parallel_loop3A_254] : memref<512x128xf32, #tpu.memory_space<vmem>>[vector<16xi32>, vector<16xi32>], vector<16xf32>,
        %parallel_loop3A_256 = arith.constant 22 : i32
        %parallel_loop3A_257 = vector.broadcast %parallel_loop3A_256 : i32 to vector<16xi32>
        %parallel_loop3A_258 = arith.addi %parallel_loop3A_87, %parallel_loop3A_257 : vector<16xi32>
        %parallel_loop3A_259 = tpu.vector_load_idx %arg5[%parallel_loop3A_81, %parallel_loop3A_258] : memref<512x128xf32, #tpu.memory_space<vmem>>[vector<16xi32>, vector<16xi32>], vector<16xf32>,
        %parallel_loop3A_260 = arith.constant 23 : i32
        %parallel_loop3A_261 = vector.broadcast %parallel_loop3A_260 : i32 to vector<16xi32>
        %parallel_loop3A_262 = arith.addi %parallel_loop3A_87, %parallel_loop3A_261 : vector<16xi32>
        %parallel_loop3A_263 = tpu.vector_load_idx %arg5[%parallel_loop3A_81, %parallel_loop3A_262] : memref<512x128xf32, #tpu.memory_space<vmem>>[vector<16xi32>, vector<16xi32>], vector<16xf32>,
        %parallel_loop3A_264 = arith.constant 20 : i32
        %parallel_loop3A_265 = arith.index_cast %parallel_loop3A_264 : i32 to index
        %parallel_loop3A_266 = arith.index_cast %parallel_loop3A_67 : i32 to index
        %parallel_loop3A_267 = tpu.vector_load %arg8[%parallel_loop3A_265, %parallel_loop3A_266] {strides = array<i32>} : memref<64x128xf32, #tpu.memory_space<vmem>>, vector<16xf32>,
        tpu.vector_store %arg8[%parallel_loop3A_265, %parallel_loop3A_266], %parallel_loop3A_251 {strides = array<i32>} : memref<64x128xf32, #tpu.memory_space<vmem>>, vector<16xf32>,
        %parallel_loop3A_268 = arith.constant 21 : i32
        %parallel_loop3A_269 = arith.index_cast %parallel_loop3A_268 : i32 to index
        %parallel_loop3A_270 = arith.index_cast %parallel_loop3A_67 : i32 to index
        %parallel_loop3A_271 = tpu.vector_load %arg8[%parallel_loop3A_269, %parallel_loop3A_270] {strides = array<i32>} : memref<64x128xf32, #tpu.memory_space<vmem>>, vector<16xf32>,
        tpu.vector_store %arg8[%parallel_loop3A_269, %parallel_loop3A_270], %parallel_loop3A_255 {strides = array<i32>} : memref<64x128xf32, #tpu.memory_space<vmem>>, vector<16xf32>,
        %parallel_loop3A_272 = arith.constant 22 : i32
        %parallel_loop3A_273 = arith.index_cast %parallel_loop3A_272 : i32 to index
        %parallel_loop3A_274 = arith.index_cast %parallel_loop3A_67 : i32 to index
        %parallel_loop3A_275 = tpu.vector_load %arg8[%parallel_loop3A_273, %parallel_loop3A_274] {strides = array<i32>} : memref<64x128xf32, #tpu.memory_space<vmem>>, vector<16xf32>,
        tpu.vector_store %arg8[%parallel_loop3A_273, %parallel_loop3A_274], %parallel_loop3A_259 {strides = array<i32>} : memref<64x128xf32, #tpu.memory_space<vmem>>, vector<16xf32>,
        %parallel_loop3A_276 = arith.constant 23 : i32
        %parallel_loop3A_277 = arith.index_cast %parallel_loop3A_276 : i32 to index
        %parallel_loop3A_278 = arith.index_cast %parallel_loop3A_67 : i32 to index
        %parallel_loop3A_279 = tpu.vector_load %arg8[%parallel_loop3A_277, %parallel_loop3A_278] {strides = array<i32>} : memref<64x128xf32, #tpu.memory_space<vmem>>, vector<16xf32>,
        tpu.vector_store %arg8[%parallel_loop3A_277, %parallel_loop3A_278], %parallel_loop3A_263 {strides = array<i32>} : memref<64x128xf32, #tpu.memory_space<vmem>>, vector<16xf32>,
        %parallel_loop3A_280 = arith.constant 24 : i32
        %parallel_loop3A_281 = vector.broadcast %parallel_loop3A_280 : i32 to vector<16xi32>
        %parallel_loop3A_282 = arith.addi %parallel_loop3A_87, %parallel_loop3A_281 : vector<16xi32>
        %parallel_loop3A_283 = tpu.vector_load_idx %arg5[%parallel_loop3A_81, %parallel_loop3A_282] : memref<512x128xf32, #tpu.memory_space<vmem>>[vector<16xi32>, vector<16xi32>], vector<16xf32>,
        %parallel_loop3A_284 = arith.constant 25 : i32
        %parallel_loop3A_285 = vector.broadcast %parallel_loop3A_284 : i32 to vector<16xi32>
        %parallel_loop3A_286 = arith.addi %parallel_loop3A_87, %parallel_loop3A_285 : vector<16xi32>
        %parallel_loop3A_287 = tpu.vector_load_idx %arg5[%parallel_loop3A_81, %parallel_loop3A_286] : memref<512x128xf32, #tpu.memory_space<vmem>>[vector<16xi32>, vector<16xi32>], vector<16xf32>,
        %parallel_loop3A_288 = arith.constant 26 : i32
        %parallel_loop3A_289 = vector.broadcast %parallel_loop3A_288 : i32 to vector<16xi32>
        %parallel_loop3A_290 = arith.addi %parallel_loop3A_87, %parallel_loop3A_289 : vector<16xi32>
        %parallel_loop3A_291 = tpu.vector_load_idx %arg5[%parallel_loop3A_81, %parallel_loop3A_290] : memref<512x128xf32, #tpu.memory_space<vmem>>[vector<16xi32>, vector<16xi32>], vector<16xf32>,
        %parallel_loop3A_292 = arith.constant 27 : i32
        %parallel_loop3A_293 = vector.broadcast %parallel_loop3A_292 : i32 to vector<16xi32>
        %parallel_loop3A_294 = arith.addi %parallel_loop3A_87, %parallel_loop3A_293 : vector<16xi32>
        %parallel_loop3A_295 = tpu.vector_load_idx %arg5[%parallel_loop3A_81, %parallel_loop3A_294] : memref<512x128xf32, #tpu.memory_space<vmem>>[vector<16xi32>, vector<16xi32>], vector<16xf32>,
        %parallel_loop3A_296 = arith.constant 24 : i32
        %parallel_loop3A_297 = arith.index_cast %parallel_loop3A_296 : i32 to index
        %parallel_loop3A_298 = arith.index_cast %parallel_loop3A_67 : i32 to index
        %parallel_loop3A_299 = tpu.vector_load %arg8[%parallel_loop3A_297, %parallel_loop3A_298] {strides = array<i32>} : memref<64x128xf32, #tpu.memory_space<vmem>>, vector<16xf32>,
        tpu.vector_store %arg8[%parallel_loop3A_297, %parallel_loop3A_298], %parallel_loop3A_283 {strides = array<i32>} : memref<64x128xf32, #tpu.memory_space<vmem>>, vector<16xf32>,
        %parallel_loop3A_300 = arith.constant 25 : i32
        %parallel_loop3A_301 = arith.index_cast %parallel_loop3A_300 : i32 to index
        %parallel_loop3A_302 = arith.index_cast %parallel_loop3A_67 : i32 to index
        %parallel_loop3A_303 = tpu.vector_load %arg8[%parallel_loop3A_301, %parallel_loop3A_302] {strides = array<i32>} : memref<64x128xf32, #tpu.memory_space<vmem>>, vector<16xf32>,
        tpu.vector_store %arg8[%parallel_loop3A_301, %parallel_loop3A_302], %parallel_loop3A_287 {strides = array<i32>} : memref<64x128xf32, #tpu.memory_space<vmem>>, vector<16xf32>,
        %parallel_loop3A_304 = arith.constant 26 : i32
        %parallel_loop3A_305 = arith.index_cast %parallel_loop3A_304 : i32 to index
        %parallel_loop3A_306 = arith.index_cast %parallel_loop3A_67 : i32 to index
        %parallel_loop3A_307 = tpu.vector_load %arg8[%parallel_loop3A_305, %parallel_loop3A_306] {strides = array<i32>} : memref<64x128xf32, #tpu.memory_space<vmem>>, vector<16xf32>,
        tpu.vector_store %arg8[%parallel_loop3A_305, %parallel_loop3A_306], %parallel_loop3A_291 {strides = array<i32>} : memref<64x128xf32, #tpu.memory_space<vmem>>, vector<16xf32>,
        %parallel_loop3A_308 = arith.constant 27 : i32
        %parallel_loop3A_309 = arith.index_cast %parallel_loop3A_308 : i32 to index
        %parallel_loop3A_310 = arith.index_cast %parallel_loop3A_67 : i32 to index
        %parallel_loop3A_311 = tpu.vector_load %arg8[%parallel_loop3A_309, %parallel_loop3A_310] {strides = array<i32>} : memref<64x128xf32, #tpu.memory_space<vmem>>, vector<16xf32>,
        tpu.vector_store %arg8[%parallel_loop3A_309, %parallel_loop3A_310], %parallel_loop3A_295 {strides = array<i32>} : memref<64x128xf32, #tpu.memory_space<vmem>>, vector<16xf32>,
        %parallel_loop3A_312 = arith.constant 28 : i32
        %parallel_loop3A_313 = vector.broadcast %parallel_loop3A_312 : i32 to vector<16xi32>
        %parallel_loop3A_314 = arith.addi %parallel_loop3A_87, %parallel_loop3A_313 : vector<16xi32>
        %parallel_loop3A_315 = tpu.vector_load_idx %arg5[%parallel_loop3A_81, %parallel_loop3A_314] : memref<512x128xf32, #tpu.memory_space<vmem>>[vector<16xi32>, vector<16xi32>], vector<16xf32>,
        %parallel_loop3A_316 = arith.constant 29 : i32
        %parallel_loop3A_317 = vector.broadcast %parallel_loop3A_316 : i32 to vector<16xi32>
        %parallel_loop3A_318 = arith.addi %parallel_loop3A_87, %parallel_loop3A_317 : vector<16xi32>
        %parallel_loop3A_319 = tpu.vector_load_idx %arg5[%parallel_loop3A_81, %parallel_loop3A_318] : memref<512x128xf32, #tpu.memory_space<vmem>>[vector<16xi32>, vector<16xi32>], vector<16xf32>,
        %parallel_loop3A_320 = arith.constant 30 : i32
        %parallel_loop3A_321 = vector.broadcast %parallel_loop3A_320 : i32 to vector<16xi32>
        %parallel_loop3A_322 = arith.addi %parallel_loop3A_87, %parallel_loop3A_321 : vector<16xi32>
        %parallel_loop3A_323 = tpu.vector_load_idx %arg5[%parallel_loop3A_81, %parallel_loop3A_322] : memref<512x128xf32, #tpu.memory_space<vmem>>[vector<16xi32>, vector<16xi32>], vector<16xf32>,
        %parallel_loop3A_324 = arith.constant 31 : i32
        %parallel_loop3A_325 = vector.broadcast %parallel_loop3A_324 : i32 to vector<16xi32>
        %parallel_loop3A_326 = arith.addi %parallel_loop3A_87, %parallel_loop3A_325 : vector<16xi32>
        %parallel_loop3A_327 = tpu.vector_load_idx %arg5[%parallel_loop3A_81, %parallel_loop3A_326] : memref<512x128xf32, #tpu.memory_space<vmem>>[vector<16xi32>, vector<16xi32>], vector<16xf32>,
        %parallel_loop3A_328 = arith.constant 28 : i32
        %parallel_loop3A_329 = arith.index_cast %parallel_loop3A_328 : i32 to index
        %parallel_loop3A_330 = arith.index_cast %parallel_loop3A_67 : i32 to index
        %parallel_loop3A_331 = tpu.vector_load %arg8[%parallel_loop3A_329, %parallel_loop3A_330] {strides = array<i32>} : memref<64x128xf32, #tpu.memory_space<vmem>>, vector<16xf32>,
        tpu.vector_store %arg8[%parallel_loop3A_329, %parallel_loop3A_330], %parallel_loop3A_315 {strides = array<i32>} : memref<64x128xf32, #tpu.memory_space<vmem>>, vector<16xf32>,
        %parallel_loop3A_332 = arith.constant 29 : i32
        %parallel_loop3A_333 = arith.index_cast %parallel_loop3A_332 : i32 to index
        %parallel_loop3A_334 = arith.index_cast %parallel_loop3A_67 : i32 to index
        %parallel_loop3A_335 = tpu.vector_load %arg8[%parallel_loop3A_333, %parallel_loop3A_334] {strides = array<i32>} : memref<64x128xf32, #tpu.memory_space<vmem>>, vector<16xf32>,
        tpu.vector_store %arg8[%parallel_loop3A_333, %parallel_loop3A_334], %parallel_loop3A_319 {strides = array<i32>} : memref<64x128xf32, #tpu.memory_space<vmem>>, vector<16xf32>,
        %parallel_loop3A_336 = arith.constant 30 : i32
        %parallel_loop3A_337 = arith.index_cast %parallel_loop3A_336 : i32 to index
        %parallel_loop3A_338 = arith.index_cast %parallel_loop3A_67 : i32 to index
        %parallel_loop3A_339 = tpu.vector_load %arg8[%parallel_loop3A_337, %parallel_loop3A_338] {strides = array<i32>} : memref<64x128xf32, #tpu.memory_space<vmem>>, vector<16xf32>,
        tpu.vector_store %arg8[%parallel_loop3A_337, %parallel_loop3A_338], %parallel_loop3A_323 {strides = array<i32>} : memref<64x128xf32, #tpu.memory_space<vmem>>, vector<16xf32>,
        %parallel_loop3A_340 = arith.constant 31 : i32
        %parallel_loop3A_341 = arith.index_cast %parallel_loop3A_340 : i32 to index
        %parallel_loop3A_342 = arith.index_cast %parallel_loop3A_67 : i32 to index
        %parallel_loop3A_343 = tpu.vector_load %arg8[%parallel_loop3A_341, %parallel_loop3A_342] {strides = array<i32>} : memref<64x128xf32, #tpu.memory_space<vmem>>, vector<16xf32>,
        tpu.vector_store %arg8[%parallel_loop3A_341, %parallel_loop3A_342], %parallel_loop3A_327 {strides = array<i32>} : memref<64x128xf32, #tpu.memory_space<vmem>>, vector<16xf32>,
        %parallel_loop3A_344 = arith.constant 32 : i32
        %parallel_loop3A_345 = vector.broadcast %parallel_loop3A_344 : i32 to vector<16xi32>
        %parallel_loop3A_346 = arith.addi %parallel_loop3A_87, %parallel_loop3A_345 : vector<16xi32>
        %parallel_loop3A_347 = tpu.vector_load_idx %arg5[%parallel_loop3A_81, %parallel_loop3A_346] : memref<512x128xf32, #tpu.memory_space<vmem>>[vector<16xi32>, vector<16xi32>], vector<16xf32>,
        %parallel_loop3A_348 = arith.constant 33 : i32
        %parallel_loop3A_349 = vector.broadcast %parallel_loop3A_348 : i32 to vector<16xi32>
        %parallel_loop3A_350 = arith.addi %parallel_loop3A_87, %parallel_loop3A_349 : vector<16xi32>
        %parallel_loop3A_351 = tpu.vector_load_idx %arg5[%parallel_loop3A_81, %parallel_loop3A_350] : memref<512x128xf32, #tpu.memory_space<vmem>>[vector<16xi32>, vector<16xi32>], vector<16xf32>,
        %parallel_loop3A_352 = arith.constant 34 : i32
        %parallel_loop3A_353 = vector.broadcast %parallel_loop3A_352 : i32 to vector<16xi32>
        %parallel_loop3A_354 = arith.addi %parallel_loop3A_87, %parallel_loop3A_353 : vector<16xi32>
        %parallel_loop3A_355 = tpu.vector_load_idx %arg5[%parallel_loop3A_81, %parallel_loop3A_354] : memref<512x128xf32, #tpu.memory_space<vmem>>[vector<16xi32>, vector<16xi32>], vector<16xf32>,
        %parallel_loop3A_356 = arith.constant 35 : i32
        %parallel_loop3A_357 = vector.broadcast %parallel_loop3A_356 : i32 to vector<16xi32>
        %parallel_loop3A_358 = arith.addi %parallel_loop3A_87, %parallel_loop3A_357 : vector<16xi32>
        %parallel_loop3A_359 = tpu.vector_load_idx %arg5[%parallel_loop3A_81, %parallel_loop3A_358] : memref<512x128xf32, #tpu.memory_space<vmem>>[vector<16xi32>, vector<16xi32>], vector<16xf32>,
        %parallel_loop3A_360 = arith.constant 32 : i32
        %parallel_loop3A_361 = arith.index_cast %parallel_loop3A_360 : i32 to index
        %parallel_loop3A_362 = arith.index_cast %parallel_loop3A_67 : i32 to index
        %parallel_loop3A_363 = tpu.vector_load %arg8[%parallel_loop3A_361, %parallel_loop3A_362] {strides = array<i32>} : memref<64x128xf32, #tpu.memory_space<vmem>>, vector<16xf32>,
        tpu.vector_store %arg8[%parallel_loop3A_361, %parallel_loop3A_362], %parallel_loop3A_347 {strides = array<i32>} : memref<64x128xf32, #tpu.memory_space<vmem>>, vector<16xf32>,
        %parallel_loop3A_364 = arith.constant 33 : i32
        %parallel_loop3A_365 = arith.index_cast %parallel_loop3A_364 : i32 to index
        %parallel_loop3A_366 = arith.index_cast %parallel_loop3A_67 : i32 to index
        %parallel_loop3A_367 = tpu.vector_load %arg8[%parallel_loop3A_365, %parallel_loop3A_366] {strides = array<i32>} : memref<64x128xf32, #tpu.memory_space<vmem>>, vector<16xf32>,
        tpu.vector_store %arg8[%parallel_loop3A_365, %parallel_loop3A_366], %parallel_loop3A_351 {strides = array<i32>} : memref<64x128xf32, #tpu.memory_space<vmem>>, vector<16xf32>,
        %parallel_loop3A_368 = arith.constant 34 : i32
        %parallel_loop3A_369 = arith.index_cast %parallel_loop3A_368 : i32 to index
        %parallel_loop3A_370 = arith.index_cast %parallel_loop3A_67 : i32 to index
        %parallel_loop3A_371 = tpu.vector_load %arg8[%parallel_loop3A_369, %parallel_loop3A_370] {strides = array<i32>} : memref<64x128xf32, #tpu.memory_space<vmem>>, vector<16xf32>,
        tpu.vector_store %arg8[%parallel_loop3A_369, %parallel_loop3A_370], %parallel_loop3A_355 {strides = array<i32>} : memref<64x128xf32, #tpu.memory_space<vmem>>, vector<16xf32>,
        %parallel_loop3A_372 = arith.constant 35 : i32
        %parallel_loop3A_373 = arith.index_cast %parallel_loop3A_372 : i32 to index
        %parallel_loop3A_374 = arith.index_cast %parallel_loop3A_67 : i32 to index
        %parallel_loop3A_375 = tpu.vector_load %arg8[%parallel_loop3A_373, %parallel_loop3A_374] {strides = array<i32>} : memref<64x128xf32, #tpu.memory_space<vmem>>, vector<16xf32>,
        tpu.vector_store %arg8[%parallel_loop3A_373, %parallel_loop3A_374], %parallel_loop3A_359 {strides = array<i32>} : memref<64x128xf32, #tpu.memory_space<vmem>>, vector<16xf32>,
        %parallel_loop3A_376 = arith.constant 36 : i32
        %parallel_loop3A_377 = vector.broadcast %parallel_loop3A_376 : i32 to vector<16xi32>
        %parallel_loop3A_378 = arith.addi %parallel_loop3A_87, %parallel_loop3A_377 : vector<16xi32>
        %parallel_loop3A_379 = tpu.vector_load_idx %arg5[%parallel_loop3A_81, %parallel_loop3A_378] : memref<512x128xf32, #tpu.memory_space<vmem>>[vector<16xi32>, vector<16xi32>], vector<16xf32>,
        %parallel_loop3A_380 = arith.constant 37 : i32
        %parallel_loop3A_381 = vector.broadcast %parallel_loop3A_380 : i32 to vector<16xi32>
        %parallel_loop3A_382 = arith.addi %parallel_loop3A_87, %parallel_loop3A_381 : vector<16xi32>
        %parallel_loop3A_383 = tpu.vector_load_idx %arg5[%parallel_loop3A_81, %parallel_loop3A_382] : memref<512x128xf32, #tpu.memory_space<vmem>>[vector<16xi32>, vector<16xi32>], vector<16xf32>,
        %parallel_loop3A_384 = arith.constant 38 : i32
        %parallel_loop3A_385 = vector.broadcast %parallel_loop3A_384 : i32 to vector<16xi32>
        %parallel_loop3A_386 = arith.addi %parallel_loop3A_87, %parallel_loop3A_385 : vector<16xi32>
        %parallel_loop3A_387 = tpu.vector_load_idx %arg5[%parallel_loop3A_81, %parallel_loop3A_386] : memref<512x128xf32, #tpu.memory_space<vmem>>[vector<16xi32>, vector<16xi32>], vector<16xf32>,
        %parallel_loop3A_388 = arith.constant 39 : i32
        %parallel_loop3A_389 = vector.broadcast %parallel_loop3A_388 : i32 to vector<16xi32>
        %parallel_loop3A_390 = arith.addi %parallel_loop3A_87, %parallel_loop3A_389 : vector<16xi32>
        %parallel_loop3A_391 = tpu.vector_load_idx %arg5[%parallel_loop3A_81, %parallel_loop3A_390] : memref<512x128xf32, #tpu.memory_space<vmem>>[vector<16xi32>, vector<16xi32>], vector<16xf32>,
        %parallel_loop3A_392 = arith.constant 36 : i32
        %parallel_loop3A_393 = arith.index_cast %parallel_loop3A_392 : i32 to index
        %parallel_loop3A_394 = arith.index_cast %parallel_loop3A_67 : i32 to index
        %parallel_loop3A_395 = tpu.vector_load %arg8[%parallel_loop3A_393, %parallel_loop3A_394] {strides = array<i32>} : memref<64x128xf32, #tpu.memory_space<vmem>>, vector<16xf32>,
        tpu.vector_store %arg8[%parallel_loop3A_393, %parallel_loop3A_394], %parallel_loop3A_379 {strides = array<i32>} : memref<64x128xf32, #tpu.memory_space<vmem>>, vector<16xf32>,
        %parallel_loop3A_396 = arith.constant 37 : i32
        %parallel_loop3A_397 = arith.index_cast %parallel_loop3A_396 : i32 to index
        %parallel_loop3A_398 = arith.index_cast %parallel_loop3A_67 : i32 to index
        %parallel_loop3A_399 = tpu.vector_load %arg8[%parallel_loop3A_397, %parallel_loop3A_398] {strides = array<i32>} : memref<64x128xf32, #tpu.memory_space<vmem>>, vector<16xf32>,
        tpu.vector_store %arg8[%parallel_loop3A_397, %parallel_loop3A_398], %parallel_loop3A_383 {strides = array<i32>} : memref<64x128xf32, #tpu.memory_space<vmem>>, vector<16xf32>,
        %parallel_loop3A_400 = arith.constant 38 : i32
        %parallel_loop3A_401 = arith.index_cast %parallel_loop3A_400 : i32 to index
        %parallel_loop3A_402 = arith.index_cast %parallel_loop3A_67 : i32 to index
        %parallel_loop3A_403 = tpu.vector_load %arg8[%parallel_loop3A_401, %parallel_loop3A_402] {strides = array<i32>} : memref<64x128xf32, #tpu.memory_space<vmem>>, vector<16xf32>,
        tpu.vector_store %arg8[%parallel_loop3A_401, %parallel_loop3A_402], %parallel_loop3A_387 {strides = array<i32>} : memref<64x128xf32, #tpu.memory_space<vmem>>, vector<16xf32>,
        %parallel_loop3A_404 = arith.constant 39 : i32
        %parallel_loop3A_405 = arith.index_cast %parallel_loop3A_404 : i32 to index
        %parallel_loop3A_406 = arith.index_cast %parallel_loop3A_67 : i32 to index
        %parallel_loop3A_407 = tpu.vector_load %arg8[%parallel_loop3A_405, %parallel_loop3A_406] {strides = array<i32>} : memref<64x128xf32, #tpu.memory_space<vmem>>, vector<16xf32>,
        tpu.vector_store %arg8[%parallel_loop3A_405, %parallel_loop3A_406], %parallel_loop3A_391 {strides = array<i32>} : memref<64x128xf32, #tpu.memory_space<vmem>>, vector<16xf32>,
        %parallel_loop3A_408 = arith.constant 40 : i32
        %parallel_loop3A_409 = vector.broadcast %parallel_loop3A_408 : i32 to vector<16xi32>
        %parallel_loop3A_410 = arith.addi %parallel_loop3A_87, %parallel_loop3A_409 : vector<16xi32>
        %parallel_loop3A_411 = tpu.vector_load_idx %arg5[%parallel_loop3A_81, %parallel_loop3A_410] : memref<512x128xf32, #tpu.memory_space<vmem>>[vector<16xi32>, vector<16xi32>], vector<16xf32>,
        %parallel_loop3A_412 = arith.constant 41 : i32
        %parallel_loop3A_413 = vector.broadcast %parallel_loop3A_412 : i32 to vector<16xi32>
        %parallel_loop3A_414 = arith.addi %parallel_loop3A_87, %parallel_loop3A_413 : vector<16xi32>
        %parallel_loop3A_415 = tpu.vector_load_idx %arg5[%parallel_loop3A_81, %parallel_loop3A_414] : memref<512x128xf32, #tpu.memory_space<vmem>>[vector<16xi32>, vector<16xi32>], vector<16xf32>,
        %parallel_loop3A_416 = arith.constant 42 : i32
        %parallel_loop3A_417 = vector.broadcast %parallel_loop3A_416 : i32 to vector<16xi32>
        %parallel_loop3A_418 = arith.addi %parallel_loop3A_87, %parallel_loop3A_417 : vector<16xi32>
        %parallel_loop3A_419 = tpu.vector_load_idx %arg5[%parallel_loop3A_81, %parallel_loop3A_418] : memref<512x128xf32, #tpu.memory_space<vmem>>[vector<16xi32>, vector<16xi32>], vector<16xf32>,
        %parallel_loop3A_420 = arith.constant 43 : i32
        %parallel_loop3A_421 = vector.broadcast %parallel_loop3A_420 : i32 to vector<16xi32>
        %parallel_loop3A_422 = arith.addi %parallel_loop3A_87, %parallel_loop3A_421 : vector<16xi32>
        %parallel_loop3A_423 = tpu.vector_load_idx %arg5[%parallel_loop3A_81, %parallel_loop3A_422] : memref<512x128xf32, #tpu.memory_space<vmem>>[vector<16xi32>, vector<16xi32>], vector<16xf32>,
        %parallel_loop3A_424 = arith.constant 40 : i32
        %parallel_loop3A_425 = arith.index_cast %parallel_loop3A_424 : i32 to index
        %parallel_loop3A_426 = arith.index_cast %parallel_loop3A_67 : i32 to index
        %parallel_loop3A_427 = tpu.vector_load %arg8[%parallel_loop3A_425, %parallel_loop3A_426] {strides = array<i32>} : memref<64x128xf32, #tpu.memory_space<vmem>>, vector<16xf32>,
        tpu.vector_store %arg8[%parallel_loop3A_425, %parallel_loop3A_426], %parallel_loop3A_411 {strides = array<i32>} : memref<64x128xf32, #tpu.memory_space<vmem>>, vector<16xf32>,
        %parallel_loop3A_428 = arith.constant 41 : i32
        %parallel_loop3A_429 = arith.index_cast %parallel_loop3A_428 : i32 to index
        %parallel_loop3A_430 = arith.index_cast %parallel_loop3A_67 : i32 to index
        %parallel_loop3A_431 = tpu.vector_load %arg8[%parallel_loop3A_429, %parallel_loop3A_430] {strides = array<i32>} : memref<64x128xf32, #tpu.memory_space<vmem>>, vector<16xf32>,
        tpu.vector_store %arg8[%parallel_loop3A_429, %parallel_loop3A_430], %parallel_loop3A_415 {strides = array<i32>} : memref<64x128xf32, #tpu.memory_space<vmem>>, vector<16xf32>,
        %parallel_loop3A_432 = arith.constant 42 : i32
        %parallel_loop3A_433 = arith.index_cast %parallel_loop3A_432 : i32 to index
        %parallel_loop3A_434 = arith.index_cast %parallel_loop3A_67 : i32 to index
        %parallel_loop3A_435 = tpu.vector_load %arg8[%parallel_loop3A_433, %parallel_loop3A_434] {strides = array<i32>} : memref<64x128xf32, #tpu.memory_space<vmem>>, vector<16xf32>,
        tpu.vector_store %arg8[%parallel_loop3A_433, %parallel_loop3A_434], %parallel_loop3A_419 {strides = array<i32>} : memref<64x128xf32, #tpu.memory_space<vmem>>, vector<16xf32>,
        %parallel_loop3A_436 = arith.constant 43 : i32
        %parallel_loop3A_437 = arith.index_cast %parallel_loop3A_436 : i32 to index
        %parallel_loop3A_438 = arith.index_cast %parallel_loop3A_67 : i32 to index
        %parallel_loop3A_439 = tpu.vector_load %arg8[%parallel_loop3A_437, %parallel_loop3A_438] {strides = array<i32>} : memref<64x128xf32, #tpu.memory_space<vmem>>, vector<16xf32>,
        tpu.vector_store %arg8[%parallel_loop3A_437, %parallel_loop3A_438], %parallel_loop3A_423 {strides = array<i32>} : memref<64x128xf32, #tpu.memory_space<vmem>>, vector<16xf32>,
        %parallel_loop3A_440 = arith.constant 44 : i32
        %parallel_loop3A_441 = vector.broadcast %parallel_loop3A_440 : i32 to vector<16xi32>
        %parallel_loop3A_442 = arith.addi %parallel_loop3A_87, %parallel_loop3A_441 : vector<16xi32>
        %parallel_loop3A_443 = tpu.vector_load_idx %arg5[%parallel_loop3A_81, %parallel_loop3A_442] : memref<512x128xf32, #tpu.memory_space<vmem>>[vector<16xi32>, vector<16xi32>], vector<16xf32>,
        %parallel_loop3A_444 = arith.constant 45 : i32
        %parallel_loop3A_445 = vector.broadcast %parallel_loop3A_444 : i32 to vector<16xi32>
        %parallel_loop3A_446 = arith.addi %parallel_loop3A_87, %parallel_loop3A_445 : vector<16xi32>
        %parallel_loop3A_447 = tpu.vector_load_idx %arg5[%parallel_loop3A_81, %parallel_loop3A_446] : memref<512x128xf32, #tpu.memory_space<vmem>>[vector<16xi32>, vector<16xi32>], vector<16xf32>,
        %parallel_loop3A_448 = arith.constant 46 : i32
        %parallel_loop3A_449 = vector.broadcast %parallel_loop3A_448 : i32 to vector<16xi32>
        %parallel_loop3A_450 = arith.addi %parallel_loop3A_87, %parallel_loop3A_449 : vector<16xi32>
        %parallel_loop3A_451 = tpu.vector_load_idx %arg5[%parallel_loop3A_81, %parallel_loop3A_450] : memref<512x128xf32, #tpu.memory_space<vmem>>[vector<16xi32>, vector<16xi32>], vector<16xf32>,
        %parallel_loop3A_452 = arith.constant 47 : i32
        %parallel_loop3A_453 = vector.broadcast %parallel_loop3A_452 : i32 to vector<16xi32>
        %parallel_loop3A_454 = arith.addi %parallel_loop3A_87, %parallel_loop3A_453 : vector<16xi32>
        %parallel_loop3A_455 = tpu.vector_load_idx %arg5[%parallel_loop3A_81, %parallel_loop3A_454] : memref<512x128xf32, #tpu.memory_space<vmem>>[vector<16xi32>, vector<16xi32>], vector<16xf32>,
        %parallel_loop3A_456 = arith.constant 44 : i32
        %parallel_loop3A_457 = arith.index_cast %parallel_loop3A_456 : i32 to index
        %parallel_loop3A_458 = arith.index_cast %parallel_loop3A_67 : i32 to index
        %parallel_loop3A_459 = tpu.vector_load %arg8[%parallel_loop3A_457, %parallel_loop3A_458] {strides = array<i32>} : memref<64x128xf32, #tpu.memory_space<vmem>>, vector<16xf32>,
        tpu.vector_store %arg8[%parallel_loop3A_457, %parallel_loop3A_458], %parallel_loop3A_443 {strides = array<i32>} : memref<64x128xf32, #tpu.memory_space<vmem>>, vector<16xf32>,
        %parallel_loop3A_460 = arith.constant 45 : i32
        %parallel_loop3A_461 = arith.index_cast %parallel_loop3A_460 : i32 to index
        %parallel_loop3A_462 = arith.index_cast %parallel_loop3A_67 : i32 to index
        %parallel_loop3A_463 = tpu.vector_load %arg8[%parallel_loop3A_461, %parallel_loop3A_462] {strides = array<i32>} : memref<64x128xf32, #tpu.memory_space<vmem>>, vector<16xf32>,
        tpu.vector_store %arg8[%parallel_loop3A_461, %parallel_loop3A_462], %parallel_loop3A_447 {strides = array<i32>} : memref<64x128xf32, #tpu.memory_space<vmem>>, vector<16xf32>,
        %parallel_loop3A_464 = arith.constant 46 : i32
        %parallel_loop3A_465 = arith.index_cast %parallel_loop3A_464 : i32 to index
        %parallel_loop3A_466 = arith.index_cast %parallel_loop3A_67 : i32 to index
        %parallel_loop3A_467 = tpu.vector_load %arg8[%parallel_loop3A_465, %parallel_loop3A_466] {strides = array<i32>} : memref<64x128xf32, #tpu.memory_space<vmem>>, vector<16xf32>,
        tpu.vector_store %arg8[%parallel_loop3A_465, %parallel_loop3A_466], %parallel_loop3A_451 {strides = array<i32>} : memref<64x128xf32, #tpu.memory_space<vmem>>, vector<16xf32>,
        %parallel_loop3A_468 = arith.constant 47 : i32
        %parallel_loop3A_469 = arith.index_cast %parallel_loop3A_468 : i32 to index
        %parallel_loop3A_470 = arith.index_cast %parallel_loop3A_67 : i32 to index
        %parallel_loop3A_471 = tpu.vector_load %arg8[%parallel_loop3A_469, %parallel_loop3A_470] {strides = array<i32>} : memref<64x128xf32, #tpu.memory_space<vmem>>, vector<16xf32>,
        tpu.vector_store %arg8[%parallel_loop3A_469, %parallel_loop3A_470], %parallel_loop3A_455 {strides = array<i32>} : memref<64x128xf32, #tpu.memory_space<vmem>>, vector<16xf32>,
        %parallel_loop3A_472 = arith.constant 48 : i32
        %parallel_loop3A_473 = vector.broadcast %parallel_loop3A_472 : i32 to vector<16xi32>
        %parallel_loop3A_474 = arith.addi %parallel_loop3A_87, %parallel_loop3A_473 : vector<16xi32>
        %parallel_loop3A_475 = tpu.vector_load_idx %arg5[%parallel_loop3A_81, %parallel_loop3A_474] : memref<512x128xf32, #tpu.memory_space<vmem>>[vector<16xi32>, vector<16xi32>], vector<16xf32>,
        %parallel_loop3A_476 = arith.constant 49 : i32
        %parallel_loop3A_477 = vector.broadcast %parallel_loop3A_476 : i32 to vector<16xi32>
        %parallel_loop3A_478 = arith.addi %parallel_loop3A_87, %parallel_loop3A_477 : vector<16xi32>
        %parallel_loop3A_479 = tpu.vector_load_idx %arg5[%parallel_loop3A_81, %parallel_loop3A_478] : memref<512x128xf32, #tpu.memory_space<vmem>>[vector<16xi32>, vector<16xi32>], vector<16xf32>,
        %parallel_loop3A_480 = arith.constant 50 : i32
        %parallel_loop3A_481 = vector.broadcast %parallel_loop3A_480 : i32 to vector<16xi32>
        %parallel_loop3A_482 = arith.addi %parallel_loop3A_87, %parallel_loop3A_481 : vector<16xi32>
        %parallel_loop3A_483 = tpu.vector_load_idx %arg5[%parallel_loop3A_81, %parallel_loop3A_482] : memref<512x128xf32, #tpu.memory_space<vmem>>[vector<16xi32>, vector<16xi32>], vector<16xf32>,
        %parallel_loop3A_484 = arith.constant 51 : i32
        %parallel_loop3A_485 = vector.broadcast %parallel_loop3A_484 : i32 to vector<16xi32>
        %parallel_loop3A_486 = arith.addi %parallel_loop3A_87, %parallel_loop3A_485 : vector<16xi32>
        %parallel_loop3A_487 = tpu.vector_load_idx %arg5[%parallel_loop3A_81, %parallel_loop3A_486] : memref<512x128xf32, #tpu.memory_space<vmem>>[vector<16xi32>, vector<16xi32>], vector<16xf32>,
        %parallel_loop3A_488 = arith.constant 48 : i32
        %parallel_loop3A_489 = arith.index_cast %parallel_loop3A_488 : i32 to index
        %parallel_loop3A_490 = arith.index_cast %parallel_loop3A_67 : i32 to index
        %parallel_loop3A_491 = tpu.vector_load %arg8[%parallel_loop3A_489, %parallel_loop3A_490] {strides = array<i32>} : memref<64x128xf32, #tpu.memory_space<vmem>>, vector<16xf32>,
        tpu.vector_store %arg8[%parallel_loop3A_489, %parallel_loop3A_490], %parallel_loop3A_475 {strides = array<i32>} : memref<64x128xf32, #tpu.memory_space<vmem>>, vector<16xf32>,
        %parallel_loop3A_492 = arith.constant 49 : i32
        %parallel_loop3A_493 = arith.index_cast %parallel_loop3A_492 : i32 to index
        %parallel_loop3A_494 = arith.index_cast %parallel_loop3A_67 : i32 to index
        %parallel_loop3A_495 = tpu.vector_load %arg8[%parallel_loop3A_493, %parallel_loop3A_494] {strides = array<i32>} : memref<64x128xf32, #tpu.memory_space<vmem>>, vector<16xf32>,
        tpu.vector_store %arg8[%parallel_loop3A_493, %parallel_loop3A_494], %parallel_loop3A_479 {strides = array<i32>} : memref<64x128xf32, #tpu.memory_space<vmem>>, vector<16xf32>,
        %parallel_loop3A_496 = arith.constant 50 : i32
        %parallel_loop3A_497 = arith.index_cast %parallel_loop3A_496 : i32 to index
        %parallel_loop3A_498 = arith.index_cast %parallel_loop3A_67 : i32 to index
        %parallel_loop3A_499 = tpu.vector_load %arg8[%parallel_loop3A_497, %parallel_loop3A_498] {strides = array<i32>} : memref<64x128xf32, #tpu.memory_space<vmem>>, vector<16xf32>,
        tpu.vector_store %arg8[%parallel_loop3A_497, %parallel_loop3A_498], %parallel_loop3A_483 {strides = array<i32>} : memref<64x128xf32, #tpu.memory_space<vmem>>, vector<16xf32>,
        %parallel_loop3A_500 = arith.constant 51 : i32
        %parallel_loop3A_501 = arith.index_cast %parallel_loop3A_500 : i32 to index
        %parallel_loop3A_502 = arith.index_cast %parallel_loop3A_67 : i32 to index
        %parallel_loop3A_503 = tpu.vector_load %arg8[%parallel_loop3A_501, %parallel_loop3A_502] {strides = array<i32>} : memref<64x128xf32, #tpu.memory_space<vmem>>, vector<16xf32>,
        tpu.vector_store %arg8[%parallel_loop3A_501, %parallel_loop3A_502], %parallel_loop3A_487 {strides = array<i32>} : memref<64x128xf32, #tpu.memory_space<vmem>>, vector<16xf32>,
        %parallel_loop3A_504 = arith.constant 52 : i32
        %parallel_loop3A_505 = vector.broadcast %parallel_loop3A_504 : i32 to vector<16xi32>
        %parallel_loop3A_506 = arith.addi %parallel_loop3A_87, %parallel_loop3A_505 : vector<16xi32>
        %parallel_loop3A_507 = tpu.vector_load_idx %arg5[%parallel_loop3A_81, %parallel_loop3A_506] : memref<512x128xf32, #tpu.memory_space<vmem>>[vector<16xi32>, vector<16xi32>], vector<16xf32>,
        %parallel_loop3A_508 = arith.constant 53 : i32
        %parallel_loop3A_509 = vector.broadcast %parallel_loop3A_508 : i32 to vector<16xi32>
        %parallel_loop3A_510 = arith.addi %parallel_loop3A_87, %parallel_loop3A_509 : vector<16xi32>
        %parallel_loop3A_511 = tpu.vector_load_idx %arg5[%parallel_loop3A_81, %parallel_loop3A_510] : memref<512x128xf32, #tpu.memory_space<vmem>>[vector<16xi32>, vector<16xi32>], vector<16xf32>,
        %parallel_loop3A_512 = arith.constant 54 : i32
        %parallel_loop3A_513 = vector.broadcast %parallel_loop3A_512 : i32 to vector<16xi32>
        %parallel_loop3A_514 = arith.addi %parallel_loop3A_87, %parallel_loop3A_513 : vector<16xi32>
        %parallel_loop3A_515 = tpu.vector_load_idx %arg5[%parallel_loop3A_81, %parallel_loop3A_514] : memref<512x128xf32, #tpu.memory_space<vmem>>[vector<16xi32>, vector<16xi32>], vector<16xf32>,
        %parallel_loop3A_516 = arith.constant 55 : i32
        %parallel_loop3A_517 = vector.broadcast %parallel_loop3A_516 : i32 to vector<16xi32>
        %parallel_loop3A_518 = arith.addi %parallel_loop3A_87, %parallel_loop3A_517 : vector<16xi32>
        %parallel_loop3A_519 = tpu.vector_load_idx %arg5[%parallel_loop3A_81, %parallel_loop3A_518] : memref<512x128xf32, #tpu.memory_space<vmem>>[vector<16xi32>, vector<16xi32>], vector<16xf32>,
        %parallel_loop3A_520 = arith.constant 52 : i32
        %parallel_loop3A_521 = arith.index_cast %parallel_loop3A_520 : i32 to index
        %parallel_loop3A_522 = arith.index_cast %parallel_loop3A_67 : i32 to index
        %parallel_loop3A_523 = tpu.vector_load %arg8[%parallel_loop3A_521, %parallel_loop3A_522] {strides = array<i32>} : memref<64x128xf32, #tpu.memory_space<vmem>>, vector<16xf32>,
        tpu.vector_store %arg8[%parallel_loop3A_521, %parallel_loop3A_522], %parallel_loop3A_507 {strides = array<i32>} : memref<64x128xf32, #tpu.memory_space<vmem>>, vector<16xf32>,
        %parallel_loop3A_524 = arith.constant 53 : i32
        %parallel_loop3A_525 = arith.index_cast %parallel_loop3A_524 : i32 to index
        %parallel_loop3A_526 = arith.index_cast %parallel_loop3A_67 : i32 to index
        %parallel_loop3A_527 = tpu.vector_load %arg8[%parallel_loop3A_525, %parallel_loop3A_526] {strides = array<i32>} : memref<64x128xf32, #tpu.memory_space<vmem>>, vector<16xf32>,
        tpu.vector_store %arg8[%parallel_loop3A_525, %parallel_loop3A_526], %parallel_loop3A_511 {strides = array<i32>} : memref<64x128xf32, #tpu.memory_space<vmem>>, vector<16xf32>,
        %parallel_loop3A_528 = arith.constant 54 : i32
        %parallel_loop3A_529 = arith.index_cast %parallel_loop3A_528 : i32 to index
        %parallel_loop3A_530 = arith.index_cast %parallel_loop3A_67 : i32 to index
        %parallel_loop3A_531 = tpu.vector_load %arg8[%parallel_loop3A_529, %parallel_loop3A_530] {strides = array<i32>} : memref<64x128xf32, #tpu.memory_space<vmem>>, vector<16xf32>,
        tpu.vector_store %arg8[%parallel_loop3A_529, %parallel_loop3A_530], %parallel_loop3A_515 {strides = array<i32>} : memref<64x128xf32, #tpu.memory_space<vmem>>, vector<16xf32>,
        %parallel_loop3A_532 = arith.constant 55 : i32
        %parallel_loop3A_533 = arith.index_cast %parallel_loop3A_532 : i32 to index
        %parallel_loop3A_534 = arith.index_cast %parallel_loop3A_67 : i32 to index
        %parallel_loop3A_535 = tpu.vector_load %arg8[%parallel_loop3A_533, %parallel_loop3A_534] {strides = array<i32>} : memref<64x128xf32, #tpu.memory_space<vmem>>, vector<16xf32>,
        tpu.vector_store %arg8[%parallel_loop3A_533, %parallel_loop3A_534], %parallel_loop3A_519 {strides = array<i32>} : memref<64x128xf32, #tpu.memory_space<vmem>>, vector<16xf32>,
        %parallel_loop3A_536 = arith.constant 56 : i32
        %parallel_loop3A_537 = vector.broadcast %parallel_loop3A_536 : i32 to vector<16xi32>
        %parallel_loop3A_538 = arith.addi %parallel_loop3A_87, %parallel_loop3A_537 : vector<16xi32>
        %parallel_loop3A_539 = tpu.vector_load_idx %arg5[%parallel_loop3A_81, %parallel_loop3A_538] : memref<512x128xf32, #tpu.memory_space<vmem>>[vector<16xi32>, vector<16xi32>], vector<16xf32>,
        %parallel_loop3A_540 = arith.constant 57 : i32
        %parallel_loop3A_541 = vector.broadcast %parallel_loop3A_540 : i32 to vector<16xi32>
        %parallel_loop3A_542 = arith.addi %parallel_loop3A_87, %parallel_loop3A_541 : vector<16xi32>
        %parallel_loop3A_543 = tpu.vector_load_idx %arg5[%parallel_loop3A_81, %parallel_loop3A_542] : memref<512x128xf32, #tpu.memory_space<vmem>>[vector<16xi32>, vector<16xi32>], vector<16xf32>,
        %parallel_loop3A_544 = arith.constant 58 : i32
        %parallel_loop3A_545 = vector.broadcast %parallel_loop3A_544 : i32 to vector<16xi32>
        %parallel_loop3A_546 = arith.addi %parallel_loop3A_87, %parallel_loop3A_545 : vector<16xi32>
        %parallel_loop3A_547 = tpu.vector_load_idx %arg5[%parallel_loop3A_81, %parallel_loop3A_546] : memref<512x128xf32, #tpu.memory_space<vmem>>[vector<16xi32>, vector<16xi32>], vector<16xf32>,
        %parallel_loop3A_548 = arith.constant 59 : i32
        %parallel_loop3A_549 = vector.broadcast %parallel_loop3A_548 : i32 to vector<16xi32>
        %parallel_loop3A_550 = arith.addi %parallel_loop3A_87, %parallel_loop3A_549 : vector<16xi32>
        %parallel_loop3A_551 = tpu.vector_load_idx %arg5[%parallel_loop3A_81, %parallel_loop3A_550] : memref<512x128xf32, #tpu.memory_space<vmem>>[vector<16xi32>, vector<16xi32>], vector<16xf32>,
        %parallel_loop3A_552 = arith.constant 56 : i32
        %parallel_loop3A_553 = arith.index_cast %parallel_loop3A_552 : i32 to index
        %parallel_loop3A_554 = arith.index_cast %parallel_loop3A_67 : i32 to index
        %parallel_loop3A_555 = tpu.vector_load %arg8[%parallel_loop3A_553, %parallel_loop3A_554] {strides = array<i32>} : memref<64x128xf32, #tpu.memory_space<vmem>>, vector<16xf32>,
        tpu.vector_store %arg8[%parallel_loop3A_553, %parallel_loop3A_554], %parallel_loop3A_539 {strides = array<i32>} : memref<64x128xf32, #tpu.memory_space<vmem>>, vector<16xf32>,
        %parallel_loop3A_556 = arith.constant 57 : i32
        %parallel_loop3A_557 = arith.index_cast %parallel_loop3A_556 : i32 to index
        %parallel_loop3A_558 = arith.index_cast %parallel_loop3A_67 : i32 to index
        %parallel_loop3A_559 = tpu.vector_load %arg8[%parallel_loop3A_557, %parallel_loop3A_558] {strides = array<i32>} : memref<64x128xf32, #tpu.memory_space<vmem>>, vector<16xf32>,
        tpu.vector_store %arg8[%parallel_loop3A_557, %parallel_loop3A_558], %parallel_loop3A_543 {strides = array<i32>} : memref<64x128xf32, #tpu.memory_space<vmem>>, vector<16xf32>,
        %parallel_loop3A_560 = arith.constant 58 : i32
        %parallel_loop3A_561 = arith.index_cast %parallel_loop3A_560 : i32 to index
        %parallel_loop3A_562 = arith.index_cast %parallel_loop3A_67 : i32 to index
        %parallel_loop3A_563 = tpu.vector_load %arg8[%parallel_loop3A_561, %parallel_loop3A_562] {strides = array<i32>} : memref<64x128xf32, #tpu.memory_space<vmem>>, vector<16xf32>,
        tpu.vector_store %arg8[%parallel_loop3A_561, %parallel_loop3A_562], %parallel_loop3A_547 {strides = array<i32>} : memref<64x128xf32, #tpu.memory_space<vmem>>, vector<16xf32>,
        %parallel_loop3A_564 = arith.constant 59 : i32
        %parallel_loop3A_565 = arith.index_cast %parallel_loop3A_564 : i32 to index
        %parallel_loop3A_566 = arith.index_cast %parallel_loop3A_67 : i32 to index
        %parallel_loop3A_567 = tpu.vector_load %arg8[%parallel_loop3A_565, %parallel_loop3A_566] {strides = array<i32>} : memref<64x128xf32, #tpu.memory_space<vmem>>, vector<16xf32>,
        tpu.vector_store %arg8[%parallel_loop3A_565, %parallel_loop3A_566], %parallel_loop3A_551 {strides = array<i32>} : memref<64x128xf32, #tpu.memory_space<vmem>>, vector<16xf32>,
        %parallel_loop3A_568 = arith.constant 60 : i32
        %parallel_loop3A_569 = vector.broadcast %parallel_loop3A_568 : i32 to vector<16xi32>
        %parallel_loop3A_570 = arith.addi %parallel_loop3A_87, %parallel_loop3A_569 : vector<16xi32>
        %parallel_loop3A_571 = tpu.vector_load_idx %arg5[%parallel_loop3A_81, %parallel_loop3A_570] : memref<512x128xf32, #tpu.memory_space<vmem>>[vector<16xi32>, vector<16xi32>], vector<16xf32>,
        %parallel_loop3A_572 = arith.constant 61 : i32
        %parallel_loop3A_573 = vector.broadcast %parallel_loop3A_572 : i32 to vector<16xi32>
        %parallel_loop3A_574 = arith.addi %parallel_loop3A_87, %parallel_loop3A_573 : vector<16xi32>
        %parallel_loop3A_575 = tpu.vector_load_idx %arg5[%parallel_loop3A_81, %parallel_loop3A_574] : memref<512x128xf32, #tpu.memory_space<vmem>>[vector<16xi32>, vector<16xi32>], vector<16xf32>,
        %parallel_loop3A_576 = arith.constant 62 : i32
        %parallel_loop3A_577 = vector.broadcast %parallel_loop3A_576 : i32 to vector<16xi32>
        %parallel_loop3A_578 = arith.addi %parallel_loop3A_87, %parallel_loop3A_577 : vector<16xi32>
        %parallel_loop3A_579 = tpu.vector_load_idx %arg5[%parallel_loop3A_81, %parallel_loop3A_578] : memref<512x128xf32, #tpu.memory_space<vmem>>[vector<16xi32>, vector<16xi32>], vector<16xf32>,
        %parallel_loop3A_580 = arith.constant 63 : i32
        %parallel_loop3A_581 = vector.broadcast %parallel_loop3A_580 : i32 to vector<16xi32>
        %parallel_loop3A_582 = arith.addi %parallel_loop3A_87, %parallel_loop3A_581 : vector<16xi32>
        %parallel_loop3A_583 = tpu.vector_load_idx %arg5[%parallel_loop3A_81, %parallel_loop3A_582] : memref<512x128xf32, #tpu.memory_space<vmem>>[vector<16xi32>, vector<16xi32>], vector<16xf32>,
        %parallel_loop3A_584 = arith.constant 60 : i32
        %parallel_loop3A_585 = arith.index_cast %parallel_loop3A_584 : i32 to index
        %parallel_loop3A_586 = arith.index_cast %parallel_loop3A_67 : i32 to index
        %parallel_loop3A_587 = tpu.vector_load %arg8[%parallel_loop3A_585, %parallel_loop3A_586] {strides = array<i32>} : memref<64x128xf32, #tpu.memory_space<vmem>>, vector<16xf32>,
        tpu.vector_store %arg8[%parallel_loop3A_585, %parallel_loop3A_586], %parallel_loop3A_571 {strides = array<i32>} : memref<64x128xf32, #tpu.memory_space<vmem>>, vector<16xf32>,
        %parallel_loop3A_588 = arith.constant 61 : i32
        %parallel_loop3A_589 = arith.index_cast %parallel_loop3A_588 : i32 to index
        %parallel_loop3A_590 = arith.index_cast %parallel_loop3A_67 : i32 to index
        %parallel_loop3A_591 = tpu.vector_load %arg8[%parallel_loop3A_589, %parallel_loop3A_590] {strides = array<i32>} : memref<64x128xf32, #tpu.memory_space<vmem>>, vector<16xf32>,
        tpu.vector_store %arg8[%parallel_loop3A_589, %parallel_loop3A_590], %parallel_loop3A_575 {strides = array<i32>} : memref<64x128xf32, #tpu.memory_space<vmem>>, vector<16xf32>,
        %parallel_loop3A_592 = arith.constant 62 : i32
        %parallel_loop3A_593 = arith.index_cast %parallel_loop3A_592 : i32 to index
        %parallel_loop3A_594 = arith.index_cast %parallel_loop3A_67 : i32 to index
        %parallel_loop3A_595 = tpu.vector_load %arg8[%parallel_loop3A_593, %parallel_loop3A_594] {strides = array<i32>} : memref<64x128xf32, #tpu.memory_space<vmem>>, vector<16xf32>,
        tpu.vector_store %arg8[%parallel_loop3A_593, %parallel_loop3A_594], %parallel_loop3A_579 {strides = array<i32>} : memref<64x128xf32, #tpu.memory_space<vmem>>, vector<16xf32>,
        %parallel_loop3A_596 = arith.constant 63 : i32
        %parallel_loop3A_597 = arith.index_cast %parallel_loop3A_596 : i32 to index
        %parallel_loop3A_598 = arith.index_cast %parallel_loop3A_67 : i32 to index
        %parallel_loop3A_599 = tpu.vector_load %arg8[%parallel_loop3A_597, %parallel_loop3A_598] {strides = array<i32>} : memref<64x128xf32, #tpu.memory_space<vmem>>, vector<16xf32>,
        tpu.vector_store %arg8[%parallel_loop3A_597, %parallel_loop3A_598], %parallel_loop3A_583 {strides = array<i32>} : memref<64x128xf32, #tpu.memory_space<vmem>>, vector<16xf32>,
      } {sc.loop_unroll_factor = 1 : i64, sc.parallel_access}
      %mul3A_39 = arith.constant 128 : i32
      %mul3A_40 = arith.muli %add3A_33, %mul3A_39 : i32
      %add3A_41 = arith.addi %min3A_3, %mul3A_40 : i32
      %dma_start3A_42 = arith.constant 0 : i32
      %dma_start3A_43 = tpu.memref_slice %arg4[%dma_start3A_42, %add3A_41] : memref<64x100000xf32, #tpu.memory_space<hbm>> -> memref<64x128xf32, #tpu.memory_space<hbm>>
      %dma_start3A_44 = arith.constant 0 : i32
      %dma_start3A_45 = tpu.memref_slice %arg4[%dma_start3A_44, %add3A_41] : memref<64x100000xf32, #tpu.memory_space<hbm>> -> memref<64x128xf32, #tpu.memory_space<hbm>>
      tpu.enqueue_dma source(%arg8 : memref<64x128xf32, #tpu.memory_space<vmem>>) target(%dma_start3A_45 : memref<64x128xf32, #tpu.memory_space<hbm>>) target_semaphore(%arg10 : memref<!tpu.dma_semaphore, #tpu.memory_space<semaphore_mem>>)
      %mul3A_46 = arith.constant 2 : i32
      %mul3A_47 = arith.muli %scan3A_27, %mul3A_46 : i32
      %add3A_48 = arith.constant 1 : i32
      %add3A_49 = arith.addi %mul3A_47, %add3A_48 : i32
      %add3A_50 = arith.constant 1 : i32
      %add3A_51 = arith.addi %add3A_49, %add3A_50 : i32
      %ge3A_52 = arith.constant 2 : i32
      %ge3A_53 = arith.cmpi sge, %add3A_51, %ge3A_52 : i32
      %convert_element_type3A_54 = arith.extui %ge3A_53 : i1 to i32
      %cond3A_55 = arith.constant 0 : i32
      %cond3A_56 = arith.cmpi ne, %convert_element_type3A_54, %cond3A_55 : i32
      scf.if %cond3A_56 {
        %sub3A = arith.constant 2 : i32
        %sub3A_67 = arith.subi %add3A_51, %sub3A : i32
        %mul3A_68 = arith.constant 128 : i32
        %mul3A_69 = arith.muli %sub3A_67, %mul3A_68 : i32
        %add3A_70 = arith.addi %min3A_3, %mul3A_69 : i32
        %dma_wait3A_71 = arith.constant 0 : i32
        %dma_wait3A_72 = tpu.memref_slice %arg4[%dma_wait3A_71, %add3A_70] : memref<64x100000xf32, #tpu.memory_space<hbm>> -> memref<64x128xf32, #tpu.memory_space<hbm>>
        %dma_wait3A_73 = arith.constant 0 : i32
        %dma_wait3A_74 = tpu.memref_slice %arg4[%dma_wait3A_73, %add3A_70] : memref<64x100000xf32, #tpu.memory_space<hbm>> -> memref<64x128xf32, #tpu.memory_space<hbm>>
        tpu.wait_dma2 semaphore(%arg9 : memref<!tpu.dma_semaphore, #tpu.memory_space<semaphore_mem>>) src(%arg7 : memref<64x128xf32, #tpu.memory_space<vmem>>) dst(%dma_wait3A_74 : memref<64x128xf32, #tpu.memory_space<hbm>>)
      } else {
      }
      %parallel_loop3A_57 = arith.constant 0 : i32
      %parallel_loop3A_58 = arith.constant 128 : i32
      %parallel_loop3A_59 = arith.constant 16 : i32
      scf.for %parallel_loop3A_67 = %parallel_loop3A_57 to %parallel_loop3A_58 step %parallel_loop3A_59  : i32 {
        %parallel_loop3A_68 = arith.constant 128 : i32
        %parallel_loop3A_69 = arith.muli %add3A_51, %parallel_loop3A_68 : i32
        %parallel_loop3A_70 = arith.addi %parallel_loop3A_69, %parallel_loop3A_67 : i32
        %parallel_loop3A_71 = arith.index_cast %parallel_loop3A_70 : i32 to index
        %parallel_loop3A_72 = tpu.vector_load %arg6[%parallel_loop3A_71] {strides = array<i32>} : memref<3200xi32, #tpu.memory_space<vmem>>, vector<16xi32>,
        %parallel_loop3A_73 = arith.constant 0 : i32
        %parallel_loop3A_74 = arith.constant 1023 : i32
        %parallel_loop3A_75 = vector.broadcast %parallel_loop3A_73 : i32 to vector<16xi32>
        %parallel_loop3A_76 = arith.maxsi %parallel_loop3A_75, %parallel_loop3A_72 : vector<16xi32>
        %parallel_loop3A_77 = vector.broadcast %parallel_loop3A_74 : i32 to vector<16xi32>
        %parallel_loop3A_78 = arith.minsi %parallel_loop3A_77, %parallel_loop3A_76 : vector<16xi32>
        %parallel_loop3A_79 = arith.constant 1 : i32
        %parallel_loop3A_80 = vector.broadcast %parallel_loop3A_79 : i32 to vector<16xi32>
        %parallel_loop3A_81 = arith.shrui %parallel_loop3A_78, %parallel_loop3A_80 : vector<16xi32>
        %parallel_loop3A_82 = arith.constant 1 : i32
        %parallel_loop3A_83 = vector.broadcast %parallel_loop3A_82 : i32 to vector<16xi32>
        %parallel_loop3A_84 = arith.andi %parallel_loop3A_78, %parallel_loop3A_83 : vector<16xi32>
        %parallel_loop3A_85 = arith.constant 6 : i32
        %parallel_loop3A_86 = vector.broadcast %parallel_loop3A_85 : i32 to vector<16xi32>
        %parallel_loop3A_87 = arith.shli %parallel_loop3A_84, %parallel_loop3A_86 : vector<16xi32>
        %parallel_loop3A_88 = arith.constant 0 : i32
        %parallel_loop3A_89 = vector.broadcast %parallel_loop3A_88 : i32 to vector<16xi32>
        %parallel_loop3A_90 = arith.addi %parallel_loop3A_87, %parallel_loop3A_89 : vector<16xi32>
        %parallel_loop3A_91 = tpu.vector_load_idx %arg5[%parallel_loop3A_81, %parallel_loop3A_90] : memref<512x128xf32, #tpu.memory_space<vmem>>[vector<16xi32>, vector<16xi32>], vector<16xf32>,
        %parallel_loop3A_92 = arith.constant 1 : i32
        %parallel_loop3A_93 = vector.broadcast %parallel_loop3A_92 : i32 to vector<16xi32>
        %parallel_loop3A_94 = arith.addi %parallel_loop3A_87, %parallel_loop3A_93 : vector<16xi32>
        %parallel_loop3A_95 = tpu.vector_load_idx %arg5[%parallel_loop3A_81, %parallel_loop3A_94] : memref<512x128xf32, #tpu.memory_space<vmem>>[vector<16xi32>, vector<16xi32>], vector<16xf32>,
        %parallel_loop3A_96 = arith.constant 2 : i32
        %parallel_loop3A_97 = vector.broadcast %parallel_loop3A_96 : i32 to vector<16xi32>
        %parallel_loop3A_98 = arith.addi %parallel_loop3A_87, %parallel_loop3A_97 : vector<16xi32>
        %parallel_loop3A_99 = tpu.vector_load_idx %arg5[%parallel_loop3A_81, %parallel_loop3A_98] : memref<512x128xf32, #tpu.memory_space<vmem>>[vector<16xi32>, vector<16xi32>], vector<16xf32>,
        %parallel_loop3A_100 = arith.constant 3 : i32
        %parallel_loop3A_101 = vector.broadcast %parallel_loop3A_100 : i32 to vector<16xi32>
        %parallel_loop3A_102 = arith.addi %parallel_loop3A_87, %parallel_loop3A_101 : vector<16xi32>
        %parallel_loop3A_103 = tpu.vector_load_idx %arg5[%parallel_loop3A_81, %parallel_loop3A_102] : memref<512x128xf32, #tpu.memory_space<vmem>>[vector<16xi32>, vector<16xi32>], vector<16xf32>,
        %parallel_loop3A_104 = arith.constant 0 : i32
        %parallel_loop3A_105 = arith.index_cast %parallel_loop3A_104 : i32 to index
        %parallel_loop3A_106 = arith.index_cast %parallel_loop3A_67 : i32 to index
        %parallel_loop3A_107 = tpu.vector_load %arg7[%parallel_loop3A_105, %parallel_loop3A_106] {strides = array<i32>} : memref<64x128xf32, #tpu.memory_space<vmem>>, vector<16xf32>,
        tpu.vector_store %arg7[%parallel_loop3A_105, %parallel_loop3A_106], %parallel_loop3A_91 {strides = array<i32>} : memref<64x128xf32, #tpu.memory_space<vmem>>, vector<16xf32>,
        %parallel_loop3A_108 = arith.constant 1 : i32
        %parallel_loop3A_109 = arith.index_cast %parallel_loop3A_108 : i32 to index
        %parallel_loop3A_110 = arith.index_cast %parallel_loop3A_67 : i32 to index
        %parallel_loop3A_111 = tpu.vector_load %arg7[%parallel_loop3A_109, %parallel_loop3A_110] {strides = array<i32>} : memref<64x128xf32, #tpu.memory_space<vmem>>, vector<16xf32>,
        tpu.vector_store %arg7[%parallel_loop3A_109, %parallel_loop3A_110], %parallel_loop3A_95 {strides = array<i32>} : memref<64x128xf32, #tpu.memory_space<vmem>>, vector<16xf32>,
        %parallel_loop3A_112 = arith.constant 2 : i32
        %parallel_loop3A_113 = arith.index_cast %parallel_loop3A_112 : i32 to index
        %parallel_loop3A_114 = arith.index_cast %parallel_loop3A_67 : i32 to index
        %parallel_loop3A_115 = tpu.vector_load %arg7[%parallel_loop3A_113, %parallel_loop3A_114] {strides = array<i32>} : memref<64x128xf32, #tpu.memory_space<vmem>>, vector<16xf32>,
        tpu.vector_store %arg7[%parallel_loop3A_113, %parallel_loop3A_114], %parallel_loop3A_99 {strides = array<i32>} : memref<64x128xf32, #tpu.memory_space<vmem>>, vector<16xf32>,
        %parallel_loop3A_116 = arith.constant 3 : i32
        %parallel_loop3A_117 = arith.index_cast %parallel_loop3A_116 : i32 to index
        %parallel_loop3A_118 = arith.index_cast %parallel_loop3A_67 : i32 to index
        %parallel_loop3A_119 = tpu.vector_load %arg7[%parallel_loop3A_117, %parallel_loop3A_118] {strides = array<i32>} : memref<64x128xf32, #tpu.memory_space<vmem>>, vector<16xf32>,
        tpu.vector_store %arg7[%parallel_loop3A_117, %parallel_loop3A_118], %parallel_loop3A_103 {strides = array<i32>} : memref<64x128xf32, #tpu.memory_space<vmem>>, vector<16xf32>,
        %parallel_loop3A_120 = arith.constant 4 : i32
        %parallel_loop3A_121 = vector.broadcast %parallel_loop3A_120 : i32 to vector<16xi32>
        %parallel_loop3A_122 = arith.addi %parallel_loop3A_87, %parallel_loop3A_121 : vector<16xi32>
        %parallel_loop3A_123 = tpu.vector_load_idx %arg5[%parallel_loop3A_81, %parallel_loop3A_122] : memref<512x128xf32, #tpu.memory_space<vmem>>[vector<16xi32>, vector<16xi32>], vector<16xf32>,
        %parallel_loop3A_124 = arith.constant 5 : i32
        %parallel_loop3A_125 = vector.broadcast %parallel_loop3A_124 : i32 to vector<16xi32>
        %parallel_loop3A_126 = arith.addi %parallel_loop3A_87, %parallel_loop3A_125 : vector<16xi32>
        %parallel_loop3A_127 = tpu.vector_load_idx %arg5[%parallel_loop3A_81, %parallel_loop3A_126] : memref<512x128xf32, #tpu.memory_space<vmem>>[vector<16xi32>, vector<16xi32>], vector<16xf32>,
        %parallel_loop3A_128 = arith.constant 6 : i32
        %parallel_loop3A_129 = vector.broadcast %parallel_loop3A_128 : i32 to vector<16xi32>
        %parallel_loop3A_130 = arith.addi %parallel_loop3A_87, %parallel_loop3A_129 : vector<16xi32>
        %parallel_loop3A_131 = tpu.vector_load_idx %arg5[%parallel_loop3A_81, %parallel_loop3A_130] : memref<512x128xf32, #tpu.memory_space<vmem>>[vector<16xi32>, vector<16xi32>], vector<16xf32>,
        %parallel_loop3A_132 = arith.constant 7 : i32
        %parallel_loop3A_133 = vector.broadcast %parallel_loop3A_132 : i32 to vector<16xi32>
        %parallel_loop3A_134 = arith.addi %parallel_loop3A_87, %parallel_loop3A_133 : vector<16xi32>
        %parallel_loop3A_135 = tpu.vector_load_idx %arg5[%parallel_loop3A_81, %parallel_loop3A_134] : memref<512x128xf32, #tpu.memory_space<vmem>>[vector<16xi32>, vector<16xi32>], vector<16xf32>,
        %parallel_loop3A_136 = arith.constant 4 : i32
        %parallel_loop3A_137 = arith.index_cast %parallel_loop3A_136 : i32 to index
        %parallel_loop3A_138 = arith.index_cast %parallel_loop3A_67 : i32 to index
        %parallel_loop3A_139 = tpu.vector_load %arg7[%parallel_loop3A_137, %parallel_loop3A_138] {strides = array<i32>} : memref<64x128xf32, #tpu.memory_space<vmem>>, vector<16xf32>,
        tpu.vector_store %arg7[%parallel_loop3A_137, %parallel_loop3A_138], %parallel_loop3A_123 {strides = array<i32>} : memref<64x128xf32, #tpu.memory_space<vmem>>, vector<16xf32>,
        %parallel_loop3A_140 = arith.constant 5 : i32
        %parallel_loop3A_141 = arith.index_cast %parallel_loop3A_140 : i32 to index
        %parallel_loop3A_142 = arith.index_cast %parallel_loop3A_67 : i32 to index
        %parallel_loop3A_143 = tpu.vector_load %arg7[%parallel_loop3A_141, %parallel_loop3A_142] {strides = array<i32>} : memref<64x128xf32, #tpu.memory_space<vmem>>, vector<16xf32>,
        tpu.vector_store %arg7[%parallel_loop3A_141, %parallel_loop3A_142], %parallel_loop3A_127 {strides = array<i32>} : memref<64x128xf32, #tpu.memory_space<vmem>>, vector<16xf32>,
        %parallel_loop3A_144 = arith.constant 6 : i32
        %parallel_loop3A_145 = arith.index_cast %parallel_loop3A_144 : i32 to index
        %parallel_loop3A_146 = arith.index_cast %parallel_loop3A_67 : i32 to index
        %parallel_loop3A_147 = tpu.vector_load %arg7[%parallel_loop3A_145, %parallel_loop3A_146] {strides = array<i32>} : memref<64x128xf32, #tpu.memory_space<vmem>>, vector<16xf32>,
        tpu.vector_store %arg7[%parallel_loop3A_145, %parallel_loop3A_146], %parallel_loop3A_131 {strides = array<i32>} : memref<64x128xf32, #tpu.memory_space<vmem>>, vector<16xf32>,
        %parallel_loop3A_148 = arith.constant 7 : i32
        %parallel_loop3A_149 = arith.index_cast %parallel_loop3A_148 : i32 to index
        %parallel_loop3A_150 = arith.index_cast %parallel_loop3A_67 : i32 to index
        %parallel_loop3A_151 = tpu.vector_load %arg7[%parallel_loop3A_149, %parallel_loop3A_150] {strides = array<i32>} : memref<64x128xf32, #tpu.memory_space<vmem>>, vector<16xf32>,
        tpu.vector_store %arg7[%parallel_loop3A_149, %parallel_loop3A_150], %parallel_loop3A_135 {strides = array<i32>} : memref<64x128xf32, #tpu.memory_space<vmem>>, vector<16xf32>,
        %parallel_loop3A_152 = arith.constant 8 : i32
        %parallel_loop3A_153 = vector.broadcast %parallel_loop3A_152 : i32 to vector<16xi32>
        %parallel_loop3A_154 = arith.addi %parallel_loop3A_87, %parallel_loop3A_153 : vector<16xi32>
        %parallel_loop3A_155 = tpu.vector_load_idx %arg5[%parallel_loop3A_81, %parallel_loop3A_154] : memref<512x128xf32, #tpu.memory_space<vmem>>[vector<16xi32>, vector<16xi32>], vector<16xf32>,
        %parallel_loop3A_156 = arith.constant 9 : i32
        %parallel_loop3A_157 = vector.broadcast %parallel_loop3A_156 : i32 to vector<16xi32>
        %parallel_loop3A_158 = arith.addi %parallel_loop3A_87, %parallel_loop3A_157 : vector<16xi32>
        %parallel_loop3A_159 = tpu.vector_load_idx %arg5[%parallel_loop3A_81, %parallel_loop3A_158] : memref<512x128xf32, #tpu.memory_space<vmem>>[vector<16xi32>, vector<16xi32>], vector<16xf32>,
        %parallel_loop3A_160 = arith.constant 10 : i32
        %parallel_loop3A_161 = vector.broadcast %parallel_loop3A_160 : i32 to vector<16xi32>
        %parallel_loop3A_162 = arith.addi %parallel_loop3A_87, %parallel_loop3A_161 : vector<16xi32>
        %parallel_loop3A_163 = tpu.vector_load_idx %arg5[%parallel_loop3A_81, %parallel_loop3A_162] : memref<512x128xf32, #tpu.memory_space<vmem>>[vector<16xi32>, vector<16xi32>], vector<16xf32>,
        %parallel_loop3A_164 = arith.constant 11 : i32
        %parallel_loop3A_165 = vector.broadcast %parallel_loop3A_164 : i32 to vector<16xi32>
        %parallel_loop3A_166 = arith.addi %parallel_loop3A_87, %parallel_loop3A_165 : vector<16xi32>
        %parallel_loop3A_167 = tpu.vector_load_idx %arg5[%parallel_loop3A_81, %parallel_loop3A_166] : memref<512x128xf32, #tpu.memory_space<vmem>>[vector<16xi32>, vector<16xi32>], vector<16xf32>,
        %parallel_loop3A_168 = arith.constant 8 : i32
        %parallel_loop3A_169 = arith.index_cast %parallel_loop3A_168 : i32 to index
        %parallel_loop3A_170 = arith.index_cast %parallel_loop3A_67 : i32 to index
        %parallel_loop3A_171 = tpu.vector_load %arg7[%parallel_loop3A_169, %parallel_loop3A_170] {strides = array<i32>} : memref<64x128xf32, #tpu.memory_space<vmem>>, vector<16xf32>,
        tpu.vector_store %arg7[%parallel_loop3A_169, %parallel_loop3A_170], %parallel_loop3A_155 {strides = array<i32>} : memref<64x128xf32, #tpu.memory_space<vmem>>, vector<16xf32>,
        %parallel_loop3A_172 = arith.constant 9 : i32
        %parallel_loop3A_173 = arith.index_cast %parallel_loop3A_172 : i32 to index
        %parallel_loop3A_174 = arith.index_cast %parallel_loop3A_67 : i32 to index
        %parallel_loop3A_175 = tpu.vector_load %arg7[%parallel_loop3A_173, %parallel_loop3A_174] {strides = array<i32>} : memref<64x128xf32, #tpu.memory_space<vmem>>, vector<16xf32>,
        tpu.vector_store %arg7[%parallel_loop3A_173, %parallel_loop3A_174], %parallel_loop3A_159 {strides = array<i32>} : memref<64x128xf32, #tpu.memory_space<vmem>>, vector<16xf32>,
        %parallel_loop3A_176 = arith.constant 10 : i32
        %parallel_loop3A_177 = arith.index_cast %parallel_loop3A_176 : i32 to index
        %parallel_loop3A_178 = arith.index_cast %parallel_loop3A_67 : i32 to index
        %parallel_loop3A_179 = tpu.vector_load %arg7[%parallel_loop3A_177, %parallel_loop3A_178] {strides = array<i32>} : memref<64x128xf32, #tpu.memory_space<vmem>>, vector<16xf32>,
        tpu.vector_store %arg7[%parallel_loop3A_177, %parallel_loop3A_178], %parallel_loop3A_163 {strides = array<i32>} : memref<64x128xf32, #tpu.memory_space<vmem>>, vector<16xf32>,
        %parallel_loop3A_180 = arith.constant 11 : i32
        %parallel_loop3A_181 = arith.index_cast %parallel_loop3A_180 : i32 to index
        %parallel_loop3A_182 = arith.index_cast %parallel_loop3A_67 : i32 to index
        %parallel_loop3A_183 = tpu.vector_load %arg7[%parallel_loop3A_181, %parallel_loop3A_182] {strides = array<i32>} : memref<64x128xf32, #tpu.memory_space<vmem>>, vector<16xf32>,
        tpu.vector_store %arg7[%parallel_loop3A_181, %parallel_loop3A_182], %parallel_loop3A_167 {strides = array<i32>} : memref<64x128xf32, #tpu.memory_space<vmem>>, vector<16xf32>,
        %parallel_loop3A_184 = arith.constant 12 : i32
        %parallel_loop3A_185 = vector.broadcast %parallel_loop3A_184 : i32 to vector<16xi32>
        %parallel_loop3A_186 = arith.addi %parallel_loop3A_87, %parallel_loop3A_185 : vector<16xi32>
        %parallel_loop3A_187 = tpu.vector_load_idx %arg5[%parallel_loop3A_81, %parallel_loop3A_186] : memref<512x128xf32, #tpu.memory_space<vmem>>[vector<16xi32>, vector<16xi32>], vector<16xf32>,
        %parallel_loop3A_188 = arith.constant 13 : i32
        %parallel_loop3A_189 = vector.broadcast %parallel_loop3A_188 : i32 to vector<16xi32>
        %parallel_loop3A_190 = arith.addi %parallel_loop3A_87, %parallel_loop3A_189 : vector<16xi32>
        %parallel_loop3A_191 = tpu.vector_load_idx %arg5[%parallel_loop3A_81, %parallel_loop3A_190] : memref<512x128xf32, #tpu.memory_space<vmem>>[vector<16xi32>, vector<16xi32>], vector<16xf32>,
        %parallel_loop3A_192 = arith.constant 14 : i32
        %parallel_loop3A_193 = vector.broadcast %parallel_loop3A_192 : i32 to vector<16xi32>
        %parallel_loop3A_194 = arith.addi %parallel_loop3A_87, %parallel_loop3A_193 : vector<16xi32>
        %parallel_loop3A_195 = tpu.vector_load_idx %arg5[%parallel_loop3A_81, %parallel_loop3A_194] : memref<512x128xf32, #tpu.memory_space<vmem>>[vector<16xi32>, vector<16xi32>], vector<16xf32>,
        %parallel_loop3A_196 = arith.constant 15 : i32
        %parallel_loop3A_197 = vector.broadcast %parallel_loop3A_196 : i32 to vector<16xi32>
        %parallel_loop3A_198 = arith.addi %parallel_loop3A_87, %parallel_loop3A_197 : vector<16xi32>
        %parallel_loop3A_199 = tpu.vector_load_idx %arg5[%parallel_loop3A_81, %parallel_loop3A_198] : memref<512x128xf32, #tpu.memory_space<vmem>>[vector<16xi32>, vector<16xi32>], vector<16xf32>,
        %parallel_loop3A_200 = arith.constant 12 : i32
        %parallel_loop3A_201 = arith.index_cast %parallel_loop3A_200 : i32 to index
        %parallel_loop3A_202 = arith.index_cast %parallel_loop3A_67 : i32 to index
        %parallel_loop3A_203 = tpu.vector_load %arg7[%parallel_loop3A_201, %parallel_loop3A_202] {strides = array<i32>} : memref<64x128xf32, #tpu.memory_space<vmem>>, vector<16xf32>,
        tpu.vector_store %arg7[%parallel_loop3A_201, %parallel_loop3A_202], %parallel_loop3A_187 {strides = array<i32>} : memref<64x128xf32, #tpu.memory_space<vmem>>, vector<16xf32>,
        %parallel_loop3A_204 = arith.constant 13 : i32
        %parallel_loop3A_205 = arith.index_cast %parallel_loop3A_204 : i32 to index
        %parallel_loop3A_206 = arith.index_cast %parallel_loop3A_67 : i32 to index
        %parallel_loop3A_207 = tpu.vector_load %arg7[%parallel_loop3A_205, %parallel_loop3A_206] {strides = array<i32>} : memref<64x128xf32, #tpu.memory_space<vmem>>, vector<16xf32>,
        tpu.vector_store %arg7[%parallel_loop3A_205, %parallel_loop3A_206], %parallel_loop3A_191 {strides = array<i32>} : memref<64x128xf32, #tpu.memory_space<vmem>>, vector<16xf32>,
        %parallel_loop3A_208 = arith.constant 14 : i32
        %parallel_loop3A_209 = arith.index_cast %parallel_loop3A_208 : i32 to index
        %parallel_loop3A_210 = arith.index_cast %parallel_loop3A_67 : i32 to index
        %parallel_loop3A_211 = tpu.vector_load %arg7[%parallel_loop3A_209, %parallel_loop3A_210] {strides = array<i32>} : memref<64x128xf32, #tpu.memory_space<vmem>>, vector<16xf32>,
        tpu.vector_store %arg7[%parallel_loop3A_209, %parallel_loop3A_210], %parallel_loop3A_195 {strides = array<i32>} : memref<64x128xf32, #tpu.memory_space<vmem>>, vector<16xf32>,
        %parallel_loop3A_212 = arith.constant 15 : i32
        %parallel_loop3A_213 = arith.index_cast %parallel_loop3A_212 : i32 to index
        %parallel_loop3A_214 = arith.index_cast %parallel_loop3A_67 : i32 to index
        %parallel_loop3A_215 = tpu.vector_load %arg7[%parallel_loop3A_213, %parallel_loop3A_214] {strides = array<i32>} : memref<64x128xf32, #tpu.memory_space<vmem>>, vector<16xf32>,
        tpu.vector_store %arg7[%parallel_loop3A_213, %parallel_loop3A_214], %parallel_loop3A_199 {strides = array<i32>} : memref<64x128xf32, #tpu.memory_space<vmem>>, vector<16xf32>,
        %parallel_loop3A_216 = arith.constant 16 : i32
        %parallel_loop3A_217 = vector.broadcast %parallel_loop3A_216 : i32 to vector<16xi32>
        %parallel_loop3A_218 = arith.addi %parallel_loop3A_87, %parallel_loop3A_217 : vector<16xi32>
        %parallel_loop3A_219 = tpu.vector_load_idx %arg5[%parallel_loop3A_81, %parallel_loop3A_218] : memref<512x128xf32, #tpu.memory_space<vmem>>[vector<16xi32>, vector<16xi32>], vector<16xf32>,
        %parallel_loop3A_220 = arith.constant 17 : i32
        %parallel_loop3A_221 = vector.broadcast %parallel_loop3A_220 : i32 to vector<16xi32>
        %parallel_loop3A_222 = arith.addi %parallel_loop3A_87, %parallel_loop3A_221 : vector<16xi32>
        %parallel_loop3A_223 = tpu.vector_load_idx %arg5[%parallel_loop3A_81, %parallel_loop3A_222] : memref<512x128xf32, #tpu.memory_space<vmem>>[vector<16xi32>, vector<16xi32>], vector<16xf32>,
        %parallel_loop3A_224 = arith.constant 18 : i32
        %parallel_loop3A_225 = vector.broadcast %parallel_loop3A_224 : i32 to vector<16xi32>
        %parallel_loop3A_226 = arith.addi %parallel_loop3A_87, %parallel_loop3A_225 : vector<16xi32>
        %parallel_loop3A_227 = tpu.vector_load_idx %arg5[%parallel_loop3A_81, %parallel_loop3A_226] : memref<512x128xf32, #tpu.memory_space<vmem>>[vector<16xi32>, vector<16xi32>], vector<16xf32>,
        %parallel_loop3A_228 = arith.constant 19 : i32
        %parallel_loop3A_229 = vector.broadcast %parallel_loop3A_228 : i32 to vector<16xi32>
        %parallel_loop3A_230 = arith.addi %parallel_loop3A_87, %parallel_loop3A_229 : vector<16xi32>
        %parallel_loop3A_231 = tpu.vector_load_idx %arg5[%parallel_loop3A_81, %parallel_loop3A_230] : memref<512x128xf32, #tpu.memory_space<vmem>>[vector<16xi32>, vector<16xi32>], vector<16xf32>,
        %parallel_loop3A_232 = arith.constant 16 : i32
        %parallel_loop3A_233 = arith.index_cast %parallel_loop3A_232 : i32 to index
        %parallel_loop3A_234 = arith.index_cast %parallel_loop3A_67 : i32 to index
        %parallel_loop3A_235 = tpu.vector_load %arg7[%parallel_loop3A_233, %parallel_loop3A_234] {strides = array<i32>} : memref<64x128xf32, #tpu.memory_space<vmem>>, vector<16xf32>,
        tpu.vector_store %arg7[%parallel_loop3A_233, %parallel_loop3A_234], %parallel_loop3A_219 {strides = array<i32>} : memref<64x128xf32, #tpu.memory_space<vmem>>, vector<16xf32>,
        %parallel_loop3A_236 = arith.constant 17 : i32
        %parallel_loop3A_237 = arith.index_cast %parallel_loop3A_236 : i32 to index
        %parallel_loop3A_238 = arith.index_cast %parallel_loop3A_67 : i32 to index
        %parallel_loop3A_239 = tpu.vector_load %arg7[%parallel_loop3A_237, %parallel_loop3A_238] {strides = array<i32>} : memref<64x128xf32, #tpu.memory_space<vmem>>, vector<16xf32>,
        tpu.vector_store %arg7[%parallel_loop3A_237, %parallel_loop3A_238], %parallel_loop3A_223 {strides = array<i32>} : memref<64x128xf32, #tpu.memory_space<vmem>>, vector<16xf32>,
        %parallel_loop3A_240 = arith.constant 18 : i32
        %parallel_loop3A_241 = arith.index_cast %parallel_loop3A_240 : i32 to index
        %parallel_loop3A_242 = arith.index_cast %parallel_loop3A_67 : i32 to index
        %parallel_loop3A_243 = tpu.vector_load %arg7[%parallel_loop3A_241, %parallel_loop3A_242] {strides = array<i32>} : memref<64x128xf32, #tpu.memory_space<vmem>>, vector<16xf32>,
        tpu.vector_store %arg7[%parallel_loop3A_241, %parallel_loop3A_242], %parallel_loop3A_227 {strides = array<i32>} : memref<64x128xf32, #tpu.memory_space<vmem>>, vector<16xf32>,
        %parallel_loop3A_244 = arith.constant 19 : i32
        %parallel_loop3A_245 = arith.index_cast %parallel_loop3A_244 : i32 to index
        %parallel_loop3A_246 = arith.index_cast %parallel_loop3A_67 : i32 to index
        %parallel_loop3A_247 = tpu.vector_load %arg7[%parallel_loop3A_245, %parallel_loop3A_246] {strides = array<i32>} : memref<64x128xf32, #tpu.memory_space<vmem>>, vector<16xf32>,
        tpu.vector_store %arg7[%parallel_loop3A_245, %parallel_loop3A_246], %parallel_loop3A_231 {strides = array<i32>} : memref<64x128xf32, #tpu.memory_space<vmem>>, vector<16xf32>,
        %parallel_loop3A_248 = arith.constant 20 : i32
        %parallel_loop3A_249 = vector.broadcast %parallel_loop3A_248 : i32 to vector<16xi32>
        %parallel_loop3A_250 = arith.addi %parallel_loop3A_87, %parallel_loop3A_249 : vector<16xi32>
        %parallel_loop3A_251 = tpu.vector_load_idx %arg5[%parallel_loop3A_81, %parallel_loop3A_250] : memref<512x128xf32, #tpu.memory_space<vmem>>[vector<16xi32>, vector<16xi32>], vector<16xf32>,
        %parallel_loop3A_252 = arith.constant 21 : i32
        %parallel_loop3A_253 = vector.broadcast %parallel_loop3A_252 : i32 to vector<16xi32>
        %parallel_loop3A_254 = arith.addi %parallel_loop3A_87, %parallel_loop3A_253 : vector<16xi32>
        %parallel_loop3A_255 = tpu.vector_load_idx %arg5[%parallel_loop3A_81, %parallel_loop3A_254] : memref<512x128xf32, #tpu.memory_space<vmem>>[vector<16xi32>, vector<16xi32>], vector<16xf32>,
        %parallel_loop3A_256 = arith.constant 22 : i32
        %parallel_loop3A_257 = vector.broadcast %parallel_loop3A_256 : i32 to vector<16xi32>
        %parallel_loop3A_258 = arith.addi %parallel_loop3A_87, %parallel_loop3A_257 : vector<16xi32>
        %parallel_loop3A_259 = tpu.vector_load_idx %arg5[%parallel_loop3A_81, %parallel_loop3A_258] : memref<512x128xf32, #tpu.memory_space<vmem>>[vector<16xi32>, vector<16xi32>], vector<16xf32>,
        %parallel_loop3A_260 = arith.constant 23 : i32
        %parallel_loop3A_261 = vector.broadcast %parallel_loop3A_260 : i32 to vector<16xi32>
        %parallel_loop3A_262 = arith.addi %parallel_loop3A_87, %parallel_loop3A_261 : vector<16xi32>
        %parallel_loop3A_263 = tpu.vector_load_idx %arg5[%parallel_loop3A_81, %parallel_loop3A_262] : memref<512x128xf32, #tpu.memory_space<vmem>>[vector<16xi32>, vector<16xi32>], vector<16xf32>,
        %parallel_loop3A_264 = arith.constant 20 : i32
        %parallel_loop3A_265 = arith.index_cast %parallel_loop3A_264 : i32 to index
        %parallel_loop3A_266 = arith.index_cast %parallel_loop3A_67 : i32 to index
        %parallel_loop3A_267 = tpu.vector_load %arg7[%parallel_loop3A_265, %parallel_loop3A_266] {strides = array<i32>} : memref<64x128xf32, #tpu.memory_space<vmem>>, vector<16xf32>,
        tpu.vector_store %arg7[%parallel_loop3A_265, %parallel_loop3A_266], %parallel_loop3A_251 {strides = array<i32>} : memref<64x128xf32, #tpu.memory_space<vmem>>, vector<16xf32>,
        %parallel_loop3A_268 = arith.constant 21 : i32
        %parallel_loop3A_269 = arith.index_cast %parallel_loop3A_268 : i32 to index
        %parallel_loop3A_270 = arith.index_cast %parallel_loop3A_67 : i32 to index
        %parallel_loop3A_271 = tpu.vector_load %arg7[%parallel_loop3A_269, %parallel_loop3A_270] {strides = array<i32>} : memref<64x128xf32, #tpu.memory_space<vmem>>, vector<16xf32>,
        tpu.vector_store %arg7[%parallel_loop3A_269, %parallel_loop3A_270], %parallel_loop3A_255 {strides = array<i32>} : memref<64x128xf32, #tpu.memory_space<vmem>>, vector<16xf32>,
        %parallel_loop3A_272 = arith.constant 22 : i32
        %parallel_loop3A_273 = arith.index_cast %parallel_loop3A_272 : i32 to index
        %parallel_loop3A_274 = arith.index_cast %parallel_loop3A_67 : i32 to index
        %parallel_loop3A_275 = tpu.vector_load %arg7[%parallel_loop3A_273, %parallel_loop3A_274] {strides = array<i32>} : memref<64x128xf32, #tpu.memory_space<vmem>>, vector<16xf32>,
        tpu.vector_store %arg7[%parallel_loop3A_273, %parallel_loop3A_274], %parallel_loop3A_259 {strides = array<i32>} : memref<64x128xf32, #tpu.memory_space<vmem>>, vector<16xf32>,
        %parallel_loop3A_276 = arith.constant 23 : i32
        %parallel_loop3A_277 = arith.index_cast %parallel_loop3A_276 : i32 to index
        %parallel_loop3A_278 = arith.index_cast %parallel_loop3A_67 : i32 to index
        %parallel_loop3A_279 = tpu.vector_load %arg7[%parallel_loop3A_277, %parallel_loop3A_278] {strides = array<i32>} : memref<64x128xf32, #tpu.memory_space<vmem>>, vector<16xf32>,
        tpu.vector_store %arg7[%parallel_loop3A_277, %parallel_loop3A_278], %parallel_loop3A_263 {strides = array<i32>} : memref<64x128xf32, #tpu.memory_space<vmem>>, vector<16xf32>,
        %parallel_loop3A_280 = arith.constant 24 : i32
        %parallel_loop3A_281 = vector.broadcast %parallel_loop3A_280 : i32 to vector<16xi32>
        %parallel_loop3A_282 = arith.addi %parallel_loop3A_87, %parallel_loop3A_281 : vector<16xi32>
        %parallel_loop3A_283 = tpu.vector_load_idx %arg5[%parallel_loop3A_81, %parallel_loop3A_282] : memref<512x128xf32, #tpu.memory_space<vmem>>[vector<16xi32>, vector<16xi32>], vector<16xf32>,
        %parallel_loop3A_284 = arith.constant 25 : i32
        %parallel_loop3A_285 = vector.broadcast %parallel_loop3A_284 : i32 to vector<16xi32>
        %parallel_loop3A_286 = arith.addi %parallel_loop3A_87, %parallel_loop3A_285 : vector<16xi32>
        %parallel_loop3A_287 = tpu.vector_load_idx %arg5[%parallel_loop3A_81, %parallel_loop3A_286] : memref<512x128xf32, #tpu.memory_space<vmem>>[vector<16xi32>, vector<16xi32>], vector<16xf32>,
        %parallel_loop3A_288 = arith.constant 26 : i32
        %parallel_loop3A_289 = vector.broadcast %parallel_loop3A_288 : i32 to vector<16xi32>
        %parallel_loop3A_290 = arith.addi %parallel_loop3A_87, %parallel_loop3A_289 : vector<16xi32>
        %parallel_loop3A_291 = tpu.vector_load_idx %arg5[%parallel_loop3A_81, %parallel_loop3A_290] : memref<512x128xf32, #tpu.memory_space<vmem>>[vector<16xi32>, vector<16xi32>], vector<16xf32>,
        %parallel_loop3A_292 = arith.constant 27 : i32
        %parallel_loop3A_293 = vector.broadcast %parallel_loop3A_292 : i32 to vector<16xi32>
        %parallel_loop3A_294 = arith.addi %parallel_loop3A_87, %parallel_loop3A_293 : vector<16xi32>
        %parallel_loop3A_295 = tpu.vector_load_idx %arg5[%parallel_loop3A_81, %parallel_loop3A_294] : memref<512x128xf32, #tpu.memory_space<vmem>>[vector<16xi32>, vector<16xi32>], vector<16xf32>,
        %parallel_loop3A_296 = arith.constant 24 : i32
        %parallel_loop3A_297 = arith.index_cast %parallel_loop3A_296 : i32 to index
        %parallel_loop3A_298 = arith.index_cast %parallel_loop3A_67 : i32 to index
        %parallel_loop3A_299 = tpu.vector_load %arg7[%parallel_loop3A_297, %parallel_loop3A_298] {strides = array<i32>} : memref<64x128xf32, #tpu.memory_space<vmem>>, vector<16xf32>,
        tpu.vector_store %arg7[%parallel_loop3A_297, %parallel_loop3A_298], %parallel_loop3A_283 {strides = array<i32>} : memref<64x128xf32, #tpu.memory_space<vmem>>, vector<16xf32>,
        %parallel_loop3A_300 = arith.constant 25 : i32
        %parallel_loop3A_301 = arith.index_cast %parallel_loop3A_300 : i32 to index
        %parallel_loop3A_302 = arith.index_cast %parallel_loop3A_67 : i32 to index
        %parallel_loop3A_303 = tpu.vector_load %arg7[%parallel_loop3A_301, %parallel_loop3A_302] {strides = array<i32>} : memref<64x128xf32, #tpu.memory_space<vmem>>, vector<16xf32>,
        tpu.vector_store %arg7[%parallel_loop3A_301, %parallel_loop3A_302], %parallel_loop3A_287 {strides = array<i32>} : memref<64x128xf32, #tpu.memory_space<vmem>>, vector<16xf32>,
        %parallel_loop3A_304 = arith.constant 26 : i32
        %parallel_loop3A_305 = arith.index_cast %parallel_loop3A_304 : i32 to index
        %parallel_loop3A_306 = arith.index_cast %parallel_loop3A_67 : i32 to index
        %parallel_loop3A_307 = tpu.vector_load %arg7[%parallel_loop3A_305, %parallel_loop3A_306] {strides = array<i32>} : memref<64x128xf32, #tpu.memory_space<vmem>>, vector<16xf32>,
        tpu.vector_store %arg7[%parallel_loop3A_305, %parallel_loop3A_306], %parallel_loop3A_291 {strides = array<i32>} : memref<64x128xf32, #tpu.memory_space<vmem>>, vector<16xf32>,
        %parallel_loop3A_308 = arith.constant 27 : i32
        %parallel_loop3A_309 = arith.index_cast %parallel_loop3A_308 : i32 to index
        %parallel_loop3A_310 = arith.index_cast %parallel_loop3A_67 : i32 to index
        %parallel_loop3A_311 = tpu.vector_load %arg7[%parallel_loop3A_309, %parallel_loop3A_310] {strides = array<i32>} : memref<64x128xf32, #tpu.memory_space<vmem>>, vector<16xf32>,
        tpu.vector_store %arg7[%parallel_loop3A_309, %parallel_loop3A_310], %parallel_loop3A_295 {strides = array<i32>} : memref<64x128xf32, #tpu.memory_space<vmem>>, vector<16xf32>,
        %parallel_loop3A_312 = arith.constant 28 : i32
        %parallel_loop3A_313 = vector.broadcast %parallel_loop3A_312 : i32 to vector<16xi32>
        %parallel_loop3A_314 = arith.addi %parallel_loop3A_87, %parallel_loop3A_313 : vector<16xi32>
        %parallel_loop3A_315 = tpu.vector_load_idx %arg5[%parallel_loop3A_81, %parallel_loop3A_314] : memref<512x128xf32, #tpu.memory_space<vmem>>[vector<16xi32>, vector<16xi32>], vector<16xf32>,
        %parallel_loop3A_316 = arith.constant 29 : i32
        %parallel_loop3A_317 = vector.broadcast %parallel_loop3A_316 : i32 to vector<16xi32>
        %parallel_loop3A_318 = arith.addi %parallel_loop3A_87, %parallel_loop3A_317 : vector<16xi32>
        %parallel_loop3A_319 = tpu.vector_load_idx %arg5[%parallel_loop3A_81, %parallel_loop3A_318] : memref<512x128xf32, #tpu.memory_space<vmem>>[vector<16xi32>, vector<16xi32>], vector<16xf32>,
        %parallel_loop3A_320 = arith.constant 30 : i32
        %parallel_loop3A_321 = vector.broadcast %parallel_loop3A_320 : i32 to vector<16xi32>
        %parallel_loop3A_322 = arith.addi %parallel_loop3A_87, %parallel_loop3A_321 : vector<16xi32>
        %parallel_loop3A_323 = tpu.vector_load_idx %arg5[%parallel_loop3A_81, %parallel_loop3A_322] : memref<512x128xf32, #tpu.memory_space<vmem>>[vector<16xi32>, vector<16xi32>], vector<16xf32>,
        %parallel_loop3A_324 = arith.constant 31 : i32
        %parallel_loop3A_325 = vector.broadcast %parallel_loop3A_324 : i32 to vector<16xi32>
        %parallel_loop3A_326 = arith.addi %parallel_loop3A_87, %parallel_loop3A_325 : vector<16xi32>
        %parallel_loop3A_327 = tpu.vector_load_idx %arg5[%parallel_loop3A_81, %parallel_loop3A_326] : memref<512x128xf32, #tpu.memory_space<vmem>>[vector<16xi32>, vector<16xi32>], vector<16xf32>,
        %parallel_loop3A_328 = arith.constant 28 : i32
        %parallel_loop3A_329 = arith.index_cast %parallel_loop3A_328 : i32 to index
        %parallel_loop3A_330 = arith.index_cast %parallel_loop3A_67 : i32 to index
        %parallel_loop3A_331 = tpu.vector_load %arg7[%parallel_loop3A_329, %parallel_loop3A_330] {strides = array<i32>} : memref<64x128xf32, #tpu.memory_space<vmem>>, vector<16xf32>,
        tpu.vector_store %arg7[%parallel_loop3A_329, %parallel_loop3A_330], %parallel_loop3A_315 {strides = array<i32>} : memref<64x128xf32, #tpu.memory_space<vmem>>, vector<16xf32>,
        %parallel_loop3A_332 = arith.constant 29 : i32
        %parallel_loop3A_333 = arith.index_cast %parallel_loop3A_332 : i32 to index
        %parallel_loop3A_334 = arith.index_cast %parallel_loop3A_67 : i32 to index
        %parallel_loop3A_335 = tpu.vector_load %arg7[%parallel_loop3A_333, %parallel_loop3A_334] {strides = array<i32>} : memref<64x128xf32, #tpu.memory_space<vmem>>, vector<16xf32>,
        tpu.vector_store %arg7[%parallel_loop3A_333, %parallel_loop3A_334], %parallel_loop3A_319 {strides = array<i32>} : memref<64x128xf32, #tpu.memory_space<vmem>>, vector<16xf32>,
        %parallel_loop3A_336 = arith.constant 30 : i32
        %parallel_loop3A_337 = arith.index_cast %parallel_loop3A_336 : i32 to index
        %parallel_loop3A_338 = arith.index_cast %parallel_loop3A_67 : i32 to index
        %parallel_loop3A_339 = tpu.vector_load %arg7[%parallel_loop3A_337, %parallel_loop3A_338] {strides = array<i32>} : memref<64x128xf32, #tpu.memory_space<vmem>>, vector<16xf32>,
        tpu.vector_store %arg7[%parallel_loop3A_337, %parallel_loop3A_338], %parallel_loop3A_323 {strides = array<i32>} : memref<64x128xf32, #tpu.memory_space<vmem>>, vector<16xf32>,
        %parallel_loop3A_340 = arith.constant 31 : i32
        %parallel_loop3A_341 = arith.index_cast %parallel_loop3A_340 : i32 to index
        %parallel_loop3A_342 = arith.index_cast %parallel_loop3A_67 : i32 to index
        %parallel_loop3A_343 = tpu.vector_load %arg7[%parallel_loop3A_341, %parallel_loop3A_342] {strides = array<i32>} : memref<64x128xf32, #tpu.memory_space<vmem>>, vector<16xf32>,
        tpu.vector_store %arg7[%parallel_loop3A_341, %parallel_loop3A_342], %parallel_loop3A_327 {strides = array<i32>} : memref<64x128xf32, #tpu.memory_space<vmem>>, vector<16xf32>,
        %parallel_loop3A_344 = arith.constant 32 : i32
        %parallel_loop3A_345 = vector.broadcast %parallel_loop3A_344 : i32 to vector<16xi32>
        %parallel_loop3A_346 = arith.addi %parallel_loop3A_87, %parallel_loop3A_345 : vector<16xi32>
        %parallel_loop3A_347 = tpu.vector_load_idx %arg5[%parallel_loop3A_81, %parallel_loop3A_346] : memref<512x128xf32, #tpu.memory_space<vmem>>[vector<16xi32>, vector<16xi32>], vector<16xf32>,
        %parallel_loop3A_348 = arith.constant 33 : i32
        %parallel_loop3A_349 = vector.broadcast %parallel_loop3A_348 : i32 to vector<16xi32>
        %parallel_loop3A_350 = arith.addi %parallel_loop3A_87, %parallel_loop3A_349 : vector<16xi32>
        %parallel_loop3A_351 = tpu.vector_load_idx %arg5[%parallel_loop3A_81, %parallel_loop3A_350] : memref<512x128xf32, #tpu.memory_space<vmem>>[vector<16xi32>, vector<16xi32>], vector<16xf32>,
        %parallel_loop3A_352 = arith.constant 34 : i32
        %parallel_loop3A_353 = vector.broadcast %parallel_loop3A_352 : i32 to vector<16xi32>
        %parallel_loop3A_354 = arith.addi %parallel_loop3A_87, %parallel_loop3A_353 : vector<16xi32>
        %parallel_loop3A_355 = tpu.vector_load_idx %arg5[%parallel_loop3A_81, %parallel_loop3A_354] : memref<512x128xf32, #tpu.memory_space<vmem>>[vector<16xi32>, vector<16xi32>], vector<16xf32>,
        %parallel_loop3A_356 = arith.constant 35 : i32
        %parallel_loop3A_357 = vector.broadcast %parallel_loop3A_356 : i32 to vector<16xi32>
        %parallel_loop3A_358 = arith.addi %parallel_loop3A_87, %parallel_loop3A_357 : vector<16xi32>
        %parallel_loop3A_359 = tpu.vector_load_idx %arg5[%parallel_loop3A_81, %parallel_loop3A_358] : memref<512x128xf32, #tpu.memory_space<vmem>>[vector<16xi32>, vector<16xi32>], vector<16xf32>,
        %parallel_loop3A_360 = arith.constant 32 : i32
        %parallel_loop3A_361 = arith.index_cast %parallel_loop3A_360 : i32 to index
        %parallel_loop3A_362 = arith.index_cast %parallel_loop3A_67 : i32 to index
        %parallel_loop3A_363 = tpu.vector_load %arg7[%parallel_loop3A_361, %parallel_loop3A_362] {strides = array<i32>} : memref<64x128xf32, #tpu.memory_space<vmem>>, vector<16xf32>,
        tpu.vector_store %arg7[%parallel_loop3A_361, %parallel_loop3A_362], %parallel_loop3A_347 {strides = array<i32>} : memref<64x128xf32, #tpu.memory_space<vmem>>, vector<16xf32>,
        %parallel_loop3A_364 = arith.constant 33 : i32
        %parallel_loop3A_365 = arith.index_cast %parallel_loop3A_364 : i32 to index
        %parallel_loop3A_366 = arith.index_cast %parallel_loop3A_67 : i32 to index
        %parallel_loop3A_367 = tpu.vector_load %arg7[%parallel_loop3A_365, %parallel_loop3A_366] {strides = array<i32>} : memref<64x128xf32, #tpu.memory_space<vmem>>, vector<16xf32>,
        tpu.vector_store %arg7[%parallel_loop3A_365, %parallel_loop3A_366], %parallel_loop3A_351 {strides = array<i32>} : memref<64x128xf32, #tpu.memory_space<vmem>>, vector<16xf32>,
        %parallel_loop3A_368 = arith.constant 34 : i32
        %parallel_loop3A_369 = arith.index_cast %parallel_loop3A_368 : i32 to index
        %parallel_loop3A_370 = arith.index_cast %parallel_loop3A_67 : i32 to index
        %parallel_loop3A_371 = tpu.vector_load %arg7[%parallel_loop3A_369, %parallel_loop3A_370] {strides = array<i32>} : memref<64x128xf32, #tpu.memory_space<vmem>>, vector<16xf32>,
        tpu.vector_store %arg7[%parallel_loop3A_369, %parallel_loop3A_370], %parallel_loop3A_355 {strides = array<i32>} : memref<64x128xf32, #tpu.memory_space<vmem>>, vector<16xf32>,
        %parallel_loop3A_372 = arith.constant 35 : i32
        %parallel_loop3A_373 = arith.index_cast %parallel_loop3A_372 : i32 to index
        %parallel_loop3A_374 = arith.index_cast %parallel_loop3A_67 : i32 to index
        %parallel_loop3A_375 = tpu.vector_load %arg7[%parallel_loop3A_373, %parallel_loop3A_374] {strides = array<i32>} : memref<64x128xf32, #tpu.memory_space<vmem>>, vector<16xf32>,
        tpu.vector_store %arg7[%parallel_loop3A_373, %parallel_loop3A_374], %parallel_loop3A_359 {strides = array<i32>} : memref<64x128xf32, #tpu.memory_space<vmem>>, vector<16xf32>,
        %parallel_loop3A_376 = arith.constant 36 : i32
        %parallel_loop3A_377 = vector.broadcast %parallel_loop3A_376 : i32 to vector<16xi32>
        %parallel_loop3A_378 = arith.addi %parallel_loop3A_87, %parallel_loop3A_377 : vector<16xi32>
        %parallel_loop3A_379 = tpu.vector_load_idx %arg5[%parallel_loop3A_81, %parallel_loop3A_378] : memref<512x128xf32, #tpu.memory_space<vmem>>[vector<16xi32>, vector<16xi32>], vector<16xf32>,
        %parallel_loop3A_380 = arith.constant 37 : i32
        %parallel_loop3A_381 = vector.broadcast %parallel_loop3A_380 : i32 to vector<16xi32>
        %parallel_loop3A_382 = arith.addi %parallel_loop3A_87, %parallel_loop3A_381 : vector<16xi32>
        %parallel_loop3A_383 = tpu.vector_load_idx %arg5[%parallel_loop3A_81, %parallel_loop3A_382] : memref<512x128xf32, #tpu.memory_space<vmem>>[vector<16xi32>, vector<16xi32>], vector<16xf32>,
        %parallel_loop3A_384 = arith.constant 38 : i32
        %parallel_loop3A_385 = vector.broadcast %parallel_loop3A_384 : i32 to vector<16xi32>
        %parallel_loop3A_386 = arith.addi %parallel_loop3A_87, %parallel_loop3A_385 : vector<16xi32>
        %parallel_loop3A_387 = tpu.vector_load_idx %arg5[%parallel_loop3A_81, %parallel_loop3A_386] : memref<512x128xf32, #tpu.memory_space<vmem>>[vector<16xi32>, vector<16xi32>], vector<16xf32>,
        %parallel_loop3A_388 = arith.constant 39 : i32
        %parallel_loop3A_389 = vector.broadcast %parallel_loop3A_388 : i32 to vector<16xi32>
        %parallel_loop3A_390 = arith.addi %parallel_loop3A_87, %parallel_loop3A_389 : vector<16xi32>
        %parallel_loop3A_391 = tpu.vector_load_idx %arg5[%parallel_loop3A_81, %parallel_loop3A_390] : memref<512x128xf32, #tpu.memory_space<vmem>>[vector<16xi32>, vector<16xi32>], vector<16xf32>,
        %parallel_loop3A_392 = arith.constant 36 : i32
        %parallel_loop3A_393 = arith.index_cast %parallel_loop3A_392 : i32 to index
        %parallel_loop3A_394 = arith.index_cast %parallel_loop3A_67 : i32 to index
        %parallel_loop3A_395 = tpu.vector_load %arg7[%parallel_loop3A_393, %parallel_loop3A_394] {strides = array<i32>} : memref<64x128xf32, #tpu.memory_space<vmem>>, vector<16xf32>,
        tpu.vector_store %arg7[%parallel_loop3A_393, %parallel_loop3A_394], %parallel_loop3A_379 {strides = array<i32>} : memref<64x128xf32, #tpu.memory_space<vmem>>, vector<16xf32>,
        %parallel_loop3A_396 = arith.constant 37 : i32
        %parallel_loop3A_397 = arith.index_cast %parallel_loop3A_396 : i32 to index
        %parallel_loop3A_398 = arith.index_cast %parallel_loop3A_67 : i32 to index
        %parallel_loop3A_399 = tpu.vector_load %arg7[%parallel_loop3A_397, %parallel_loop3A_398] {strides = array<i32>} : memref<64x128xf32, #tpu.memory_space<vmem>>, vector<16xf32>,
        tpu.vector_store %arg7[%parallel_loop3A_397, %parallel_loop3A_398], %parallel_loop3A_383 {strides = array<i32>} : memref<64x128xf32, #tpu.memory_space<vmem>>, vector<16xf32>,
        %parallel_loop3A_400 = arith.constant 38 : i32
        %parallel_loop3A_401 = arith.index_cast %parallel_loop3A_400 : i32 to index
        %parallel_loop3A_402 = arith.index_cast %parallel_loop3A_67 : i32 to index
        %parallel_loop3A_403 = tpu.vector_load %arg7[%parallel_loop3A_401, %parallel_loop3A_402] {strides = array<i32>} : memref<64x128xf32, #tpu.memory_space<vmem>>, vector<16xf32>,
        tpu.vector_store %arg7[%parallel_loop3A_401, %parallel_loop3A_402], %parallel_loop3A_387 {strides = array<i32>} : memref<64x128xf32, #tpu.memory_space<vmem>>, vector<16xf32>,
        %parallel_loop3A_404 = arith.constant 39 : i32
        %parallel_loop3A_405 = arith.index_cast %parallel_loop3A_404 : i32 to index
        %parallel_loop3A_406 = arith.index_cast %parallel_loop3A_67 : i32 to index
        %parallel_loop3A_407 = tpu.vector_load %arg7[%parallel_loop3A_405, %parallel_loop3A_406] {strides = array<i32>} : memref<64x128xf32, #tpu.memory_space<vmem>>, vector<16xf32>,
        tpu.vector_store %arg7[%parallel_loop3A_405, %parallel_loop3A_406], %parallel_loop3A_391 {strides = array<i32>} : memref<64x128xf32, #tpu.memory_space<vmem>>, vector<16xf32>,
        %parallel_loop3A_408 = arith.constant 40 : i32
        %parallel_loop3A_409 = vector.broadcast %parallel_loop3A_408 : i32 to vector<16xi32>
        %parallel_loop3A_410 = arith.addi %parallel_loop3A_87, %parallel_loop3A_409 : vector<16xi32>
        %parallel_loop3A_411 = tpu.vector_load_idx %arg5[%parallel_loop3A_81, %parallel_loop3A_410] : memref<512x128xf32, #tpu.memory_space<vmem>>[vector<16xi32>, vector<16xi32>], vector<16xf32>,
        %parallel_loop3A_412 = arith.constant 41 : i32
        %parallel_loop3A_413 = vector.broadcast %parallel_loop3A_412 : i32 to vector<16xi32>
        %parallel_loop3A_414 = arith.addi %parallel_loop3A_87, %parallel_loop3A_413 : vector<16xi32>
        %parallel_loop3A_415 = tpu.vector_load_idx %arg5[%parallel_loop3A_81, %parallel_loop3A_414] : memref<512x128xf32, #tpu.memory_space<vmem>>[vector<16xi32>, vector<16xi32>], vector<16xf32>,
        %parallel_loop3A_416 = arith.constant 42 : i32
        %parallel_loop3A_417 = vector.broadcast %parallel_loop3A_416 : i32 to vector<16xi32>
        %parallel_loop3A_418 = arith.addi %parallel_loop3A_87, %parallel_loop3A_417 : vector<16xi32>
        %parallel_loop3A_419 = tpu.vector_load_idx %arg5[%parallel_loop3A_81, %parallel_loop3A_418] : memref<512x128xf32, #tpu.memory_space<vmem>>[vector<16xi32>, vector<16xi32>], vector<16xf32>,
        %parallel_loop3A_420 = arith.constant 43 : i32
        %parallel_loop3A_421 = vector.broadcast %parallel_loop3A_420 : i32 to vector<16xi32>
        %parallel_loop3A_422 = arith.addi %parallel_loop3A_87, %parallel_loop3A_421 : vector<16xi32>
        %parallel_loop3A_423 = tpu.vector_load_idx %arg5[%parallel_loop3A_81, %parallel_loop3A_422] : memref<512x128xf32, #tpu.memory_space<vmem>>[vector<16xi32>, vector<16xi32>], vector<16xf32>,
        %parallel_loop3A_424 = arith.constant 40 : i32
        %parallel_loop3A_425 = arith.index_cast %parallel_loop3A_424 : i32 to index
        %parallel_loop3A_426 = arith.index_cast %parallel_loop3A_67 : i32 to index
        %parallel_loop3A_427 = tpu.vector_load %arg7[%parallel_loop3A_425, %parallel_loop3A_426] {strides = array<i32>} : memref<64x128xf32, #tpu.memory_space<vmem>>, vector<16xf32>,
        tpu.vector_store %arg7[%parallel_loop3A_425, %parallel_loop3A_426], %parallel_loop3A_411 {strides = array<i32>} : memref<64x128xf32, #tpu.memory_space<vmem>>, vector<16xf32>,
        %parallel_loop3A_428 = arith.constant 41 : i32
        %parallel_loop3A_429 = arith.index_cast %parallel_loop3A_428 : i32 to index
        %parallel_loop3A_430 = arith.index_cast %parallel_loop3A_67 : i32 to index
        %parallel_loop3A_431 = tpu.vector_load %arg7[%parallel_loop3A_429, %parallel_loop3A_430] {strides = array<i32>} : memref<64x128xf32, #tpu.memory_space<vmem>>, vector<16xf32>,
        tpu.vector_store %arg7[%parallel_loop3A_429, %parallel_loop3A_430], %parallel_loop3A_415 {strides = array<i32>} : memref<64x128xf32, #tpu.memory_space<vmem>>, vector<16xf32>,
        %parallel_loop3A_432 = arith.constant 42 : i32
        %parallel_loop3A_433 = arith.index_cast %parallel_loop3A_432 : i32 to index
        %parallel_loop3A_434 = arith.index_cast %parallel_loop3A_67 : i32 to index
        %parallel_loop3A_435 = tpu.vector_load %arg7[%parallel_loop3A_433, %parallel_loop3A_434] {strides = array<i32>} : memref<64x128xf32, #tpu.memory_space<vmem>>, vector<16xf32>,
        tpu.vector_store %arg7[%parallel_loop3A_433, %parallel_loop3A_434], %parallel_loop3A_419 {strides = array<i32>} : memref<64x128xf32, #tpu.memory_space<vmem>>, vector<16xf32>,
        %parallel_loop3A_436 = arith.constant 43 : i32
        %parallel_loop3A_437 = arith.index_cast %parallel_loop3A_436 : i32 to index
        %parallel_loop3A_438 = arith.index_cast %parallel_loop3A_67 : i32 to index
        %parallel_loop3A_439 = tpu.vector_load %arg7[%parallel_loop3A_437, %parallel_loop3A_438] {strides = array<i32>} : memref<64x128xf32, #tpu.memory_space<vmem>>, vector<16xf32>,
        tpu.vector_store %arg7[%parallel_loop3A_437, %parallel_loop3A_438], %parallel_loop3A_423 {strides = array<i32>} : memref<64x128xf32, #tpu.memory_space<vmem>>, vector<16xf32>,
        %parallel_loop3A_440 = arith.constant 44 : i32
        %parallel_loop3A_441 = vector.broadcast %parallel_loop3A_440 : i32 to vector<16xi32>
        %parallel_loop3A_442 = arith.addi %parallel_loop3A_87, %parallel_loop3A_441 : vector<16xi32>
        %parallel_loop3A_443 = tpu.vector_load_idx %arg5[%parallel_loop3A_81, %parallel_loop3A_442] : memref<512x128xf32, #tpu.memory_space<vmem>>[vector<16xi32>, vector<16xi32>], vector<16xf32>,
        %parallel_loop3A_444 = arith.constant 45 : i32
        %parallel_loop3A_445 = vector.broadcast %parallel_loop3A_444 : i32 to vector<16xi32>
        %parallel_loop3A_446 = arith.addi %parallel_loop3A_87, %parallel_loop3A_445 : vector<16xi32>
        %parallel_loop3A_447 = tpu.vector_load_idx %arg5[%parallel_loop3A_81, %parallel_loop3A_446] : memref<512x128xf32, #tpu.memory_space<vmem>>[vector<16xi32>, vector<16xi32>], vector<16xf32>,
        %parallel_loop3A_448 = arith.constant 46 : i32
        %parallel_loop3A_449 = vector.broadcast %parallel_loop3A_448 : i32 to vector<16xi32>
        %parallel_loop3A_450 = arith.addi %parallel_loop3A_87, %parallel_loop3A_449 : vector<16xi32>
        %parallel_loop3A_451 = tpu.vector_load_idx %arg5[%parallel_loop3A_81, %parallel_loop3A_450] : memref<512x128xf32, #tpu.memory_space<vmem>>[vector<16xi32>, vector<16xi32>], vector<16xf32>,
        %parallel_loop3A_452 = arith.constant 47 : i32
        %parallel_loop3A_453 = vector.broadcast %parallel_loop3A_452 : i32 to vector<16xi32>
        %parallel_loop3A_454 = arith.addi %parallel_loop3A_87, %parallel_loop3A_453 : vector<16xi32>
        %parallel_loop3A_455 = tpu.vector_load_idx %arg5[%parallel_loop3A_81, %parallel_loop3A_454] : memref<512x128xf32, #tpu.memory_space<vmem>>[vector<16xi32>, vector<16xi32>], vector<16xf32>,
        %parallel_loop3A_456 = arith.constant 44 : i32
        %parallel_loop3A_457 = arith.index_cast %parallel_loop3A_456 : i32 to index
        %parallel_loop3A_458 = arith.index_cast %parallel_loop3A_67 : i32 to index
        %parallel_loop3A_459 = tpu.vector_load %arg7[%parallel_loop3A_457, %parallel_loop3A_458] {strides = array<i32>} : memref<64x128xf32, #tpu.memory_space<vmem>>, vector<16xf32>,
        tpu.vector_store %arg7[%parallel_loop3A_457, %parallel_loop3A_458], %parallel_loop3A_443 {strides = array<i32>} : memref<64x128xf32, #tpu.memory_space<vmem>>, vector<16xf32>,
        %parallel_loop3A_460 = arith.constant 45 : i32
        %parallel_loop3A_461 = arith.index_cast %parallel_loop3A_460 : i32 to index
        %parallel_loop3A_462 = arith.index_cast %parallel_loop3A_67 : i32 to index
        %parallel_loop3A_463 = tpu.vector_load %arg7[%parallel_loop3A_461, %parallel_loop3A_462] {strides = array<i32>} : memref<64x128xf32, #tpu.memory_space<vmem>>, vector<16xf32>,
        tpu.vector_store %arg7[%parallel_loop3A_461, %parallel_loop3A_462], %parallel_loop3A_447 {strides = array<i32>} : memref<64x128xf32, #tpu.memory_space<vmem>>, vector<16xf32>,
        %parallel_loop3A_464 = arith.constant 46 : i32
        %parallel_loop3A_465 = arith.index_cast %parallel_loop3A_464 : i32 to index
        %parallel_loop3A_466 = arith.index_cast %parallel_loop3A_67 : i32 to index
        %parallel_loop3A_467 = tpu.vector_load %arg7[%parallel_loop3A_465, %parallel_loop3A_466] {strides = array<i32>} : memref<64x128xf32, #tpu.memory_space<vmem>>, vector<16xf32>,
        tpu.vector_store %arg7[%parallel_loop3A_465, %parallel_loop3A_466], %parallel_loop3A_451 {strides = array<i32>} : memref<64x128xf32, #tpu.memory_space<vmem>>, vector<16xf32>,
        %parallel_loop3A_468 = arith.constant 47 : i32
        %parallel_loop3A_469 = arith.index_cast %parallel_loop3A_468 : i32 to index
        %parallel_loop3A_470 = arith.index_cast %parallel_loop3A_67 : i32 to index
        %parallel_loop3A_471 = tpu.vector_load %arg7[%parallel_loop3A_469, %parallel_loop3A_470] {strides = array<i32>} : memref<64x128xf32, #tpu.memory_space<vmem>>, vector<16xf32>,
        tpu.vector_store %arg7[%parallel_loop3A_469, %parallel_loop3A_470], %parallel_loop3A_455 {strides = array<i32>} : memref<64x128xf32, #tpu.memory_space<vmem>>, vector<16xf32>,
        %parallel_loop3A_472 = arith.constant 48 : i32
        %parallel_loop3A_473 = vector.broadcast %parallel_loop3A_472 : i32 to vector<16xi32>
        %parallel_loop3A_474 = arith.addi %parallel_loop3A_87, %parallel_loop3A_473 : vector<16xi32>
        %parallel_loop3A_475 = tpu.vector_load_idx %arg5[%parallel_loop3A_81, %parallel_loop3A_474] : memref<512x128xf32, #tpu.memory_space<vmem>>[vector<16xi32>, vector<16xi32>], vector<16xf32>,
        %parallel_loop3A_476 = arith.constant 49 : i32
        %parallel_loop3A_477 = vector.broadcast %parallel_loop3A_476 : i32 to vector<16xi32>
        %parallel_loop3A_478 = arith.addi %parallel_loop3A_87, %parallel_loop3A_477 : vector<16xi32>
        %parallel_loop3A_479 = tpu.vector_load_idx %arg5[%parallel_loop3A_81, %parallel_loop3A_478] : memref<512x128xf32, #tpu.memory_space<vmem>>[vector<16xi32>, vector<16xi32>], vector<16xf32>,
        %parallel_loop3A_480 = arith.constant 50 : i32
        %parallel_loop3A_481 = vector.broadcast %parallel_loop3A_480 : i32 to vector<16xi32>
        %parallel_loop3A_482 = arith.addi %parallel_loop3A_87, %parallel_loop3A_481 : vector<16xi32>
        %parallel_loop3A_483 = tpu.vector_load_idx %arg5[%parallel_loop3A_81, %parallel_loop3A_482] : memref<512x128xf32, #tpu.memory_space<vmem>>[vector<16xi32>, vector<16xi32>], vector<16xf32>,
        %parallel_loop3A_484 = arith.constant 51 : i32
        %parallel_loop3A_485 = vector.broadcast %parallel_loop3A_484 : i32 to vector<16xi32>
        %parallel_loop3A_486 = arith.addi %parallel_loop3A_87, %parallel_loop3A_485 : vector<16xi32>
        %parallel_loop3A_487 = tpu.vector_load_idx %arg5[%parallel_loop3A_81, %parallel_loop3A_486] : memref<512x128xf32, #tpu.memory_space<vmem>>[vector<16xi32>, vector<16xi32>], vector<16xf32>,
        %parallel_loop3A_488 = arith.constant 48 : i32
        %parallel_loop3A_489 = arith.index_cast %parallel_loop3A_488 : i32 to index
        %parallel_loop3A_490 = arith.index_cast %parallel_loop3A_67 : i32 to index
        %parallel_loop3A_491 = tpu.vector_load %arg7[%parallel_loop3A_489, %parallel_loop3A_490] {strides = array<i32>} : memref<64x128xf32, #tpu.memory_space<vmem>>, vector<16xf32>,
        tpu.vector_store %arg7[%parallel_loop3A_489, %parallel_loop3A_490], %parallel_loop3A_475 {strides = array<i32>} : memref<64x128xf32, #tpu.memory_space<vmem>>, vector<16xf32>,
        %parallel_loop3A_492 = arith.constant 49 : i32
        %parallel_loop3A_493 = arith.index_cast %parallel_loop3A_492 : i32 to index
        %parallel_loop3A_494 = arith.index_cast %parallel_loop3A_67 : i32 to index
        %parallel_loop3A_495 = tpu.vector_load %arg7[%parallel_loop3A_493, %parallel_loop3A_494] {strides = array<i32>} : memref<64x128xf32, #tpu.memory_space<vmem>>, vector<16xf32>,
        tpu.vector_store %arg7[%parallel_loop3A_493, %parallel_loop3A_494], %parallel_loop3A_479 {strides = array<i32>} : memref<64x128xf32, #tpu.memory_space<vmem>>, vector<16xf32>,
        %parallel_loop3A_496 = arith.constant 50 : i32
        %parallel_loop3A_497 = arith.index_cast %parallel_loop3A_496 : i32 to index
        %parallel_loop3A_498 = arith.index_cast %parallel_loop3A_67 : i32 to index
        %parallel_loop3A_499 = tpu.vector_load %arg7[%parallel_loop3A_497, %parallel_loop3A_498] {strides = array<i32>} : memref<64x128xf32, #tpu.memory_space<vmem>>, vector<16xf32>,
        tpu.vector_store %arg7[%parallel_loop3A_497, %parallel_loop3A_498], %parallel_loop3A_483 {strides = array<i32>} : memref<64x128xf32, #tpu.memory_space<vmem>>, vector<16xf32>,
        %parallel_loop3A_500 = arith.constant 51 : i32
        %parallel_loop3A_501 = arith.index_cast %parallel_loop3A_500 : i32 to index
        %parallel_loop3A_502 = arith.index_cast %parallel_loop3A_67 : i32 to index
        %parallel_loop3A_503 = tpu.vector_load %arg7[%parallel_loop3A_501, %parallel_loop3A_502] {strides = array<i32>} : memref<64x128xf32, #tpu.memory_space<vmem>>, vector<16xf32>,
        tpu.vector_store %arg7[%parallel_loop3A_501, %parallel_loop3A_502], %parallel_loop3A_487 {strides = array<i32>} : memref<64x128xf32, #tpu.memory_space<vmem>>, vector<16xf32>,
        %parallel_loop3A_504 = arith.constant 52 : i32
        %parallel_loop3A_505 = vector.broadcast %parallel_loop3A_504 : i32 to vector<16xi32>
        %parallel_loop3A_506 = arith.addi %parallel_loop3A_87, %parallel_loop3A_505 : vector<16xi32>
        %parallel_loop3A_507 = tpu.vector_load_idx %arg5[%parallel_loop3A_81, %parallel_loop3A_506] : memref<512x128xf32, #tpu.memory_space<vmem>>[vector<16xi32>, vector<16xi32>], vector<16xf32>,
        %parallel_loop3A_508 = arith.constant 53 : i32
        %parallel_loop3A_509 = vector.broadcast %parallel_loop3A_508 : i32 to vector<16xi32>
        %parallel_loop3A_510 = arith.addi %parallel_loop3A_87, %parallel_loop3A_509 : vector<16xi32>
        %parallel_loop3A_511 = tpu.vector_load_idx %arg5[%parallel_loop3A_81, %parallel_loop3A_510] : memref<512x128xf32, #tpu.memory_space<vmem>>[vector<16xi32>, vector<16xi32>], vector<16xf32>,
        %parallel_loop3A_512 = arith.constant 54 : i32
        %parallel_loop3A_513 = vector.broadcast %parallel_loop3A_512 : i32 to vector<16xi32>
        %parallel_loop3A_514 = arith.addi %parallel_loop3A_87, %parallel_loop3A_513 : vector<16xi32>
        %parallel_loop3A_515 = tpu.vector_load_idx %arg5[%parallel_loop3A_81, %parallel_loop3A_514] : memref<512x128xf32, #tpu.memory_space<vmem>>[vector<16xi32>, vector<16xi32>], vector<16xf32>,
        %parallel_loop3A_516 = arith.constant 55 : i32
        %parallel_loop3A_517 = vector.broadcast %parallel_loop3A_516 : i32 to vector<16xi32>
        %parallel_loop3A_518 = arith.addi %parallel_loop3A_87, %parallel_loop3A_517 : vector<16xi32>
        %parallel_loop3A_519 = tpu.vector_load_idx %arg5[%parallel_loop3A_81, %parallel_loop3A_518] : memref<512x128xf32, #tpu.memory_space<vmem>>[vector<16xi32>, vector<16xi32>], vector<16xf32>,
        %parallel_loop3A_520 = arith.constant 52 : i32
        %parallel_loop3A_521 = arith.index_cast %parallel_loop3A_520 : i32 to index
        %parallel_loop3A_522 = arith.index_cast %parallel_loop3A_67 : i32 to index
        %parallel_loop3A_523 = tpu.vector_load %arg7[%parallel_loop3A_521, %parallel_loop3A_522] {strides = array<i32>} : memref<64x128xf32, #tpu.memory_space<vmem>>, vector<16xf32>,
        tpu.vector_store %arg7[%parallel_loop3A_521, %parallel_loop3A_522], %parallel_loop3A_507 {strides = array<i32>} : memref<64x128xf32, #tpu.memory_space<vmem>>, vector<16xf32>,
        %parallel_loop3A_524 = arith.constant 53 : i32
        %parallel_loop3A_525 = arith.index_cast %parallel_loop3A_524 : i32 to index
        %parallel_loop3A_526 = arith.index_cast %parallel_loop3A_67 : i32 to index
        %parallel_loop3A_527 = tpu.vector_load %arg7[%parallel_loop3A_525, %parallel_loop3A_526] {strides = array<i32>} : memref<64x128xf32, #tpu.memory_space<vmem>>, vector<16xf32>,
        tpu.vector_store %arg7[%parallel_loop3A_525, %parallel_loop3A_526], %parallel_loop3A_511 {strides = array<i32>} : memref<64x128xf32, #tpu.memory_space<vmem>>, vector<16xf32>,
        %parallel_loop3A_528 = arith.constant 54 : i32
        %parallel_loop3A_529 = arith.index_cast %parallel_loop3A_528 : i32 to index
        %parallel_loop3A_530 = arith.index_cast %parallel_loop3A_67 : i32 to index
        %parallel_loop3A_531 = tpu.vector_load %arg7[%parallel_loop3A_529, %parallel_loop3A_530] {strides = array<i32>} : memref<64x128xf32, #tpu.memory_space<vmem>>, vector<16xf32>,
        tpu.vector_store %arg7[%parallel_loop3A_529, %parallel_loop3A_530], %parallel_loop3A_515 {strides = array<i32>} : memref<64x128xf32, #tpu.memory_space<vmem>>, vector<16xf32>,
        %parallel_loop3A_532 = arith.constant 55 : i32
        %parallel_loop3A_533 = arith.index_cast %parallel_loop3A_532 : i32 to index
        %parallel_loop3A_534 = arith.index_cast %parallel_loop3A_67 : i32 to index
        %parallel_loop3A_535 = tpu.vector_load %arg7[%parallel_loop3A_533, %parallel_loop3A_534] {strides = array<i32>} : memref<64x128xf32, #tpu.memory_space<vmem>>, vector<16xf32>,
        tpu.vector_store %arg7[%parallel_loop3A_533, %parallel_loop3A_534], %parallel_loop3A_519 {strides = array<i32>} : memref<64x128xf32, #tpu.memory_space<vmem>>, vector<16xf32>,
        %parallel_loop3A_536 = arith.constant 56 : i32
        %parallel_loop3A_537 = vector.broadcast %parallel_loop3A_536 : i32 to vector<16xi32>
        %parallel_loop3A_538 = arith.addi %parallel_loop3A_87, %parallel_loop3A_537 : vector<16xi32>
        %parallel_loop3A_539 = tpu.vector_load_idx %arg5[%parallel_loop3A_81, %parallel_loop3A_538] : memref<512x128xf32, #tpu.memory_space<vmem>>[vector<16xi32>, vector<16xi32>], vector<16xf32>,
        %parallel_loop3A_540 = arith.constant 57 : i32
        %parallel_loop3A_541 = vector.broadcast %parallel_loop3A_540 : i32 to vector<16xi32>
        %parallel_loop3A_542 = arith.addi %parallel_loop3A_87, %parallel_loop3A_541 : vector<16xi32>
        %parallel_loop3A_543 = tpu.vector_load_idx %arg5[%parallel_loop3A_81, %parallel_loop3A_542] : memref<512x128xf32, #tpu.memory_space<vmem>>[vector<16xi32>, vector<16xi32>], vector<16xf32>,
        %parallel_loop3A_544 = arith.constant 58 : i32
        %parallel_loop3A_545 = vector.broadcast %parallel_loop3A_544 : i32 to vector<16xi32>
        %parallel_loop3A_546 = arith.addi %parallel_loop3A_87, %parallel_loop3A_545 : vector<16xi32>
        %parallel_loop3A_547 = tpu.vector_load_idx %arg5[%parallel_loop3A_81, %parallel_loop3A_546] : memref<512x128xf32, #tpu.memory_space<vmem>>[vector<16xi32>, vector<16xi32>], vector<16xf32>,
        %parallel_loop3A_548 = arith.constant 59 : i32
        %parallel_loop3A_549 = vector.broadcast %parallel_loop3A_548 : i32 to vector<16xi32>
        %parallel_loop3A_550 = arith.addi %parallel_loop3A_87, %parallel_loop3A_549 : vector<16xi32>
        %parallel_loop3A_551 = tpu.vector_load_idx %arg5[%parallel_loop3A_81, %parallel_loop3A_550] : memref<512x128xf32, #tpu.memory_space<vmem>>[vector<16xi32>, vector<16xi32>], vector<16xf32>,
        %parallel_loop3A_552 = arith.constant 56 : i32
        %parallel_loop3A_553 = arith.index_cast %parallel_loop3A_552 : i32 to index
        %parallel_loop3A_554 = arith.index_cast %parallel_loop3A_67 : i32 to index
        %parallel_loop3A_555 = tpu.vector_load %arg7[%parallel_loop3A_553, %parallel_loop3A_554] {strides = array<i32>} : memref<64x128xf32, #tpu.memory_space<vmem>>, vector<16xf32>,
        tpu.vector_store %arg7[%parallel_loop3A_553, %parallel_loop3A_554], %parallel_loop3A_539 {strides = array<i32>} : memref<64x128xf32, #tpu.memory_space<vmem>>, vector<16xf32>,
        %parallel_loop3A_556 = arith.constant 57 : i32
        %parallel_loop3A_557 = arith.index_cast %parallel_loop3A_556 : i32 to index
        %parallel_loop3A_558 = arith.index_cast %parallel_loop3A_67 : i32 to index
        %parallel_loop3A_559 = tpu.vector_load %arg7[%parallel_loop3A_557, %parallel_loop3A_558] {strides = array<i32>} : memref<64x128xf32, #tpu.memory_space<vmem>>, vector<16xf32>,
        tpu.vector_store %arg7[%parallel_loop3A_557, %parallel_loop3A_558], %parallel_loop3A_543 {strides = array<i32>} : memref<64x128xf32, #tpu.memory_space<vmem>>, vector<16xf32>,
        %parallel_loop3A_560 = arith.constant 58 : i32
        %parallel_loop3A_561 = arith.index_cast %parallel_loop3A_560 : i32 to index
        %parallel_loop3A_562 = arith.index_cast %parallel_loop3A_67 : i32 to index
        %parallel_loop3A_563 = tpu.vector_load %arg7[%parallel_loop3A_561, %parallel_loop3A_562] {strides = array<i32>} : memref<64x128xf32, #tpu.memory_space<vmem>>, vector<16xf32>,
        tpu.vector_store %arg7[%parallel_loop3A_561, %parallel_loop3A_562], %parallel_loop3A_547 {strides = array<i32>} : memref<64x128xf32, #tpu.memory_space<vmem>>, vector<16xf32>,
        %parallel_loop3A_564 = arith.constant 59 : i32
        %parallel_loop3A_565 = arith.index_cast %parallel_loop3A_564 : i32 to index
        %parallel_loop3A_566 = arith.index_cast %parallel_loop3A_67 : i32 to index
        %parallel_loop3A_567 = tpu.vector_load %arg7[%parallel_loop3A_565, %parallel_loop3A_566] {strides = array<i32>} : memref<64x128xf32, #tpu.memory_space<vmem>>, vector<16xf32>,
        tpu.vector_store %arg7[%parallel_loop3A_565, %parallel_loop3A_566], %parallel_loop3A_551 {strides = array<i32>} : memref<64x128xf32, #tpu.memory_space<vmem>>, vector<16xf32>,
        %parallel_loop3A_568 = arith.constant 60 : i32
        %parallel_loop3A_569 = vector.broadcast %parallel_loop3A_568 : i32 to vector<16xi32>
        %parallel_loop3A_570 = arith.addi %parallel_loop3A_87, %parallel_loop3A_569 : vector<16xi32>
        %parallel_loop3A_571 = tpu.vector_load_idx %arg5[%parallel_loop3A_81, %parallel_loop3A_570] : memref<512x128xf32, #tpu.memory_space<vmem>>[vector<16xi32>, vector<16xi32>], vector<16xf32>,
        %parallel_loop3A_572 = arith.constant 61 : i32
        %parallel_loop3A_573 = vector.broadcast %parallel_loop3A_572 : i32 to vector<16xi32>
        %parallel_loop3A_574 = arith.addi %parallel_loop3A_87, %parallel_loop3A_573 : vector<16xi32>
        %parallel_loop3A_575 = tpu.vector_load_idx %arg5[%parallel_loop3A_81, %parallel_loop3A_574] : memref<512x128xf32, #tpu.memory_space<vmem>>[vector<16xi32>, vector<16xi32>], vector<16xf32>,
        %parallel_loop3A_576 = arith.constant 62 : i32
        %parallel_loop3A_577 = vector.broadcast %parallel_loop3A_576 : i32 to vector<16xi32>
        %parallel_loop3A_578 = arith.addi %parallel_loop3A_87, %parallel_loop3A_577 : vector<16xi32>
        %parallel_loop3A_579 = tpu.vector_load_idx %arg5[%parallel_loop3A_81, %parallel_loop3A_578] : memref<512x128xf32, #tpu.memory_space<vmem>>[vector<16xi32>, vector<16xi32>], vector<16xf32>,
        %parallel_loop3A_580 = arith.constant 63 : i32
        %parallel_loop3A_581 = vector.broadcast %parallel_loop3A_580 : i32 to vector<16xi32>
        %parallel_loop3A_582 = arith.addi %parallel_loop3A_87, %parallel_loop3A_581 : vector<16xi32>
        %parallel_loop3A_583 = tpu.vector_load_idx %arg5[%parallel_loop3A_81, %parallel_loop3A_582] : memref<512x128xf32, #tpu.memory_space<vmem>>[vector<16xi32>, vector<16xi32>], vector<16xf32>,
        %parallel_loop3A_584 = arith.constant 60 : i32
        %parallel_loop3A_585 = arith.index_cast %parallel_loop3A_584 : i32 to index
        %parallel_loop3A_586 = arith.index_cast %parallel_loop3A_67 : i32 to index
        %parallel_loop3A_587 = tpu.vector_load %arg7[%parallel_loop3A_585, %parallel_loop3A_586] {strides = array<i32>} : memref<64x128xf32, #tpu.memory_space<vmem>>, vector<16xf32>,
        tpu.vector_store %arg7[%parallel_loop3A_585, %parallel_loop3A_586], %parallel_loop3A_571 {strides = array<i32>} : memref<64x128xf32, #tpu.memory_space<vmem>>, vector<16xf32>,
        %parallel_loop3A_588 = arith.constant 61 : i32
        %parallel_loop3A_589 = arith.index_cast %parallel_loop3A_588 : i32 to index
        %parallel_loop3A_590 = arith.index_cast %parallel_loop3A_67 : i32 to index
        %parallel_loop3A_591 = tpu.vector_load %arg7[%parallel_loop3A_589, %parallel_loop3A_590] {strides = array<i32>} : memref<64x128xf32, #tpu.memory_space<vmem>>, vector<16xf32>,
        tpu.vector_store %arg7[%parallel_loop3A_589, %parallel_loop3A_590], %parallel_loop3A_575 {strides = array<i32>} : memref<64x128xf32, #tpu.memory_space<vmem>>, vector<16xf32>,
        %parallel_loop3A_592 = arith.constant 62 : i32
        %parallel_loop3A_593 = arith.index_cast %parallel_loop3A_592 : i32 to index
        %parallel_loop3A_594 = arith.index_cast %parallel_loop3A_67 : i32 to index
        %parallel_loop3A_595 = tpu.vector_load %arg7[%parallel_loop3A_593, %parallel_loop3A_594] {strides = array<i32>} : memref<64x128xf32, #tpu.memory_space<vmem>>, vector<16xf32>,
        tpu.vector_store %arg7[%parallel_loop3A_593, %parallel_loop3A_594], %parallel_loop3A_579 {strides = array<i32>} : memref<64x128xf32, #tpu.memory_space<vmem>>, vector<16xf32>,
        %parallel_loop3A_596 = arith.constant 63 : i32
        %parallel_loop3A_597 = arith.index_cast %parallel_loop3A_596 : i32 to index
        %parallel_loop3A_598 = arith.index_cast %parallel_loop3A_67 : i32 to index
        %parallel_loop3A_599 = tpu.vector_load %arg7[%parallel_loop3A_597, %parallel_loop3A_598] {strides = array<i32>} : memref<64x128xf32, #tpu.memory_space<vmem>>, vector<16xf32>,
        tpu.vector_store %arg7[%parallel_loop3A_597, %parallel_loop3A_598], %parallel_loop3A_583 {strides = array<i32>} : memref<64x128xf32, #tpu.memory_space<vmem>>, vector<16xf32>,
      } {sc.loop_unroll_factor = 1 : i64, sc.parallel_access}
      %mul3A_60 = arith.constant 128 : i32
      %mul3A_61 = arith.muli %add3A_51, %mul3A_60 : i32
      %add3A_62 = arith.addi %min3A_3, %mul3A_61 : i32
      %dma_start3A_63 = arith.constant 0 : i32
      %dma_start3A_64 = tpu.memref_slice %arg4[%dma_start3A_63, %add3A_62] : memref<64x100000xf32, #tpu.memory_space<hbm>> -> memref<64x128xf32, #tpu.memory_space<hbm>>
      %dma_start3A_65 = arith.constant 0 : i32
      %dma_start3A_66 = tpu.memref_slice %arg4[%dma_start3A_65, %add3A_62] : memref<64x100000xf32, #tpu.memory_space<hbm>> -> memref<64x128xf32, #tpu.memory_space<hbm>>
      tpu.enqueue_dma source(%arg7 : memref<64x128xf32, #tpu.memory_space<vmem>>) target(%dma_start3A_66 : memref<64x128xf32, #tpu.memory_space<hbm>>) target_semaphore(%arg9 : memref<!tpu.dma_semaphore, #tpu.memory_space<semaphore_mem>>)
    }
    %scan3A_15 = arith.constant 12 : i32
    %add3A_16 = arith.constant 2944 : i32
    %add3A_17 = arith.addi %min3A_3, %add3A_16 : i32
    %dma_wait3A = arith.constant 0 : i32
    %dma_wait3A_18 = tpu.memref_slice %arg4[%dma_wait3A, %add3A_17] : memref<64x100000xf32, #tpu.memory_space<hbm>> -> memref<64x128xf32, #tpu.memory_space<hbm>>
    %dma_wait3A_19 = arith.constant 0 : i32
    %dma_wait3A_20 = tpu.memref_slice %arg4[%dma_wait3A_19, %add3A_17] : memref<64x100000xf32, #tpu.memory_space<hbm>> -> memref<64x128xf32, #tpu.memory_space<hbm>>
    tpu.wait_dma2 semaphore(%arg10 : memref<!tpu.dma_semaphore, #tpu.memory_space<semaphore_mem>>) src(%arg8 : memref<64x128xf32, #tpu.memory_space<vmem>>) dst(%dma_wait3A_20 : memref<64x128xf32, #tpu.memory_space<hbm>>)
    %add3A_21 = arith.constant 3072 : i32
    %add3A_22 = arith.addi %min3A_3, %add3A_21 : i32
    %dma_wait3A_23 = arith.constant 0 : i32
    %dma_wait3A_24 = tpu.memref_slice %arg4[%dma_wait3A_23, %add3A_22] : memref<64x100000xf32, #tpu.memory_space<hbm>> -> memref<64x128xf32, #tpu.memory_space<hbm>>
    %dma_wait3A_25 = arith.constant 0 : i32
    %dma_wait3A_26 = tpu.memref_slice %arg4[%dma_wait3A_25, %add3A_22] : memref<64x100000xf32, #tpu.memory_space<hbm>> -> memref<64x128xf32, #tpu.memory_space<hbm>>
    tpu.wait_dma2 semaphore(%arg9 : memref<!tpu.dma_semaphore, #tpu.memory_space<semaphore_mem>>) src(%arg7 : memref<64x128xf32, #tpu.memory_space<vmem>>) dst(%dma_wait3A_26 : memref<64x128xf32, #tpu.memory_space<hbm>>)
    return
  }
}

module attributes {stable_mosaic.version = 14 : i64} {
  func.func @_table_body(%arg0: memref<1024x1xi32, #tpu.memory_space<vmem>>, %arg1: memref<1024x1xf32, #tpu.memory_space<vmem>>, %arg2: memref<100x64xf32, #tpu.memory_space<vmem>>, %arg3: memref<1x64xf32, #tpu.memory_space<vmem>>, %arg4: memref<64x64xf32, #tpu.memory_space<vmem>>, %arg5: memref<128x64xf32, #tpu.memory_space<vmem>>, %arg6: memref<1024x64xf32, #tpu.memory_space<vmem>>) attributes {dimension_semantics = [], scalar_prefetch = 0 : i64, scratch_operands = 0 : i64, tpu.core_type = #tpu.core_type<tc>} {
    %get3A = arith.constant 0 : index
    %get3A_0 = arith.constant 0 : index
    %get3A_1 = vector.load %arg0[%get3A, %get3A_0] : memref<1024x1xi32, #tpu.memory_space<vmem>>, vector<1024x1xi32>
    %iota3A = tpu.iota {dimensions = array<i32: 1>} : vector<1024x100xi32>
    %eq3A = vector.broadcast %get3A_1 : vector<1024x1xi32> to vector<1024x100xi32>
    %eq3A_2 = arith.cmpi eq, %eq3A, %iota3A : vector<1024x100xi32>
    %jit3A = arith.constant 1.000000e+00 : f32
    %jit3A_3 = arith.constant 0.000000e+00 : f32
    %broadcast_in_dim3A = vector.broadcast %jit3A : f32 to vector<1024x100xf32>
    %broadcast_in_dim3A_4 = vector.broadcast %jit3A_3 : f32 to vector<1024x100xf32>
    %select_n3A = arith.select %eq3A_2, %broadcast_in_dim3A, %broadcast_in_dim3A_4 : vector<1024x100xi1>, vector<1024x100xf32>
    %get3A_5 = arith.constant 0 : index
    %get3A_6 = arith.constant 0 : index
    %get3A_7 = vector.load %arg2[%get3A_5, %get3A_6] : memref<100x64xf32, #tpu.memory_space<vmem>>, vector<100x64xf32>
    %dot_general3A = arith.constant dense<0.000000e+00> : vector<1024x64xf32>
    %dot_general3A_8 = tpu.matmul %select_n3A, %get3A_7, %dot_general3A {dimension_numbers = #tpu.dot_dimension_numbers<[1], [0], [0], [1], [0, 0, 1, 1], [], []>, transpose_lhs_hint = false} : vector<1024x100xf32>, vector<100x64xf32>, vector<1024x64xf32> -> vector<1024x64xf32>
    %get3A_9 = arith.constant 0 : index
    %get3A_10 = arith.constant 0 : index
    %get3A_11 = vector.load %arg1[%get3A_9, %get3A_10] : memref<1024x1xf32, #tpu.memory_space<vmem>>, vector<1024x1xf32>
    %get3A_12 = arith.constant 0 : index
    %get3A_13 = arith.constant 0 : index
    %get3A_14 = vector.load %arg3[%get3A_12, %get3A_13] : memref<1x64xf32, #tpu.memory_space<vmem>>, vector<1x64xf32>
    %mul3A = vector.broadcast %get3A_11 : vector<1024x1xf32> to vector<1024x64xf32>
    %mul3A_15 = vector.broadcast %get3A_14 : vector<1x64xf32> to vector<1024x64xf32>
    %mul3A_16 = arith.mulf %mul3A, %mul3A_15 : vector<1024x64xf32>
    %logistic3A = arith.negf %mul3A_16 : vector<1024x64xf32>
    %logistic3A_17 = math.exp %logistic3A : vector<1024x64xf32>
    %logistic3A_18 = arith.constant 1.000000e+00 : f32
    %logistic3A_19 = vector.broadcast %logistic3A_18 : f32 to vector<1024x64xf32>
    %logistic3A_20 = arith.addf %logistic3A_19, %logistic3A_17 : vector<1024x64xf32>
    %logistic3A_21 = arith.divf %logistic3A_19, %logistic3A_20 : vector<1024x64xf32>
    %mul3A_22 = arith.mulf %mul3A_16, %logistic3A_21 : vector<1024x64xf32>
    %get3A_23 = arith.constant 0 : index
    %get3A_24 = arith.constant 0 : index
    %get3A_25 = vector.load %arg4[%get3A_23, %get3A_24] : memref<64x64xf32, #tpu.memory_space<vmem>>, vector<64x64xf32>
    %dot_general3A_26 = arith.constant dense<0.000000e+00> : vector<1024x64xf32>
    %dot_general3A_27 = tpu.matmul %mul3A_22, %get3A_25, %dot_general3A_26 {dimension_numbers = #tpu.dot_dimension_numbers<[1], [0], [0], [1], [0, 0, 1, 1], [], []>, transpose_lhs_hint = false} : vector<1024x64xf32>, vector<64x64xf32>, vector<1024x64xf32> -> vector<1024x64xf32>
    %get3A_28 = arith.constant 0 : index
    %get3A_29 = arith.constant 0 : index
    %get3A_30 = vector.load %arg5[%get3A_28, %get3A_29] : memref<128x64xf32, #tpu.memory_space<vmem>>, vector<64x64xf32>
    %dot_general3A_31 = arith.constant dense<0.000000e+00> : vector<1024x64xf32>
    %dot_general3A_32 = tpu.matmul %dot_general3A_8, %get3A_30, %dot_general3A_31 {dimension_numbers = #tpu.dot_dimension_numbers<[1], [0], [0], [1], [0, 0, 1, 1], [], []>, transpose_lhs_hint = false} : vector<1024x64xf32>, vector<64x64xf32>, vector<1024x64xf32> -> vector<1024x64xf32>
    %get3A_33 = arith.constant 64 : index
    %get3A_34 = arith.constant 0 : index
    %get3A_35 = vector.load %arg5[%get3A_33, %get3A_34] : memref<128x64xf32, #tpu.memory_space<vmem>>, vector<64x64xf32>
    %dot_general3A_36 = arith.constant dense<0.000000e+00> : vector<1024x64xf32>
    %dot_general3A_37 = tpu.matmul %dot_general3A_27, %get3A_35, %dot_general3A_36 {dimension_numbers = #tpu.dot_dimension_numbers<[1], [0], [0], [1], [0, 0, 1, 1], [], []>, transpose_lhs_hint = false} : vector<1024x64xf32>, vector<64x64xf32>, vector<1024x64xf32> -> vector<1024x64xf32>
    %add3A = arith.addf %dot_general3A_32, %dot_general3A_37 : vector<1024x64xf32>
    %logistic3A_38 = arith.negf %add3A : vector<1024x64xf32>
    %logistic3A_39 = math.exp %logistic3A_38 : vector<1024x64xf32>
    %logistic3A_40 = arith.constant 1.000000e+00 : f32
    %logistic3A_41 = vector.broadcast %logistic3A_40 : f32 to vector<1024x64xf32>
    %logistic3A_42 = arith.addf %logistic3A_41, %logistic3A_39 : vector<1024x64xf32>
    %logistic3A_43 = arith.divf %logistic3A_41, %logistic3A_42 : vector<1024x64xf32>
    %mul3A_44 = arith.mulf %add3A, %logistic3A_43 : vector<1024x64xf32>
    %swap3A = arith.constant 0 : index
    %swap3A_45 = arith.constant 0 : index
    %swap3A_46 = vector.load %arg6[%swap3A, %swap3A_45] : memref<1024x64xf32, #tpu.memory_space<vmem>>, vector<1024x64xf32>
    tpu.vector_store %arg6[%swap3A, %swap3A_45], %mul3A_44 {strides = array<i32>} : memref<1024x64xf32, #tpu.memory_space<vmem>>, vector<1024x64xf32>,
    return
  }
}

</mosaic_0001>

<sc_bundles>
// kernel: kernel.4.cloned.1.call-start
scs
__scs_entry_jumppad:
0x0: {  	(pc) =	sbr.rel $0x88, $3  }
0x1: {  	(tag) =	ssettag $0x0;
	lr =	simm.s32 $0x1  }
0x2: {  	[smem:$0x3F9A] =	sst lr;
	_ =	strace $0xD0000000  }
0x3: {  	_ = 	snop  }
0x4: {  	_ = 	snop  }
0x5: {  	_ = 	snop  }
0x6: {  	_ = 	snop  }
0x7: {  	_ = 	snop  }
__scs_overlays_trampoline_lowered:
0x8: {  	[smem:$0x3FA9] =	sst s0  }
0x9: {  	[smem:$0x3FAA] =	sst s1  }
0xa: {  	[smem:$0x3FAB] =	sst s2  }
0xb: {  	[smem:$0x3FAC] =	sst s3  }
0xc: {  	[smem:$0x3FAD] =	sst s4  }
0xd: {  	[smem:$0x3FAE] =	sst s5  }
0xe: {  	[smem:$0x3FAF] =	sst s6  }
0xf: {  	[smem:$0x3FB0] =	sst s7  }
0x10: {  	[smem:$0x3FB1] =	sst s8  }
0x11: {  	[smem:$0x3FB2] =	sst s9;
	s0 =	simm.s32 @!p0 $0x0  }
0x12: {  	s1 =	sld [smem:$0x3F98];
	s0 =	simm.s32 @p0 $0x1  }
0x13: {  	[smem:$0x3FB3] =	sst s0;
	s0 =	simm.s32 @!p1 $0x0  }
0x14: {  	s2 =	sld [smem:$0x3F97];
	s0 =	simm.s32 @p1 $0x1  }
0x15: {  	[smem:$0x3FB4] =	sst s0;
	s0 =	simm.s32 @!p2 $0x0  }
0x16: {  	s3 =	sld [smem:$0x3FDB];
	s0 =	simm.s32 @p2 $0x1  }
0x17: {  	s4 =	simm.s32 $0x1BF5;
	[smem:$0x3FB6] =	sst s0  }
0x18: {  	s0 =	sld [smem:$0x3F99];
	_ =	swait.ge [sflag:s4], $0x0  }
0x19: {  	s7 =	sld [smem:$0x3F9A]  }
0x1a: {  	s8 =	sadd.s32 $0xFFFFE003, lr  }
0x1b: {  	s9 =	sadd.s32 $0xFFFFFEF7, lr;
	s5 =	simm.s32 $0xFFFFFFFF;
	p2 =	slt.u32 s8, $0xFFFFF086  }
0x1c: {  	p1 =	slt.u32 s9, $0xF7A;
	s5 =	simm.s32 @!p2 $0x0  }
0x1d: {  	s5 =	simm.s32 @p1 $0x1;
	p0 =	seq.s32 s7, s2  }
0x1e: {  	s7 =	smul.u32 @!p0 $0xF7A, s2;
	p2 =	seq.s32 @!p0 s5, $0x0  }
0x1f: {  	s9 =	smul.u32 $0xF7A, s1;
	s8 =	simm.s32 @!p0 $0x1BF5;
	p2 =	por !p2, p0  }
0x20: {  	[sflag:s8] =	ssyncset.s32 @!p0 $0xFFFFF086;
	s6 =	sadd.s32 @!p0 s3, s7;
	s7 =	simm.s32 @!p0 $0x108  }
0x21: {  	s3 =	sadd.s32 s3, s9;
	s6 =	sadd.s32 @!p0 $0x88, s6;
	s7 =	simm.s32 @p2 $0x1082  }
0x22: {  	[simem:s7], [sflag:s8] =	dma.local @!p0 [hbm:s6], $0xF7A  }
0x23: {  	s9 =	sor.u32 $0xD0000000, s2;
	s6 =	simm.s32 $0x108;
	_ =	swait.ge @!p0 [sflag:s8], $0x0  }
0x24: {  	s3 =	sadd.s32 $0x88, s3;
	s6 =	simm.s32 @!p1 $0x1082;
	[sflag:s4] =	ssyncset.s32 $0xFFFFF086  }
0x25: {  	[simem:s6], [sflag:s4] =	dma.local [hbm:s3], $0xF7A  }
0x26: {  	[smem:$0x3F9A] =	sst s1;
	(tag) =	ssettag s2;
	_ =	strace s9  }
0x27: {  	s1 =	sld [smem:$0x3FAA]  }
0x28: {  	s2 =	sld [smem:$0x3FAB]  }
0x29: {  	s4 =	sld [smem:$0x3FAD]  }
0x2a: {  	p0 =	seq.s32 s5, $0x0;
	s5 =	sld [smem:$0x3FAE]  }
0x2b: {  	s6 =	sld [smem:$0x3FAF]  }
0x2c: {  	s7 =	sld [smem:$0x3FB0]  }
0x2d: {  	s3 =	simm.s32 $0x108;
	s8 =	sld [smem:$0x3FB1]  }
0x2e: {  	s3 =	simm.s32 @!p0 $0x1082;
	s9 =	sld [smem:$0x3FB2]  }
0x2f: {  	lr =	sadd.s32 s0, s3;
	s0 =	sld [smem:$0x3FA9]  }
0x30: {  	s3 =	sld [smem:$0x3FAC]  }
0x31: {  	[smem:$0x3FB5] =	sst s10  }
0x32: {  	s10 =	sld [smem:$0x3FB3];
	_ =	sdelay $0x3  }
0x33: {  	p0 =	seq.s32 s10, $0x1;
	s10 =	sld [smem:$0x3FB5];
	_ =	sdelay $0x3  }
0x34: {  	[smem:$0x3FB5] =	sst s10  }
0x35: {  	s10 =	sld [smem:$0x3FB4];
	_ =	sdelay $0x3  }
0x36: {  	p1 =	seq.s32 s10, $0x1;
	s10 =	sld [smem:$0x3FB5];
	_ =	sdelay $0x3  }
0x37: {  	[smem:$0x3FB5] =	sst s10  }
0x38: {  	s10 =	sld [smem:$0x3FB6]  }
0x39: {  	_ = 	snop;
	(pc) =	sbr.ind lr, $3  }
0x3a: {  	_ = 	snop  }
0x3b: {  	_ = 	snop  }
0x3c: {  	p2 =	seq.s32 s10, $0x1;
	s10 =	sld [smem:$0x3FB5]  }
0x3d: {  	_ =	shalt  }
0x3e: {  	_ =	shalt  }
0x3f: {  	_ =	shalt  }
0x40: {  	_ =	shalt  }
0x41: {  	_ =	shalt  }
0x42: {  	_ =	shalt  }
0x43: {  	_ =	shalt  }
0x44: {  	_ =	shalt  }
0x45: {  	_ =	shalt  }
0x46: {  	_ =	shalt  }
0x47: {  	_ =	shalt  }
0x48: {  	_ =	shalt  }
0x49: {  	_ =	shalt  }
0x4a: {  	_ =	shalt  }
0x4b: {  	_ =	shalt  }
0x4c: {  	_ =	shalt  }
0x4d: {  	_ =	shalt  }
0x4e: {  	_ =	shalt  }
0x4f: {  	_ =	shalt  }
0x50: {  	_ =	shalt  }
0x51: {  	_ =	shalt  }
0x52: {  	_ =	shalt  }
0x53: {  	_ =	shalt  }
0x54: {  	_ =	shalt  }
0x55: {  	_ =	shalt  }
0x56: {  	_ =	shalt  }
0x57: {  	_ =	shalt  }
0x58: {  	_ =	shalt  }
0x59: {  	_ =	shalt  }
0x5a: {  	_ =	shalt  }
0x5b: {  	_ =	shalt  }
0x5c: {  	_ =	shalt  }
0x5d: {  	_ =	shalt  }
0x5e: {  	_ =	shalt  }
0x5f: {  	_ =	shalt  }
0x60: {  	_ =	shalt  }
0x61: {  	_ =	shalt  }
0x62: {  	_ =	shalt  }
0x63: {  	_ =	shalt  }
0x64: {  	_ =	shalt  }
0x65: {  	_ =	shalt  }
0x66: {  	_ =	shalt  }
0x67: {  	_ =	shalt  }
0x68: {  	_ =	shalt  }
0x69: {  	_ =	shalt  }
0x6a: {  	_ =	shalt  }
0x6b: {  	_ =	shalt  }
0x6c: {  	_ =	shalt  }
0x6d: {  	_ =	shalt  }
0x6e: {  	_ =	shalt  }
0x6f: {  	_ =	shalt  }
0x70: {  	_ =	shalt  }
0x71: {  	_ =	shalt  }
0x72: {  	_ =	shalt  }
0x73: {  	_ =	shalt  }
0x74: {  	_ =	shalt  }
0x75: {  	_ =	shalt  }
0x76: {  	_ =	shalt  }
0x77: {  	_ =	shalt  }
0x78: {  	_ =	shalt  }
0x79: {  	_ =	shalt  }
0x7a: {  	_ =	shalt  }
0x7b: {  	_ =	shalt  }
0x7c: {  	_ =	shalt  }
0x7d: {  	_ =	shalt  }
0x7e: {  	_ =	shalt  }
0x7f: {  	_ =	shalt  }
0x80: {  	_ =	shalt  }
0x81: {  	_ =	shalt  }
0x82: {  	_ =	shalt  }
0x83: {  	_ =	shalt  }
0x84: {  	_ =	shalt  }
0x85: {  	_ =	shalt  }
0x86: {  	_ =	shalt  }
0x87: {  	_ =	shalt  }
.Lfunc_end0:
.L_simem_size_0:
called_computation_lowered:
.L_overlay_start_0:
0x88: {  	s2 =	sld [smem:$0x3FD9]  }
0x89: {  	s3 =	sld [smem:$0x3FFE];
	_ =	sdelay $0x1  }
0x8a: {  	s1 =	srdreg.scid  }
0x8b: {  	s0 =	sand.u32 $0x1, s1  }
0x8c: {  	s17 =	sshll.u32 s0, $0xA;
	s2 =	sadd.s32 s3, s2  }
0x8d: {  	s2 =	sadd.s32 s2, s17  }
0x8e: {  	[smem:$0x3FC1] =	sst s2  }
0x8f: {  	_ = 	snop  }
0x90: {  	s2 =	sld [smem:$0x3FC9]  }
0x91: {  	s18 =	sld [smem:$0x3FD0];
	(tm) =	ssettm $0x1  }
0x92: {  	s4 =	sld [smem:$0x3FFB];
	_ =	sdelay $0x3  }
0x93: {  	_ =	strace s4  }
0x94: {  	s4 =	sld [smem:$0x3FFC];
	_ =	sdelay $0x3  }
0x95: {  	_ =	strace s4  }
0x96: {  	s4 =	sld [smem:$0x3FFD];
	_ =	sdelay $0x3  }
0x97: {  	_ =	strace s4  }
0x98: {  	_ =	strace $0x8FFFFFFF  }
0x99: {  	s19 =	sld [smem:$0x3FDB];
	_ =	sdelay $0x1  }
0x9a: {  	s5 =	simm.s32 $_scs_section_size  }
0x9b: {  	s6 =	simm.s32 $_size__tile_overlayer_lowered;
	s7 =	simm.s32 $_tile_overlayer_lowered  }
0x9c: {  	s22 =	simm.s32 $0x1BFF;
	s21 =	sshll.u32 s7, $0x1;
	s4 =	sadd.s32 s5, s19  }
0x9d: {  	s8 =	simm.s32 $0x0;
	s20 =	sshll.u32 s6, $0x1;
	s6 =	sadd.s32 s21, s4  }
0x9e: {  	[timem:s8], [sflag:s22] =	dma.local [hbm:s6], s20  }
0x9f: {  	_ =	swait.ge [sflag:s22], s20  }
0xa0: {  	s5 =	ssub.s32 $0x0, s20;
	[sflag:s22] =	ssyncset.done $0x0  }
0xa1: {  	[sflag:s22] =	ssyncadd.s32 s5;
	_ =	sdelay $0x1  }
0xa2: {  	s23 =	simm.s32 $0x1B8B  }
0xa3: {  	_ =	swait.ge [sflag:s23], $0x1  }
0xa4: {  	[sflag:s23] =	ssyncset.done $0x0  }
0xa5: {  	s25 =	simm.s32 $0x1B8E;
	s24 =	sld [smem:$0x3FFE];
	[sflag:s23] =	ssyncadd.s32 $0xFFFFFFFF  }
0xa6: {  	s26 =	simm.s32 $execute0_lowered;
	[smem:$0x3FD2] =	sst s25  }
0xa7: {  	s6 =	sshll.u32 s26, $0x1;
	_ =	strace $0x80000046;
	[dreg:$0x1] =	wrdreg $0xFFFFFFFF  }
0xa8: {  	s28 =	simm.s32 $_size_execute0_lowered;
	s4 =	sadd.s32 s4, s6;
	[dreg:$0x0] =	wrdreg $0x0  }
0xa9: {  	s6 =	sshll.u32 s28, $0x1;
	[dreg:$0x2] =	wrdreg s4  }
0xaa: {  	[dreg:$0x3] =	wrdreg s6  }
0xab: {  	[dreg:$0x4] =	wrdreg $0xC0  }
0xac: {  	_ =	task [dreg:s8], $0x5FFFF  }
0xad: {  	[dreg:$0x1] =	wrdreg $0xFFFFFFFF  }
0xae: {  	[dreg:$0x0] =	wrdreg $0x60  }
0xaf: {  	[dreg:$0x2] =	wrdreg s24  }
0xb0: {  	[dreg:$0x3] =	wrdreg s2  }
0xb1: {  	[dreg:$0x4] =	wrdreg s18  }
0xb2: {  	[dreg:$0x5] =	wrdreg $0x9  }
0xb3: {  	_ =	task.clear_ibuf [dreg:s8], $0x6FFFF;
	_ =	strace $0x90000046  }
0xb4: {  	s29 =	simm.s32 $0x9;
	_ =	strace $0x80000048  }
0xb5: {  	_ =	swait.ge [sflag:s29], $0x1  }
0xb6: {  	[sflag:s29] =	ssyncadd.s32 $0xFFFFFFFF  }
0xb7: {  	_ =	strace $0x90000048  }
0xb8: {  	_ =	sfence  }
0xb9: {  	s30 =	sld [smem:$0x0];
	_ =	sdelay $0x2  }
0xba: {  	s31 =	sshll.u32 s1, $0xD;
	s1 =	sshrl.u32 s1, $0x2  }
0xbb: {  	s3 =	sand.u32 $0x4000, s31;
	s1 =	sadd.s32 s1, s30  }
0xbc: {  	s0 =	sor.u32 s3, s0;
	s1 =	sshll.u32 s1, $0x11  }
0xbd: {  	s0 =	sor.u32 s1, s0  }
0xbe: {  	s0 =	sadd.s32 $0x8F2B, s0  }
0xbf: {  	[sflag:s0] =	ssyncadd.remote.s32 $0x1  }
0xc0: {  	_ =	sfence.sel $0xFFFF  }
0xc1: {  	[dreg:$0x0] =	wrdreg $0xFFFFFFFF;
	(pc) =	sbr.abs _section_cstart, $3  }
0xc2: {  	[dreg:$0x1] =	wrdreg $0xFFFFFFFF  }
0xc3: {  	_ =	task.clear_ibuf [dreg:s8], $0x2FFFF;
	_ =	strace $0x9FFFFFFF  }
0xc4: {  	(tm) =	ssettm $0x7FFFFFFF  }
0xc5: {  	_ =	shalt  }
tec
execute0_lowered:
.L_overlay_start_1:
0x0: {  	(tag) =	ssettag $0x1  }
0x1: {  	s3 =	rddreg [dreg:$0x0]  }
0x2: {  	s1 =	srdreg.scid;
	s4 =	rddreg [dreg:$0x1]  }
0x3: {  	s0 =	stileid.u32;
	s6 =	rddreg [dreg:$0x2];
	s2 =	simm.s32 $0x0  }
0x4: {  	s10 =	simm.s32 $0x10C80;
	s5 =	sand.u32 $0x1, s1;
	s31 =	sshll.u32 s0, $0x1  }
0x5: {  	s11 =	simm.s32 $0x12C80;
	s12 =	simm.s32 $0x1;
	s7 =	sor.u32 s5, s31  }
0x6: {  	s13 =	simm.s32 $0x2;
	s1 =	rddreg [dreg:$0x3];
	s7 =	smul.u32 $0xC80, s7  }
0x7: {  	s14 =	simm.s32 $0x0;
	[smem:$0x7FF] =	sst s2;
	s5 =	ssub.s32 $0x2, s5  }
0x8: {  	s3 =	sadd.s32 $0x800, s3;
	s8 =	sshrl.u32 s5, $0x1;
	s7 =	smin.u32 s7, $0x17A80  }
0x9: {  	_ =	strace $0x80000047;
	s8 =	ssub.s32 s5, s8;
	s9 =	sshrl.u32 s7, $0x3  }
0xa: {  	s5 =	sadd.s32 s6, s7;
	s6 =	smax.u32 s8, $0x1;
	s7 =	simm.s32 $0x3  }
0xb: {  	s8 =	simm.s32 $0x400;
	s4 =	sadd.s32 s4, s9;
	s9 =	simm.s32 $0xC3800  }
.LBB2_1:
0xc: {  	[tilespmem:s2], [sflag:$0x3] =	stream.linear.gather [hbm4b:s3+s2], $0x10000, $0x38;
	[tilespmem:$0x14C80] =	vst v63  }
0xd: {  	_ =	swait.ge [sflag:s7], $0x10000  }
0xe: {  	[sflag:s7] =	ssyncset.done $0x0  }
0xf: {  	s15 =	simm.s32 $0x10000;
	[sflag:s7] =	ssyncadd.s32 $0xFFFF0000  }
0x10: {  	[tilespmem:s15], [sflag:$0x3] =	stream.linear.gather [hbm4b:s4+s2], $0xC80, $0x38;
	[tilespmem:$0x14C80] =	vst v63  }
0x11: {  	_ =	swait.ge [sflag:s7], $0xC80  }
0x12: {  	[sflag:s7] =	ssyncset.done $0x0  }
0x13: {  	[sflag:s7] =	ssyncadd.s32 $0xFFFFF380  }
0x14: {  	v0 =	vld [tilespmem:s15+$0x0];
	_ =	sdelay $0x4  }
0x15: {  	vm0 =	vgt.s32 v0, $0x0  }
0x16: {  	v0 =	vnsel vm0, $0x0, v0  }
0x17: {  	v0 =	vmin.u32 v0, $0x3FF  }
0x18: {  	v0 =	vshll.u32 v0, $0x6  }
0x19: {  	v1 =	vor.u32 $0x1, v0  }
0x1a: {  	v2 =	vor.u32 $0x2, v0  }
0x1b: {  	v3 =	vor.u32 $0x3, v0;
	_ =	sdelay $0x1  }
0x1c: {  	v4 =	vld.idx.msk [tilespmem:v0+s2+$0x0], $0xffff  }
0x1d: {  	v1 =	vld.idx.msk [tilespmem:v1+s2+$0x0], $0xffff  }
0x1e: {  	v2 =	vld.idx.msk [tilespmem:v2+s2+$0x0], $0xffff  }
0x1f: {  	v3 =	vld.idx.msk [tilespmem:v3+s2+$0x0], $0xffff  }
0x20: {  	s15 =	simm.s32 $0x11C80;
	v5 =	vor.u32 $0x4, v0  }
0x21: {  	[tilespmem:s15+$0xFFFFF000] =	vst v4;
	v4 =	vor.u32 $0x5, v0  }
0x22: {  	[tilespmem:s15+$0xFFFFF080] =	vst v1;
	v1 =	vor.u32 $0x6, v0  }
0x23: {  	[tilespmem:s15+$0xFFFFF100] =	vst v2;
	v2 =	vor.u32 $0x7, v0  }
0x24: {  	[tilespmem:s15+$0xFFFFF180] =	vst v3  }
0x25: {  	v3 =	vld.idx.msk [tilespmem:v5+s2+$0x0], $0xffff  }
0x26: {  	v4 =	vld.idx.msk [tilespmem:v4+s2+$0x0], $0xffff  }
0x27: {  	v1 =	vld.idx.msk [tilespmem:v1+s2+$0x0], $0xffff  }
0x28: {  	v2 =	vld.idx.msk [tilespmem:v2+s2+$0x0], $0xffff  }
0x29: {  	v5 =	vor.u32 $0x8, v0  }
0x2a: {  	[tilespmem:s15+$0xFFFFF200] =	vst v3;
	v3 =	vor.u32 $0x9, v0  }
0x2b: {  	[tilespmem:s15+$0xFFFFF280] =	vst v4;
	v4 =	vor.u32 $0xA, v0  }
0x2c: {  	[tilespmem:s15+$0xFFFFF300] =	vst v1;
	v1 =	vor.u32 $0xB, v0  }
0x2d: {  	[tilespmem:s15+$0xFFFFF380] =	vst v2  }
0x2e: {  	v2 =	vld.idx.msk [tilespmem:v5+s2+$0x0], $0xffff  }
0x2f: {  	v3 =	vld.idx.msk [tilespmem:v3+s2+$0x0], $0xffff  }
0x30: {  	v4 =	vld.idx.msk [tilespmem:v4+s2+$0x0], $0xffff  }
0x31: {  	v1 =	vld.idx.msk [tilespmem:v1+s2+$0x0], $0xffff  }
0x32: {  	v5 =	vor.u32 $0xC, v0  }
0x33: {  	[tilespmem:s15+$0xFFFFF400] =	vst v2;
	v2 =	vor.u32 $0xD, v0  }
0x34: {  	[tilespmem:s15+$0xFFFFF480] =	vst v3;
	v3 =	vor.u32 $0xE, v0  }
0x35: {  	[tilespmem:s15+$0xFFFFF500] =	vst v4;
	v4 =	vor.u32 $0xF, v0  }
0x36: {  	[tilespmem:s15+$0xFFFFF580] =	vst v1  }
0x37: {  	v1 =	vld.idx.msk [tilespmem:v5+s2+$0x0], $0xffff  }
0x38: {  	v2 =	vld.idx.msk [tilespmem:v2+s2+$0x0], $0xffff  }
0x39: {  	v3 =	vld.idx.msk [tilespmem:v3+s2+$0x0], $0xffff  }
0x3a: {  	v4 =	vld.idx.msk [tilespmem:v4+s2+$0x0], $0xffff  }
0x3b: {  	v5 =	vor.u32 $0x10, v0  }
0x3c: {  	[tilespmem:s15+$0xFFFFF600] =	vst v1;
	v1 =	vor.u32 $0x11, v0  }
0x3d: {  	[tilespmem:s15+$0xFFFFF680] =	vst v2;
	v2 =	vor.u32 $0x12, v0  }
0x3e: {  	[tilespmem:s15+$0xFFFFF700] =	vst v3;
	v3 =	vor.u32 $0x13, v0  }
0x3f: {  	[tilespmem:s15+$0xFFFFF780] =	vst v4  }
0x40: {  	v4 =	vld.idx.msk [tilespmem:v5+s2+$0x0], $0xffff  }
0x41: {  	v1 =	vld.idx.msk [tilespmem:v1+s2+$0x0], $0xffff  }
0x42: {  	v2 =	vld.idx.msk [tilespmem:v2+s2+$0x0], $0xffff  }
0x43: {  	v3 =	vld.idx.msk [tilespmem:v3+s2+$0x0], $0xffff  }
0x44: {  	v5 =	vor.u32 $0x14, v0  }
0x45: {  	[tilespmem:s15+$0xFFFFF800] =	vst v4;
	v4 =	vor.u32 $0x15, v0  }
0x46: {  	[tilespmem:s15+$0xFFFFF880] =	vst v1;
	v1 =	vor.u32 $0x16, v0  }
0x47: {  	s16 =	simm.s32 $0x10010;
	[tilespmem:s15+$0xFFFFF900] =	vst v2;
	v2 =	vor.u32 $0x17, v0  }
0x48: {  	v6 =	vld [tilespmem:s16+$0x0];
	[tilespmem:s15+$0xFFFFF980] =	vst v3  }
0x49: {  	v3 =	vld.idx.msk [tilespmem:v5+s2+$0x0], $0xffff  }
0x4a: {  	v4 =	vld.idx.msk [tilespmem:v4+s2+$0x0], $0xffff  }
0x4b: {  	v1 =	vld.idx.msk [tilespmem:v1+s2+$0x0], $0xffff  }
0x4c: {  	v2 =	vld.idx.msk [tilespmem:v2+s2+$0x0], $0xffff  }
0x4d: {  	v5 =	vor.u32 $0x18, v0  }
0x4e: {  	[tilespmem:s15+$0xFFFFFA00] =	vst v3;
	v3 =	vor.u32 $0x19, v0  }
0x4f: {  	vm15 =	vgt.s32 v6, $0x0;
	[tilespmem:s15+$0xFFFFFA80] =	vst v4;
	v4 =	vor.u32 $0x1A, v0  }
0x50: {  	v7 =	vor.u32 $0x1B, v0;
	[tilespmem:s15+$0xFFFFFB00] =	vst v1;
	v1 =	vnsel vm15, $0x0, v6  }
0x51: {  	[tilespmem:s15+$0xFFFFFB80] =	vst v2;
	v1 =	vmin.u32 v1, $0x3FF  }
0x52: {  	v2 =	vld.idx.msk [tilespmem:v5+s2+$0x0], $0xffff;
	v1 =	vshll.u32 v1, $0x6  }
0x53: {  	v3 =	vld.idx.msk [tilespmem:v3+s2+$0x0], $0xffff;
	v5 =	vor.u32 $0x1, v1  }
0x54: {  	v6 =	vor.u32 $0x2, v1;
	v4 =	vld.idx.msk [tilespmem:v4+s2+$0x0], $0xffff  }
0x55: {  	v7 =	vld.idx.msk [tilespmem:v7+s2+$0x0], $0xffff;
	v8 =	vor.u32 $0x3, v1  }
0x56: {  	v9 =	vor.u32 $0x1C, v0  }
0x57: {  	v10 =	vor.u32 $0x1D, v0;
	[tilespmem:s15+$0xFFFFFC00] =	vst v2;
	v2 =	vld.idx.msk [tilespmem:v1+s2+$0x0], $0xffff  }
0x58: {  	[tilespmem:s15+$0xFFFFFC80] =	vst v3;
	v3 =	vld.idx.msk [tilespmem:v5+s2+$0x0], $0xffff;
	v5 =	vor.u32 $0x1E, v0  }
0x59: {  	[tilespmem:s15+$0xFFFFFD00] =	vst v4;
	v4 =	vld.idx.msk [tilespmem:v6+s2+$0x0], $0xffff;
	v6 =	vor.u32 $0x1F, v0  }
0x5a: {  	[tilespmem:s15+$0xFFFFFD80] =	vst v7;
	v7 =	vld.idx.msk [tilespmem:v8+s2+$0x0], $0xffff  }
0x5b: {  	s17 =	simm.s32 $0x11C90;
	v8 =	vld.idx.msk [tilespmem:v9+s2+$0x0], $0xffff;
	v9 =	vor.u32 $0x4, v1  }
0x5c: {  	v10 =	vld.idx.msk [tilespmem:v10+s2+$0x0], $0xffff;
	[tilespmem:s17+$0xFFFFF000] =	vst v2;
	v2 =	vor.u32 $0x5, v1  }
0x5d: {  	[tilespmem:s17+$0xFFFFF080] =	vst v3;
	v3 =	vld.idx.msk [tilespmem:v5+s2+$0x0], $0xffff;
	v5 =	vor.u32 $0x6, v1  }
0x5e: {  	[tilespmem:s17+$0xFFFFF100] =	vst v4;
	v4 =	vld.idx.msk [tilespmem:v6+s2+$0x0], $0xffff;
	v6 =	vor.u32 $0x7, v1  }
0x5f: {  	[tilespmem:s17+$0xFFFFF180] =	vst v7;
	v7 =	vor.u32 $0x20, v0  }
0x60: {  	[tilespmem:s15+$0xFFFFFE00] =	vst v8;
	v8 =	vld.idx.msk [tilespmem:v9+s2+$0x0], $0xffff;
	v9 =	vor.u32 $0x21, v0  }
0x61: {  	[tilespmem:s15+$0xFFFFFE80] =	vst v10;
	v10 =	vor.u32 $0x22, v0;
	v2 =	vld.idx.msk [tilespmem:v2+s2+$0x0], $0xffff  }
0x62: {  	v5 =	vld.idx.msk [tilespmem:v5+s2+$0x0], $0xffff;
	[tilespmem:s15+$0xFFFFFF00] =	vst v3;
	v3 =	vor.u32 $0x23, v0  }
0x63: {  	v6 =	vld.idx.msk [tilespmem:v6+s2+$0x0], $0xffff;
	[tilespmem:s15+$0xFFFFFF80] =	vst v4  }
0x64: {  	v4 =	vld.idx.msk [tilespmem:v7+s2+$0x0], $0xffff;
	v7 =	vor.u32 $0x8, v1  }
0x65: {  	v9 =	vld.idx.msk [tilespmem:v9+s2+$0x0], $0xffff;
	[tilespmem:s17+$0xFFFFF200] =	vst v8;
	v8 =	vor.u32 $0x9, v1  }
0x66: {  	v10 =	vld.idx.msk [tilespmem:v10+s2+$0x0], $0xffff;
	[tilespmem:s17+$0xFFFFF280] =	vst v2;
	v2 =	vor.u32 $0xA, v1  }
0x67: {  	v3 =	vld.idx.msk [tilespmem:v3+s2+$0x0], $0xffff;
	[tilespmem:s17+$0xFFFFF300] =	vst v5;
	v5 =	vor.u32 $0xB, v1  }
0x68: {  	[tilespmem:s17+$0xFFFFF380] =	vst v6;
	v6 =	vor.u32 $0x24, v0  }
0x69: {  	v7 =	vld.idx.msk [tilespmem:v7+s2+$0x0], $0xffff;
	[tilespmem:s15+$0x0] =	vst v4;
	v4 =	vor.u32 $0x25, v0  }
0x6a: {  	v8 =	vld.idx.msk [tilespmem:v8+s2+$0x0], $0xffff;
	[tilespmem:s15+$0x80] =	vst v9;
	v9 =	vor.u32 $0x26, v0  }
0x6b: {  	[tilespmem:s15+$0x100] =	vst v10;
	v10 =	vor.u32 $0x27, v0;
	v2 =	vld.idx.msk [tilespmem:v2+s2+$0x0], $0xffff  }
0x6c: {  	v5 =	vld.idx.msk [tilespmem:v5+s2+$0x0], $0xffff;
	[tilespmem:s15+$0x180] =	vst v3  }
0x6d: {  	v3 =	vld.idx.msk [tilespmem:v6+s2+$0x0], $0xffff;
	v6 =	vor.u32 $0xC, v1  }
0x6e: {  	v4 =	vld.idx.msk [tilespmem:v4+s2+$0x0], $0xffff;
	[tilespmem:s17+$0xFFFFF400] =	vst v7;
	v7 =	vor.u32 $0xD, v1  }
0x6f: {  	v9 =	vld.idx.msk [tilespmem:v9+s2+$0x0], $0xffff;
	[tilespmem:s17+$0xFFFFF480] =	vst v8;
	v8 =	vor.u32 $0xE, v1  }
0x70: {  	v10 =	vld.idx.msk [tilespmem:v10+s2+$0x0], $0xffff;
	[tilespmem:s17+$0xFFFFF500] =	vst v2;
	v2 =	vor.u32 $0xF, v1  }
0x71: {  	[tilespmem:s17+$0xFFFFF580] =	vst v5;
	v5 =	vor.u32 $0x28, v0  }
0x72: {  	v6 =	vld.idx.msk [tilespmem:v6+s2+$0x0], $0xffff;
	[tilespmem:s15+$0x200] =	vst v3;
	v3 =	vor.u32 $0x29, v0  }
0x73: {  	v7 =	vld.idx.msk [tilespmem:v7+s2+$0x0], $0xffff;
	[tilespmem:s15+$0x280] =	vst v4;
	v4 =	vor.u32 $0x2A, v0  }
0x74: {  	v8 =	vld.idx.msk [tilespmem:v8+s2+$0x0], $0xffff;
	[tilespmem:s15+$0x300] =	vst v9;
	v9 =	vor.u32 $0x2B, v0  }
0x75: {  	[tilespmem:s15+$0x380] =	vst v10;
	v2 =	vld.idx.msk [tilespmem:v2+s2+$0x0], $0xffff  }
0x76: {  	v10 =	vor.u32 $0x10, v1;
	v5 =	vld.idx.msk [tilespmem:v5+s2+$0x0], $0xffff  }
0x77: {  	v3 =	vld.idx.msk [tilespmem:v3+s2+$0x0], $0xffff;
	[tilespmem:s17+$0xFFFFF600] =	vst v6;
	v6 =	vor.u32 $0x11, v1  }
0x78: {  	v4 =	vld.idx.msk [tilespmem:v4+s2+$0x0], $0xffff;
	[tilespmem:s17+$0xFFFFF680] =	vst v7;
	v7 =	vor.u32 $0x12, v1  }
0x79: {  	v9 =	vld.idx.msk [tilespmem:v9+s2+$0x0], $0xffff;
	[tilespmem:s17+$0xFFFFF700] =	vst v8;
	v8 =	vor.u32 $0x13, v1  }
0x7a: {  	[tilespmem:s17+$0xFFFFF780] =	vst v2;
	v2 =	vor.u32 $0x2C, v0  }
0x7b: {  	v11 =	vor.u32 $0x2D, v0;
	v10 =	vld.idx.msk [tilespmem:v10+s2+$0x0], $0xffff;
	[tilespmem:s15+$0x400] =	vst v5  }
0x7c: {  	v12 =	vld.idx.msk [tilespmem:v6+s2+$0x0], $0xffff;
	[tilespmem:s15+$0x480] =	vst v3;
	v3 =	vor.u32 $0x2E, v0  }
0x7d: {  	v13 =	vld.idx.msk [tilespmem:v7+s2+$0x0], $0xffff;
	[tilespmem:s15+$0x500] =	vst v4;
	v4 =	vor.u32 $0x2F, v0  }
0x7e: {  	v6 =	vld.idx.msk [tilespmem:v8+s2+$0x0], $0xffff;
	[tilespmem:s15+$0x580] =	vst v9  }
0x7f: {  	v7 =	vor.u32 $0x14, v1;
	v5 =	vld.idx.msk [tilespmem:v2+s2+$0x0], $0xffff  }
0x80: {  	v8 =	vor.u32 $0x15, v1;
	v2 =	vld.idx.msk [tilespmem:v11+s2+$0x0], $0xffff;
	[tilespmem:s17+$0xFFFFF800] =	vst v10  }
0x81: {  	v9 =	vor.u32 $0x16, v1;
	v3 =	vld.idx.msk [tilespmem:v3+s2+$0x0], $0xffff;
	[tilespmem:s17+$0xFFFFF880] =	vst v12  }
0x82: {  	s18 =	simm.s32 $0x10;
	s19 =	simm.s32 $0x10020;
	s16 =	simm.s32 $0x11C90;
	v10 =	vor.u32 $0x17, v1;
	v4 =	vld.idx.msk [tilespmem:v4+s2+$0x0], $0xffff;
	[tilespmem:s17+$0xFFFFF900] =	vst v13  }
.LBB2_2:
0x83: {  	v11 =	vld [tilespmem:s19+$0x0];
	[tilespmem:s17+$0xFFFFF980] =	vst v6;
	v6 =	vor.u32 $0x30, v0  }
0x84: {  	v7 =	vld.idx.msk [tilespmem:v7+s2+$0x0], $0xffff;
	[tilespmem:s15+$0x600] =	vst v5;
	v5 =	vor.u32 $0x31, v0  }
0x85: {  	v8 =	vld.idx.msk [tilespmem:v8+s2+$0x0], $0xffff;
	[tilespmem:s15+$0x680] =	vst v2;
	v2 =	vor.u32 $0x32, v0  }
0x86: {  	v9 =	vld.idx.msk [tilespmem:v9+s2+$0x0], $0xffff;
	[tilespmem:s15+$0x700] =	vst v3;
	v3 =	vor.u32 $0x33, v0  }
0x87: {  	v10 =	vld.idx.msk [tilespmem:v10+s2+$0x0], $0xffff;
	[tilespmem:s15+$0x780] =	vst v4  }
0x88: {  	v4 =	vld.idx.msk [tilespmem:v6+s2+$0x0], $0xffff  }
0x89: {  	v6 =	vor.u32 $0x18, v1;
	v5 =	vld.idx.msk [tilespmem:v5+s2+$0x0], $0xffff  }
0x8a: {  	[tilespmem:s17+$0xFFFFFA00] =	vst v7;
	v7 =	vor.u32 $0x19, v1;
	v2 =	vld.idx.msk [tilespmem:v2+s2+$0x0], $0xffff  }
0x8b: {  	[tilespmem:s17+$0xFFFFFA80] =	vst v8;
	v8 =	vor.u32 $0x1A, v1;
	v3 =	vld.idx.msk [tilespmem:v3+s2+$0x0], $0xffff  }
0x8c: {  	[tilespmem:s17+$0xFFFFFB00] =	vst v9;
	v9 =	vor.u32 $0x1B, v1  }
0x8d: {  	[tilespmem:s17+$0xFFFFFB80] =	vst v10;
	v10 =	vor.u32 $0x34, v0  }
0x8e: {  	vm0 =	vgt.s32 v11, $0x0;
	v6 =	vld.idx.msk [tilespmem:v6+s2+$0x0], $0xffff;
	[tilespmem:s15+$0x800] =	vst v4;
	v4 =	vor.u32 $0x35, v0  }
0x8f: {  	v11 =	vnsel vm0, $0x0, v11;
	v7 =	vld.idx.msk [tilespmem:v7+s2+$0x0], $0xffff;
	[tilespmem:s15+$0x880] =	vst v5;
	v5 =	vor.u32 $0x36, v0  }
0x90: {  	v11 =	vmin.u32 v11, $0x3FF;
	v8 =	vld.idx.msk [tilespmem:v8+s2+$0x0], $0xffff;
	[tilespmem:s15+$0x900] =	vst v2;
	v2 =	vor.u32 $0x37, v0  }
0x91: {  	v11 =	vshll.u32 v11, $0x6;
	v9 =	vld.idx.msk [tilespmem:v9+s2+$0x0], $0xffff;
	[tilespmem:s15+$0x980] =	vst v3  }
0x92: {  	v3 =	vor.u32 $0x1, v11;
	v10 =	vld.idx.msk [tilespmem:v10+s2+$0x0], $0xffff  }
0x93: {  	v12 =	vor.u32 $0x2, v11;
	v4 =	vld.idx.msk [tilespmem:v4+s2+$0x0], $0xffff  }
0x94: {  	v13 =	vor.u32 $0x3, v11;
	[tilespmem:s17+$0xFFFFFC00] =	vst v6;
	v5 =	vld.idx.msk [tilespmem:v5+s2+$0x0], $0xffff  }
0x95: {  	v6 =	vor.u32 $0x1C, v1;
	[tilespmem:s17+$0xFFFFFC80] =	vst v7;
	v2 =	vld.idx.msk [tilespmem:v2+s2+$0x0], $0xffff  }
0x96: {  	v7 =	vld.idx.msk [tilespmem:v11+s2+$0x0], $0xffff;
	[tilespmem:s17+$0xFFFFFD00] =	vst v8;
	v8 =	vor.u32 $0x1D, v1  }
0x97: {  	v3 =	vld.idx.msk [tilespmem:v3+s2+$0x0], $0xffff;
	[tilespmem:s17+$0xFFFFFD80] =	vst v9;
	v9 =	vor.u32 $0x38, v0  }
0x98: {  	v12 =	vld.idx.msk [tilespmem:v12+s2+$0x0], $0xffff;
	[tilespmem:s15+$0xA00] =	vst v10;
	v10 =	vor.u32 $0x39, v0  }
0x99: {  	v13 =	vld.idx.msk [tilespmem:v13+s2+$0x0], $0xffff;
	[tilespmem:s15+$0xA80] =	vst v4;
	v4 =	vor.u32 $0x3A, v0  }
0x9a: {  	v6 =	vld.idx.msk [tilespmem:v6+s2+$0x0], $0xffff;
	[tilespmem:s15+$0xB00] =	vst v5;
	v5 =	vor.u32 $0x3B, v0  }
0x9b: {  	v14 =	vor.u32 $0x1E, v1;
	v8 =	vld.idx.msk [tilespmem:v8+s2+$0x0], $0xffff;
	[tilespmem:s15+$0xB80] =	vst v2  }
0x9c: {  	s17 =	sadd.s32 $0x10, s17;
	v2 =	vor.u32 $0x1F, v1;
	v9 =	vld.idx.msk [tilespmem:v9+s2+$0x0], $0xffff  }
0x9d: {  	[tilespmem:s17+$0xFFFFF000] =	vst v7;
	v7 =	vld.idx.msk [tilespmem:v10+s2+$0x0], $0xffff  }
0x9e: {  	[tilespmem:s17+$0xFFFFF080] =	vst v3;
	v3 =	vld.idx.msk [tilespmem:v4+s2+$0x0], $0xffff  }
0x9f: {  	v4 =	vor.u32 $0x4, v11;
	[tilespmem:s17+$0xFFFFF100] =	vst v12;
	v5 =	vld.idx.msk [tilespmem:v5+s2+$0x0], $0xffff  }
0xa0: {  	v10 =	vor.u32 $0x5, v11;
	[tilespmem:s17+$0xFFFFF180] =	vst v13;
	v12 =	vld.idx.msk [tilespmem:v14+s2+$0x0], $0xffff  }
0xa1: {  	v2 =	vld.idx.msk [tilespmem:v2+s2+$0x0], $0xffff;
	[tilespmem:s16+$0xFFFFFE00] =	vst v6;
	v6 =	vor.u32 $0x3F, v0  }
0xa2: {  	v13 =	vor.u32 $0x6, v11;
	[tilespmem:s15+$0xC00] =	vst v9  }
0xa3: {  	v9 =	vor.u32 $0x7, v11;
	[tilespmem:s15+$0xC80] =	vst v7  }
0xa4: {  	v7 =	vor.u32 $0x20, v1;
	v4 =	vld.idx.msk [tilespmem:v4+s2+$0x0], $0xffff;
	[tilespmem:s15+$0xD00] =	vst v3  }
0xa5: {  	v3 =	vld.idx.msk [tilespmem:v10+s2+$0x0], $0xffff;
	[tilespmem:s15+$0xD80] =	vst v5;
	v5 =	vor.u32 $0x3C, v0  }
0xa6: {  	[tilespmem:s16+$0xFFFFFE80] =	vst v8;
	v8 =	vor.u32 $0x3D, v0;
	v6 =	vld.idx.msk [tilespmem:v6+s2+$0x0], $0xffff  }
0xa7: {  	v10 =	vld.idx.msk [tilespmem:v13+s2+$0x0], $0xffff;
	[tilespmem:s16+$0xFFFFFF00] =	vst v12;
	v12 =	vor.u32 $0x3E, v0;
	v0 =	vmov v1;
	v1 =	vmov v11  }
0xa8: {  	v9 =	vld.idx.msk [tilespmem:v9+s2+$0x0], $0xffff;
	[tilespmem:s16+$0xFFFFFF80] =	vst v2;
	v2 =	vor.u32 $0x21, v0  }
0xa9: {  	v11 =	vor.u32 $0x22, v0;
	v7 =	vld.idx.msk [tilespmem:v7+s2+$0x0], $0xffff  }
0xaa: {  	v13 =	vor.u32 $0x23, v0;
	v5 =	vld.idx.msk [tilespmem:v5+s2+$0x0], $0xffff  }
0xab: {  	v8 =	vld.idx.msk [tilespmem:v8+s2+$0x0], $0xffff  }
0xac: {  	v12 =	vld.idx.msk [tilespmem:v12+s2+$0x0], $0xffff;
	[tilespmem:s15+$0xF80] =	vst v6  }
0xad: {  	v6 =	vor.u32 $0x8, v1;
	v2 =	vld.idx.msk [tilespmem:v2+s2+$0x0], $0xffff  }
0xae: {  	[tilespmem:s17+$0xFFFFF200] =	vst v4;
	v4 =	vor.u32 $0x9, v1;
	v11 =	vld.idx.msk [tilespmem:v11+s2+$0x0], $0xffff  }
0xaf: {  	[tilespmem:s17+$0xFFFFF280] =	vst v3;
	v3 =	vor.u32 $0xA, v1;
	v13 =	vld.idx.msk [tilespmem:v13+s2+$0x0], $0xffff  }
0xb0: {  	[tilespmem:s17+$0xFFFFF300] =	vst v10;
	v10 =	vor.u32 $0xB, v1  }
0xb1: {  	[tilespmem:s17+$0xFFFFF380] =	vst v9;
	v9 =	vor.u32 $0x24, v0  }
0xb2: {  	v6 =	vld.idx.msk [tilespmem:v6+s2+$0x0], $0xffff;
	[tilespmem:s16+$0x0] =	vst v7;
	v7 =	vor.u32 $0x25, v0  }
0xb3: {  	v4 =	vld.idx.msk [tilespmem:v4+s2+$0x0], $0xffff;
	[tilespmem:s16+$0x80] =	vst v2;
	v2 =	vor.u32 $0x26, v0  }
0xb4: {  	v3 =	vld.idx.msk [tilespmem:v3+s2+$0x0], $0xffff;
	[tilespmem:s16+$0x100] =	vst v11;
	v11 =	vor.u32 $0x27, v0  }
0xb5: {  	v10 =	vld.idx.msk [tilespmem:v10+s2+$0x0], $0xffff;
	[tilespmem:s16+$0x180] =	vst v13  }
0xb6: {  	v9 =	vld.idx.msk [tilespmem:v9+s2+$0x0], $0xffff;
	[tilespmem:s15+$0xE00] =	vst v5  }
0xb7: {  	v5 =	vor.u32 $0xC, v1;
	v7 =	vld.idx.msk [tilespmem:v7+s2+$0x0], $0xffff;
	[tilespmem:s15+$0xE80] =	vst v8  }
0xb8: {  	[tilespmem:s17+$0xFFFFF400] =	vst v6;
	v6 =	vor.u32 $0xD, v1;
	v2 =	vld.idx.msk [tilespmem:v2+s2+$0x0], $0xffff  }
0xb9: {  	[tilespmem:s17+$0xFFFFF480] =	vst v4;
	v4 =	vor.u32 $0xE, v1;
	v8 =	vld.idx.msk [tilespmem:v11+s2+$0x0], $0xffff  }
0xba: {  	[tilespmem:s17+$0xFFFFF500] =	vst v3;
	v3 =	vor.u32 $0xF, v1  }
0xbb: {  	[tilespmem:s17+$0xFFFFF580] =	vst v10;
	v10 =	vor.u32 $0x28, v0  }
0xbc: {  	v5 =	vld.idx.msk [tilespmem:v5+s2+$0x0], $0xffff;
	[tilespmem:s16+$0x200] =	vst v9;
	v9 =	vor.u32 $0x29, v0  }
0xbd: {  	v6 =	vld.idx.msk [tilespmem:v6+s2+$0x0], $0xffff;
	[tilespmem:s16+$0x280] =	vst v7;
	v7 =	vor.u32 $0x2A, v0  }
0xbe: {  	v4 =	vld.idx.msk [tilespmem:v4+s2+$0x0], $0xffff;
	[tilespmem:s16+$0x300] =	vst v2;
	v2 =	vor.u32 $0x2B, v0  }
0xbf: {  	v3 =	vld.idx.msk [tilespmem:v3+s2+$0x0], $0xffff;
	[tilespmem:s16+$0x380] =	vst v8  }
0xc0: {  	v8 =	vld.idx.msk [tilespmem:v10+s2+$0x0], $0xffff;
	[tilespmem:s15+$0xF00] =	vst v12;
	s15 =	smov.u32 s16;
	s16 =	smov.u32 s17  }
0xc1: {  	v10 =	vor.u32 $0x10, v1;
	v9 =	vld.idx.msk [tilespmem:v9+s2+$0x0], $0xffff  }
0xc2: {  	[tilespmem:s17+$0xFFFFF600] =	vst v5;
	v5 =	vor.u32 $0x11, v1;
	v7 =	vld.idx.msk [tilespmem:v7+s2+$0x0], $0xffff  }
0xc3: {  	[tilespmem:s17+$0xFFFFF680] =	vst v6;
	v6 =	vor.u32 $0x12, v1;
	v2 =	vld.idx.msk [tilespmem:v2+s2+$0x0], $0xffff  }
0xc4: {  	[tilespmem:s17+$0xFFFFF700] =	vst v4;
	v4 =	vor.u32 $0x13, v1  }
0xc5: {  	[tilespmem:s17+$0xFFFFF780] =	vst v3;
	v3 =	vor.u32 $0x2C, v0  }
0xc6: {  	v10 =	vld.idx.msk [tilespmem:v10+s2+$0x0], $0xffff;
	[tilespmem:s15+$0x400] =	vst v8;
	v8 =	vor.u32 $0x2D, v0  }
0xc7: {  	s18 =	sadd.s32 $0x10, s18;
	v11 =	vld.idx.msk [tilespmem:v5+s2+$0x0], $0xffff;
	[tilespmem:s15+$0x480] =	vst v9;
	v9 =	vor.u32 $0x2E, v0  }
0xc8: {  	p0 =	slt.u32 s18, $0x70;
	v13 =	vor.u32 $0x2F, v0;
	v12 =	vld.idx.msk [tilespmem:v6+s2+$0x0], $0xffff;
	[tilespmem:s15+$0x500] =	vst v7  }
0xc9: {  	v6 =	vld.idx.msk [tilespmem:v4+s2+$0x0], $0xffff;
	[tilespmem:s15+$0x580] =	vst v2  }
.Ltmp0:
0xca: {  	v5 =	vld.idx.msk [tilespmem:v3+s2+$0x0], $0xffff;
	(pc) =	sbr.rel @p0 .LBB2_2-.Ltmp0, $4  }
0xcb: {  	v7 =	vor.u32 $0x14, v1;
	v2 =	vld.idx.msk [tilespmem:v8+s2+$0x0], $0xffff  }
0xcc: {  	v8 =	vor.u32 $0x15, v1;
	[tilespmem:s17+$0xFFFFF800] =	vst v10;
	v3 =	vld.idx.msk [tilespmem:v9+s2+$0x0], $0xffff  }
0xcd: {  	v9 =	vor.u32 $0x16, v1;
	[tilespmem:s17+$0xFFFFF880] =	vst v11;
	v4 =	vld.idx.msk [tilespmem:v13+s2+$0x0], $0xffff  }
0xce: {  	s19 =	sadd.s32 $0x10, s19;
	v10 =	vor.u32 $0x17, v1;
	[tilespmem:s17+$0xFFFFF900] =	vst v12  }
0xcf: {  	_ =	sdelay $0x2  }
0xd0: {  	[tilespmem:s17+$0xFFFFF980] =	vst v6  }
0xd1: {  	v6 =	vld.idx.msk [tilespmem:v7+s2+$0x0], $0xffff  }
0xd2: {  	v56 =	vld.idx.msk [tilespmem:v8+s2+$0x0], $0xffff  }
0xd3: {  	v57 =	vld.idx.msk [tilespmem:v9+s2+$0x0], $0xffff  }
0xd4: {  	v58 =	vld.idx.msk [tilespmem:v10+s2+$0x0], $0xffff  }
0xd5: {  	v59 =	vor.u32 $0x18, v1  }
0xd6: {  	v60 =	vor.u32 $0x19, v1;
	[tilespmem:s17+$0xFFFFFA00] =	vst v6  }
0xd7: {  	v61 =	vor.u32 $0x1A, v1;
	[tilespmem:s17+$0xFFFFFA80] =	vst v56  }
0xd8: {  	v62 =	vor.u32 $0x1B, v1;
	[tilespmem:s17+$0xFFFFFB00] =	vst v57  }
0xd9: {  	[tilespmem:s17+$0xFFFFFB80] =	vst v58  }
0xda: {  	v9 =	vld.idx.msk [tilespmem:v59+s2+$0x0], $0xffff  }
0xdb: {  	v6 =	vld.idx.msk [tilespmem:v60+s2+$0x0], $0xffff  }
0xdc: {  	v7 =	vld.idx.msk [tilespmem:v61+s2+$0x0], $0xffff  }
0xdd: {  	v8 =	vld.idx.msk [tilespmem:v62+s2+$0x0], $0xffff  }
0xde: {  	v63 =	vor.u32 $0x1C, v1  }
0xdf: {  	v12 =	vor.u32 $0x1D, v1;
	[tilespmem:s17+$0xFFFFFC00] =	vst v9  }
0xe0: {  	v13 =	vor.u32 $0x1E, v1;
	[tilespmem:s17+$0xFFFFFC80] =	vst v6  }
0xe1: {  	v14 =	vor.u32 $0x1F, v1;
	[tilespmem:s17+$0xFFFFFD00] =	vst v7  }
0xe2: {  	[tilespmem:s17+$0xFFFFFD80] =	vst v8  }
0xe3: {  	v8 =	vld.idx.msk [tilespmem:v63+s2+$0x0], $0xffff  }
0xe4: {  	v9 =	vld.idx.msk [tilespmem:v12+s2+$0x0], $0xffff  }
0xe5: {  	v6 =	vld.idx.msk [tilespmem:v13+s2+$0x0], $0xffff  }
0xe6: {  	v7 =	vld.idx.msk [tilespmem:v14+s2+$0x0], $0xffff  }
0xe7: {  	v15 =	vor.u32 $0x20, v1  }
0xe8: {  	v16 =	vor.u32 $0x21, v1;
	[tilespmem:s16+$0xFFFFFE00] =	vst v8  }
0xe9: {  	v17 =	vor.u32 $0x22, v1;
	[tilespmem:s16+$0xFFFFFE80] =	vst v9  }
0xea: {  	v18 =	vor.u32 $0x23, v1;
	[tilespmem:s16+$0xFFFFFF00] =	vst v6  }
0xeb: {  	[tilespmem:s16+$0xFFFFFF80] =	vst v7  }
0xec: {  	v7 =	vld.idx.msk [tilespmem:v15+s2+$0x0], $0xffff  }
0xed: {  	v8 =	vld.idx.msk [tilespmem:v16+s2+$0x0], $0xffff  }
0xee: {  	v9 =	vld.idx.msk [tilespmem:v17+s2+$0x0], $0xffff  }
0xef: {  	v6 =	vld.idx.msk [tilespmem:v18+s2+$0x0], $0xffff  }
0xf0: {  	v19 =	vor.u32 $0x24, v1  }
0xf1: {  	v20 =	vor.u32 $0x25, v1;
	[tilespmem:s16+$0x0] =	vst v7  }
0xf2: {  	v21 =	vor.u32 $0x26, v1;
	[tilespmem:s16+$0x80] =	vst v8  }
0xf3: {  	v22 =	vor.u32 $0x27, v1;
	[tilespmem:s16+$0x100] =	vst v9  }
0xf4: {  	[tilespmem:s16+$0x180] =	vst v6  }
0xf5: {  	v6 =	vld.idx.msk [tilespmem:v19+s2+$0x0], $0xffff  }
0xf6: {  	v7 =	vld.idx.msk [tilespmem:v20+s2+$0x0], $0xffff  }
0xf7: {  	v8 =	vld.idx.msk [tilespmem:v21+s2+$0x0], $0xffff  }
0xf8: {  	v9 =	vld.idx.msk [tilespmem:v22+s2+$0x0], $0xffff  }
0xf9: {  	v23 =	vor.u32 $0x28, v1  }
0xfa: {  	v24 =	vor.u32 $0x29, v1;
	[tilespmem:s16+$0x200] =	vst v6  }
0xfb: {  	v25 =	vor.u32 $0x2A, v1;
	[tilespmem:s16+$0x280] =	vst v7  }
0xfc: {  	v26 =	vor.u32 $0x2B, v1;
	[tilespmem:s16+$0x300] =	vst v8  }
0xfd: {  	[tilespmem:s16+$0x380] =	vst v9  }
0xfe: {  	v9 =	vld.idx.msk [tilespmem:v23+s2+$0x0], $0xffff  }
0xff: {  	v6 =	vld.idx.msk [tilespmem:v24+s2+$0x0], $0xffff  }
0x100: {  	v7 =	vld.idx.msk [tilespmem:v25+s2+$0x0], $0xffff  }
0x101: {  	v8 =	vld.idx.msk [tilespmem:v26+s2+$0x0], $0xffff  }
0x102: {  	v27 =	vor.u32 $0x2C, v1  }
0x103: {  	v28 =	vor.u32 $0x2D, v1;
	[tilespmem:s16+$0x400] =	vst v9  }
0x104: {  	v29 =	vor.u32 $0x2E, v1;
	[tilespmem:s16+$0x480] =	vst v6  }
0x105: {  	v30 =	vor.u32 $0x2F, v1;
	[tilespmem:s16+$0x500] =	vst v7  }
0x106: {  	[tilespmem:s16+$0x580] =	vst v8  }
0x107: {  	v32 =	vor.u32 $0x31, v0;
	v10 =	vld.idx.msk [tilespmem:v27+s2+$0x0], $0xffff  }
0x108: {  	[tilespmem:s15+$0x600] =	vst v5;
	v33 =	vor.u32 $0x32, v0;
	v9 =	vld.idx.msk [tilespmem:v28+s2+$0x0], $0xffff  }
0x109: {  	v34 =	vor.u32 $0x33, v0;
	[tilespmem:s15+$0x680] =	vst v2;
	v6 =	vld.idx.msk [tilespmem:v29+s2+$0x0], $0xffff  }
0x10a: {  	v31 =	vor.u32 $0x30, v0;
	[tilespmem:s15+$0x700] =	vst v3;
	v7 =	vld.idx.msk [tilespmem:v30+s2+$0x0], $0xffff  }
0x10b: {  	v35 =	vor.u32 $0x30, v1;
	[tilespmem:s15+$0x780] =	vst v4  }
0x10c: {  	v36 =	vor.u32 $0x31, v1;
	v5 =	vld.idx.msk [tilespmem:v32+s2+$0x0], $0xffff;
	[tilespmem:s16+$0x600] =	vst v10  }
0x10d: {  	v37 =	vor.u32 $0x32, v1;
	v2 =	vld.idx.msk [tilespmem:v33+s2+$0x0], $0xffff;
	[tilespmem:s16+$0x680] =	vst v9  }
0x10e: {  	v38 =	vor.u32 $0x33, v1;
	v3 =	vld.idx.msk [tilespmem:v34+s2+$0x0], $0xffff;
	[tilespmem:s16+$0x700] =	vst v6  }
0x10f: {  	v8 =	vld.idx.msk [tilespmem:v31+s2+$0x0], $0xffff;
	[tilespmem:s16+$0x780] =	vst v7  }
0x110: {  	v39 =	vor.u32 $0x34, v0;
	v4 =	vld.idx.msk [tilespmem:v35+s2+$0x0], $0xffff  }
0x111: {  	v40 =	vor.u32 $0x35, v0;
	[tilespmem:s15+$0x880] =	vst v5;
	v10 =	vld.idx.msk [tilespmem:v36+s2+$0x0], $0xffff  }
0x112: {  	v41 =	vor.u32 $0x36, v0;
	[tilespmem:s15+$0x900] =	vst v2;
	v9 =	vld.idx.msk [tilespmem:v37+s2+$0x0], $0xffff  }
0x113: {  	v42 =	vor.u32 $0x37, v0;
	[tilespmem:s15+$0x980] =	vst v3;
	v6 =	vld.idx.msk [tilespmem:v38+s2+$0x0], $0xffff  }
0x114: {  	v43 =	vor.u32 $0x34, v1;
	[tilespmem:s15+$0x800] =	vst v8  }
0x115: {  	v44 =	vor.u32 $0x35, v1;
	v7 =	vld.idx.msk [tilespmem:v39+s2+$0x0], $0xffff;
	[tilespmem:s16+$0x800] =	vst v4  }
0x116: {  	v45 =	vor.u32 $0x36, v1;
	v8 =	vld.idx.msk [tilespmem:v40+s2+$0x0], $0xffff;
	[tilespmem:s16+$0x880] =	vst v10  }
0x117: {  	v46 =	vor.u32 $0x37, v1;
	v5 =	vld.idx.msk [tilespmem:v41+s2+$0x0], $0xffff;
	[tilespmem:s16+$0x900] =	vst v9  }
0x118: {  	v2 =	vld.idx.msk [tilespmem:v42+s2+$0x0], $0xffff;
	[tilespmem:s16+$0x980] =	vst v6  }
0x119: {  	v47 =	vor.u32 $0x38, v0;
	v3 =	vld.idx.msk [tilespmem:v43+s2+$0x0], $0xffff  }
0x11a: {  	v48 =	vor.u32 $0x39, v0;
	[tilespmem:s15+$0xA00] =	vst v7;
	v4 =	vld.idx.msk [tilespmem:v44+s2+$0x0], $0xffff  }
0x11b: {  	v49 =	vor.u32 $0x3A, v0;
	[tilespmem:s15+$0xA80] =	vst v8;
	v10 =	vld.idx.msk [tilespmem:v45+s2+$0x0], $0xffff  }
0x11c: {  	v50 =	vor.u32 $0x3B, v0;
	[tilespmem:s15+$0xB00] =	vst v5;
	v9 =	vld.idx.msk [tilespmem:v46+s2+$0x0], $0xffff  }
0x11d: {  	v51 =	vor.u32 $0x38, v1;
	[tilespmem:s15+$0xB80] =	vst v2  }
0x11e: {  	v52 =	vor.u32 $0x39, v1;
	v6 =	vld.idx.msk [tilespmem:v47+s2+$0x0], $0xffff;
	[tilespmem:s16+$0xA00] =	vst v3  }
0x11f: {  	v53 =	vor.u32 $0x3A, v1;
	v7 =	vld.idx.msk [tilespmem:v48+s2+$0x0], $0xffff;
	[tilespmem:s16+$0xA80] =	vst v4  }
0x120: {  	v54 =	vor.u32 $0x3B, v1;
	v8 =	vld.idx.msk [tilespmem:v49+s2+$0x0], $0xffff;
	[tilespmem:s16+$0xB00] =	vst v10  }
0x121: {  	v5 =	vld.idx.msk [tilespmem:v50+s2+$0x0], $0xffff;
	[tilespmem:s16+$0xB80] =	vst v9  }
0x122: {  	v55 =	vor.u32 $0x3F, v0;
	v2 =	vld.idx.msk [tilespmem:v51+s2+$0x0], $0xffff  }
0x123: {  	v56 =	vor.u32 $0x3C, v0;
	[tilespmem:s15+$0xC00] =	vst v6;
	v3 =	vld.idx.msk [tilespmem:v52+s2+$0x0], $0xffff  }
0x124: {  	v57 =	vor.u32 $0x3D, v0;
	[tilespmem:s15+$0xC80] =	vst v7;
	v4 =	vld.idx.msk [tilespmem:v53+s2+$0x0], $0xffff  }
0x125: {  	v58 =	vor.u32 $0x3E, v0;
	[tilespmem:s15+$0xD00] =	vst v8;
	v59 =	vld.idx.msk [tilespmem:v54+s2+$0x0], $0xffff  }
0x126: {  	v60 =	vor.u32 $0x3F, v1;
	[tilespmem:s15+$0xD80] =	vst v5  }
0x127: {  	v61 =	vor.u32 $0x3C, v1;
	v9 =	vld.idx.msk [tilespmem:v55+s2+$0x0], $0xffff;
	[tilespmem:s16+$0xC00] =	vst v2  }
0x128: {  	v62 =	vor.u32 $0x3D, v1;
	v6 =	vld.idx.msk [tilespmem:v56+s2+$0x0], $0xffff;
	[tilespmem:s16+$0xC80] =	vst v3  }
0x129: {  	v63 =	vor.u32 $0x3E, v1;
	v7 =	vld.idx.msk [tilespmem:v57+s2+$0x0], $0xffff;
	[tilespmem:s16+$0xD00] =	vst v4  }
0x12a: {  	v0 =	vld.idx.msk [tilespmem:v58+s2+$0x0], $0xffff;
	[tilespmem:s16+$0xD80] =	vst v59  }
0x12b: {  	v4 =	vld.idx.msk [tilespmem:v60+s2+$0x0], $0xffff  }
0x12c: {  	[tilespmem:s15+$0xF80] =	vst v9;
	v2 =	vld.idx.msk [tilespmem:v61+s2+$0x0], $0xffff  }
0x12d: {  	[tilespmem:s15+$0xE00] =	vst v6;
	v3 =	vld.idx.msk [tilespmem:v62+s2+$0x0], $0xffff  }
0x12e: {  	[tilespmem:s15+$0xE80] =	vst v7;
	v1 =	vld.idx.msk [tilespmem:v63+s2+$0x0], $0xffff  }
0x12f: {  	[tilespmem:s15+$0xF00] =	vst v0  }
0x130: {  	[tilespmem:s16+$0xF80] =	vst v4  }
0x131: {  	[tilespmem:s16+$0xE00] =	vst v2  }
0x132: {  	[tilespmem:s16+$0xE80] =	vst v3  }
0x133: {  	s17 =	simm.s32 $0x10100;
	s15 =	simm.s32 $0x0;
	[tilespmem:s16+$0xF00] =	vst v1;
	s16 =	simm.s32 $0x10080  }
0x134: {  	[hbm4b:s5+s8] =	stream.strided.scatter [tilespmem:s10], [sflag:$0x1], $0x2000, s9, s8, $0x38;
	[tilespmem:$0x14C80] =	vst v63  }
.LBB2_4:
0x135: {  	p0 =	seq.s32 s15, $0x0  }
0x136: {  	s18 =	simm.s32 @!p0 $0x2  }
0x137: {  	_ =	swait.ge @!p0 [sflag:s18], $0x2000  }
0x138: {  	[sflag:s18] =	ssyncset.done @!p0 $0x0  }
0x139: {  	[sflag:s18] =	ssyncadd.s32 @!p0 $0xFFFFE000  }
0x13a: {  	v0 =	vld [tilespmem:s16+$0x0];
	_ =	sdelay $0x4  }
0x13b: {  	vm0 =	vgt.s32 v0, $0x0  }
0x13c: {  	v0 =	vnsel vm0, $0x0, v0  }
0x13d: {  	v0 =	vmin.u32 v0, $0x3FF  }
0x13e: {  	v0 =	vshll.u32 v0, $0x6  }
0x13f: {  	v1 =	vor.u32 $0x1, v0  }
0x140: {  	v2 =	vor.u32 $0x2, v0  }
0x141: {  	v3 =	vor.u32 $0x3, v0;
	_ =	sdelay $0x1  }
0x142: {  	v4 =	vld.idx.msk [tilespmem:v0+s2+$0x0], $0xffff  }
0x143: {  	v1 =	vld.idx.msk [tilespmem:v1+s2+$0x0], $0xffff  }
0x144: {  	v2 =	vld.idx.msk [tilespmem:v2+s2+$0x0], $0xffff  }
0x145: {  	v3 =	vld.idx.msk [tilespmem:v3+s2+$0x0], $0xffff  }
0x146: {  	s19 =	simm.s32 $0x13C80;
	v5 =	vor.u32 $0x4, v0  }
0x147: {  	[tilespmem:s19+$0xFFFFF000] =	vst v4;
	v4 =	vor.u32 $0x5, v0  }
0x148: {  	[tilespmem:s19+$0xFFFFF080] =	vst v1;
	v1 =	vor.u32 $0x6, v0  }
0x149: {  	[tilespmem:s19+$0xFFFFF100] =	vst v2;
	v2 =	vor.u32 $0x7, v0  }
0x14a: {  	[tilespmem:s19+$0xFFFFF180] =	vst v3  }
0x14b: {  	v3 =	vld.idx.msk [tilespmem:v5+s2+$0x0], $0xffff  }
0x14c: {  	v4 =	vld.idx.msk [tilespmem:v4+s2+$0x0], $0xffff  }
0x14d: {  	v1 =	vld.idx.msk [tilespmem:v1+s2+$0x0], $0xffff  }
0x14e: {  	v2 =	vld.idx.msk [tilespmem:v2+s2+$0x0], $0xffff  }
0x14f: {  	v5 =	vor.u32 $0x8, v0  }
0x150: {  	[tilespmem:s19+$0xFFFFF200] =	vst v3;
	v3 =	vor.u32 $0x9, v0  }
0x151: {  	[tilespmem:s19+$0xFFFFF280] =	vst v4;
	v4 =	vor.u32 $0xA, v0  }
0x152: {  	[tilespmem:s19+$0xFFFFF300] =	vst v1;
	v1 =	vor.u32 $0xB, v0  }
0x153: {  	[tilespmem:s19+$0xFFFFF380] =	vst v2  }
0x154: {  	v2 =	vld.idx.msk [tilespmem:v5+s2+$0x0], $0xffff  }
0x155: {  	v3 =	vld.idx.msk [tilespmem:v3+s2+$0x0], $0xffff  }
0x156: {  	v4 =	vld.idx.msk [tilespmem:v4+s2+$0x0], $0xffff  }
0x157: {  	v1 =	vld.idx.msk [tilespmem:v1+s2+$0x0], $0xffff  }
0x158: {  	v5 =	vor.u32 $0xC, v0  }
0x159: {  	[tilespmem:s19+$0xFFFFF400] =	vst v2;
	v2 =	vor.u32 $0xD, v0  }
0x15a: {  	[tilespmem:s19+$0xFFFFF480] =	vst v3;
	v3 =	vor.u32 $0xE, v0  }
0x15b: {  	[tilespmem:s19+$0xFFFFF500] =	vst v4;
	v4 =	vor.u32 $0xF, v0  }
0x15c: {  	[tilespmem:s19+$0xFFFFF580] =	vst v1  }
0x15d: {  	v1 =	vld.idx.msk [tilespmem:v5+s2+$0x0], $0xffff  }
0x15e: {  	v2 =	vld.idx.msk [tilespmem:v2+s2+$0x0], $0xffff  }
0x15f: {  	v3 =	vld.idx.msk [tilespmem:v3+s2+$0x0], $0xffff  }
0x160: {  	v4 =	vld.idx.msk [tilespmem:v4+s2+$0x0], $0xffff  }
0x161: {  	v5 =	vor.u32 $0x10, v0  }
0x162: {  	[tilespmem:s19+$0xFFFFF600] =	vst v1;
	v1 =	vor.u32 $0x11, v0  }
0x163: {  	[tilespmem:s19+$0xFFFFF680] =	vst v2;
	v2 =	vor.u32 $0x12, v0  }
0x164: {  	[tilespmem:s19+$0xFFFFF700] =	vst v3;
	v3 =	vor.u32 $0x13, v0  }
0x165: {  	[tilespmem:s19+$0xFFFFF780] =	vst v4  }
0x166: {  	v4 =	vld.idx.msk [tilespmem:v5+s2+$0x0], $0xffff  }
0x167: {  	v1 =	vld.idx.msk [tilespmem:v1+s2+$0x0], $0xffff  }
0x168: {  	v2 =	vld.idx.msk [tilespmem:v2+s2+$0x0], $0xffff  }
0x169: {  	v3 =	vld.idx.msk [tilespmem:v3+s2+$0x0], $0xffff  }
0x16a: {  	v5 =	vor.u32 $0x14, v0  }
0x16b: {  	[tilespmem:s19+$0xFFFFF800] =	vst v4;
	v4 =	vor.u32 $0x15, v0  }
0x16c: {  	[tilespmem:s19+$0xFFFFF880] =	vst v1;
	v1 =	vor.u32 $0x16, v0  }
0x16d: {  	s21 =	sadd.s32 $0x10, s16;
	[tilespmem:s19+$0xFFFFF900] =	vst v2;
	v2 =	vor.u32 $0x17, v0  }
0x16e: {  	v6 =	vld [tilespmem:s21+$0x0];
	[tilespmem:s19+$0xFFFFF980] =	vst v3  }
0x16f: {  	v3 =	vld.idx.msk [tilespmem:v5+s2+$0x0], $0xffff  }
0x170: {  	v4 =	vld.idx.msk [tilespmem:v4+s2+$0x0], $0xffff  }
0x171: {  	v1 =	vld.idx.msk [tilespmem:v1+s2+$0x0], $0xffff  }
0x172: {  	v2 =	vld.idx.msk [tilespmem:v2+s2+$0x0], $0xffff  }
0x173: {  	v5 =	vor.u32 $0x18, v0  }
0x174: {  	[tilespmem:s19+$0xFFFFFA00] =	vst v3;
	v3 =	vor.u32 $0x19, v0  }
0x175: {  	vm15 =	vgt.s32 v6, $0x0;
	[tilespmem:s19+$0xFFFFFA80] =	vst v4;
	v4 =	vor.u32 $0x1A, v0  }
0x176: {  	v7 =	vor.u32 $0x1B, v0;
	[tilespmem:s19+$0xFFFFFB00] =	vst v1;
	v1 =	vnsel vm15, $0x0, v6  }
0x177: {  	[tilespmem:s19+$0xFFFFFB80] =	vst v2;
	v1 =	vmin.u32 v1, $0x3FF  }
0x178: {  	v2 =	vld.idx.msk [tilespmem:v5+s2+$0x0], $0xffff;
	v1 =	vshll.u32 v1, $0x6  }
0x179: {  	v3 =	vld.idx.msk [tilespmem:v3+s2+$0x0], $0xffff;
	v5 =	vor.u32 $0x1, v1  }
0x17a: {  	v6 =	vor.u32 $0x2, v1;
	v4 =	vld.idx.msk [tilespmem:v4+s2+$0x0], $0xffff  }
0x17b: {  	v7 =	vld.idx.msk [tilespmem:v7+s2+$0x0], $0xffff;
	v8 =	vor.u32 $0x3, v1  }
0x17c: {  	v9 =	vor.u32 $0x1C, v0  }
0x17d: {  	v10 =	vor.u32 $0x1D, v0;
	[tilespmem:s19+$0xFFFFFC00] =	vst v2;
	v2 =	vld.idx.msk [tilespmem:v1+s2+$0x0], $0xffff  }
0x17e: {  	[tilespmem:s19+$0xFFFFFC80] =	vst v3;
	v3 =	vld.idx.msk [tilespmem:v5+s2+$0x0], $0xffff;
	v5 =	vor.u32 $0x1E, v0  }
0x17f: {  	[tilespmem:s19+$0xFFFFFD00] =	vst v4;
	v4 =	vld.idx.msk [tilespmem:v6+s2+$0x0], $0xffff;
	v6 =	vor.u32 $0x1F, v0  }
0x180: {  	[tilespmem:s19+$0xFFFFFD80] =	vst v7;
	v7 =	vld.idx.msk [tilespmem:v8+s2+$0x0], $0xffff  }
0x181: {  	s22 =	simm.s32 $0x13C90;
	v8 =	vld.idx.msk [tilespmem:v9+s2+$0x0], $0xffff;
	v9 =	vor.u32 $0x4, v1  }
0x182: {  	v10 =	vld.idx.msk [tilespmem:v10+s2+$0x0], $0xffff;
	[tilespmem:s22+$0xFFFFF000] =	vst v2;
	v2 =	vor.u32 $0x5, v1  }
0x183: {  	[tilespmem:s22+$0xFFFFF080] =	vst v3;
	v3 =	vld.idx.msk [tilespmem:v5+s2+$0x0], $0xffff;
	v5 =	vor.u32 $0x6, v1  }
0x184: {  	[tilespmem:s22+$0xFFFFF100] =	vst v4;
	v4 =	vld.idx.msk [tilespmem:v6+s2+$0x0], $0xffff;
	v6 =	vor.u32 $0x7, v1  }
0x185: {  	[tilespmem:s22+$0xFFFFF180] =	vst v7;
	v7 =	vor.u32 $0x20, v0  }
0x186: {  	[tilespmem:s19+$0xFFFFFE00] =	vst v8;
	v8 =	vld.idx.msk [tilespmem:v9+s2+$0x0], $0xffff;
	v9 =	vor.u32 $0x21, v0  }
0x187: {  	[tilespmem:s19+$0xFFFFFE80] =	vst v10;
	v10 =	vor.u32 $0x22, v0;
	v2 =	vld.idx.msk [tilespmem:v2+s2+$0x0], $0xffff  }
0x188: {  	v5 =	vld.idx.msk [tilespmem:v5+s2+$0x0], $0xffff;
	[tilespmem:s19+$0xFFFFFF00] =	vst v3;
	v3 =	vor.u32 $0x23, v0  }
0x189: {  	v6 =	vld.idx.msk [tilespmem:v6+s2+$0x0], $0xffff;
	[tilespmem:s19+$0xFFFFFF80] =	vst v4  }
0x18a: {  	v4 =	vld.idx.msk [tilespmem:v7+s2+$0x0], $0xffff;
	v7 =	vor.u32 $0x8, v1  }
0x18b: {  	v9 =	vld.idx.msk [tilespmem:v9+s2+$0x0], $0xffff;
	[tilespmem:s22+$0xFFFFF200] =	vst v8;
	v8 =	vor.u32 $0x9, v1  }
0x18c: {  	v10 =	vld.idx.msk [tilespmem:v10+s2+$0x0], $0xffff;
	[tilespmem:s22+$0xFFFFF280] =	vst v2;
	v2 =	vor.u32 $0xA, v1  }
0x18d: {  	v3 =	vld.idx.msk [tilespmem:v3+s2+$0x0], $0xffff;
	[tilespmem:s22+$0xFFFFF300] =	vst v5;
	v5 =	vor.u32 $0xB, v1  }
0x18e: {  	[tilespmem:s22+$0xFFFFF380] =	vst v6;
	v6 =	vor.u32 $0x24, v0  }
0x18f: {  	v7 =	vld.idx.msk [tilespmem:v7+s2+$0x0], $0xffff;
	[tilespmem:s19+$0x0] =	vst v4;
	v4 =	vor.u32 $0x25, v0  }
0x190: {  	v8 =	vld.idx.msk [tilespmem:v8+s2+$0x0], $0xffff;
	[tilespmem:s19+$0x80] =	vst v9;
	v9 =	vor.u32 $0x26, v0  }
0x191: {  	[tilespmem:s19+$0x100] =	vst v10;
	v10 =	vor.u32 $0x27, v0;
	v2 =	vld.idx.msk [tilespmem:v2+s2+$0x0], $0xffff  }
0x192: {  	v5 =	vld.idx.msk [tilespmem:v5+s2+$0x0], $0xffff;
	[tilespmem:s19+$0x180] =	vst v3  }
0x193: {  	v3 =	vld.idx.msk [tilespmem:v6+s2+$0x0], $0xffff;
	v6 =	vor.u32 $0xC, v1  }
0x194: {  	v4 =	vld.idx.msk [tilespmem:v4+s2+$0x0], $0xffff;
	[tilespmem:s22+$0xFFFFF400] =	vst v7;
	v7 =	vor.u32 $0xD, v1  }
0x195: {  	v9 =	vld.idx.msk [tilespmem:v9+s2+$0x0], $0xffff;
	[tilespmem:s22+$0xFFFFF480] =	vst v8;
	v8 =	vor.u32 $0xE, v1  }
0x196: {  	v10 =	vld.idx.msk [tilespmem:v10+s2+$0x0], $0xffff;
	[tilespmem:s22+$0xFFFFF500] =	vst v2;
	v2 =	vor.u32 $0xF, v1  }
0x197: {  	[tilespmem:s22+$0xFFFFF580] =	vst v5;
	v5 =	vor.u32 $0x28, v0  }
0x198: {  	v6 =	vld.idx.msk [tilespmem:v6+s2+$0x0], $0xffff;
	[tilespmem:s19+$0x200] =	vst v3;
	v3 =	vor.u32 $0x29, v0  }
0x199: {  	v7 =	vld.idx.msk [tilespmem:v7+s2+$0x0], $0xffff;
	[tilespmem:s19+$0x280] =	vst v4;
	v4 =	vor.u32 $0x2A, v0  }
0x19a: {  	v8 =	vld.idx.msk [tilespmem:v8+s2+$0x0], $0xffff;
	[tilespmem:s19+$0x300] =	vst v9;
	v9 =	vor.u32 $0x2B, v0  }
0x19b: {  	[tilespmem:s19+$0x380] =	vst v10;
	v2 =	vld.idx.msk [tilespmem:v2+s2+$0x0], $0xffff  }
0x19c: {  	v10 =	vor.u32 $0x10, v1;
	v5 =	vld.idx.msk [tilespmem:v5+s2+$0x0], $0xffff  }
0x19d: {  	v3 =	vld.idx.msk [tilespmem:v3+s2+$0x0], $0xffff;
	[tilespmem:s22+$0xFFFFF600] =	vst v6;
	v6 =	vor.u32 $0x11, v1  }
0x19e: {  	v4 =	vld.idx.msk [tilespmem:v4+s2+$0x0], $0xffff;
	[tilespmem:s22+$0xFFFFF680] =	vst v7;
	v7 =	vor.u32 $0x12, v1  }
0x19f: {  	v9 =	vld.idx.msk [tilespmem:v9+s2+$0x0], $0xffff;
	[tilespmem:s22+$0xFFFFF700] =	vst v8;
	v8 =	vor.u32 $0x13, v1  }
0x1a0: {  	[tilespmem:s22+$0xFFFFF780] =	vst v2;
	v2 =	vor.u32 $0x2C, v0  }
0x1a1: {  	v10 =	vld.idx.msk [tilespmem:v10+s2+$0x0], $0xffff;
	[tilespmem:s19+$0x400] =	vst v5;
	v5 =	vor.u32 $0x2D, v0  }
0x1a2: {  	v11 =	vld.idx.msk [tilespmem:v6+s2+$0x0], $0xffff;
	[tilespmem:s19+$0x480] =	vst v3;
	v3 =	vor.u32 $0x2E, v0  }
0x1a3: {  	v13 =	vor.u32 $0x2F, v0;
	v12 =	vld.idx.msk [tilespmem:v7+s2+$0x0], $0xffff;
	[tilespmem:s19+$0x500] =	vst v4  }
0x1a4: {  	v6 =	vld.idx.msk [tilespmem:v8+s2+$0x0], $0xffff;
	[tilespmem:s19+$0x580] =	vst v9  }
0x1a5: {  	v7 =	vor.u32 $0x14, v1;
	v4 =	vld.idx.msk [tilespmem:v2+s2+$0x0], $0xffff  }
0x1a6: {  	v8 =	vor.u32 $0x15, v1;
	v2 =	vld.idx.msk [tilespmem:v5+s2+$0x0], $0xffff;
	[tilespmem:s22+$0xFFFFF800] =	vst v10  }
0x1a7: {  	s20 =	sshllo.u32 s15, $0x1;
	s23 =	simm.s32 $0x10;
	v9 =	vor.u32 $0x16, v1;
	v3 =	vld.idx.msk [tilespmem:v3+s2+$0x0], $0xffff;
	[tilespmem:s22+$0xFFFFF880] =	vst v11  }
0x1a8: {  	s24 =	sadd.s32 $0x10, s21;
	s18 =	sshll.u32 s15, $0x1;
	s21 =	simm.s32 $0x13C90;
	v5 =	vld.idx.msk [tilespmem:v13+s2+$0x0], $0xffff;
	v10 =	vor.u32 $0x17, v1;
	[tilespmem:s22+$0xFFFFF900] =	vst v12  }
.LBB2_5:
0x1a9: {  	v11 =	vld [tilespmem:s24+$0x0];
	[tilespmem:s22+$0xFFFFF980] =	vst v6;
	v6 =	vor.u32 $0x30, v0  }
0x1aa: {  	v7 =	vld.idx.msk [tilespmem:v7+s2+$0x0], $0xffff;
	[tilespmem:s19+$0x600] =	vst v4;
	v4 =	vor.u32 $0x31, v0  }
0x1ab: {  	v8 =	vld.idx.msk [tilespmem:v8+s2+$0x0], $0xffff;
	[tilespmem:s19+$0x680] =	vst v2;
	v2 =	vor.u32 $0x32, v0  }
0x1ac: {  	v9 =	vld.idx.msk [tilespmem:v9+s2+$0x0], $0xffff;
	[tilespmem:s19+$0x700] =	vst v3;
	v3 =	vor.u32 $0x33, v0  }
0x1ad: {  	v10 =	vld.idx.msk [tilespmem:v10+s2+$0x0], $0xffff;
	[tilespmem:s19+$0x780] =	vst v5  }
0x1ae: {  	v5 =	vld.idx.msk [tilespmem:v6+s2+$0x0], $0xffff  }
0x1af: {  	v6 =	vor.u32 $0x18, v1;
	v4 =	vld.idx.msk [tilespmem:v4+s2+$0x0], $0xffff  }
0x1b0: {  	[tilespmem:s22+$0xFFFFFA00] =	vst v7;
	v7 =	vor.u32 $0x19, v1;
	v2 =	vld.idx.msk [tilespmem:v2+s2+$0x0], $0xffff  }
0x1b1: {  	[tilespmem:s22+$0xFFFFFA80] =	vst v8;
	v8 =	vor.u32 $0x1A, v1;
	v3 =	vld.idx.msk [tilespmem:v3+s2+$0x0], $0xffff  }
0x1b2: {  	[tilespmem:s22+$0xFFFFFB00] =	vst v9;
	v9 =	vor.u32 $0x1B, v1  }
0x1b3: {  	[tilespmem:s22+$0xFFFFFB80] =	vst v10;
	v10 =	vor.u32 $0x34, v0  }
0x1b4: {  	vm0 =	vgt.s32 v11, $0x0;
	v6 =	vld.idx.msk [tilespmem:v6+s2+$0x0], $0xffff;
	[tilespmem:s19+$0x800] =	vst v5;
	v5 =	vor.u32 $0x35, v0  }
0x1b5: {  	v11 =	vnsel vm0, $0x0, v11;
	v7 =	vld.idx.msk [tilespmem:v7+s2+$0x0], $0xffff;
	[tilespmem:s19+$0x880] =	vst v4;
	v4 =	vor.u32 $0x36, v0  }
0x1b6: {  	v11 =	vmin.u32 v11, $0x3FF;
	v8 =	vld.idx.msk [tilespmem:v8+s2+$0x0], $0xffff;
	[tilespmem:s19+$0x900] =	vst v2;
	v2 =	vor.u32 $0x37, v0  }
0x1b7: {  	v11 =	vshll.u32 v11, $0x6;
	v9 =	vld.idx.msk [tilespmem:v9+s2+$0x0], $0xffff;
	[tilespmem:s19+$0x980] =	vst v3  }
0x1b8: {  	v3 =	vor.u32 $0x1, v11;
	v10 =	vld.idx.msk [tilespmem:v10+s2+$0x0], $0xffff  }
0x1b9: {  	v12 =	vor.u32 $0x2, v11;
	v5 =	vld.idx.msk [tilespmem:v5+s2+$0x0], $0xffff  }
0x1ba: {  	v13 =	vor.u32 $0x3, v11;
	[tilespmem:s22+$0xFFFFFC00] =	vst v6;
	v4 =	vld.idx.msk [tilespmem:v4+s2+$0x0], $0xffff  }
0x1bb: {  	v6 =	vor.u32 $0x1C, v1;
	[tilespmem:s22+$0xFFFFFC80] =	vst v7;
	v2 =	vld.idx.msk [tilespmem:v2+s2+$0x0], $0xffff  }
0x1bc: {  	v7 =	vld.idx.msk [tilespmem:v11+s2+$0x0], $0xffff;
	[tilespmem:s22+$0xFFFFFD00] =	vst v8;
	v8 =	vor.u32 $0x1D, v1  }
0x1bd: {  	v3 =	vld.idx.msk [tilespmem:v3+s2+$0x0], $0xffff;
	[tilespmem:s22+$0xFFFFFD80] =	vst v9;
	v9 =	vor.u32 $0x38, v0  }
0x1be: {  	v12 =	vld.idx.msk [tilespmem:v12+s2+$0x0], $0xffff;
	[tilespmem:s19+$0xA00] =	vst v10;
	v10 =	vor.u32 $0x39, v0  }
0x1bf: {  	v13 =	vld.idx.msk [tilespmem:v13+s2+$0x0], $0xffff;
	[tilespmem:s19+$0xA80] =	vst v5;
	v5 =	vor.u32 $0x3A, v0  }
0x1c0: {  	v6 =	vld.idx.msk [tilespmem:v6+s2+$0x0], $0xffff;
	[tilespmem:s19+$0xB00] =	vst v4;
	v4 =	vor.u32 $0x3B, v0  }
0x1c1: {  	v14 =	vor.u32 $0x1E, v1;
	v8 =	vld.idx.msk [tilespmem:v8+s2+$0x0], $0xffff;
	[tilespmem:s19+$0xB80] =	vst v2  }
0x1c2: {  	s22 =	sadd.s32 $0x10, s22;
	v2 =	vor.u32 $0x1F, v1;
	v9 =	vld.idx.msk [tilespmem:v9+s2+$0x0], $0xffff  }
0x1c3: {  	[tilespmem:s22+$0xFFFFF000] =	vst v7;
	v7 =	vld.idx.msk [tilespmem:v10+s2+$0x0], $0xffff  }
0x1c4: {  	[tilespmem:s22+$0xFFFFF080] =	vst v3;
	v3 =	vld.idx.msk [tilespmem:v5+s2+$0x0], $0xffff  }
0x1c5: {  	v5 =	vor.u32 $0x4, v11;
	[tilespmem:s22+$0xFFFFF100] =	vst v12;
	v4 =	vld.idx.msk [tilespmem:v4+s2+$0x0], $0xffff  }
0x1c6: {  	v10 =	vor.u32 $0x5, v11;
	[tilespmem:s22+$0xFFFFF180] =	vst v13;
	v12 =	vld.idx.msk [tilespmem:v14+s2+$0x0], $0xffff  }
0x1c7: {  	v2 =	vld.idx.msk [tilespmem:v2+s2+$0x0], $0xffff;
	[tilespmem:s21+$0xFFFFFE00] =	vst v6;
	v6 =	vor.u32 $0x3F, v0  }
0x1c8: {  	v13 =	vor.u32 $0x6, v11;
	[tilespmem:s19+$0xC00] =	vst v9  }
0x1c9: {  	v9 =	vor.u32 $0x7, v11;
	[tilespmem:s19+$0xC80] =	vst v7  }
0x1ca: {  	v7 =	vor.u32 $0x20, v1;
	v5 =	vld.idx.msk [tilespmem:v5+s2+$0x0], $0xffff;
	[tilespmem:s19+$0xD00] =	vst v3  }
0x1cb: {  	v3 =	vld.idx.msk [tilespmem:v10+s2+$0x0], $0xffff;
	[tilespmem:s19+$0xD80] =	vst v4;
	v4 =	vor.u32 $0x3C, v0  }
0x1cc: {  	[tilespmem:s21+$0xFFFFFE80] =	vst v8;
	v8 =	vor.u32 $0x3D, v0;
	v6 =	vld.idx.msk [tilespmem:v6+s2+$0x0], $0xffff  }
0x1cd: {  	v10 =	vld.idx.msk [tilespmem:v13+s2+$0x0], $0xffff;
	[tilespmem:s21+$0xFFFFFF00] =	vst v12;
	v12 =	vor.u32 $0x3E, v0;
	v0 =	vmov v1;
	v1 =	vmov v11  }
0x1ce: {  	v9 =	vld.idx.msk [tilespmem:v9+s2+$0x0], $0xffff;
	[tilespmem:s21+$0xFFFFFF80] =	vst v2;
	v2 =	vor.u32 $0x21, v0  }
0x1cf: {  	v11 =	vor.u32 $0x22, v0;
	v7 =	vld.idx.msk [tilespmem:v7+s2+$0x0], $0xffff  }
0x1d0: {  	v13 =	vor.u32 $0x23, v0;
	v4 =	vld.idx.msk [tilespmem:v4+s2+$0x0], $0xffff  }
0x1d1: {  	v8 =	vld.idx.msk [tilespmem:v8+s2+$0x0], $0xffff  }
0x1d2: {  	v12 =	vld.idx.msk [tilespmem:v12+s2+$0x0], $0xffff;
	[tilespmem:s19+$0xF80] =	vst v6  }
0x1d3: {  	v6 =	vor.u32 $0x8, v1;
	v2 =	vld.idx.msk [tilespmem:v2+s2+$0x0], $0xffff  }
0x1d4: {  	[tilespmem:s22+$0xFFFFF200] =	vst v5;
	v5 =	vor.u32 $0x9, v1;
	v11 =	vld.idx.msk [tilespmem:v11+s2+$0x0], $0xffff  }
0x1d5: {  	[tilespmem:s22+$0xFFFFF280] =	vst v3;
	v3 =	vor.u32 $0xA, v1;
	v13 =	vld.idx.msk [tilespmem:v13+s2+$0x0], $0xffff  }
0x1d6: {  	[tilespmem:s22+$0xFFFFF300] =	vst v10;
	v10 =	vor.u32 $0xB, v1  }
0x1d7: {  	[tilespmem:s22+$0xFFFFF380] =	vst v9;
	v9 =	vor.u32 $0x24, v0  }
0x1d8: {  	v6 =	vld.idx.msk [tilespmem:v6+s2+$0x0], $0xffff;
	[tilespmem:s21+$0x0] =	vst v7;
	v7 =	vor.u32 $0x25, v0  }
0x1d9: {  	v5 =	vld.idx.msk [tilespmem:v5+s2+$0x0], $0xffff;
	[tilespmem:s21+$0x80] =	vst v2;
	v2 =	vor.u32 $0x26, v0  }
0x1da: {  	v3 =	vld.idx.msk [tilespmem:v3+s2+$0x0], $0xffff;
	[tilespmem:s21+$0x100] =	vst v11;
	v11 =	vor.u32 $0x27, v0  }
0x1db: {  	v10 =	vld.idx.msk [tilespmem:v10+s2+$0x0], $0xffff;
	[tilespmem:s21+$0x180] =	vst v13  }
0x1dc: {  	v9 =	vld.idx.msk [tilespmem:v9+s2+$0x0], $0xffff;
	[tilespmem:s19+$0xE00] =	vst v4  }
0x1dd: {  	v4 =	vor.u32 $0xC, v1;
	v7 =	vld.idx.msk [tilespmem:v7+s2+$0x0], $0xffff;
	[tilespmem:s19+$0xE80] =	vst v8  }
0x1de: {  	[tilespmem:s22+$0xFFFFF400] =	vst v6;
	v6 =	vor.u32 $0xD, v1;
	v2 =	vld.idx.msk [tilespmem:v2+s2+$0x0], $0xffff  }
0x1df: {  	[tilespmem:s22+$0xFFFFF480] =	vst v5;
	v5 =	vor.u32 $0xE, v1;
	v8 =	vld.idx.msk [tilespmem:v11+s2+$0x0], $0xffff  }
0x1e0: {  	[tilespmem:s22+$0xFFFFF500] =	vst v3;
	v3 =	vor.u32 $0xF, v1  }
0x1e1: {  	[tilespmem:s22+$0xFFFFF580] =	vst v10;
	v10 =	vor.u32 $0x28, v0  }
0x1e2: {  	v4 =	vld.idx.msk [tilespmem:v4+s2+$0x0], $0xffff;
	[tilespmem:s21+$0x200] =	vst v9;
	v9 =	vor.u32 $0x29, v0  }
0x1e3: {  	v6 =	vld.idx.msk [tilespmem:v6+s2+$0x0], $0xffff;
	[tilespmem:s21+$0x280] =	vst v7;
	v7 =	vor.u32 $0x2A, v0  }
0x1e4: {  	v5 =	vld.idx.msk [tilespmem:v5+s2+$0x0], $0xffff;
	[tilespmem:s21+$0x300] =	vst v2;
	v2 =	vor.u32 $0x2B, v0  }
0x1e5: {  	v3 =	vld.idx.msk [tilespmem:v3+s2+$0x0], $0xffff;
	[tilespmem:s21+$0x380] =	vst v8  }
0x1e6: {  	v8 =	vld.idx.msk [tilespmem:v10+s2+$0x0], $0xffff;
	[tilespmem:s19+$0xF00] =	vst v12;
	s19 =	smov.u32 s21;
	s21 =	smov.u32 s22  }
0x1e7: {  	v10 =	vor.u32 $0x10, v1;
	v9 =	vld.idx.msk [tilespmem:v9+s2+$0x0], $0xffff  }
0x1e8: {  	[tilespmem:s22+$0xFFFFF600] =	vst v4;
	v4 =	vor.u32 $0x11, v1;
	v7 =	vld.idx.msk [tilespmem:v7+s2+$0x0], $0xffff  }
0x1e9: {  	[tilespmem:s22+$0xFFFFF680] =	vst v6;
	v6 =	vor.u32 $0x12, v1;
	v2 =	vld.idx.msk [tilespmem:v2+s2+$0x0], $0xffff  }
0x1ea: {  	[tilespmem:s22+$0xFFFFF700] =	vst v5;
	v5 =	vor.u32 $0x13, v1  }
0x1eb: {  	[tilespmem:s22+$0xFFFFF780] =	vst v3;
	v3 =	vor.u32 $0x2C, v0  }
0x1ec: {  	v10 =	vld.idx.msk [tilespmem:v10+s2+$0x0], $0xffff;
	[tilespmem:s19+$0x400] =	vst v8;
	v8 =	vor.u32 $0x2D, v0  }
0x1ed: {  	s23 =	sadd.s32 $0x10, s23;
	v11 =	vld.idx.msk [tilespmem:v4+s2+$0x0], $0xffff;
	[tilespmem:s19+$0x480] =	vst v9;
	v9 =	vor.u32 $0x2E, v0  }
0x1ee: {  	p0 =	slt.u32 s23, $0x70;
	v13 =	vor.u32 $0x2F, v0;
	v12 =	vld.idx.msk [tilespmem:v6+s2+$0x0], $0xffff;
	[tilespmem:s19+$0x500] =	vst v7  }
0x1ef: {  	v6 =	vld.idx.msk [tilespmem:v5+s2+$0x0], $0xffff;
	[tilespmem:s19+$0x580] =	vst v2  }
.Ltmp1:
0x1f0: {  	v4 =	vld.idx.msk [tilespmem:v3+s2+$0x0], $0xffff;
	(pc) =	sbr.rel @p0 .LBB2_5-.Ltmp1, $4  }
0x1f1: {  	v7 =	vor.u32 $0x14, v1;
	v2 =	vld.idx.msk [tilespmem:v8+s2+$0x0], $0xffff  }
0x1f2: {  	v8 =	vor.u32 $0x15, v1;
	[tilespmem:s22+$0xFFFFF800] =	vst v10;
	v3 =	vld.idx.msk [tilespmem:v9+s2+$0x0], $0xffff  }
0x1f3: {  	v9 =	vor.u32 $0x16, v1;
	[tilespmem:s22+$0xFFFFF880] =	vst v11;
	v5 =	vld.idx.msk [tilespmem:v13+s2+$0x0], $0xffff  }
0x1f4: {  	s24 =	sadd.s32 $0x10, s24;
	v10 =	vor.u32 $0x17, v1;
	[tilespmem:s22+$0xFFFFF900] =	vst v12  }
0x1f5: {  	_ =	sdelay $0x2  }
0x1f6: {  	[tilespmem:s22+$0xFFFFF980] =	vst v6  }
0x1f7: {  	v6 =	vld.idx.msk [tilespmem:v7+s2+$0x0], $0xffff  }
0x1f8: {  	v7 =	vld.idx.msk [tilespmem:v8+s2+$0x0], $0xffff  }
0x1f9: {  	v8 =	vld.idx.msk [tilespmem:v9+s2+$0x0], $0xffff  }
0x1fa: {  	v9 =	vld.idx.msk [tilespmem:v10+s2+$0x0], $0xffff  }
0x1fb: {  	v10 =	vor.u32 $0x18, v1  }
0x1fc: {  	[tilespmem:s22+$0xFFFFFA00] =	vst v6;
	v6 =	vor.u32 $0x19, v1  }
0x1fd: {  	[tilespmem:s22+$0xFFFFFA80] =	vst v7;
	v7 =	vor.u32 $0x1A, v1  }
0x1fe: {  	[tilespmem:s22+$0xFFFFFB00] =	vst v8;
	v8 =	vor.u32 $0x1B, v1  }
0x1ff: {  	[tilespmem:s22+$0xFFFFFB80] =	vst v9  }
0x200: {  	v9 =	vld.idx.msk [tilespmem:v10+s2+$0x0], $0xffff  }
0x201: {  	v6 =	vld.idx.msk [tilespmem:v6+s2+$0x0], $0xffff  }
0x202: {  	v7 =	vld.idx.msk [tilespmem:v7+s2+$0x0], $0xffff  }
0x203: {  	v8 =	vld.idx.msk [tilespmem:v8+s2+$0x0], $0xffff  }
0x204: {  	v10 =	vor.u32 $0x1C, v1  }
0x205: {  	[tilespmem:s22+$0xFFFFFC00] =	vst v9;
	v9 =	vor.u32 $0x1D, v1  }
0x206: {  	[tilespmem:s22+$0xFFFFFC80] =	vst v6;
	v6 =	vor.u32 $0x1E, v1  }
0x207: {  	[tilespmem:s22+$0xFFFFFD00] =	vst v7;
	v7 =	vor.u32 $0x1F, v1  }
0x208: {  	[tilespmem:s22+$0xFFFFFD80] =	vst v8  }
0x209: {  	v8 =	vld.idx.msk [tilespmem:v10+s2+$0x0], $0xffff  }
0x20a: {  	v9 =	vld.idx.msk [tilespmem:v9+s2+$0x0], $0xffff  }
0x20b: {  	v6 =	vld.idx.msk [tilespmem:v6+s2+$0x0], $0xffff  }
0x20c: {  	v7 =	vld.idx.msk [tilespmem:v7+s2+$0x0], $0xffff  }
0x20d: {  	v10 =	vor.u32 $0x20, v1  }
0x20e: {  	[tilespmem:s21+$0xFFFFFE00] =	vst v8;
	v8 =	vor.u32 $0x21, v1  }
0x20f: {  	[tilespmem:s21+$0xFFFFFE80] =	vst v9;
	v9 =	vor.u32 $0x22, v1  }
0x210: {  	[tilespmem:s21+$0xFFFFFF00] =	vst v6;
	v6 =	vor.u32 $0x23, v1  }
0x211: {  	[tilespmem:s21+$0xFFFFFF80] =	vst v7  }
0x212: {  	v7 =	vld.idx.msk [tilespmem:v10+s2+$0x0], $0xffff  }
0x213: {  	v8 =	vld.idx.msk [tilespmem:v8+s2+$0x0], $0xffff  }
0x214: {  	v9 =	vld.idx.msk [tilespmem:v9+s2+$0x0], $0xffff  }
0x215: {  	v6 =	vld.idx.msk [tilespmem:v6+s2+$0x0], $0xffff  }
0x216: {  	v10 =	vor.u32 $0x24, v1  }
0x217: {  	[tilespmem:s21+$0x0] =	vst v7;
	v7 =	vor.u32 $0x25, v1  }
0x218: {  	[tilespmem:s21+$0x80] =	vst v8;
	v8 =	vor.u32 $0x26, v1  }
0x219: {  	[tilespmem:s21+$0x100] =	vst v9;
	v9 =	vor.u32 $0x27, v1  }
0x21a: {  	[tilespmem:s21+$0x180] =	vst v6  }
0x21b: {  	v6 =	vld.idx.msk [tilespmem:v10+s2+$0x0], $0xffff  }
0x21c: {  	v7 =	vld.idx.msk [tilespmem:v7+s2+$0x0], $0xffff  }
0x21d: {  	v8 =	vld.idx.msk [tilespmem:v8+s2+$0x0], $0xffff  }
0x21e: {  	v9 =	vld.idx.msk [tilespmem:v9+s2+$0x0], $0xffff  }
0x21f: {  	v10 =	vor.u32 $0x28, v1  }
0x220: {  	[tilespmem:s21+$0x200] =	vst v6;
	v6 =	vor.u32 $0x29, v1  }
0x221: {  	[tilespmem:s21+$0x280] =	vst v7;
	v7 =	vor.u32 $0x2A, v1  }
0x222: {  	[tilespmem:s21+$0x300] =	vst v8;
	v8 =	vor.u32 $0x2B, v1  }
0x223: {  	[tilespmem:s21+$0x380] =	vst v9  }
0x224: {  	v9 =	vld.idx.msk [tilespmem:v10+s2+$0x0], $0xffff  }
0x225: {  	v6 =	vld.idx.msk [tilespmem:v6+s2+$0x0], $0xffff  }
0x226: {  	v7 =	vld.idx.msk [tilespmem:v7+s2+$0x0], $0xffff  }
0x227: {  	v8 =	vld.idx.msk [tilespmem:v8+s2+$0x0], $0xffff  }
0x228: {  	v10 =	vor.u32 $0x2C, v1  }
0x229: {  	[tilespmem:s21+$0x400] =	vst v9;
	v9 =	vor.u32 $0x2D, v1  }
0x22a: {  	[tilespmem:s21+$0x480] =	vst v6;
	v6 =	vor.u32 $0x2E, v1  }
0x22b: {  	[tilespmem:s21+$0x500] =	vst v7;
	v7 =	vor.u32 $0x2F, v1  }
0x22c: {  	[tilespmem:s21+$0x580] =	vst v8  }
0x22d: {  	v8 =	vor.u32 $0x30, v0;
	v10 =	vld.idx.msk [tilespmem:v10+s2+$0x0], $0xffff  }
0x22e: {  	[tilespmem:s19+$0x600] =	vst v4;
	v4 =	vor.u32 $0x31, v0;
	v9 =	vld.idx.msk [tilespmem:v9+s2+$0x0], $0xffff  }
0x22f: {  	[tilespmem:s19+$0x680] =	vst v2;
	v2 =	vor.u32 $0x32, v0;
	v6 =	vld.idx.msk [tilespmem:v6+s2+$0x0], $0xffff  }
0x230: {  	[tilespmem:s19+$0x700] =	vst v3;
	v3 =	vor.u32 $0x33, v0;
	v7 =	vld.idx.msk [tilespmem:v7+s2+$0x0], $0xffff  }
0x231: {  	[tilespmem:s19+$0x780] =	vst v5;
	v5 =	vor.u32 $0x30, v1  }
0x232: {  	v8 =	vld.idx.msk [tilespmem:v8+s2+$0x0], $0xffff;
	[tilespmem:s21+$0x600] =	vst v10;
	v10 =	vor.u32 $0x31, v1  }
0x233: {  	v4 =	vld.idx.msk [tilespmem:v4+s2+$0x0], $0xffff;
	[tilespmem:s21+$0x680] =	vst v9;
	v9 =	vor.u32 $0x32, v1  }
0x234: {  	v2 =	vld.idx.msk [tilespmem:v2+s2+$0x0], $0xffff;
	[tilespmem:s21+$0x700] =	vst v6;
	v6 =	vor.u32 $0x33, v1  }
0x235: {  	v3 =	vld.idx.msk [tilespmem:v3+s2+$0x0], $0xffff;
	[tilespmem:s21+$0x780] =	vst v7  }
0x236: {  	v7 =	vor.u32 $0x34, v0;
	v5 =	vld.idx.msk [tilespmem:v5+s2+$0x0], $0xffff  }
0x237: {  	[tilespmem:s19+$0x800] =	vst v8;
	v8 =	vor.u32 $0x35, v0;
	v10 =	vld.idx.msk [tilespmem:v10+s2+$0x0], $0xffff  }
0x238: {  	[tilespmem:s19+$0x880] =	vst v4;
	v4 =	vor.u32 $0x36, v0;
	v9 =	vld.idx.msk [tilespmem:v9+s2+$0x0], $0xffff  }
0x239: {  	[tilespmem:s19+$0x900] =	vst v2;
	v2 =	vor.u32 $0x37, v0;
	v6 =	vld.idx.msk [tilespmem:v6+s2+$0x0], $0xffff  }
0x23a: {  	[tilespmem:s19+$0x980] =	vst v3;
	v3 =	vor.u32 $0x34, v1  }
0x23b: {  	v7 =	vld.idx.msk [tilespmem:v7+s2+$0x0], $0xffff;
	[tilespmem:s21+$0x800] =	vst v5;
	v5 =	vor.u32 $0x35, v1  }
0x23c: {  	v8 =	vld.idx.msk [tilespmem:v8+s2+$0x0], $0xffff;
	[tilespmem:s21+$0x880] =	vst v10;
	v10 =	vor.u32 $0x36, v1  }
0x23d: {  	v4 =	vld.idx.msk [tilespmem:v4+s2+$0x0], $0xffff;
	[tilespmem:s21+$0x900] =	vst v9;
	v9 =	vor.u32 $0x37, v1  }
0x23e: {  	v2 =	vld.idx.msk [tilespmem:v2+s2+$0x0], $0xffff;
	[tilespmem:s21+$0x980] =	vst v6  }
0x23f: {  	v6 =	vor.u32 $0x38, v0;
	v3 =	vld.idx.msk [tilespmem:v3+s2+$0x0], $0xffff  }
0x240: {  	[tilespmem:s19+$0xA00] =	vst v7;
	v7 =	vor.u32 $0x39, v0;
	v5 =	vld.idx.msk [tilespmem:v5+s2+$0x0], $0xffff  }
0x241: {  	[tilespmem:s19+$0xA80] =	vst v8;
	v8 =	vor.u32 $0x3A, v0;
	v10 =	vld.idx.msk [tilespmem:v10+s2+$0x0], $0xffff  }
0x242: {  	[tilespmem:s19+$0xB00] =	vst v4;
	v4 =	vor.u32 $0x3B, v0;
	v9 =	vld.idx.msk [tilespmem:v9+s2+$0x0], $0xffff  }
0x243: {  	[tilespmem:s19+$0xB80] =	vst v2;
	v2 =	vor.u32 $0x38, v1  }
0x244: {  	v6 =	vld.idx.msk [tilespmem:v6+s2+$0x0], $0xffff;
	[tilespmem:s21+$0xA00] =	vst v3;
	v3 =	vor.u32 $0x39, v1  }
0x245: {  	v7 =	vld.idx.msk [tilespmem:v7+s2+$0x0], $0xffff;
	[tilespmem:s21+$0xA80] =	vst v5;
	v5 =	vor.u32 $0x3A, v1  }
0x246: {  	v8 =	vld.idx.msk [tilespmem:v8+s2+$0x0], $0xffff;
	[tilespmem:s21+$0xB00] =	vst v10;
	v10 =	vor.u32 $0x3B, v1  }
0x247: {  	v4 =	vld.idx.msk [tilespmem:v4+s2+$0x0], $0xffff;
	[tilespmem:s21+$0xB80] =	vst v9  }
0x248: {  	v9 =	vor.u32 $0x3F, v0;
	v2 =	vld.idx.msk [tilespmem:v2+s2+$0x0], $0xffff  }
0x249: {  	[tilespmem:s19+$0xC00] =	vst v6;
	v6 =	vor.u32 $0x3C, v0;
	v3 =	vld.idx.msk [tilespmem:v3+s2+$0x0], $0xffff  }
0x24a: {  	[tilespmem:s19+$0xC80] =	vst v7;
	v7 =	vor.u32 $0x3D, v0;
	v5 =	vld.idx.msk [tilespmem:v5+s2+$0x0], $0xffff  }
0x24b: {  	[tilespmem:s19+$0xD00] =	vst v8;
	v0 =	vor.u32 $0x3E, v0;
	v8 =	vld.idx.msk [tilespmem:v10+s2+$0x0], $0xffff  }
0x24c: {  	[tilespmem:s19+$0xD80] =	vst v4;
	v4 =	vor.u32 $0x3F, v1  }
0x24d: {  	v9 =	vld.idx.msk [tilespmem:v9+s2+$0x0], $0xffff;
	[tilespmem:s21+$0xC00] =	vst v2;
	v2 =	vor.u32 $0x3C, v1  }
0x24e: {  	v6 =	vld.idx.msk [tilespmem:v6+s2+$0x0], $0xffff;
	[tilespmem:s21+$0xC80] =	vst v3;
	v3 =	vor.u32 $0x3D, v1  }
0x24f: {  	v7 =	vld.idx.msk [tilespmem:v7+s2+$0x0], $0xffff;
	[tilespmem:s21+$0xD00] =	vst v5;
	v1 =	vor.u32 $0x3E, v1  }
0x250: {  	v0 =	vld.idx.msk [tilespmem:v0+s2+$0x0], $0xffff;
	[tilespmem:s21+$0xD80] =	vst v8  }
0x251: {  	v4 =	vld.idx.msk [tilespmem:v4+s2+$0x0], $0xffff  }
0x252: {  	[tilespmem:s19+$0xF80] =	vst v9;
	v2 =	vld.idx.msk [tilespmem:v2+s2+$0x0], $0xffff  }
0x253: {  	[tilespmem:s19+$0xE00] =	vst v6;
	v3 =	vld.idx.msk [tilespmem:v3+s2+$0x0], $0xffff  }
0x254: {  	[tilespmem:s19+$0xE80] =	vst v7;
	v1 =	vld.idx.msk [tilespmem:v1+s2+$0x0], $0xffff  }
0x255: {  	[tilespmem:s19+$0xF00] =	vst v0  }
0x256: {  	[tilespmem:s21+$0xF80] =	vst v4  }
0x257: {  	[tilespmem:s21+$0xE00] =	vst v2  }
0x258: {  	s30 =	sshll.u32 s20, $0x7;
	[tilespmem:s21+$0xE80] =	vst v3  }
0x259: {  	s19 =	sadd.s32 s30, s5;
	[tilespmem:s21+$0xF00] =	vst v1  }
0x25a: {  	[hbm4b:s19+s8] =	stream.strided.scatter [tilespmem:s11], [sflag:$0x2], $0x2000, s9, s8, $0x38;
	[tilespmem:$0x14C80] =	vst v63  }
0x25b: {  	_ =	swait.ge [sflag:s12], $0x2000  }
0x25c: {  	[sflag:s12] =	ssyncset.done $0x0  }
0x25d: {  	[sflag:s12] =	ssyncadd.s32 $0xFFFFE000  }
0x25e: {  	v0 =	vld [tilespmem:s17+$0x0];
	_ =	sdelay $0x4  }
0x25f: {  	vm0 =	vgt.s32 v0, $0x0  }
0x260: {  	v0 =	vnsel vm0, $0x0, v0  }
0x261: {  	v0 =	vmin.u32 v0, $0x3FF  }
0x262: {  	v0 =	vshll.u32 v0, $0x6  }
0x263: {  	v1 =	vor.u32 $0x1, v0  }
0x264: {  	v2 =	vor.u32 $0x2, v0  }
0x265: {  	v3 =	vor.u32 $0x3, v0;
	_ =	sdelay $0x1  }
0x266: {  	v4 =	vld.idx.msk [tilespmem:v0+s2+$0x0], $0xffff  }
0x267: {  	v1 =	vld.idx.msk [tilespmem:v1+s2+$0x0], $0xffff  }
0x268: {  	v2 =	vld.idx.msk [tilespmem:v2+s2+$0x0], $0xffff  }
0x269: {  	v3 =	vld.idx.msk [tilespmem:v3+s2+$0x0], $0xffff  }
0x26a: {  	s19 =	simm.s32 $0x11C80;
	v5 =	vor.u32 $0x4, v0  }
0x26b: {  	[tilespmem:s19+$0xFFFFF000] =	vst v4;
	v4 =	vor.u32 $0x5, v0  }
0x26c: {  	[tilespmem:s19+$0xFFFFF080] =	vst v1;
	v1 =	vor.u32 $0x6, v0  }
0x26d: {  	[tilespmem:s19+$0xFFFFF100] =	vst v2;
	v2 =	vor.u32 $0x7, v0  }
0x26e: {  	[tilespmem:s19+$0xFFFFF180] =	vst v3  }
0x26f: {  	v3 =	vld.idx.msk [tilespmem:v5+s2+$0x0], $0xffff  }
0x270: {  	v4 =	vld.idx.msk [tilespmem:v4+s2+$0x0], $0xffff  }
0x271: {  	v1 =	vld.idx.msk [tilespmem:v1+s2+$0x0], $0xffff  }
0x272: {  	v2 =	vld.idx.msk [tilespmem:v2+s2+$0x0], $0xffff  }
0x273: {  	v5 =	vor.u32 $0x8, v0  }
0x274: {  	[tilespmem:s19+$0xFFFFF200] =	vst v3;
	v3 =	vor.u32 $0x9, v0  }
0x275: {  	[tilespmem:s19+$0xFFFFF280] =	vst v4;
	v4 =	vor.u32 $0xA, v0  }
0x276: {  	[tilespmem:s19+$0xFFFFF300] =	vst v1;
	v1 =	vor.u32 $0xB, v0  }
0x277: {  	[tilespmem:s19+$0xFFFFF380] =	vst v2  }
0x278: {  	v2 =	vld.idx.msk [tilespmem:v5+s2+$0x0], $0xffff  }
0x279: {  	v3 =	vld.idx.msk [tilespmem:v3+s2+$0x0], $0xffff  }
0x27a: {  	v4 =	vld.idx.msk [tilespmem:v4+s2+$0x0], $0xffff  }
0x27b: {  	v1 =	vld.idx.msk [tilespmem:v1+s2+$0x0], $0xffff  }
0x27c: {  	v5 =	vor.u32 $0xC, v0  }
0x27d: {  	[tilespmem:s19+$0xFFFFF400] =	vst v2;
	v2 =	vor.u32 $0xD, v0  }
0x27e: {  	[tilespmem:s19+$0xFFFFF480] =	vst v3;
	v3 =	vor.u32 $0xE, v0  }
0x27f: {  	[tilespmem:s19+$0xFFFFF500] =	vst v4;
	v4 =	vor.u32 $0xF, v0  }
0x280: {  	[tilespmem:s19+$0xFFFFF580] =	vst v1  }
0x281: {  	v1 =	vld.idx.msk [tilespmem:v5+s2+$0x0], $0xffff  }
0x282: {  	v2 =	vld.idx.msk [tilespmem:v2+s2+$0x0], $0xffff  }
0x283: {  	v3 =	vld.idx.msk [tilespmem:v3+s2+$0x0], $0xffff  }
0x284: {  	v4 =	vld.idx.msk [tilespmem:v4+s2+$0x0], $0xffff  }
0x285: {  	v5 =	vor.u32 $0x10, v0  }
0x286: {  	[tilespmem:s19+$0xFFFFF600] =	vst v1;
	v1 =	vor.u32 $0x11, v0  }
0x287: {  	[tilespmem:s19+$0xFFFFF680] =	vst v2;
	v2 =	vor.u32 $0x12, v0  }
0x288: {  	[tilespmem:s19+$0xFFFFF700] =	vst v3;
	v3 =	vor.u32 $0x13, v0  }
0x289: {  	[tilespmem:s19+$0xFFFFF780] =	vst v4  }
0x28a: {  	v4 =	vld.idx.msk [tilespmem:v5+s2+$0x0], $0xffff  }
0x28b: {  	v1 =	vld.idx.msk [tilespmem:v1+s2+$0x0], $0xffff  }
0x28c: {  	v2 =	vld.idx.msk [tilespmem:v2+s2+$0x0], $0xffff  }
0x28d: {  	v3 =	vld.idx.msk [tilespmem:v3+s2+$0x0], $0xffff  }
0x28e: {  	v5 =	vor.u32 $0x14, v0  }
0x28f: {  	[tilespmem:s19+$0xFFFFF800] =	vst v4;
	v4 =	vor.u32 $0x15, v0  }
0x290: {  	[tilespmem:s19+$0xFFFFF880] =	vst v1;
	v1 =	vor.u32 $0x16, v0  }
0x291: {  	s31 =	sadd.s32 $0x10, s17;
	[tilespmem:s19+$0xFFFFF900] =	vst v2;
	v2 =	vor.u32 $0x17, v0  }
0x292: {  	v6 =	vld [tilespmem:s31+$0x0];
	[tilespmem:s19+$0xFFFFF980] =	vst v3  }
0x293: {  	v3 =	vld.idx.msk [tilespmem:v5+s2+$0x0], $0xffff  }
0x294: {  	v4 =	vld.idx.msk [tilespmem:v4+s2+$0x0], $0xffff  }
0x295: {  	v1 =	vld.idx.msk [tilespmem:v1+s2+$0x0], $0xffff  }
0x296: {  	v2 =	vld.idx.msk [tilespmem:v2+s2+$0x0], $0xffff  }
0x297: {  	v5 =	vor.u32 $0x18, v0  }
0x298: {  	[tilespmem:s19+$0xFFFFFA00] =	vst v3;
	v3 =	vor.u32 $0x19, v0  }
0x299: {  	vm15 =	vgt.s32 v6, $0x0;
	[tilespmem:s19+$0xFFFFFA80] =	vst v4;
	v4 =	vor.u32 $0x1A, v0  }
0x29a: {  	v7 =	vor.u32 $0x1B, v0;
	[tilespmem:s19+$0xFFFFFB00] =	vst v1;
	v1 =	vnsel vm15, $0x0, v6  }
0x29b: {  	[tilespmem:s19+$0xFFFFFB80] =	vst v2;
	v1 =	vmin.u32 v1, $0x3FF  }
0x29c: {  	v2 =	vld.idx.msk [tilespmem:v5+s2+$0x0], $0xffff;
	v1 =	vshll.u32 v1, $0x6  }
0x29d: {  	v3 =	vld.idx.msk [tilespmem:v3+s2+$0x0], $0xffff;
	v5 =	vor.u32 $0x1, v1  }
0x29e: {  	v6 =	vor.u32 $0x2, v1;
	v4 =	vld.idx.msk [tilespmem:v4+s2+$0x0], $0xffff  }
0x29f: {  	v7 =	vld.idx.msk [tilespmem:v7+s2+$0x0], $0xffff;
	v8 =	vor.u32 $0x3, v1  }
0x2a0: {  	v9 =	vor.u32 $0x1C, v0  }
0x2a1: {  	v10 =	vor.u32 $0x1D, v0;
	[tilespmem:s19+$0xFFFFFC00] =	vst v2;
	v2 =	vld.idx.msk [tilespmem:v1+s2+$0x0], $0xffff  }
0x2a2: {  	[tilespmem:s19+$0xFFFFFC80] =	vst v3;
	v3 =	vld.idx.msk [tilespmem:v5+s2+$0x0], $0xffff;
	v5 =	vor.u32 $0x1E, v0  }
0x2a3: {  	[tilespmem:s19+$0xFFFFFD00] =	vst v4;
	v4 =	vld.idx.msk [tilespmem:v6+s2+$0x0], $0xffff;
	v6 =	vor.u32 $0x1F, v0  }
0x2a4: {  	[tilespmem:s19+$0xFFFFFD80] =	vst v7;
	v7 =	vld.idx.msk [tilespmem:v8+s2+$0x0], $0xffff  }
0x2a5: {  	s21 =	simm.s32 $0x11C90;
	v8 =	vld.idx.msk [tilespmem:v9+s2+$0x0], $0xffff;
	v9 =	vor.u32 $0x4, v1  }
0x2a6: {  	v10 =	vld.idx.msk [tilespmem:v10+s2+$0x0], $0xffff;
	[tilespmem:s21+$0xFFFFF000] =	vst v2;
	v2 =	vor.u32 $0x5, v1  }
0x2a7: {  	[tilespmem:s21+$0xFFFFF080] =	vst v3;
	v3 =	vld.idx.msk [tilespmem:v5+s2+$0x0], $0xffff;
	v5 =	vor.u32 $0x6, v1  }
0x2a8: {  	[tilespmem:s21+$0xFFFFF100] =	vst v4;
	v4 =	vld.idx.msk [tilespmem:v6+s2+$0x0], $0xffff;
	v6 =	vor.u32 $0x7, v1  }
0x2a9: {  	[tilespmem:s21+$0xFFFFF180] =	vst v7;
	v7 =	vor.u32 $0x20, v0  }
0x2aa: {  	[tilespmem:s19+$0xFFFFFE00] =	vst v8;
	v8 =	vld.idx.msk [tilespmem:v9+s2+$0x0], $0xffff;
	v9 =	vor.u32 $0x21, v0  }
0x2ab: {  	[tilespmem:s19+$0xFFFFFE80] =	vst v10;
	v10 =	vor.u32 $0x22, v0;
	v2 =	vld.idx.msk [tilespmem:v2+s2+$0x0], $0xffff  }
0x2ac: {  	v5 =	vld.idx.msk [tilespmem:v5+s2+$0x0], $0xffff;
	[tilespmem:s19+$0xFFFFFF00] =	vst v3;
	v3 =	vor.u32 $0x23, v0  }
0x2ad: {  	v6 =	vld.idx.msk [tilespmem:v6+s2+$0x0], $0xffff;
	[tilespmem:s19+$0xFFFFFF80] =	vst v4  }
0x2ae: {  	v4 =	vld.idx.msk [tilespmem:v7+s2+$0x0], $0xffff;
	v7 =	vor.u32 $0x8, v1  }
0x2af: {  	v9 =	vld.idx.msk [tilespmem:v9+s2+$0x0], $0xffff;
	[tilespmem:s21+$0xFFFFF200] =	vst v8;
	v8 =	vor.u32 $0x9, v1  }
0x2b0: {  	v10 =	vld.idx.msk [tilespmem:v10+s2+$0x0], $0xffff;
	[tilespmem:s21+$0xFFFFF280] =	vst v2;
	v2 =	vor.u32 $0xA, v1  }
0x2b1: {  	v3 =	vld.idx.msk [tilespmem:v3+s2+$0x0], $0xffff;
	[tilespmem:s21+$0xFFFFF300] =	vst v5;
	v5 =	vor.u32 $0xB, v1  }
0x2b2: {  	[tilespmem:s21+$0xFFFFF380] =	vst v6;
	v6 =	vor.u32 $0x24, v0  }
0x2b3: {  	v7 =	vld.idx.msk [tilespmem:v7+s2+$0x0], $0xffff;
	[tilespmem:s19+$0x0] =	vst v4;
	v4 =	vor.u32 $0x25, v0  }
0x2b4: {  	v8 =	vld.idx.msk [tilespmem:v8+s2+$0x0], $0xffff;
	[tilespmem:s19+$0x80] =	vst v9;
	v9 =	vor.u32 $0x26, v0  }
0x2b5: {  	[tilespmem:s19+$0x100] =	vst v10;
	v10 =	vor.u32 $0x27, v0;
	v2 =	vld.idx.msk [tilespmem:v2+s2+$0x0], $0xffff  }
0x2b6: {  	v5 =	vld.idx.msk [tilespmem:v5+s2+$0x0], $0xffff;
	[tilespmem:s19+$0x180] =	vst v3  }
0x2b7: {  	v3 =	vld.idx.msk [tilespmem:v6+s2+$0x0], $0xffff;
	v6 =	vor.u32 $0xC, v1  }
0x2b8: {  	v4 =	vld.idx.msk [tilespmem:v4+s2+$0x0], $0xffff;
	[tilespmem:s21+$0xFFFFF400] =	vst v7;
	v7 =	vor.u32 $0xD, v1  }
0x2b9: {  	v9 =	vld.idx.msk [tilespmem:v9+s2+$0x0], $0xffff;
	[tilespmem:s21+$0xFFFFF480] =	vst v8;
	v8 =	vor.u32 $0xE, v1  }
0x2ba: {  	v10 =	vld.idx.msk [tilespmem:v10+s2+$0x0], $0xffff;
	[tilespmem:s21+$0xFFFFF500] =	vst v2;
	v2 =	vor.u32 $0xF, v1  }
0x2bb: {  	[tilespmem:s21+$0xFFFFF580] =	vst v5;
	v5 =	vor.u32 $0x28, v0  }
0x2bc: {  	v6 =	vld.idx.msk [tilespmem:v6+s2+$0x0], $0xffff;
	[tilespmem:s19+$0x200] =	vst v3;
	v3 =	vor.u32 $0x29, v0  }
0x2bd: {  	v7 =	vld.idx.msk [tilespmem:v7+s2+$0x0], $0xffff;
	[tilespmem:s19+$0x280] =	vst v4;
	v4 =	vor.u32 $0x2A, v0  }
0x2be: {  	v8 =	vld.idx.msk [tilespmem:v8+s2+$0x0], $0xffff;
	[tilespmem:s19+$0x300] =	vst v9;
	v9 =	vor.u32 $0x2B, v0  }
0x2bf: {  	[tilespmem:s19+$0x380] =	vst v10;
	v2 =	vld.idx.msk [tilespmem:v2+s2+$0x0], $0xffff  }
0x2c0: {  	v10 =	vor.u32 $0x10, v1;
	v5 =	vld.idx.msk [tilespmem:v5+s2+$0x0], $0xffff  }
0x2c1: {  	v3 =	vld.idx.msk [tilespmem:v3+s2+$0x0], $0xffff;
	[tilespmem:s21+$0xFFFFF600] =	vst v6;
	v6 =	vor.u32 $0x11, v1  }
0x2c2: {  	v4 =	vld.idx.msk [tilespmem:v4+s2+$0x0], $0xffff;
	[tilespmem:s21+$0xFFFFF680] =	vst v7;
	v7 =	vor.u32 $0x12, v1  }
0x2c3: {  	v9 =	vld.idx.msk [tilespmem:v9+s2+$0x0], $0xffff;
	[tilespmem:s21+$0xFFFFF700] =	vst v8;
	v8 =	vor.u32 $0x13, v1  }
0x2c4: {  	[tilespmem:s21+$0xFFFFF780] =	vst v2;
	v2 =	vor.u32 $0x2C, v0  }
0x2c5: {  	v10 =	vld.idx.msk [tilespmem:v10+s2+$0x0], $0xffff;
	[tilespmem:s19+$0x400] =	vst v5;
	v5 =	vor.u32 $0x2D, v0  }
0x2c6: {  	v11 =	vld.idx.msk [tilespmem:v6+s2+$0x0], $0xffff;
	[tilespmem:s19+$0x480] =	vst v3;
	v3 =	vor.u32 $0x2E, v0  }
0x2c7: {  	v13 =	vor.u32 $0x2F, v0;
	v12 =	vld.idx.msk [tilespmem:v7+s2+$0x0], $0xffff;
	[tilespmem:s19+$0x500] =	vst v4  }
0x2c8: {  	v6 =	vld.idx.msk [tilespmem:v8+s2+$0x0], $0xffff;
	[tilespmem:s19+$0x580] =	vst v9  }
0x2c9: {  	v7 =	vor.u32 $0x14, v1;
	v4 =	vld.idx.msk [tilespmem:v2+s2+$0x0], $0xffff  }
0x2ca: {  	v8 =	vor.u32 $0x15, v1;
	v2 =	vld.idx.msk [tilespmem:v5+s2+$0x0], $0xffff;
	[tilespmem:s21+$0xFFFFF800] =	vst v10  }
0x2cb: {  	s18 =	sadd.s32 $0x2, s18;
	v9 =	vor.u32 $0x16, v1;
	v3 =	vld.idx.msk [tilespmem:v3+s2+$0x0], $0xffff;
	[tilespmem:s21+$0xFFFFF880] =	vst v11  }
0x2cc: {  	s20 =	simm.s32 $0x11C90;
	s23 =	sadd.s32 $0x10, s31;
	s22 =	simm.s32 $0x10;
	v5 =	vld.idx.msk [tilespmem:v13+s2+$0x0], $0xffff;
	v10 =	vor.u32 $0x17, v1;
	[tilespmem:s21+$0xFFFFF900] =	vst v12  }
.LBB2_7:
0x2cd: {  	v11 =	vld [tilespmem:s23+$0x0];
	[tilespmem:s21+$0xFFFFF980] =	vst v6;
	v6 =	vor.u32 $0x30, v0  }
0x2ce: {  	v7 =	vld.idx.msk [tilespmem:v7+s2+$0x0], $0xffff;
	[tilespmem:s19+$0x600] =	vst v4;
	v4 =	vor.u32 $0x31, v0  }
0x2cf: {  	v8 =	vld.idx.msk [tilespmem:v8+s2+$0x0], $0xffff;
	[tilespmem:s19+$0x680] =	vst v2;
	v2 =	vor.u32 $0x32, v0  }
0x2d0: {  	v9 =	vld.idx.msk [tilespmem:v9+s2+$0x0], $0xffff;
	[tilespmem:s19+$0x700] =	vst v3;
	v3 =	vor.u32 $0x33, v0  }
0x2d1: {  	v10 =	vld.idx.msk [tilespmem:v10+s2+$0x0], $0xffff;
	[tilespmem:s19+$0x780] =	vst v5  }
0x2d2: {  	v5 =	vld.idx.msk [tilespmem:v6+s2+$0x0], $0xffff  }
0x2d3: {  	v6 =	vor.u32 $0x18, v1;
	v4 =	vld.idx.msk [tilespmem:v4+s2+$0x0], $0xffff  }
0x2d4: {  	[tilespmem:s21+$0xFFFFFA00] =	vst v7;
	v7 =	vor.u32 $0x19, v1;
	v2 =	vld.idx.msk [tilespmem:v2+s2+$0x0], $0xffff  }
0x2d5: {  	[tilespmem:s21+$0xFFFFFA80] =	vst v8;
	v8 =	vor.u32 $0x1A, v1;
	v3 =	vld.idx.msk [tilespmem:v3+s2+$0x0], $0xffff  }
0x2d6: {  	[tilespmem:s21+$0xFFFFFB00] =	vst v9;
	v9 =	vor.u32 $0x1B, v1  }
0x2d7: {  	[tilespmem:s21+$0xFFFFFB80] =	vst v10;
	v10 =	vor.u32 $0x34, v0  }
0x2d8: {  	vm0 =	vgt.s32 v11, $0x0;
	v6 =	vld.idx.msk [tilespmem:v6+s2+$0x0], $0xffff;
	[tilespmem:s19+$0x800] =	vst v5;
	v5 =	vor.u32 $0x35, v0  }
0x2d9: {  	v11 =	vnsel vm0, $0x0, v11;
	v7 =	vld.idx.msk [tilespmem:v7+s2+$0x0], $0xffff;
	[tilespmem:s19+$0x880] =	vst v4;
	v4 =	vor.u32 $0x36, v0  }
0x2da: {  	v11 =	vmin.u32 v11, $0x3FF;
	v8 =	vld.idx.msk [tilespmem:v8+s2+$0x0], $0xffff;
	[tilespmem:s19+$0x900] =	vst v2;
	v2 =	vor.u32 $0x37, v0  }
0x2db: {  	v11 =	vshll.u32 v11, $0x6;
	v9 =	vld.idx.msk [tilespmem:v9+s2+$0x0], $0xffff;
	[tilespmem:s19+$0x980] =	vst v3  }
0x2dc: {  	v3 =	vor.u32 $0x1, v11;
	v10 =	vld.idx.msk [tilespmem:v10+s2+$0x0], $0xffff  }
0x2dd: {  	v12 =	vor.u32 $0x2, v11;
	v5 =	vld.idx.msk [tilespmem:v5+s2+$0x0], $0xffff  }
0x2de: {  	v13 =	vor.u32 $0x3, v11;
	[tilespmem:s21+$0xFFFFFC00] =	vst v6;
	v4 =	vld.idx.msk [tilespmem:v4+s2+$0x0], $0xffff  }
0x2df: {  	v6 =	vor.u32 $0x1C, v1;
	[tilespmem:s21+$0xFFFFFC80] =	vst v7;
	v2 =	vld.idx.msk [tilespmem:v2+s2+$0x0], $0xffff  }
0x2e0: {  	v7 =	vld.idx.msk [tilespmem:v11+s2+$0x0], $0xffff;
	[tilespmem:s21+$0xFFFFFD00] =	vst v8;
	v8 =	vor.u32 $0x1D, v1  }
0x2e1: {  	v3 =	vld.idx.msk [tilespmem:v3+s2+$0x0], $0xffff;
	[tilespmem:s21+$0xFFFFFD80] =	vst v9;
	v9 =	vor.u32 $0x38, v0  }
0x2e2: {  	v12 =	vld.idx.msk [tilespmem:v12+s2+$0x0], $0xffff;
	[tilespmem:s19+$0xA00] =	vst v10;
	v10 =	vor.u32 $0x39, v0  }
0x2e3: {  	v13 =	vld.idx.msk [tilespmem:v13+s2+$0x0], $0xffff;
	[tilespmem:s19+$0xA80] =	vst v5;
	v5 =	vor.u32 $0x3A, v0  }
0x2e4: {  	v6 =	vld.idx.msk [tilespmem:v6+s2+$0x0], $0xffff;
	[tilespmem:s19+$0xB00] =	vst v4;
	v4 =	vor.u32 $0x3B, v0  }
0x2e5: {  	v14 =	vor.u32 $0x1E, v1;
	v8 =	vld.idx.msk [tilespmem:v8+s2+$0x0], $0xffff;
	[tilespmem:s19+$0xB80] =	vst v2  }
0x2e6: {  	s21 =	sadd.s32 $0x10, s21;
	v2 =	vor.u32 $0x1F, v1;
	v9 =	vld.idx.msk [tilespmem:v9+s2+$0x0], $0xffff  }
0x2e7: {  	[tilespmem:s21+$0xFFFFF000] =	vst v7;
	v7 =	vld.idx.msk [tilespmem:v10+s2+$0x0], $0xffff  }
0x2e8: {  	[tilespmem:s21+$0xFFFFF080] =	vst v3;
	v3 =	vld.idx.msk [tilespmem:v5+s2+$0x0], $0xffff  }
0x2e9: {  	v5 =	vor.u32 $0x4, v11;
	[tilespmem:s21+$0xFFFFF100] =	vst v12;
	v4 =	vld.idx.msk [tilespmem:v4+s2+$0x0], $0xffff  }
0x2ea: {  	v10 =	vor.u32 $0x5, v11;
	[tilespmem:s21+$0xFFFFF180] =	vst v13;
	v12 =	vld.idx.msk [tilespmem:v14+s2+$0x0], $0xffff  }
0x2eb: {  	v2 =	vld.idx.msk [tilespmem:v2+s2+$0x0], $0xffff;
	[tilespmem:s20+$0xFFFFFE00] =	vst v6;
	v6 =	vor.u32 $0x3F, v0  }
0x2ec: {  	v13 =	vor.u32 $0x6, v11;
	[tilespmem:s19+$0xC00] =	vst v9  }
0x2ed: {  	v9 =	vor.u32 $0x7, v11;
	[tilespmem:s19+$0xC80] =	vst v7  }
0x2ee: {  	v7 =	vor.u32 $0x20, v1;
	v5 =	vld.idx.msk [tilespmem:v5+s2+$0x0], $0xffff;
	[tilespmem:s19+$0xD00] =	vst v3  }
0x2ef: {  	v3 =	vld.idx.msk [tilespmem:v10+s2+$0x0], $0xffff;
	[tilespmem:s19+$0xD80] =	vst v4;
	v4 =	vor.u32 $0x3C, v0  }
0x2f0: {  	[tilespmem:s20+$0xFFFFFE80] =	vst v8;
	v8 =	vor.u32 $0x3D, v0;
	v6 =	vld.idx.msk [tilespmem:v6+s2+$0x0], $0xffff  }
0x2f1: {  	v10 =	vld.idx.msk [tilespmem:v13+s2+$0x0], $0xffff;
	[tilespmem:s20+$0xFFFFFF00] =	vst v12;
	v12 =	vor.u32 $0x3E, v0;
	v0 =	vmov v1;
	v1 =	vmov v11  }
0x2f2: {  	v9 =	vld.idx.msk [tilespmem:v9+s2+$0x0], $0xffff;
	[tilespmem:s20+$0xFFFFFF80] =	vst v2;
	v2 =	vor.u32 $0x21, v0  }
0x2f3: {  	v11 =	vor.u32 $0x22, v0;
	v7 =	vld.idx.msk [tilespmem:v7+s2+$0x0], $0xffff  }
0x2f4: {  	v13 =	vor.u32 $0x23, v0;
	v4 =	vld.idx.msk [tilespmem:v4+s2+$0x0], $0xffff  }
0x2f5: {  	v8 =	vld.idx.msk [tilespmem:v8+s2+$0x0], $0xffff  }
0x2f6: {  	v12 =	vld.idx.msk [tilespmem:v12+s2+$0x0], $0xffff;
	[tilespmem:s19+$0xF80] =	vst v6  }
0x2f7: {  	v6 =	vor.u32 $0x8, v1;
	v2 =	vld.idx.msk [tilespmem:v2+s2+$0x0], $0xffff  }
0x2f8: {  	[tilespmem:s21+$0xFFFFF200] =	vst v5;
	v5 =	vor.u32 $0x9, v1;
	v11 =	vld.idx.msk [tilespmem:v11+s2+$0x0], $0xffff  }
0x2f9: {  	[tilespmem:s21+$0xFFFFF280] =	vst v3;
	v3 =	vor.u32 $0xA, v1;
	v13 =	vld.idx.msk [tilespmem:v13+s2+$0x0], $0xffff  }
0x2fa: {  	[tilespmem:s21+$0xFFFFF300] =	vst v10;
	v10 =	vor.u32 $0xB, v1  }
0x2fb: {  	[tilespmem:s21+$0xFFFFF380] =	vst v9;
	v9 =	vor.u32 $0x24, v0  }
0x2fc: {  	v6 =	vld.idx.msk [tilespmem:v6+s2+$0x0], $0xffff;
	[tilespmem:s20+$0x0] =	vst v7;
	v7 =	vor.u32 $0x25, v0  }
0x2fd: {  	v5 =	vld.idx.msk [tilespmem:v5+s2+$0x0], $0xffff;
	[tilespmem:s20+$0x80] =	vst v2;
	v2 =	vor.u32 $0x26, v0  }
0x2fe: {  	v3 =	vld.idx.msk [tilespmem:v3+s2+$0x0], $0xffff;
	[tilespmem:s20+$0x100] =	vst v11;
	v11 =	vor.u32 $0x27, v0  }
0x2ff: {  	v10 =	vld.idx.msk [tilespmem:v10+s2+$0x0], $0xffff;
	[tilespmem:s20+$0x180] =	vst v13  }
0x300: {  	v9 =	vld.idx.msk [tilespmem:v9+s2+$0x0], $0xffff;
	[tilespmem:s19+$0xE00] =	vst v4  }
0x301: {  	v4 =	vor.u32 $0xC, v1;
	v7 =	vld.idx.msk [tilespmem:v7+s2+$0x0], $0xffff;
	[tilespmem:s19+$0xE80] =	vst v8  }
0x302: {  	[tilespmem:s21+$0xFFFFF400] =	vst v6;
	v6 =	vor.u32 $0xD, v1;
	v2 =	vld.idx.msk [tilespmem:v2+s2+$0x0], $0xffff  }
0x303: {  	[tilespmem:s21+$0xFFFFF480] =	vst v5;
	v5 =	vor.u32 $0xE, v1;
	v8 =	vld.idx.msk [tilespmem:v11+s2+$0x0], $0xffff  }
0x304: {  	[tilespmem:s21+$0xFFFFF500] =	vst v3;
	v3 =	vor.u32 $0xF, v1  }
0x305: {  	[tilespmem:s21+$0xFFFFF580] =	vst v10;
	v10 =	vor.u32 $0x28, v0  }
0x306: {  	v4 =	vld.idx.msk [tilespmem:v4+s2+$0x0], $0xffff;
	[tilespmem:s20+$0x200] =	vst v9;
	v9 =	vor.u32 $0x29, v0  }
0x307: {  	v6 =	vld.idx.msk [tilespmem:v6+s2+$0x0], $0xffff;
	[tilespmem:s20+$0x280] =	vst v7;
	v7 =	vor.u32 $0x2A, v0  }
0x308: {  	v5 =	vld.idx.msk [tilespmem:v5+s2+$0x0], $0xffff;
	[tilespmem:s20+$0x300] =	vst v2;
	v2 =	vor.u32 $0x2B, v0  }
0x309: {  	v3 =	vld.idx.msk [tilespmem:v3+s2+$0x0], $0xffff;
	[tilespmem:s20+$0x380] =	vst v8  }
0x30a: {  	v8 =	vld.idx.msk [tilespmem:v10+s2+$0x0], $0xffff;
	[tilespmem:s19+$0xF00] =	vst v12;
	s19 =	smov.u32 s20;
	s20 =	smov.u32 s21  }
0x30b: {  	v10 =	vor.u32 $0x10, v1;
	v9 =	vld.idx.msk [tilespmem:v9+s2+$0x0], $0xffff  }
0x30c: {  	[tilespmem:s21+$0xFFFFF600] =	vst v4;
	v4 =	vor.u32 $0x11, v1;
	v7 =	vld.idx.msk [tilespmem:v7+s2+$0x0], $0xffff  }
0x30d: {  	[tilespmem:s21+$0xFFFFF680] =	vst v6;
	v6 =	vor.u32 $0x12, v1;
	v2 =	vld.idx.msk [tilespmem:v2+s2+$0x0], $0xffff  }
0x30e: {  	[tilespmem:s21+$0xFFFFF700] =	vst v5;
	v5 =	vor.u32 $0x13, v1  }
0x30f: {  	[tilespmem:s21+$0xFFFFF780] =	vst v3;
	v3 =	vor.u32 $0x2C, v0  }
0x310: {  	v10 =	vld.idx.msk [tilespmem:v10+s2+$0x0], $0xffff;
	[tilespmem:s19+$0x400] =	vst v8;
	v8 =	vor.u32 $0x2D, v0  }
0x311: {  	s22 =	sadd.s32 $0x10, s22;
	v11 =	vld.idx.msk [tilespmem:v4+s2+$0x0], $0xffff;
	[tilespmem:s19+$0x480] =	vst v9;
	v9 =	vor.u32 $0x2E, v0  }
0x312: {  	p0 =	slt.u32 s22, $0x70;
	v13 =	vor.u32 $0x2F, v0;
	v12 =	vld.idx.msk [tilespmem:v6+s2+$0x0], $0xffff;
	[tilespmem:s19+$0x500] =	vst v7  }
0x313: {  	v6 =	vld.idx.msk [tilespmem:v5+s2+$0x0], $0xffff;
	[tilespmem:s19+$0x580] =	vst v2  }
.Ltmp2:
0x314: {  	v4 =	vld.idx.msk [tilespmem:v3+s2+$0x0], $0xffff;
	(pc) =	sbr.rel @p0 .LBB2_7-.Ltmp2, $4  }
0x315: {  	v7 =	vor.u32 $0x14, v1;
	v2 =	vld.idx.msk [tilespmem:v8+s2+$0x0], $0xffff  }
0x316: {  	v8 =	vor.u32 $0x15, v1;
	[tilespmem:s21+$0xFFFFF800] =	vst v10;
	v3 =	vld.idx.msk [tilespmem:v9+s2+$0x0], $0xffff  }
0x317: {  	v9 =	vor.u32 $0x16, v1;
	[tilespmem:s21+$0xFFFFF880] =	vst v11;
	v5 =	vld.idx.msk [tilespmem:v13+s2+$0x0], $0xffff  }
0x318: {  	s23 =	sadd.s32 $0x10, s23;
	v10 =	vor.u32 $0x17, v1;
	[tilespmem:s21+$0xFFFFF900] =	vst v12  }
0x319: {  	_ =	sdelay $0x2  }
0x31a: {  	[tilespmem:s21+$0xFFFFF980] =	vst v6  }
0x31b: {  	v6 =	vld.idx.msk [tilespmem:v7+s2+$0x0], $0xffff  }
0x31c: {  	v56 =	vld.idx.msk [tilespmem:v8+s2+$0x0], $0xffff  }
0x31d: {  	v57 =	vld.idx.msk [tilespmem:v9+s2+$0x0], $0xffff  }
0x31e: {  	v58 =	vld.idx.msk [tilespmem:v10+s2+$0x0], $0xffff  }
0x31f: {  	v59 =	vor.u32 $0x18, v1  }
0x320: {  	v60 =	vor.u32 $0x19, v1;
	[tilespmem:s21+$0xFFFFFA00] =	vst v6  }
0x321: {  	v61 =	vor.u32 $0x1A, v1;
	[tilespmem:s21+$0xFFFFFA80] =	vst v56  }
0x322: {  	v62 =	vor.u32 $0x1B, v1;
	[tilespmem:s21+$0xFFFFFB00] =	vst v57  }
0x323: {  	[tilespmem:s21+$0xFFFFFB80] =	vst v58  }
0x324: {  	v9 =	vld.idx.msk [tilespmem:v59+s2+$0x0], $0xffff  }
0x325: {  	v6 =	vld.idx.msk [tilespmem:v60+s2+$0x0], $0xffff  }
0x326: {  	v7 =	vld.idx.msk [tilespmem:v61+s2+$0x0], $0xffff  }
0x327: {  	v8 =	vld.idx.msk [tilespmem:v62+s2+$0x0], $0xffff  }
0x328: {  	v63 =	vor.u32 $0x1C, v1  }
0x329: {  	v12 =	vor.u32 $0x1D, v1;
	[tilespmem:s21+$0xFFFFFC00] =	vst v9  }
0x32a: {  	v13 =	vor.u32 $0x1E, v1;
	[tilespmem:s21+$0xFFFFFC80] =	vst v6  }
0x32b: {  	v14 =	vor.u32 $0x1F, v1;
	[tilespmem:s21+$0xFFFFFD00] =	vst v7  }
0x32c: {  	[tilespmem:s21+$0xFFFFFD80] =	vst v8  }
0x32d: {  	v8 =	vld.idx.msk [tilespmem:v63+s2+$0x0], $0xffff  }
0x32e: {  	v9 =	vld.idx.msk [tilespmem:v12+s2+$0x0], $0xffff  }
0x32f: {  	v6 =	vld.idx.msk [tilespmem:v13+s2+$0x0], $0xffff  }
0x330: {  	v7 =	vld.idx.msk [tilespmem:v14+s2+$0x0], $0xffff  }
0x331: {  	v15 =	vor.u32 $0x20, v1  }
0x332: {  	v16 =	vor.u32 $0x21, v1;
	[tilespmem:s20+$0xFFFFFE00] =	vst v8  }
0x333: {  	v17 =	vor.u32 $0x22, v1;
	[tilespmem:s20+$0xFFFFFE80] =	vst v9  }
0x334: {  	v18 =	vor.u32 $0x23, v1;
	[tilespmem:s20+$0xFFFFFF00] =	vst v6  }
0x335: {  	[tilespmem:s20+$0xFFFFFF80] =	vst v7  }
0x336: {  	v7 =	vld.idx.msk [tilespmem:v15+s2+$0x0], $0xffff  }
0x337: {  	v8 =	vld.idx.msk [tilespmem:v16+s2+$0x0], $0xffff  }
0x338: {  	v9 =	vld.idx.msk [tilespmem:v17+s2+$0x0], $0xffff  }
0x339: {  	v6 =	vld.idx.msk [tilespmem:v18+s2+$0x0], $0xffff  }
0x33a: {  	v19 =	vor.u32 $0x24, v1  }
0x33b: {  	v20 =	vor.u32 $0x25, v1;
	[tilespmem:s20+$0x0] =	vst v7  }
0x33c: {  	v21 =	vor.u32 $0x26, v1;
	[tilespmem:s20+$0x80] =	vst v8  }
0x33d: {  	v22 =	vor.u32 $0x27, v1;
	[tilespmem:s20+$0x100] =	vst v9  }
0x33e: {  	[tilespmem:s20+$0x180] =	vst v6  }
0x33f: {  	v6 =	vld.idx.msk [tilespmem:v19+s2+$0x0], $0xffff  }
0x340: {  	v7 =	vld.idx.msk [tilespmem:v20+s2+$0x0], $0xffff  }
0x341: {  	v8 =	vld.idx.msk [tilespmem:v21+s2+$0x0], $0xffff  }
0x342: {  	v9 =	vld.idx.msk [tilespmem:v22+s2+$0x0], $0xffff  }
0x343: {  	v23 =	vor.u32 $0x28, v1  }
0x344: {  	v24 =	vor.u32 $0x29, v1;
	[tilespmem:s20+$0x200] =	vst v6  }
0x345: {  	v25 =	vor.u32 $0x2A, v1;
	[tilespmem:s20+$0x280] =	vst v7  }
0x346: {  	v26 =	vor.u32 $0x2B, v1;
	[tilespmem:s20+$0x300] =	vst v8  }
0x347: {  	[tilespmem:s20+$0x380] =	vst v9  }
0x348: {  	v9 =	vld.idx.msk [tilespmem:v23+s2+$0x0], $0xffff  }
0x349: {  	v6 =	vld.idx.msk [tilespmem:v24+s2+$0x0], $0xffff  }
0x34a: {  	v7 =	vld.idx.msk [tilespmem:v25+s2+$0x0], $0xffff  }
0x34b: {  	v8 =	vld.idx.msk [tilespmem:v26+s2+$0x0], $0xffff  }
0x34c: {  	v27 =	vor.u32 $0x2C, v1  }
0x34d: {  	v28 =	vor.u32 $0x2D, v1;
	[tilespmem:s20+$0x400] =	vst v9  }
0x34e: {  	v29 =	vor.u32 $0x2E, v1;
	[tilespmem:s20+$0x480] =	vst v6  }
0x34f: {  	v30 =	vor.u32 $0x2F, v1;
	[tilespmem:s20+$0x500] =	vst v7  }
0x350: {  	[tilespmem:s20+$0x580] =	vst v8  }
0x351: {  	v32 =	vor.u32 $0x31, v0;
	v10 =	vld.idx.msk [tilespmem:v27+s2+$0x0], $0xffff  }
0x352: {  	[tilespmem:s19+$0x600] =	vst v4;
	v33 =	vor.u32 $0x32, v0;
	v9 =	vld.idx.msk [tilespmem:v28+s2+$0x0], $0xffff  }
0x353: {  	v34 =	vor.u32 $0x33, v0;
	[tilespmem:s19+$0x680] =	vst v2;
	v6 =	vld.idx.msk [tilespmem:v29+s2+$0x0], $0xffff  }
0x354: {  	v31 =	vor.u32 $0x30, v0;
	[tilespmem:s19+$0x700] =	vst v3;
	v7 =	vld.idx.msk [tilespmem:v30+s2+$0x0], $0xffff  }
0x355: {  	v35 =	vor.u32 $0x30, v1;
	[tilespmem:s19+$0x780] =	vst v5  }
0x356: {  	v36 =	vor.u32 $0x31, v1;
	v4 =	vld.idx.msk [tilespmem:v32+s2+$0x0], $0xffff;
	[tilespmem:s20+$0x600] =	vst v10  }
0x357: {  	v37 =	vor.u32 $0x32, v1;
	v2 =	vld.idx.msk [tilespmem:v33+s2+$0x0], $0xffff;
	[tilespmem:s20+$0x680] =	vst v9  }
0x358: {  	v38 =	vor.u32 $0x33, v1;
	v3 =	vld.idx.msk [tilespmem:v34+s2+$0x0], $0xffff;
	[tilespmem:s20+$0x700] =	vst v6  }
0x359: {  	v8 =	vld.idx.msk [tilespmem:v31+s2+$0x0], $0xffff;
	[tilespmem:s20+$0x780] =	vst v7  }
0x35a: {  	v39 =	vor.u32 $0x34, v0;
	v5 =	vld.idx.msk [tilespmem:v35+s2+$0x0], $0xffff  }
0x35b: {  	v40 =	vor.u32 $0x35, v0;
	[tilespmem:s19+$0x880] =	vst v4;
	v10 =	vld.idx.msk [tilespmem:v36+s2+$0x0], $0xffff  }
0x35c: {  	v41 =	vor.u32 $0x36, v0;
	[tilespmem:s19+$0x900] =	vst v2;
	v9 =	vld.idx.msk [tilespmem:v37+s2+$0x0], $0xffff  }
0x35d: {  	v42 =	vor.u32 $0x37, v0;
	[tilespmem:s19+$0x980] =	vst v3;
	v6 =	vld.idx.msk [tilespmem:v38+s2+$0x0], $0xffff  }
0x35e: {  	v43 =	vor.u32 $0x34, v1;
	[tilespmem:s19+$0x800] =	vst v8  }
0x35f: {  	v44 =	vor.u32 $0x35, v1;
	v7 =	vld.idx.msk [tilespmem:v39+s2+$0x0], $0xffff;
	[tilespmem:s20+$0x800] =	vst v5  }
0x360: {  	v45 =	vor.u32 $0x36, v1;
	v8 =	vld.idx.msk [tilespmem:v40+s2+$0x0], $0xffff;
	[tilespmem:s20+$0x880] =	vst v10  }
0x361: {  	v46 =	vor.u32 $0x37, v1;
	v4 =	vld.idx.msk [tilespmem:v41+s2+$0x0], $0xffff;
	[tilespmem:s20+$0x900] =	vst v9  }
0x362: {  	v2 =	vld.idx.msk [tilespmem:v42+s2+$0x0], $0xffff;
	[tilespmem:s20+$0x980] =	vst v6  }
0x363: {  	v47 =	vor.u32 $0x38, v0;
	v3 =	vld.idx.msk [tilespmem:v43+s2+$0x0], $0xffff  }
0x364: {  	v48 =	vor.u32 $0x39, v0;
	[tilespmem:s19+$0xA00] =	vst v7;
	v5 =	vld.idx.msk [tilespmem:v44+s2+$0x0], $0xffff  }
0x365: {  	v49 =	vor.u32 $0x3A, v0;
	[tilespmem:s19+$0xA80] =	vst v8;
	v10 =	vld.idx.msk [tilespmem:v45+s2+$0x0], $0xffff  }
0x366: {  	v50 =	vor.u32 $0x3B, v0;
	[tilespmem:s19+$0xB00] =	vst v4;
	v9 =	vld.idx.msk [tilespmem:v46+s2+$0x0], $0xffff  }
0x367: {  	v51 =	vor.u32 $0x38, v1;
	[tilespmem:s19+$0xB80] =	vst v2  }
0x368: {  	v52 =	vor.u32 $0x39, v1;
	v6 =	vld.idx.msk [tilespmem:v47+s2+$0x0], $0xffff;
	[tilespmem:s20+$0xA00] =	vst v3  }
0x369: {  	v53 =	vor.u32 $0x3A, v1;
	v7 =	vld.idx.msk [tilespmem:v48+s2+$0x0], $0xffff;
	[tilespmem:s20+$0xA80] =	vst v5  }
0x36a: {  	v54 =	vor.u32 $0x3B, v1;
	v8 =	vld.idx.msk [tilespmem:v49+s2+$0x0], $0xffff;
	[tilespmem:s20+$0xB00] =	vst v10  }
0x36b: {  	v4 =	vld.idx.msk [tilespmem:v50+s2+$0x0], $0xffff;
	[tilespmem:s20+$0xB80] =	vst v9  }
0x36c: {  	v55 =	vor.u32 $0x3F, v0;
	v2 =	vld.idx.msk [tilespmem:v51+s2+$0x0], $0xffff  }
0x36d: {  	v56 =	vor.u32 $0x3C, v0;
	[tilespmem:s19+$0xC00] =	vst v6;
	v3 =	vld.idx.msk [tilespmem:v52+s2+$0x0], $0xffff  }
0x36e: {  	v57 =	vor.u32 $0x3D, v0;
	[tilespmem:s19+$0xC80] =	vst v7;
	v5 =	vld.idx.msk [tilespmem:v53+s2+$0x0], $0xffff  }
0x36f: {  	v58 =	vor.u32 $0x3E, v0;
	[tilespmem:s19+$0xD00] =	vst v8;
	v59 =	vld.idx.msk [tilespmem:v54+s2+$0x0], $0xffff  }
0x370: {  	v60 =	vor.u32 $0x3F, v1;
	[tilespmem:s19+$0xD80] =	vst v4  }
0x371: {  	v61 =	vor.u32 $0x3C, v1;
	v9 =	vld.idx.msk [tilespmem:v55+s2+$0x0], $0xffff;
	[tilespmem:s20+$0xC00] =	vst v2  }
0x372: {  	v62 =	vor.u32 $0x3D, v1;
	v6 =	vld.idx.msk [tilespmem:v56+s2+$0x0], $0xffff;
	[tilespmem:s20+$0xC80] =	vst v3  }
0x373: {  	v63 =	vor.u32 $0x3E, v1;
	v7 =	vld.idx.msk [tilespmem:v57+s2+$0x0], $0xffff;
	[tilespmem:s20+$0xD00] =	vst v5  }
0x374: {  	v0 =	vld.idx.msk [tilespmem:v58+s2+$0x0], $0xffff;
	[tilespmem:s20+$0xD80] =	vst v59  }
0x375: {  	v4 =	vld.idx.msk [tilespmem:v60+s2+$0x0], $0xffff  }
0x376: {  	[tilespmem:s19+$0xF80] =	vst v9;
	v2 =	vld.idx.msk [tilespmem:v61+s2+$0x0], $0xffff  }
0x377: {  	[tilespmem:s19+$0xE00] =	vst v6;
	v3 =	vld.idx.msk [tilespmem:v62+s2+$0x0], $0xffff  }
0x378: {  	s15 =	sadd.s32 $0x1, s15;
	[tilespmem:s19+$0xE80] =	vst v7;
	v1 =	vld.idx.msk [tilespmem:v63+s2+$0x0], $0xffff  }
0x379: {  	p0 =	sne.s32 s15, $0xC;
	[tilespmem:s19+$0xF00] =	vst v0  }
.Ltmp3:
0x37a: {  	[tilespmem:s20+$0xF80] =	vst v4;
	(pc) =	sbr.rel @p0 .LBB2_4-.Ltmp3, $4  }
0x37b: {  	[tilespmem:s20+$0xE00] =	vst v2  }
0x37c: {  	s18 =	sshll.u32 s18, $0x7;
	[tilespmem:s20+$0xE80] =	vst v3  }
0x37d: {  	s16 =	sadd.s32 $0x100, s16;
	s17 =	sadd.s32 $0x100, s17;
	s18 =	sadd.s32 s18, s5;
	[tilespmem:s20+$0xF00] =	vst v1  }
0x37e: {  	[hbm4b:s18+s8] =	stream.strided.scatter [tilespmem:s10], [sflag:$0x1], $0x2000, s9, s8, $0x38;
	[tilespmem:$0x14C80] =	vst v63  }
0x37f: {  	s14 =	sadd.s32 $0x1, s14  }
0x380: {  	_ =	swait.ge [sflag:s13], $0x2000;
	p0 =	sne.s32 s14, s6  }
.Ltmp4:
0x381: {  	[sflag:s13] =	ssyncset.done $0x0;
	(pc) =	sbr.rel @p0 .LBB2_1-.Ltmp4, $4  }
0x382: {  	[sflag:s13] =	ssyncadd.s32 $0xFFFFE000  }
0x383: {  	_ =	swait.ge [sflag:s12], $0x2000  }
0x384: {  	[sflag:s12] =	ssyncset.done $0x0  }
0x385: {  	[sflag:s12] =	ssyncadd.s32 $0xFFFFE000  }
0x386: {  	_ =	sfence.sel $0x180000  }
0x387: {  	[bflag:$0x0] =	sbarrier.arrive $0xFFFF  }
0x388: {  	p0 =	sne.s32 s0, $0x0;
	_ =	strace $0x90000047  }
0x389: {  	s0 =	sadd.s32 @!p0 $0x100000, s1;
	[bflag:$0x2] =	sbarrier.arrive $0xFFFF  }
0x38a: {  	[sflag:s0] =	ssyncadd.tile.s32 @!p0 $0x1;
	_ =	shalt  }
.Lfunc_end2:
_tile_overlayer_lowered:
.L_overlay_start_2:
0x38b: {  	(tag) =	ssettag $0x2  }
0x38c: {  	s0 =	rddreg [dreg:$0x0];
	s2 =	stileid.u32  }
0x38d: {  	s1 =	rddreg [dreg:$0x1];
	p0 =	sne.s32 s2, $0x0  }
0x38e: {  	s3 =	rddreg [dreg:$0x2];
	[bflag:$0x3] =	sbarrier.arrive $0xFFFF;
	s2 =	simm.s32 @!p0 $0x1C03  }
0x38f: {  	[timem:s3], [sflag:s2] =	dma.local @!p0 [hbm:s0], s1  }
0x390: {  	s0 =	simm.s32 @!p0 $0x3  }
0x391: {  	_ =	swait.ge @!p0 [sflag:s0], s1  }
0x392: {  	s1 =	ssub.s32 @!p0 $0x0, s1;
	[sflag:s0] =	ssyncset.done @!p0 $0x0  }
0x393: {  	[sflag:s0] =	ssyncadd.s32 @!p0 s1  }
0x394: {  	[bflag:$0x3] =	sbarrier.arrive $0xFFFF  }
0x395: {  	_ =	shalt  }

</sc_bundles>
